<compile_context>
chip_gen: v7x
topology: tpu7x:2x2x1
jax: 0.10.2.dev20260603
libtpu: 0.0.44.dev20260713+nightly
codegen_flags: <defaults>
</compile_context>

<pallas_src>
import jax
import jax.numpy as jnp
from jax import lax
from jax.experimental import pallas as pl
from jax.experimental.pallas import tpu as pltpu
from jax.experimental.pallas import tpu_sc as plsc

_BIG = 8.0

OUTF = 64
INF = 1024
NROW = INF // 128
N_SC = 128
SUBT = 8


def _routing_body(etc_ref, g_ref, a0_ref, a1_ref, a0f_ref, a1f_ref,
                  ctc_ref, cv_ref):
    v0 = etc_ref[0] + g_ref[0]
    v1 = etc_ref[1] + g_ref[1]
    v2 = etc_ref[2] + g_ref[2]
    m0 = (v0 >= v1) & (v0 >= v2)
    m1 = jnp.logical_not(m0) & (v1 >= v2)
    rows = jax.lax.broadcasted_iota(jnp.int32, (OUTF, INF), 0)
    even = rows % 2 == 0
    a0_ref[...] = jnp.where(m0, 0.0, _BIG).astype(jnp.bfloat16)
    a1_ref[...] = jnp.where(m1, 0.0, _BIG).astype(jnp.bfloat16)
    sgn = jnp.where(even, _BIG, -_BIG)
    a0f_ref[...] = jnp.where(m0, 0.0, sgn)
    a1f_ref[...] = jnp.where(m1, 0.0, sgn)
    any_edge = jnp.any(m0 | m1, axis=1)
    evenc = jax.lax.broadcasted_iota(jnp.int32, (OUTF, 1), 0)[:, 0] % 2 == 0
    ctc_ref[...] = jnp.where(any_edge, _BIG,
                             jnp.where(evenc, 2.0, 1.0))[None, :]
    cinit = jnp.where(evenc,
                      jnp.where(any_edge, _BIG, 2.0),
                      jnp.where(any_edge, -_BIG, -1.0))
    cv_ref[...] = jnp.broadcast_to(cinit[:, None], cv_ref.shape)


def _routing(etc_t, g_t):
    return pl.pallas_call(
        _routing_body,
        out_shape=[
            jax.ShapeDtypeStruct((OUTF, INF), jnp.bfloat16),
            jax.ShapeDtypeStruct((OUTF, INF), jnp.bfloat16),
            jax.ShapeDtypeStruct((OUTF, INF), jnp.float32),
            jax.ShapeDtypeStruct((OUTF, INF), jnp.float32),
            jax.ShapeDtypeStruct((1, OUTF), jnp.float32),
            jax.ShapeDtypeStruct((OUTF, 32), jnp.float32),
        ],
    )(etc_t, g_t)


def _tc_body(a0_ref, a1_ref, c_ref, x_ref, out_ref):
    bn = x_ref.shape[0]
    xb = x_ref[...]
    p = xb.astype(jnp.bfloat16)
    q = (1.0 - xb).astype(jnp.bfloat16)
    pn = -p
    qn = -q
    mins = []
    for node in range(OUTF):
        pa, qa = (p, q) if node % 2 == 0 else (pn, qn)
        t = jnp.minimum(pa + a0_ref[node, :][None, :],
                        qa + a1_ref[node, :][None, :])
        mins.append(jnp.min(t, axis=1))
    m = jnp.stack(mins, axis=1).astype(jnp.float32)
    m = jnp.minimum(m, c_ref[...])
    cols = jax.lax.broadcasted_iota(jnp.int32, (bn, OUTF), 1)
    sgn = jnp.where(cols % 2 == 0, 1.0, -1.0)
    out_ref[...] = m * sgn


def _tc_main(a0, a1, ctc, x_tc):
    n_tc = x_tc.shape[0]
    bn = 512
    grid = (n_tc // bn,)
    return pl.pallas_call(
        _tc_body,
        grid=grid,
        in_specs=[
            pl.BlockSpec((OUTF, INF), lambda i: (0, 0)),
            pl.BlockSpec((OUTF, INF), lambda i: (0, 0)),
            pl.BlockSpec((1, OUTF), lambda i: (0, 0)),
            pl.BlockSpec((bn, INF), lambda i: (i, 0)),
        ],
        out_specs=pl.BlockSpec((bn, OUTF), lambda i: (i, 0)),
        out_shape=jax.ShapeDtypeStruct((n_tc, OUTF), jnp.float32),
    )(a0, a1, ctc, x_tc)


def _sc_body(x_hbm, a0_hbm, a1_hbm, c_hbm, out_hbm,
             xs, a0v, a1v, cvv, outb, sem):
    wid = lax.axis_index("c") * 16 + lax.axis_index("s")
    ne = 2 * wid
    pltpu.sync_copy(a0_hbm.at[pl.ds(ne * NROW, 2 * NROW)], a0v)
    pltpu.sync_copy(a1_hbm.at[pl.ds(ne * NROW, 2 * NROW)], a1v)
    pltpu.sync_copy(c_hbm.at[pl.ds(ne, 2)], cvv)

    inite = cvv[0, pl.ds(0, 16)]
    inito = cvv[1, pl.ds(0, 16)]

    def tile_body(t, _):
        pltpu.sync_copy(x_hbm.at[pl.ds(t * SUBT * NROW, SUBT * NROW)], xs)

        acc_e = [inite] * SUBT
        acc_o = [inito] * SUBT

        def jr_body(jr, carry):
            ae, ao = carry
            ae = list(ae)
            ao = list(ao)
            for h in range(8):
                off = h * 16
                a0e = a0v[jr, pl.ds(off, 16)]
                a1e = a1v[jr, pl.ds(off, 16)]
                a0o = a0v[NROW + jr, pl.ds(off, 16)]
                a1o = a1v[NROW + jr, pl.ds(off, 16)]
                for s in range(SUBT):
                    xv = xs[s * NROW + jr, pl.ds(off, 16)]
                    qv = 1.0 - xv
                    ae[s] = jnp.minimum(
                        ae[s], jnp.minimum(xv + a0e, qv + a1e))
                    ao[s] = jnp.maximum(
                        ao[s], jnp.maximum(xv + a0o, qv + a1o))
            return (tuple(ae), tuple(ao))

        acc_e, acc_o = lax.fori_loop(
            0, NROW, jr_body, (tuple(acc_e), tuple(acc_o)))

        for s in range(SUBT):
            outb[t * SUBT + s, pl.ds(0, 16)] = acc_e[s]
            outb[t * SUBT + s, pl.ds(16, 16)] = acc_o[s]
        return 0

    lax.fori_loop(0, N_SC // SUBT, tile_body, 0)

    pltpu.sync_copy(outb, out_hbm.at[pl.ds(wid * N_SC, N_SC)])


def _sc_slice(x_sc, a0f, a1f, cvf):
    mesh = plsc.VectorSubcoreMesh(core_axis_name="c", subcore_axis_name="s")
    fn = pl.kernel(
        _sc_body,
        out_type=jax.ShapeDtypeStruct((32 * N_SC, 32), jnp.float32),
        mesh=mesh,
        scratch_types=[
            pltpu.VMEM((SUBT * NROW, 128), jnp.float32),
            pltpu.VMEM((2 * NROW, 128), jnp.float32),
            pltpu.VMEM((2 * NROW, 128), jnp.float32),
            pltpu.VMEM((2, 32), jnp.float32),
            pltpu.VMEM((N_SC, 32), jnp.float32),
            pltpu.SemaphoreType.DMA,
        ],
    )
    return fn(x_sc.reshape(N_SC * NROW, 128),
              a0f.reshape(OUTF * NROW, 128),
              a1f.reshape(OUTF * NROW, 128), cvf)


def _fin_body(p_ref, out_ref):
    v = p_ref[...]
    out_ref[:, 0:1] = jnp.min(v[:, 0:16], axis=1, keepdims=True)
    out_ref[:, 1:2] = jnp.max(v[:, 16:32], axis=1, keepdims=True)


def _sc_finish(partials):
    return pl.pallas_call(
        _fin_body,
        out_shape=jax.ShapeDtypeStruct((32 * N_SC, 2), jnp.float32),
    )(partials)


def kernel(x, edge_type_count):
    n = x.shape[0]
    u = jax.random.uniform(jax.random.key(42), edge_type_count.shape,
                           minval=1e-6, maxval=1.0 - 1e-6)
    g = -jnp.log(-jnp.log(u))
    etc_t = jnp.transpose(edge_type_count, (2, 0, 1))
    g_t = jnp.transpose(g, (2, 0, 1))

    a0, a1, a0f, a1f, ctc, cvf = _routing(etc_t, g_t)

    n_tc = n - N_SC
    out_tc = _tc_main(a0, a1, ctc, x[:n_tc])
    partials = _sc_slice(x[n_tc:], a0f, a1f, cvf)
    fin = _sc_finish(partials)
    out_sc = fin.reshape(32, N_SC, 2).transpose(1, 0, 2).reshape(N_SC, OUTF)
    return jnp.concatenate([out_tc, out_sc], axis=0)

# --- scband reference (transcript-rebuilt; emitter-appended) ---
"""Pipeline reference for scband-daalayer-90443421319697 (READ-ONLY COPY).

The authoritative reference and input builder live on the scoring server;
editing this copy changes nothing except your own understanding.
"""

import jax, jax.numpy as jnp
import numpy as np

OUT_FEATURES = 64
IN_FEATURES = 1024
NUM_SAMPLES = 4096
N_EDGE_TYPES = 3
OPERATORS = ['min' if i % 2 == 0 else 'max' for i in range(OUT_FEATURES)]  # min ~ T_Norm, max ~ T_Conorm
NO_EDGE_OFFSET_T_NORM = 2.0
NO_EDGE_OFFSET_T_CONORM = -1.0


def setup_inputs(seed: int = 0) -> dict:
    key = jax.random.key(seed)
    k1, _ = jax.random.split(key)
    x = jax.random.uniform(k1, (NUM_SAMPLES, IN_FEATURES), dtype=jnp.float32)
    # learned edge-type selection logits, initialized to ones as in __init__
    edge_type_count = jnp.ones((OUT_FEATURES, IN_FEATURES, N_EDGE_TYPES), dtype=jnp.float32)
    return {'x': x, 'edge_type_count': edge_type_count}


def _gumbel_hard_indices(logits, key):
    # F.gumbel_softmax(..., hard=True) followed by argmax over the last dim
    # is equivalent (value-wise) to sampling the argmax of logits + gumbel noise.
    u = jax.random.uniform(key, logits.shape, minval=1e-6, maxval=1.0 - 1e-6)
    g = -jnp.log(-jnp.log(u))
    return jnp.argmax(logits + g, axis=-1)


def _forward(x, edge_type_count):
    sel_idx = _gumbel_hard_indices(edge_type_count, jax.random.key(42))  # [out, in]
    cols = jnp.arange(IN_FEATURES)
    outs = []
    for node in range(OUT_FEATURES):
        op = OPERATORS[node]
        # edge type values: 0 -> positive edge (x), 1 -> negated edge (1 - x),
        # 2 -> no_edge (0 + operator-dependent offset making it neutral for min/max)
        no_edge_off = NO_EDGE_OFFSET_T_NORM if op == 'min' else NO_EDGE_OFFSET_T_CONORM
        edge_vals_all = jnp.stack([x, 1.0 - x, jnp.full_like(x, no_edge_off)], axis=-1)  # [N, in, 3]
        edge_vals = edge_vals_all[:, cols, sel_idx[node]]  # gather -> [N, in]
        red = jnp.min(edge_vals, axis=-1) if op == 'min' else jnp.max(edge_vals, axis=-1)
        outs.append(red)
    return jnp.stack(outs, axis=-1)  # [N, out]


def reference(x, edge_type_count):
    return _forward(x, edge_type_count)

if __name__ == "__main__":
    import jax
    _d = setup_inputs()
    print(jax.jit(kernel)(*tuple(_d.values())))

</pallas_src>

<mosaic_0001>
#map = affine_map<(d0, d1) -> (0, 0)>
module attributes {stable_mosaic.version = 14 : i64} {
  func.func @_sc_body(%arg0: i32, %arg1: i32, %arg2: memref<1024x128xf32, #tpu.memory_space<hbm>>, %arg3: memref<512x128xf32, #tpu.memory_space<hbm>>, %arg4: memref<512x128xf32, #tpu.memory_space<hbm>>, %arg5: memref<64x32xf32, #tpu.memory_space<hbm>>, %arg6: memref<4096x32xf32, #tpu.memory_space<hbm>>, %arg7: memref<64x128xf32, #tpu.memory_space<vmem>>, %arg8: memref<16x128xf32, #tpu.memory_space<vmem>>, %arg9: memref<16x128xf32, #tpu.memory_space<vmem>>, %arg10: memref<2x32xf32, #tpu.memory_space<vmem>>, %arg11: memref<128x32xf32, #tpu.memory_space<vmem>>, %arg12: memref<!tpu.dma_semaphore, #tpu.memory_space<semaphore_mem>>) attributes {dimension_semantics = [#tpu.dimension_semantics<core_parallel>, #tpu.dimension_semantics<subcore_parallel>], iteration_bounds = array<i64: 2, 16>, scalar_prefetch = 0 : i64, scratch_operands = 6 : i64, tpu.core_type = #tpu.core_type<sc_vector_subcore>, window_params = [{transform_indices = #map}, {transform_indices = #map}, {transform_indices = #map}, {transform_indices = #map}, {transform_indices = #map}]} {
    %mul3A = arith.constant 16 : i32
    %mul3A_0 = arith.muli %arg0, %mul3A : i32
    %add3A = arith.addi %mul3A_0, %arg1 : i32
    %mul3A_1 = arith.constant 2 : i32
    %mul3A_2 = arith.muli %mul3A_1, %add3A : i32
    %mul3A_3 = arith.constant 8 : i32
    %mul3A_4 = arith.muli %mul3A_2, %mul3A_3 : i32
    "tpu.region"() ({
      %run_scoped3A = tpu.sem_alloc : memref<!tpu.dma_semaphore, #tpu.memory_space<semaphore_mem>>
      %dma_start3A = arith.constant 0 : i32
      %dma_start3A_24 = tpu.memref_slice %arg3[%mul3A_4, %dma_start3A] : memref<512x128xf32, #tpu.memory_space<hbm>> -> memref<16x128xf32, #tpu.memory_space<hbm>>
      %dma_start3A_25 = arith.constant 0 : i32
      %dma_start3A_26 = tpu.memref_slice %arg3[%mul3A_4, %dma_start3A_25] : memref<512x128xf32, #tpu.memory_space<hbm>> -> memref<16x128xf32, #tpu.memory_space<hbm>>
      tpu.enqueue_dma source(%dma_start3A_26 : memref<16x128xf32, #tpu.memory_space<hbm>>) target(%arg8 : memref<16x128xf32, #tpu.memory_space<vmem>>) target_semaphore(%run_scoped3A : memref<!tpu.dma_semaphore, #tpu.memory_space<semaphore_mem>>)
      %dma_wait3A = arith.constant 0 : i32
      %dma_wait3A_27 = tpu.memref_slice %arg3[%mul3A_4, %dma_wait3A] : memref<512x128xf32, #tpu.memory_space<hbm>> -> memref<16x128xf32, #tpu.memory_space<hbm>>
      %dma_wait3A_28 = arith.constant 0 : i32
      %dma_wait3A_29 = tpu.memref_slice %arg3[%mul3A_4, %dma_wait3A_28] : memref<512x128xf32, #tpu.memory_space<hbm>> -> memref<16x128xf32, #tpu.memory_space<hbm>>
      tpu.wait_dma2 semaphore(%run_scoped3A : memref<!tpu.dma_semaphore, #tpu.memory_space<semaphore_mem>>) src(%dma_wait3A_29 : memref<16x128xf32, #tpu.memory_space<hbm>>) dst(%arg8 : memref<16x128xf32, #tpu.memory_space<vmem>>)
      tpu.yield
    }) : () -> ()
    %mul3A_5 = arith.constant 8 : i32
    %mul3A_6 = arith.muli %mul3A_2, %mul3A_5 : i32
    "tpu.region"() ({
      %run_scoped3A = tpu.sem_alloc : memref<!tpu.dma_semaphore, #tpu.memory_space<semaphore_mem>>
      %dma_start3A = arith.constant 0 : i32
      %dma_start3A_24 = tpu.memref_slice %arg4[%mul3A_6, %dma_start3A] : memref<512x128xf32, #tpu.memory_space<hbm>> -> memref<16x128xf32, #tpu.memory_space<hbm>>
      %dma_start3A_25 = arith.constant 0 : i32
      %dma_start3A_26 = tpu.memref_slice %arg4[%mul3A_6, %dma_start3A_25] : memref<512x128xf32, #tpu.memory_space<hbm>> -> memref<16x128xf32, #tpu.memory_space<hbm>>
      tpu.enqueue_dma source(%dma_start3A_26 : memref<16x128xf32, #tpu.memory_space<hbm>>) target(%arg9 : memref<16x128xf32, #tpu.memory_space<vmem>>) target_semaphore(%run_scoped3A : memref<!tpu.dma_semaphore, #tpu.memory_space<semaphore_mem>>)
      %dma_wait3A = arith.constant 0 : i32
      %dma_wait3A_27 = tpu.memref_slice %arg4[%mul3A_6, %dma_wait3A] : memref<512x128xf32, #tpu.memory_space<hbm>> -> memref<16x128xf32, #tpu.memory_space<hbm>>
      %dma_wait3A_28 = arith.constant 0 : i32
      %dma_wait3A_29 = tpu.memref_slice %arg4[%mul3A_6, %dma_wait3A_28] : memref<512x128xf32, #tpu.memory_space<hbm>> -> memref<16x128xf32, #tpu.memory_space<hbm>>
      tpu.wait_dma2 semaphore(%run_scoped3A : memref<!tpu.dma_semaphore, #tpu.memory_space<semaphore_mem>>) src(%dma_wait3A_29 : memref<16x128xf32, #tpu.memory_space<hbm>>) dst(%arg9 : memref<16x128xf32, #tpu.memory_space<vmem>>)
      tpu.yield
    }) : () -> ()
    "tpu.region"() ({
      %run_scoped3A = tpu.sem_alloc : memref<!tpu.dma_semaphore, #tpu.memory_space<semaphore_mem>>
      %dma_start3A = arith.constant 0 : i32
      %dma_start3A_24 = tpu.memref_slice %arg5[%mul3A_2, %dma_start3A] : memref<64x32xf32, #tpu.memory_space<hbm>> -> memref<2x32xf32, #tpu.memory_space<hbm>>
      %dma_start3A_25 = arith.constant 0 : i32
      %dma_start3A_26 = tpu.memref_slice %arg5[%mul3A_2, %dma_start3A_25] : memref<64x32xf32, #tpu.memory_space<hbm>> -> memref<2x32xf32, #tpu.memory_space<hbm>>
      tpu.enqueue_dma source(%dma_start3A_26 : memref<2x32xf32, #tpu.memory_space<hbm>>) target(%arg10 : memref<2x32xf32, #tpu.memory_space<vmem>>) target_semaphore(%run_scoped3A : memref<!tpu.dma_semaphore, #tpu.memory_space<semaphore_mem>>)
      %dma_wait3A = arith.constant 0 : i32
      %dma_wait3A_27 = tpu.memref_slice %arg5[%mul3A_2, %dma_wait3A] : memref<64x32xf32, #tpu.memory_space<hbm>> -> memref<2x32xf32, #tpu.memory_space<hbm>>
      %dma_wait3A_28 = arith.constant 0 : i32
      %dma_wait3A_29 = tpu.memref_slice %arg5[%mul3A_2, %dma_wait3A_28] : memref<64x32xf32, #tpu.memory_space<hbm>> -> memref<2x32xf32, #tpu.memory_space<hbm>>
      tpu.wait_dma2 semaphore(%run_scoped3A : memref<!tpu.dma_semaphore, #tpu.memory_space<semaphore_mem>>) src(%dma_wait3A_29 : memref<2x32xf32, #tpu.memory_space<hbm>>) dst(%arg10 : memref<2x32xf32, #tpu.memory_space<vmem>>)
      tpu.yield
    }) : () -> ()
    %get3A = arith.constant 0 : i32
    %get3A_7 = arith.index_cast %get3A : i32 to index
    %get3A_8 = arith.constant 0 : index
    %get3A_9 = tpu.vector_load %arg10[%get3A_7, %get3A_8] {strides = array<i32>} : memref<2x32xf32, #tpu.memory_space<vmem>>, vector<1x16xf32>,
    %get3A_10 = vector.shape_cast %get3A_9 : vector<1x16xf32> to vector<16xf32>
    %get3A_11 = arith.constant 1 : i32
    %get3A_12 = arith.index_cast %get3A_11 : i32 to index
    %get3A_13 = arith.constant 0 : index
    %get3A_14 = tpu.vector_load %arg10[%get3A_12, %get3A_13] {strides = array<i32>} : memref<2x32xf32, #tpu.memory_space<vmem>>, vector<1x16xf32>,
    %get3A_15 = vector.shape_cast %get3A_14 : vector<1x16xf32> to vector<16xf32>
    %scan3A = arith.constant 0 : i32
    %scan3A_16 = arith.constant 0 : i32
    %scan3A_17 = arith.constant 16 : i32
    %scan3A_18 = arith.addi %scan3A_16, %scan3A_17 : i32
    %scan3A_19 = arith.constant 1 : i32
    %scan3A_20 = scf.for %scan3A_24 = %scan3A_16 to %scan3A_18 step %scan3A_19 iter_args(%scan3A_25 = %scan3A) -> (i32)  : i32 {
      %mul3A_26 = arith.constant 8 : i32
      %mul3A_27 = arith.muli %scan3A_24, %mul3A_26 : i32
      %mul3A_28 = arith.constant 8 : i32
      %mul3A_29 = arith.muli %mul3A_27, %mul3A_28 : i32
      "tpu.region"() ({
        %run_scoped3A = tpu.sem_alloc : memref<!tpu.dma_semaphore, #tpu.memory_space<semaphore_mem>>
        %dma_start3A = arith.constant 0 : i32
        %dma_start3A_180 = tpu.memref_slice %arg2[%mul3A_29, %dma_start3A] : memref<1024x128xf32, #tpu.memory_space<hbm>> -> memref<64x128xf32, #tpu.memory_space<hbm>>
        %dma_start3A_181 = arith.constant 0 : i32
        %dma_start3A_182 = tpu.memref_slice %arg2[%mul3A_29, %dma_start3A_181] : memref<1024x128xf32, #tpu.memory_space<hbm>> -> memref<64x128xf32, #tpu.memory_space<hbm>>
        tpu.enqueue_dma source(%dma_start3A_182 : memref<64x128xf32, #tpu.memory_space<hbm>>) target(%arg7 : memref<64x128xf32, #tpu.memory_space<vmem>>) target_semaphore(%run_scoped3A : memref<!tpu.dma_semaphore, #tpu.memory_space<semaphore_mem>>)
        %dma_wait3A = arith.constant 0 : i32
        %dma_wait3A_183 = tpu.memref_slice %arg2[%mul3A_29, %dma_wait3A] : memref<1024x128xf32, #tpu.memory_space<hbm>> -> memref<64x128xf32, #tpu.memory_space<hbm>>
        %dma_wait3A_184 = arith.constant 0 : i32
        %dma_wait3A_185 = tpu.memref_slice %arg2[%mul3A_29, %dma_wait3A_184] : memref<1024x128xf32, #tpu.memory_space<hbm>> -> memref<64x128xf32, #tpu.memory_space<hbm>>
        tpu.wait_dma2 semaphore(%run_scoped3A : memref<!tpu.dma_semaphore, #tpu.memory_space<semaphore_mem>>) src(%dma_wait3A_185 : memref<64x128xf32, #tpu.memory_space<hbm>>) dst(%arg7 : memref<64x128xf32, #tpu.memory_space<vmem>>)
        tpu.yield
      }) : () -> ()
      %scan3A_30 = arith.constant 0 : i32
      %scan3A_31 = arith.constant 8 : i32
      %scan3A_32 = arith.addi %scan3A_30, %scan3A_31 : i32
      %scan3A_33 = arith.constant 1 : i32
      %scan3A_34:16 = scf.for %scan3A_180 = %scan3A_30 to %scan3A_32 step %scan3A_33 iter_args(%scan3A_181 = %get3A_10, %scan3A_182 = %get3A_10, %scan3A_183 = %get3A_10, %scan3A_184 = %get3A_10, %scan3A_185 = %get3A_10, %scan3A_186 = %get3A_10, %scan3A_187 = %get3A_10, %scan3A_188 = %get3A_10, %scan3A_189 = %get3A_15, %scan3A_190 = %get3A_15, %scan3A_191 = %get3A_15, %scan3A_192 = %get3A_15, %scan3A_193 = %get3A_15, %scan3A_194 = %get3A_15, %scan3A_195 = %get3A_15, %scan3A_196 = %get3A_15) -> (vector<16xf32>, vector<16xf32>, vector<16xf32>, vector<16xf32>, vector<16xf32>, vector<16xf32>, vector<16xf32>, vector<16xf32>, vector<16xf32>, vector<16xf32>, vector<16xf32>, vector<16xf32>, vector<16xf32>, vector<16xf32>, vector<16xf32>, vector<16xf32>)  : i32 {
        %get3A_197 = arith.index_cast %scan3A_180 : i32 to index
        %get3A_198 = arith.constant 0 : index
        %get3A_199 = tpu.vector_load %arg8[%get3A_197, %get3A_198] {strides = array<i32>} : memref<16x128xf32, #tpu.memory_space<vmem>>, vector<1x16xf32>,
        %get3A_200 = vector.shape_cast %get3A_199 : vector<1x16xf32> to vector<16xf32>
        %get3A_201 = arith.index_cast %scan3A_180 : i32 to index
        %get3A_202 = arith.constant 0 : index
        %get3A_203 = tpu.vector_load %arg9[%get3A_201, %get3A_202] {strides = array<i32>} : memref<16x128xf32, #tpu.memory_space<vmem>>, vector<1x16xf32>,
        %get3A_204 = vector.shape_cast %get3A_203 : vector<1x16xf32> to vector<16xf32>
        %add3A_205 = arith.constant 8 : i32
        %add3A_206 = arith.addi %add3A_205, %scan3A_180 : i32
        %get3A_207 = arith.index_cast %add3A_206 : i32 to index
        %get3A_208 = arith.constant 0 : index
        %get3A_209 = tpu.vector_load %arg8[%get3A_207, %get3A_208] {strides = array<i32>} : memref<16x128xf32, #tpu.memory_space<vmem>>, vector<1x16xf32>,
        %get3A_210 = vector.shape_cast %get3A_209 : vector<1x16xf32> to vector<16xf32>
        %add3A_211 = arith.constant 8 : i32
        %add3A_212 = arith.addi %add3A_211, %scan3A_180 : i32
        %get3A_213 = arith.index_cast %add3A_212 : i32 to index
        %get3A_214 = arith.constant 0 : index
        %get3A_215 = tpu.vector_load %arg9[%get3A_213, %get3A_214] {strides = array<i32>} : memref<16x128xf32, #tpu.memory_space<vmem>>, vector<1x16xf32>,
        %get3A_216 = vector.shape_cast %get3A_215 : vector<1x16xf32> to vector<16xf32>
        %add3A_217 = arith.constant 0 : i32
        %add3A_218 = arith.addi %add3A_217, %scan3A_180 : i32
        %get3A_219 = arith.index_cast %add3A_218 : i32 to index
        %get3A_220 = arith.constant 0 : index
        %get3A_221 = tpu.vector_load %arg7[%get3A_219, %get3A_220] {strides = array<i32>} : memref<64x128xf32, #tpu.memory_space<vmem>>, vector<1x16xf32>,
        %get3A_222 = vector.shape_cast %get3A_221 : vector<1x16xf32> to vector<16xf32>
        %sub3A = arith.constant 1.000000e+00 : f32
        %sub3A_223 = vector.broadcast %sub3A : f32 to vector<16xf32>
        %sub3A_224 = arith.subf %sub3A_223, %get3A_222 : vector<16xf32>
        %add3A_225 = arith.addf %get3A_222, %get3A_200 : vector<16xf32>
        %add3A_226 = arith.addf %sub3A_224, %get3A_204 : vector<16xf32>
        %min3A = arith.minimumf %add3A_225, %add3A_226 : vector<16xf32>
        %min3A_227 = arith.minimumf %scan3A_181, %min3A : vector<16xf32>
        %add3A_228 = arith.addf %get3A_222, %get3A_210 : vector<16xf32>
        %add3A_229 = arith.addf %sub3A_224, %get3A_216 : vector<16xf32>
        %max3A = arith.maximumf %add3A_228, %add3A_229 : vector<16xf32>
        %max3A_230 = arith.maximumf %scan3A_189, %max3A : vector<16xf32>
        %add3A_231 = arith.constant 8 : i32
        %add3A_232 = arith.addi %add3A_231, %scan3A_180 : i32
        %get3A_233 = arith.index_cast %add3A_232 : i32 to index
        %get3A_234 = arith.constant 0 : index
        %get3A_235 = tpu.vector_load %arg7[%get3A_233, %get3A_234] {strides = array<i32>} : memref<64x128xf32, #tpu.memory_space<vmem>>, vector<1x16xf32>,
        %get3A_236 = vector.shape_cast %get3A_235 : vector<1x16xf32> to vector<16xf32>
        %sub3A_237 = arith.constant 1.000000e+00 : f32
        %sub3A_238 = vector.broadcast %sub3A_237 : f32 to vector<16xf32>
        %sub3A_239 = arith.subf %sub3A_238, %get3A_236 : vector<16xf32>
        %add3A_240 = arith.addf %get3A_236, %get3A_200 : vector<16xf32>
        %add3A_241 = arith.addf %sub3A_239, %get3A_204 : vector<16xf32>
        %min3A_242 = arith.minimumf %add3A_240, %add3A_241 : vector<16xf32>
        %min3A_243 = arith.minimumf %scan3A_182, %min3A_242 : vector<16xf32>
        %add3A_244 = arith.addf %get3A_236, %get3A_210 : vector<16xf32>
        %add3A_245 = arith.addf %sub3A_239, %get3A_216 : vector<16xf32>
        %max3A_246 = arith.maximumf %add3A_244, %add3A_245 : vector<16xf32>
        %max3A_247 = arith.maximumf %scan3A_190, %max3A_246 : vector<16xf32>
        %add3A_248 = arith.constant 16 : i32
        %add3A_249 = arith.addi %add3A_248, %scan3A_180 : i32
        %get3A_250 = arith.index_cast %add3A_249 : i32 to index
        %get3A_251 = arith.constant 0 : index
        %get3A_252 = tpu.vector_load %arg7[%get3A_250, %get3A_251] {strides = array<i32>} : memref<64x128xf32, #tpu.memory_space<vmem>>, vector<1x16xf32>,
        %get3A_253 = vector.shape_cast %get3A_252 : vector<1x16xf32> to vector<16xf32>
        %sub3A_254 = arith.constant 1.000000e+00 : f32
        %sub3A_255 = vector.broadcast %sub3A_254 : f32 to vector<16xf32>
        %sub3A_256 = arith.subf %sub3A_255, %get3A_253 : vector<16xf32>
        %add3A_257 = arith.addf %get3A_253, %get3A_200 : vector<16xf32>
        %add3A_258 = arith.addf %sub3A_256, %get3A_204 : vector<16xf32>
        %min3A_259 = arith.minimumf %add3A_257, %add3A_258 : vector<16xf32>
        %min3A_260 = arith.minimumf %scan3A_183, %min3A_259 : vector<16xf32>
        %add3A_261 = arith.addf %get3A_253, %get3A_210 : vector<16xf32>
        %add3A_262 = arith.addf %sub3A_256, %get3A_216 : vector<16xf32>
        %max3A_263 = arith.maximumf %add3A_261, %add3A_262 : vector<16xf32>
        %max3A_264 = arith.maximumf %scan3A_191, %max3A_263 : vector<16xf32>
        %add3A_265 = arith.constant 24 : i32
        %add3A_266 = arith.addi %add3A_265, %scan3A_180 : i32
        %get3A_267 = arith.index_cast %add3A_266 : i32 to index
        %get3A_268 = arith.constant 0 : index
        %get3A_269 = tpu.vector_load %arg7[%get3A_267, %get3A_268] {strides = array<i32>} : memref<64x128xf32, #tpu.memory_space<vmem>>, vector<1x16xf32>,
        %get3A_270 = vector.shape_cast %get3A_269 : vector<1x16xf32> to vector<16xf32>
        %sub3A_271 = arith.constant 1.000000e+00 : f32
        %sub3A_272 = vector.broadcast %sub3A_271 : f32 to vector<16xf32>
        %sub3A_273 = arith.subf %sub3A_272, %get3A_270 : vector<16xf32>
        %add3A_274 = arith.addf %get3A_270, %get3A_200 : vector<16xf32>
        %add3A_275 = arith.addf %sub3A_273, %get3A_204 : vector<16xf32>
        %min3A_276 = arith.minimumf %add3A_274, %add3A_275 : vector<16xf32>
        %min3A_277 = arith.minimumf %scan3A_184, %min3A_276 : vector<16xf32>
        %add3A_278 = arith.addf %get3A_270, %get3A_210 : vector<16xf32>
        %add3A_279 = arith.addf %sub3A_273, %get3A_216 : vector<16xf32>
        %max3A_280 = arith.maximumf %add3A_278, %add3A_279 : vector<16xf32>
        %max3A_281 = arith.maximumf %scan3A_192, %max3A_280 : vector<16xf32>
        %add3A_282 = arith.constant 32 : i32
        %add3A_283 = arith.addi %add3A_282, %scan3A_180 : i32
        %get3A_284 = arith.index_cast %add3A_283 : i32 to index
        %get3A_285 = arith.constant 0 : index
        %get3A_286 = tpu.vector_load %arg7[%get3A_284, %get3A_285] {strides = array<i32>} : memref<64x128xf32, #tpu.memory_space<vmem>>, vector<1x16xf32>,
        %get3A_287 = vector.shape_cast %get3A_286 : vector<1x16xf32> to vector<16xf32>
        %sub3A_288 = arith.constant 1.000000e+00 : f32
        %sub3A_289 = vector.broadcast %sub3A_288 : f32 to vector<16xf32>
        %sub3A_290 = arith.subf %sub3A_289, %get3A_287 : vector<16xf32>
        %add3A_291 = arith.addf %get3A_287, %get3A_200 : vector<16xf32>
        %add3A_292 = arith.addf %sub3A_290, %get3A_204 : vector<16xf32>
        %min3A_293 = arith.minimumf %add3A_291, %add3A_292 : vector<16xf32>
        %min3A_294 = arith.minimumf %scan3A_185, %min3A_293 : vector<16xf32>
        %add3A_295 = arith.addf %get3A_287, %get3A_210 : vector<16xf32>
        %add3A_296 = arith.addf %sub3A_290, %get3A_216 : vector<16xf32>
        %max3A_297 = arith.maximumf %add3A_295, %add3A_296 : vector<16xf32>
        %max3A_298 = arith.maximumf %scan3A_193, %max3A_297 : vector<16xf32>
        %add3A_299 = arith.constant 40 : i32
        %add3A_300 = arith.addi %add3A_299, %scan3A_180 : i32
        %get3A_301 = arith.index_cast %add3A_300 : i32 to index
        %get3A_302 = arith.constant 0 : index
        %get3A_303 = tpu.vector_load %arg7[%get3A_301, %get3A_302] {strides = array<i32>} : memref<64x128xf32, #tpu.memory_space<vmem>>, vector<1x16xf32>,
        %get3A_304 = vector.shape_cast %get3A_303 : vector<1x16xf32> to vector<16xf32>
        %sub3A_305 = arith.constant 1.000000e+00 : f32
        %sub3A_306 = vector.broadcast %sub3A_305 : f32 to vector<16xf32>
        %sub3A_307 = arith.subf %sub3A_306, %get3A_304 : vector<16xf32>
        %add3A_308 = arith.addf %get3A_304, %get3A_200 : vector<16xf32>
        %add3A_309 = arith.addf %sub3A_307, %get3A_204 : vector<16xf32>
        %min3A_310 = arith.minimumf %add3A_308, %add3A_309 : vector<16xf32>
        %min3A_311 = arith.minimumf %scan3A_186, %min3A_310 : vector<16xf32>
        %add3A_312 = arith.addf %get3A_304, %get3A_210 : vector<16xf32>
        %add3A_313 = arith.addf %sub3A_307, %get3A_216 : vector<16xf32>
        %max3A_314 = arith.maximumf %add3A_312, %add3A_313 : vector<16xf32>
        %max3A_315 = arith.maximumf %scan3A_194, %max3A_314 : vector<16xf32>
        %add3A_316 = arith.constant 48 : i32
        %add3A_317 = arith.addi %add3A_316, %scan3A_180 : i32
        %get3A_318 = arith.index_cast %add3A_317 : i32 to index
        %get3A_319 = arith.constant 0 : index
        %get3A_320 = tpu.vector_load %arg7[%get3A_318, %get3A_319] {strides = array<i32>} : memref<64x128xf32, #tpu.memory_space<vmem>>, vector<1x16xf32>,
        %get3A_321 = vector.shape_cast %get3A_320 : vector<1x16xf32> to vector<16xf32>
        %sub3A_322 = arith.constant 1.000000e+00 : f32
        %sub3A_323 = vector.broadcast %sub3A_322 : f32 to vector<16xf32>
        %sub3A_324 = arith.subf %sub3A_323, %get3A_321 : vector<16xf32>
        %add3A_325 = arith.addf %get3A_321, %get3A_200 : vector<16xf32>
        %add3A_326 = arith.addf %sub3A_324, %get3A_204 : vector<16xf32>
        %min3A_327 = arith.minimumf %add3A_325, %add3A_326 : vector<16xf32>
        %min3A_328 = arith.minimumf %scan3A_187, %min3A_327 : vector<16xf32>
        %add3A_329 = arith.addf %get3A_321, %get3A_210 : vector<16xf32>
        %add3A_330 = arith.addf %sub3A_324, %get3A_216 : vector<16xf32>
        %max3A_331 = arith.maximumf %add3A_329, %add3A_330 : vector<16xf32>
        %max3A_332 = arith.maximumf %scan3A_195, %max3A_331 : vector<16xf32>
        %add3A_333 = arith.constant 56 : i32
        %add3A_334 = arith.addi %add3A_333, %scan3A_180 : i32
        %get3A_335 = arith.index_cast %add3A_334 : i32 to index
        %get3A_336 = arith.constant 0 : index
        %get3A_337 = tpu.vector_load %arg7[%get3A_335, %get3A_336] {strides = array<i32>} : memref<64x128xf32, #tpu.memory_space<vmem>>, vector<1x16xf32>,
        %get3A_338 = vector.shape_cast %get3A_337 : vector<1x16xf32> to vector<16xf32>
        %sub3A_339 = arith.constant 1.000000e+00 : f32
        %sub3A_340 = vector.broadcast %sub3A_339 : f32 to vector<16xf32>
        %sub3A_341 = arith.subf %sub3A_340, %get3A_338 : vector<16xf32>
        %add3A_342 = arith.addf %get3A_338, %get3A_200 : vector<16xf32>
        %add3A_343 = arith.addf %sub3A_341, %get3A_204 : vector<16xf32>
        %min3A_344 = arith.minimumf %add3A_342, %add3A_343 : vector<16xf32>
        %min3A_345 = arith.minimumf %scan3A_188, %min3A_344 : vector<16xf32>
        %add3A_346 = arith.addf %get3A_338, %get3A_210 : vector<16xf32>
        %add3A_347 = arith.addf %sub3A_341, %get3A_216 : vector<16xf32>
        %max3A_348 = arith.maximumf %add3A_346, %add3A_347 : vector<16xf32>
        %max3A_349 = arith.maximumf %scan3A_196, %max3A_348 : vector<16xf32>
        %get3A_350 = arith.index_cast %scan3A_180 : i32 to index
        %get3A_351 = arith.constant 16 : index
        %get3A_352 = tpu.vector_load %arg8[%get3A_350, %get3A_351] {strides = array<i32>} : memref<16x128xf32, #tpu.memory_space<vmem>>, vector<1x16xf32>,
        %get3A_353 = vector.shape_cast %get3A_352 : vector<1x16xf32> to vector<16xf32>
        %get3A_354 = arith.index_cast %scan3A_180 : i32 to index
        %get3A_355 = arith.constant 16 : index
        %get3A_356 = tpu.vector_load %arg9[%get3A_354, %get3A_355] {strides = array<i32>} : memref<16x128xf32, #tpu.memory_space<vmem>>, vector<1x16xf32>,
        %get3A_357 = vector.shape_cast %get3A_356 : vector<1x16xf32> to vector<16xf32>
        %add3A_358 = arith.constant 8 : i32
        %add3A_359 = arith.addi %add3A_358, %scan3A_180 : i32
        %get3A_360 = arith.index_cast %add3A_359 : i32 to index
        %get3A_361 = arith.constant 16 : index
        %get3A_362 = tpu.vector_load %arg8[%get3A_360, %get3A_361] {strides = array<i32>} : memref<16x128xf32, #tpu.memory_space<vmem>>, vector<1x16xf32>,
        %get3A_363 = vector.shape_cast %get3A_362 : vector<1x16xf32> to vector<16xf32>
        %add3A_364 = arith.constant 8 : i32
        %add3A_365 = arith.addi %add3A_364, %scan3A_180 : i32
        %get3A_366 = arith.index_cast %add3A_365 : i32 to index
        %get3A_367 = arith.constant 16 : index
        %get3A_368 = tpu.vector_load %arg9[%get3A_366, %get3A_367] {strides = array<i32>} : memref<16x128xf32, #tpu.memory_space<vmem>>, vector<1x16xf32>,
        %get3A_369 = vector.shape_cast %get3A_368 : vector<1x16xf32> to vector<16xf32>
        %add3A_370 = arith.constant 0 : i32
        %add3A_371 = arith.addi %add3A_370, %scan3A_180 : i32
        %get3A_372 = arith.index_cast %add3A_371 : i32 to index
        %get3A_373 = arith.constant 16 : index
        %get3A_374 = tpu.vector_load %arg7[%get3A_372, %get3A_373] {strides = array<i32>} : memref<64x128xf32, #tpu.memory_space<vmem>>, vector<1x16xf32>,
        %get3A_375 = vector.shape_cast %get3A_374 : vector<1x16xf32> to vector<16xf32>
        %sub3A_376 = arith.constant 1.000000e+00 : f32
        %sub3A_377 = vector.broadcast %sub3A_376 : f32 to vector<16xf32>
        %sub3A_378 = arith.subf %sub3A_377, %get3A_375 : vector<16xf32>
        %add3A_379 = arith.addf %get3A_375, %get3A_353 : vector<16xf32>
        %add3A_380 = arith.addf %sub3A_378, %get3A_357 : vector<16xf32>
        %min3A_381 = arith.minimumf %add3A_379, %add3A_380 : vector<16xf32>
        %min3A_382 = arith.minimumf %min3A_227, %min3A_381 : vector<16xf32>
        %add3A_383 = arith.addf %get3A_375, %get3A_363 : vector<16xf32>
        %add3A_384 = arith.addf %sub3A_378, %get3A_369 : vector<16xf32>
        %max3A_385 = arith.maximumf %add3A_383, %add3A_384 : vector<16xf32>
        %max3A_386 = arith.maximumf %max3A_230, %max3A_385 : vector<16xf32>
        %add3A_387 = arith.constant 8 : i32
        %add3A_388 = arith.addi %add3A_387, %scan3A_180 : i32
        %get3A_389 = arith.index_cast %add3A_388 : i32 to index
        %get3A_390 = arith.constant 16 : index
        %get3A_391 = tpu.vector_load %arg7[%get3A_389, %get3A_390] {strides = array<i32>} : memref<64x128xf32, #tpu.memory_space<vmem>>, vector<1x16xf32>,
        %get3A_392 = vector.shape_cast %get3A_391 : vector<1x16xf32> to vector<16xf32>
        %sub3A_393 = arith.constant 1.000000e+00 : f32
        %sub3A_394 = vector.broadcast %sub3A_393 : f32 to vector<16xf32>
        %sub3A_395 = arith.subf %sub3A_394, %get3A_392 : vector<16xf32>
        %add3A_396 = arith.addf %get3A_392, %get3A_353 : vector<16xf32>
        %add3A_397 = arith.addf %sub3A_395, %get3A_357 : vector<16xf32>
        %min3A_398 = arith.minimumf %add3A_396, %add3A_397 : vector<16xf32>
        %min3A_399 = arith.minimumf %min3A_243, %min3A_398 : vector<16xf32>
        %add3A_400 = arith.addf %get3A_392, %get3A_363 : vector<16xf32>
        %add3A_401 = arith.addf %sub3A_395, %get3A_369 : vector<16xf32>
        %max3A_402 = arith.maximumf %add3A_400, %add3A_401 : vector<16xf32>
        %max3A_403 = arith.maximumf %max3A_247, %max3A_402 : vector<16xf32>
        %add3A_404 = arith.constant 16 : i32
        %add3A_405 = arith.addi %add3A_404, %scan3A_180 : i32
        %get3A_406 = arith.index_cast %add3A_405 : i32 to index
        %get3A_407 = arith.constant 16 : index
        %get3A_408 = tpu.vector_load %arg7[%get3A_406, %get3A_407] {strides = array<i32>} : memref<64x128xf32, #tpu.memory_space<vmem>>, vector<1x16xf32>,
        %get3A_409 = vector.shape_cast %get3A_408 : vector<1x16xf32> to vector<16xf32>
        %sub3A_410 = arith.constant 1.000000e+00 : f32
        %sub3A_411 = vector.broadcast %sub3A_410 : f32 to vector<16xf32>
        %sub3A_412 = arith.subf %sub3A_411, %get3A_409 : vector<16xf32>
        %add3A_413 = arith.addf %get3A_409, %get3A_353 : vector<16xf32>
        %add3A_414 = arith.addf %sub3A_412, %get3A_357 : vector<16xf32>
        %min3A_415 = arith.minimumf %add3A_413, %add3A_414 : vector<16xf32>
        %min3A_416 = arith.minimumf %min3A_260, %min3A_415 : vector<16xf32>
        %add3A_417 = arith.addf %get3A_409, %get3A_363 : vector<16xf32>
        %add3A_418 = arith.addf %sub3A_412, %get3A_369 : vector<16xf32>
        %max3A_419 = arith.maximumf %add3A_417, %add3A_418 : vector<16xf32>
        %max3A_420 = arith.maximumf %max3A_264, %max3A_419 : vector<16xf32>
        %add3A_421 = arith.constant 24 : i32
        %add3A_422 = arith.addi %add3A_421, %scan3A_180 : i32
        %get3A_423 = arith.index_cast %add3A_422 : i32 to index
        %get3A_424 = arith.constant 16 : index
        %get3A_425 = tpu.vector_load %arg7[%get3A_423, %get3A_424] {strides = array<i32>} : memref<64x128xf32, #tpu.memory_space<vmem>>, vector<1x16xf32>,
        %get3A_426 = vector.shape_cast %get3A_425 : vector<1x16xf32> to vector<16xf32>
        %sub3A_427 = arith.constant 1.000000e+00 : f32
        %sub3A_428 = vector.broadcast %sub3A_427 : f32 to vector<16xf32>
        %sub3A_429 = arith.subf %sub3A_428, %get3A_426 : vector<16xf32>
        %add3A_430 = arith.addf %get3A_426, %get3A_353 : vector<16xf32>
        %add3A_431 = arith.addf %sub3A_429, %get3A_357 : vector<16xf32>
        %min3A_432 = arith.minimumf %add3A_430, %add3A_431 : vector<16xf32>
        %min3A_433 = arith.minimumf %min3A_277, %min3A_432 : vector<16xf32>
        %add3A_434 = arith.addf %get3A_426, %get3A_363 : vector<16xf32>
        %add3A_435 = arith.addf %sub3A_429, %get3A_369 : vector<16xf32>
        %max3A_436 = arith.maximumf %add3A_434, %add3A_435 : vector<16xf32>
        %max3A_437 = arith.maximumf %max3A_281, %max3A_436 : vector<16xf32>
        %add3A_438 = arith.constant 32 : i32
        %add3A_439 = arith.addi %add3A_438, %scan3A_180 : i32
        %get3A_440 = arith.index_cast %add3A_439 : i32 to index
        %get3A_441 = arith.constant 16 : index
        %get3A_442 = tpu.vector_load %arg7[%get3A_440, %get3A_441] {strides = array<i32>} : memref<64x128xf32, #tpu.memory_space<vmem>>, vector<1x16xf32>,
        %get3A_443 = vector.shape_cast %get3A_442 : vector<1x16xf32> to vector<16xf32>
        %sub3A_444 = arith.constant 1.000000e+00 : f32
        %sub3A_445 = vector.broadcast %sub3A_444 : f32 to vector<16xf32>
        %sub3A_446 = arith.subf %sub3A_445, %get3A_443 : vector<16xf32>
        %add3A_447 = arith.addf %get3A_443, %get3A_353 : vector<16xf32>
        %add3A_448 = arith.addf %sub3A_446, %get3A_357 : vector<16xf32>
        %min3A_449 = arith.minimumf %add3A_447, %add3A_448 : vector<16xf32>
        %min3A_450 = arith.minimumf %min3A_294, %min3A_449 : vector<16xf32>
        %add3A_451 = arith.addf %get3A_443, %get3A_363 : vector<16xf32>
        %add3A_452 = arith.addf %sub3A_446, %get3A_369 : vector<16xf32>
        %max3A_453 = arith.maximumf %add3A_451, %add3A_452 : vector<16xf32>
        %max3A_454 = arith.maximumf %max3A_298, %max3A_453 : vector<16xf32>
        %add3A_455 = arith.constant 40 : i32
        %add3A_456 = arith.addi %add3A_455, %scan3A_180 : i32
        %get3A_457 = arith.index_cast %add3A_456 : i32 to index
        %get3A_458 = arith.constant 16 : index
        %get3A_459 = tpu.vector_load %arg7[%get3A_457, %get3A_458] {strides = array<i32>} : memref<64x128xf32, #tpu.memory_space<vmem>>, vector<1x16xf32>,
        %get3A_460 = vector.shape_cast %get3A_459 : vector<1x16xf32> to vector<16xf32>
        %sub3A_461 = arith.constant 1.000000e+00 : f32
        %sub3A_462 = vector.broadcast %sub3A_461 : f32 to vector<16xf32>
        %sub3A_463 = arith.subf %sub3A_462, %get3A_460 : vector<16xf32>
        %add3A_464 = arith.addf %get3A_460, %get3A_353 : vector<16xf32>
        %add3A_465 = arith.addf %sub3A_463, %get3A_357 : vector<16xf32>
        %min3A_466 = arith.minimumf %add3A_464, %add3A_465 : vector<16xf32>
        %min3A_467 = arith.minimumf %min3A_311, %min3A_466 : vector<16xf32>
        %add3A_468 = arith.addf %get3A_460, %get3A_363 : vector<16xf32>
        %add3A_469 = arith.addf %sub3A_463, %get3A_369 : vector<16xf32>
        %max3A_470 = arith.maximumf %add3A_468, %add3A_469 : vector<16xf32>
        %max3A_471 = arith.maximumf %max3A_315, %max3A_470 : vector<16xf32>
        %add3A_472 = arith.constant 48 : i32
        %add3A_473 = arith.addi %add3A_472, %scan3A_180 : i32
        %get3A_474 = arith.index_cast %add3A_473 : i32 to index
        %get3A_475 = arith.constant 16 : index
        %get3A_476 = tpu.vector_load %arg7[%get3A_474, %get3A_475] {strides = array<i32>} : memref<64x128xf32, #tpu.memory_space<vmem>>, vector<1x16xf32>,
        %get3A_477 = vector.shape_cast %get3A_476 : vector<1x16xf32> to vector<16xf32>
        %sub3A_478 = arith.constant 1.000000e+00 : f32
        %sub3A_479 = vector.broadcast %sub3A_478 : f32 to vector<16xf32>
        %sub3A_480 = arith.subf %sub3A_479, %get3A_477 : vector<16xf32>
        %add3A_481 = arith.addf %get3A_477, %get3A_353 : vector<16xf32>
        %add3A_482 = arith.addf %sub3A_480, %get3A_357 : vector<16xf32>
        %min3A_483 = arith.minimumf %add3A_481, %add3A_482 : vector<16xf32>
        %min3A_484 = arith.minimumf %min3A_328, %min3A_483 : vector<16xf32>
        %add3A_485 = arith.addf %get3A_477, %get3A_363 : vector<16xf32>
        %add3A_486 = arith.addf %sub3A_480, %get3A_369 : vector<16xf32>
        %max3A_487 = arith.maximumf %add3A_485, %add3A_486 : vector<16xf32>
        %max3A_488 = arith.maximumf %max3A_332, %max3A_487 : vector<16xf32>
        %add3A_489 = arith.constant 56 : i32
        %add3A_490 = arith.addi %add3A_489, %scan3A_180 : i32
        %get3A_491 = arith.index_cast %add3A_490 : i32 to index
        %get3A_492 = arith.constant 16 : index
        %get3A_493 = tpu.vector_load %arg7[%get3A_491, %get3A_492] {strides = array<i32>} : memref<64x128xf32, #tpu.memory_space<vmem>>, vector<1x16xf32>,
        %get3A_494 = vector.shape_cast %get3A_493 : vector<1x16xf32> to vector<16xf32>
        %sub3A_495 = arith.constant 1.000000e+00 : f32
        %sub3A_496 = vector.broadcast %sub3A_495 : f32 to vector<16xf32>
        %sub3A_497 = arith.subf %sub3A_496, %get3A_494 : vector<16xf32>
        %add3A_498 = arith.addf %get3A_494, %get3A_353 : vector<16xf32>
        %add3A_499 = arith.addf %sub3A_497, %get3A_357 : vector<16xf32>
        %min3A_500 = arith.minimumf %add3A_498, %add3A_499 : vector<16xf32>
        %min3A_501 = arith.minimumf %min3A_345, %min3A_500 : vector<16xf32>
        %add3A_502 = arith.addf %get3A_494, %get3A_363 : vector<16xf32>
        %add3A_503 = arith.addf %sub3A_497, %get3A_369 : vector<16xf32>
        %max3A_504 = arith.maximumf %add3A_502, %add3A_503 : vector<16xf32>
        %max3A_505 = arith.maximumf %max3A_349, %max3A_504 : vector<16xf32>
        %get3A_506 = arith.index_cast %scan3A_180 : i32 to index
        %get3A_507 = arith.constant 32 : index
        %get3A_508 = tpu.vector_load %arg8[%get3A_506, %get3A_507] {strides = array<i32>} : memref<16x128xf32, #tpu.memory_space<vmem>>, vector<1x16xf32>,
        %get3A_509 = vector.shape_cast %get3A_508 : vector<1x16xf32> to vector<16xf32>
        %get3A_510 = arith.index_cast %scan3A_180 : i32 to index
        %get3A_511 = arith.constant 32 : index
        %get3A_512 = tpu.vector_load %arg9[%get3A_510, %get3A_511] {strides = array<i32>} : memref<16x128xf32, #tpu.memory_space<vmem>>, vector<1x16xf32>,
        %get3A_513 = vector.shape_cast %get3A_512 : vector<1x16xf32> to vector<16xf32>
        %add3A_514 = arith.constant 8 : i32
        %add3A_515 = arith.addi %add3A_514, %scan3A_180 : i32
        %get3A_516 = arith.index_cast %add3A_515 : i32 to index
        %get3A_517 = arith.constant 32 : index
        %get3A_518 = tpu.vector_load %arg8[%get3A_516, %get3A_517] {strides = array<i32>} : memref<16x128xf32, #tpu.memory_space<vmem>>, vector<1x16xf32>,
        %get3A_519 = vector.shape_cast %get3A_518 : vector<1x16xf32> to vector<16xf32>
        %add3A_520 = arith.constant 8 : i32
        %add3A_521 = arith.addi %add3A_520, %scan3A_180 : i32
        %get3A_522 = arith.index_cast %add3A_521 : i32 to index
        %get3A_523 = arith.constant 32 : index
        %get3A_524 = tpu.vector_load %arg9[%get3A_522, %get3A_523] {strides = array<i32>} : memref<16x128xf32, #tpu.memory_space<vmem>>, vector<1x16xf32>,
        %get3A_525 = vector.shape_cast %get3A_524 : vector<1x16xf32> to vector<16xf32>
        %add3A_526 = arith.constant 0 : i32
        %add3A_527 = arith.addi %add3A_526, %scan3A_180 : i32
        %get3A_528 = arith.index_cast %add3A_527 : i32 to index
        %get3A_529 = arith.constant 32 : index
        %get3A_530 = tpu.vector_load %arg7[%get3A_528, %get3A_529] {strides = array<i32>} : memref<64x128xf32, #tpu.memory_space<vmem>>, vector<1x16xf32>,
        %get3A_531 = vector.shape_cast %get3A_530 : vector<1x16xf32> to vector<16xf32>
        %sub3A_532 = arith.constant 1.000000e+00 : f32
        %sub3A_533 = vector.broadcast %sub3A_532 : f32 to vector<16xf32>
        %sub3A_534 = arith.subf %sub3A_533, %get3A_531 : vector<16xf32>
        %add3A_535 = arith.addf %get3A_531, %get3A_509 : vector<16xf32>
        %add3A_536 = arith.addf %sub3A_534, %get3A_513 : vector<16xf32>
        %min3A_537 = arith.minimumf %add3A_535, %add3A_536 : vector<16xf32>
        %min3A_538 = arith.minimumf %min3A_382, %min3A_537 : vector<16xf32>
        %add3A_539 = arith.addf %get3A_531, %get3A_519 : vector<16xf32>
        %add3A_540 = arith.addf %sub3A_534, %get3A_525 : vector<16xf32>
        %max3A_541 = arith.maximumf %add3A_539, %add3A_540 : vector<16xf32>
        %max3A_542 = arith.maximumf %max3A_386, %max3A_541 : vector<16xf32>
        %add3A_543 = arith.constant 8 : i32
        %add3A_544 = arith.addi %add3A_543, %scan3A_180 : i32
        %get3A_545 = arith.index_cast %add3A_544 : i32 to index
        %get3A_546 = arith.constant 32 : index
        %get3A_547 = tpu.vector_load %arg7[%get3A_545, %get3A_546] {strides = array<i32>} : memref<64x128xf32, #tpu.memory_space<vmem>>, vector<1x16xf32>,
        %get3A_548 = vector.shape_cast %get3A_547 : vector<1x16xf32> to vector<16xf32>
        %sub3A_549 = arith.constant 1.000000e+00 : f32
        %sub3A_550 = vector.broadcast %sub3A_549 : f32 to vector<16xf32>
        %sub3A_551 = arith.subf %sub3A_550, %get3A_548 : vector<16xf32>
        %add3A_552 = arith.addf %get3A_548, %get3A_509 : vector<16xf32>
        %add3A_553 = arith.addf %sub3A_551, %get3A_513 : vector<16xf32>
        %min3A_554 = arith.minimumf %add3A_552, %add3A_553 : vector<16xf32>
        %min3A_555 = arith.minimumf %min3A_399, %min3A_554 : vector<16xf32>
        %add3A_556 = arith.addf %get3A_548, %get3A_519 : vector<16xf32>
        %add3A_557 = arith.addf %sub3A_551, %get3A_525 : vector<16xf32>
        %max3A_558 = arith.maximumf %add3A_556, %add3A_557 : vector<16xf32>
        %max3A_559 = arith.maximumf %max3A_403, %max3A_558 : vector<16xf32>
        %add3A_560 = arith.constant 16 : i32
        %add3A_561 = arith.addi %add3A_560, %scan3A_180 : i32
        %get3A_562 = arith.index_cast %add3A_561 : i32 to index
        %get3A_563 = arith.constant 32 : index
        %get3A_564 = tpu.vector_load %arg7[%get3A_562, %get3A_563] {strides = array<i32>} : memref<64x128xf32, #tpu.memory_space<vmem>>, vector<1x16xf32>,
        %get3A_565 = vector.shape_cast %get3A_564 : vector<1x16xf32> to vector<16xf32>
        %sub3A_566 = arith.constant 1.000000e+00 : f32
        %sub3A_567 = vector.broadcast %sub3A_566 : f32 to vector<16xf32>
        %sub3A_568 = arith.subf %sub3A_567, %get3A_565 : vector<16xf32>
        %add3A_569 = arith.addf %get3A_565, %get3A_509 : vector<16xf32>
        %add3A_570 = arith.addf %sub3A_568, %get3A_513 : vector<16xf32>
        %min3A_571 = arith.minimumf %add3A_569, %add3A_570 : vector<16xf32>
        %min3A_572 = arith.minimumf %min3A_416, %min3A_571 : vector<16xf32>
        %add3A_573 = arith.addf %get3A_565, %get3A_519 : vector<16xf32>
        %add3A_574 = arith.addf %sub3A_568, %get3A_525 : vector<16xf32>
        %max3A_575 = arith.maximumf %add3A_573, %add3A_574 : vector<16xf32>
        %max3A_576 = arith.maximumf %max3A_420, %max3A_575 : vector<16xf32>
        %add3A_577 = arith.constant 24 : i32
        %add3A_578 = arith.addi %add3A_577, %scan3A_180 : i32
        %get3A_579 = arith.index_cast %add3A_578 : i32 to index
        %get3A_580 = arith.constant 32 : index
        %get3A_581 = tpu.vector_load %arg7[%get3A_579, %get3A_580] {strides = array<i32>} : memref<64x128xf32, #tpu.memory_space<vmem>>, vector<1x16xf32>,
        %get3A_582 = vector.shape_cast %get3A_581 : vector<1x16xf32> to vector<16xf32>
        %sub3A_583 = arith.constant 1.000000e+00 : f32
        %sub3A_584 = vector.broadcast %sub3A_583 : f32 to vector<16xf32>
        %sub3A_585 = arith.subf %sub3A_584, %get3A_582 : vector<16xf32>
        %add3A_586 = arith.addf %get3A_582, %get3A_509 : vector<16xf32>
        %add3A_587 = arith.addf %sub3A_585, %get3A_513 : vector<16xf32>
        %min3A_588 = arith.minimumf %add3A_586, %add3A_587 : vector<16xf32>
        %min3A_589 = arith.minimumf %min3A_433, %min3A_588 : vector<16xf32>
        %add3A_590 = arith.addf %get3A_582, %get3A_519 : vector<16xf32>
        %add3A_591 = arith.addf %sub3A_585, %get3A_525 : vector<16xf32>
        %max3A_592 = arith.maximumf %add3A_590, %add3A_591 : vector<16xf32>
        %max3A_593 = arith.maximumf %max3A_437, %max3A_592 : vector<16xf32>
        %add3A_594 = arith.constant 32 : i32
        %add3A_595 = arith.addi %add3A_594, %scan3A_180 : i32
        %get3A_596 = arith.index_cast %add3A_595 : i32 to index
        %get3A_597 = arith.constant 32 : index
        %get3A_598 = tpu.vector_load %arg7[%get3A_596, %get3A_597] {strides = array<i32>} : memref<64x128xf32, #tpu.memory_space<vmem>>, vector<1x16xf32>,
        %get3A_599 = vector.shape_cast %get3A_598 : vector<1x16xf32> to vector<16xf32>
        %sub3A_600 = arith.constant 1.000000e+00 : f32
        %sub3A_601 = vector.broadcast %sub3A_600 : f32 to vector<16xf32>
        %sub3A_602 = arith.subf %sub3A_601, %get3A_599 : vector<16xf32>
        %add3A_603 = arith.addf %get3A_599, %get3A_509 : vector<16xf32>
        %add3A_604 = arith.addf %sub3A_602, %get3A_513 : vector<16xf32>
        %min3A_605 = arith.minimumf %add3A_603, %add3A_604 : vector<16xf32>
        %min3A_606 = arith.minimumf %min3A_450, %min3A_605 : vector<16xf32>
        %add3A_607 = arith.addf %get3A_599, %get3A_519 : vector<16xf32>
        %add3A_608 = arith.addf %sub3A_602, %get3A_525 : vector<16xf32>
        %max3A_609 = arith.maximumf %add3A_607, %add3A_608 : vector<16xf32>
        %max3A_610 = arith.maximumf %max3A_454, %max3A_609 : vector<16xf32>
        %add3A_611 = arith.constant 40 : i32
        %add3A_612 = arith.addi %add3A_611, %scan3A_180 : i32
        %get3A_613 = arith.index_cast %add3A_612 : i32 to index
        %get3A_614 = arith.constant 32 : index
        %get3A_615 = tpu.vector_load %arg7[%get3A_613, %get3A_614] {strides = array<i32>} : memref<64x128xf32, #tpu.memory_space<vmem>>, vector<1x16xf32>,
        %get3A_616 = vector.shape_cast %get3A_615 : vector<1x16xf32> to vector<16xf32>
        %sub3A_617 = arith.constant 1.000000e+00 : f32
        %sub3A_618 = vector.broadcast %sub3A_617 : f32 to vector<16xf32>
        %sub3A_619 = arith.subf %sub3A_618, %get3A_616 : vector<16xf32>
        %add3A_620 = arith.addf %get3A_616, %get3A_509 : vector<16xf32>
        %add3A_621 = arith.addf %sub3A_619, %get3A_513 : vector<16xf32>
        %min3A_622 = arith.minimumf %add3A_620, %add3A_621 : vector<16xf32>
        %min3A_623 = arith.minimumf %min3A_467, %min3A_622 : vector<16xf32>
        %add3A_624 = arith.addf %get3A_616, %get3A_519 : vector<16xf32>
        %add3A_625 = arith.addf %sub3A_619, %get3A_525 : vector<16xf32>
        %max3A_626 = arith.maximumf %add3A_624, %add3A_625 : vector<16xf32>
        %max3A_627 = arith.maximumf %max3A_471, %max3A_626 : vector<16xf32>
        %add3A_628 = arith.constant 48 : i32
        %add3A_629 = arith.addi %add3A_628, %scan3A_180 : i32
        %get3A_630 = arith.index_cast %add3A_629 : i32 to index
        %get3A_631 = arith.constant 32 : index
        %get3A_632 = tpu.vector_load %arg7[%get3A_630, %get3A_631] {strides = array<i32>} : memref<64x128xf32, #tpu.memory_space<vmem>>, vector<1x16xf32>,
        %get3A_633 = vector.shape_cast %get3A_632 : vector<1x16xf32> to vector<16xf32>
        %sub3A_634 = arith.constant 1.000000e+00 : f32
        %sub3A_635 = vector.broadcast %sub3A_634 : f32 to vector<16xf32>
        %sub3A_636 = arith.subf %sub3A_635, %get3A_633 : vector<16xf32>
        %add3A_637 = arith.addf %get3A_633, %get3A_509 : vector<16xf32>
        %add3A_638 = arith.addf %sub3A_636, %get3A_513 : vector<16xf32>
        %min3A_639 = arith.minimumf %add3A_637, %add3A_638 : vector<16xf32>
        %min3A_640 = arith.minimumf %min3A_484, %min3A_639 : vector<16xf32>
        %add3A_641 = arith.addf %get3A_633, %get3A_519 : vector<16xf32>
        %add3A_642 = arith.addf %sub3A_636, %get3A_525 : vector<16xf32>
        %max3A_643 = arith.maximumf %add3A_641, %add3A_642 : vector<16xf32>
        %max3A_644 = arith.maximumf %max3A_488, %max3A_643 : vector<16xf32>
        %add3A_645 = arith.constant 56 : i32
        %add3A_646 = arith.addi %add3A_645, %scan3A_180 : i32
        %get3A_647 = arith.index_cast %add3A_646 : i32 to index
        %get3A_648 = arith.constant 32 : index
        %get3A_649 = tpu.vector_load %arg7[%get3A_647, %get3A_648] {strides = array<i32>} : memref<64x128xf32, #tpu.memory_space<vmem>>, vector<1x16xf32>,
        %get3A_650 = vector.shape_cast %get3A_649 : vector<1x16xf32> to vector<16xf32>
        %sub3A_651 = arith.constant 1.000000e+00 : f32
        %sub3A_652 = vector.broadcast %sub3A_651 : f32 to vector<16xf32>
        %sub3A_653 = arith.subf %sub3A_652, %get3A_650 : vector<16xf32>
        %add3A_654 = arith.addf %get3A_650, %get3A_509 : vector<16xf32>
        %add3A_655 = arith.addf %sub3A_653, %get3A_513 : vector<16xf32>
        %min3A_656 = arith.minimumf %add3A_654, %add3A_655 : vector<16xf32>
        %min3A_657 = arith.minimumf %min3A_501, %min3A_656 : vector<16xf32>
        %add3A_658 = arith.addf %get3A_650, %get3A_519 : vector<16xf32>
        %add3A_659 = arith.addf %sub3A_653, %get3A_525 : vector<16xf32>
        %max3A_660 = arith.maximumf %add3A_658, %add3A_659 : vector<16xf32>
        %max3A_661 = arith.maximumf %max3A_505, %max3A_660 : vector<16xf32>
        %get3A_662 = arith.index_cast %scan3A_180 : i32 to index
        %get3A_663 = arith.constant 48 : index
        %get3A_664 = tpu.vector_load %arg8[%get3A_662, %get3A_663] {strides = array<i32>} : memref<16x128xf32, #tpu.memory_space<vmem>>, vector<1x16xf32>,
        %get3A_665 = vector.shape_cast %get3A_664 : vector<1x16xf32> to vector<16xf32>
        %get3A_666 = arith.index_cast %scan3A_180 : i32 to index
        %get3A_667 = arith.constant 48 : index
        %get3A_668 = tpu.vector_load %arg9[%get3A_666, %get3A_667] {strides = array<i32>} : memref<16x128xf32, #tpu.memory_space<vmem>>, vector<1x16xf32>,
        %get3A_669 = vector.shape_cast %get3A_668 : vector<1x16xf32> to vector<16xf32>
        %add3A_670 = arith.constant 8 : i32
        %add3A_671 = arith.addi %add3A_670, %scan3A_180 : i32
        %get3A_672 = arith.index_cast %add3A_671 : i32 to index
        %get3A_673 = arith.constant 48 : index
        %get3A_674 = tpu.vector_load %arg8[%get3A_672, %get3A_673] {strides = array<i32>} : memref<16x128xf32, #tpu.memory_space<vmem>>, vector<1x16xf32>,
        %get3A_675 = vector.shape_cast %get3A_674 : vector<1x16xf32> to vector<16xf32>
        %add3A_676 = arith.constant 8 : i32
        %add3A_677 = arith.addi %add3A_676, %scan3A_180 : i32
        %get3A_678 = arith.index_cast %add3A_677 : i32 to index
        %get3A_679 = arith.constant 48 : index
        %get3A_680 = tpu.vector_load %arg9[%get3A_678, %get3A_679] {strides = array<i32>} : memref<16x128xf32, #tpu.memory_space<vmem>>, vector<1x16xf32>,
        %get3A_681 = vector.shape_cast %get3A_680 : vector<1x16xf32> to vector<16xf32>
        %add3A_682 = arith.constant 0 : i32
        %add3A_683 = arith.addi %add3A_682, %scan3A_180 : i32
        %get3A_684 = arith.index_cast %add3A_683 : i32 to index
        %get3A_685 = arith.constant 48 : index
        %get3A_686 = tpu.vector_load %arg7[%get3A_684, %get3A_685] {strides = array<i32>} : memref<64x128xf32, #tpu.memory_space<vmem>>, vector<1x16xf32>,
        %get3A_687 = vector.shape_cast %get3A_686 : vector<1x16xf32> to vector<16xf32>
        %sub3A_688 = arith.constant 1.000000e+00 : f32
        %sub3A_689 = vector.broadcast %sub3A_688 : f32 to vector<16xf32>
        %sub3A_690 = arith.subf %sub3A_689, %get3A_687 : vector<16xf32>
        %add3A_691 = arith.addf %get3A_687, %get3A_665 : vector<16xf32>
        %add3A_692 = arith.addf %sub3A_690, %get3A_669 : vector<16xf32>
        %min3A_693 = arith.minimumf %add3A_691, %add3A_692 : vector<16xf32>
        %min3A_694 = arith.minimumf %min3A_538, %min3A_693 : vector<16xf32>
        %add3A_695 = arith.addf %get3A_687, %get3A_675 : vector<16xf32>
        %add3A_696 = arith.addf %sub3A_690, %get3A_681 : vector<16xf32>
        %max3A_697 = arith.maximumf %add3A_695, %add3A_696 : vector<16xf32>
        %max3A_698 = arith.maximumf %max3A_542, %max3A_697 : vector<16xf32>
        %add3A_699 = arith.constant 8 : i32
        %add3A_700 = arith.addi %add3A_699, %scan3A_180 : i32
        %get3A_701 = arith.index_cast %add3A_700 : i32 to index
        %get3A_702 = arith.constant 48 : index
        %get3A_703 = tpu.vector_load %arg7[%get3A_701, %get3A_702] {strides = array<i32>} : memref<64x128xf32, #tpu.memory_space<vmem>>, vector<1x16xf32>,
        %get3A_704 = vector.shape_cast %get3A_703 : vector<1x16xf32> to vector<16xf32>
        %sub3A_705 = arith.constant 1.000000e+00 : f32
        %sub3A_706 = vector.broadcast %sub3A_705 : f32 to vector<16xf32>
        %sub3A_707 = arith.subf %sub3A_706, %get3A_704 : vector<16xf32>
        %add3A_708 = arith.addf %get3A_704, %get3A_665 : vector<16xf32>
        %add3A_709 = arith.addf %sub3A_707, %get3A_669 : vector<16xf32>
        %min3A_710 = arith.minimumf %add3A_708, %add3A_709 : vector<16xf32>
        %min3A_711 = arith.minimumf %min3A_555, %min3A_710 : vector<16xf32>
        %add3A_712 = arith.addf %get3A_704, %get3A_675 : vector<16xf32>
        %add3A_713 = arith.addf %sub3A_707, %get3A_681 : vector<16xf32>
        %max3A_714 = arith.maximumf %add3A_712, %add3A_713 : vector<16xf32>
        %max3A_715 = arith.maximumf %max3A_559, %max3A_714 : vector<16xf32>
        %add3A_716 = arith.constant 16 : i32
        %add3A_717 = arith.addi %add3A_716, %scan3A_180 : i32
        %get3A_718 = arith.index_cast %add3A_717 : i32 to index
        %get3A_719 = arith.constant 48 : index
        %get3A_720 = tpu.vector_load %arg7[%get3A_718, %get3A_719] {strides = array<i32>} : memref<64x128xf32, #tpu.memory_space<vmem>>, vector<1x16xf32>,
        %get3A_721 = vector.shape_cast %get3A_720 : vector<1x16xf32> to vector<16xf32>
        %sub3A_722 = arith.constant 1.000000e+00 : f32
        %sub3A_723 = vector.broadcast %sub3A_722 : f32 to vector<16xf32>
        %sub3A_724 = arith.subf %sub3A_723, %get3A_721 : vector<16xf32>
        %add3A_725 = arith.addf %get3A_721, %get3A_665 : vector<16xf32>
        %add3A_726 = arith.addf %sub3A_724, %get3A_669 : vector<16xf32>
        %min3A_727 = arith.minimumf %add3A_725, %add3A_726 : vector<16xf32>
        %min3A_728 = arith.minimumf %min3A_572, %min3A_727 : vector<16xf32>
        %add3A_729 = arith.addf %get3A_721, %get3A_675 : vector<16xf32>
        %add3A_730 = arith.addf %sub3A_724, %get3A_681 : vector<16xf32>
        %max3A_731 = arith.maximumf %add3A_729, %add3A_730 : vector<16xf32>
        %max3A_732 = arith.maximumf %max3A_576, %max3A_731 : vector<16xf32>
        %add3A_733 = arith.constant 24 : i32
        %add3A_734 = arith.addi %add3A_733, %scan3A_180 : i32
        %get3A_735 = arith.index_cast %add3A_734 : i32 to index
        %get3A_736 = arith.constant 48 : index
        %get3A_737 = tpu.vector_load %arg7[%get3A_735, %get3A_736] {strides = array<i32>} : memref<64x128xf32, #tpu.memory_space<vmem>>, vector<1x16xf32>,
        %get3A_738 = vector.shape_cast %get3A_737 : vector<1x16xf32> to vector<16xf32>
        %sub3A_739 = arith.constant 1.000000e+00 : f32
        %sub3A_740 = vector.broadcast %sub3A_739 : f32 to vector<16xf32>
        %sub3A_741 = arith.subf %sub3A_740, %get3A_738 : vector<16xf32>
        %add3A_742 = arith.addf %get3A_738, %get3A_665 : vector<16xf32>
        %add3A_743 = arith.addf %sub3A_741, %get3A_669 : vector<16xf32>
        %min3A_744 = arith.minimumf %add3A_742, %add3A_743 : vector<16xf32>
        %min3A_745 = arith.minimumf %min3A_589, %min3A_744 : vector<16xf32>
        %add3A_746 = arith.addf %get3A_738, %get3A_675 : vector<16xf32>
        %add3A_747 = arith.addf %sub3A_741, %get3A_681 : vector<16xf32>
        %max3A_748 = arith.maximumf %add3A_746, %add3A_747 : vector<16xf32>
        %max3A_749 = arith.maximumf %max3A_593, %max3A_748 : vector<16xf32>
        %add3A_750 = arith.constant 32 : i32
        %add3A_751 = arith.addi %add3A_750, %scan3A_180 : i32
        %get3A_752 = arith.index_cast %add3A_751 : i32 to index
        %get3A_753 = arith.constant 48 : index
        %get3A_754 = tpu.vector_load %arg7[%get3A_752, %get3A_753] {strides = array<i32>} : memref<64x128xf32, #tpu.memory_space<vmem>>, vector<1x16xf32>,
        %get3A_755 = vector.shape_cast %get3A_754 : vector<1x16xf32> to vector<16xf32>
        %sub3A_756 = arith.constant 1.000000e+00 : f32
        %sub3A_757 = vector.broadcast %sub3A_756 : f32 to vector<16xf32>
        %sub3A_758 = arith.subf %sub3A_757, %get3A_755 : vector<16xf32>
        %add3A_759 = arith.addf %get3A_755, %get3A_665 : vector<16xf32>
        %add3A_760 = arith.addf %sub3A_758, %get3A_669 : vector<16xf32>
        %min3A_761 = arith.minimumf %add3A_759, %add3A_760 : vector<16xf32>
        %min3A_762 = arith.minimumf %min3A_606, %min3A_761 : vector<16xf32>
        %add3A_763 = arith.addf %get3A_755, %get3A_675 : vector<16xf32>
        %add3A_764 = arith.addf %sub3A_758, %get3A_681 : vector<16xf32>
        %max3A_765 = arith.maximumf %add3A_763, %add3A_764 : vector<16xf32>
        %max3A_766 = arith.maximumf %max3A_610, %max3A_765 : vector<16xf32>
        %add3A_767 = arith.constant 40 : i32
        %add3A_768 = arith.addi %add3A_767, %scan3A_180 : i32
        %get3A_769 = arith.index_cast %add3A_768 : i32 to index
        %get3A_770 = arith.constant 48 : index
        %get3A_771 = tpu.vector_load %arg7[%get3A_769, %get3A_770] {strides = array<i32>} : memref<64x128xf32, #tpu.memory_space<vmem>>, vector<1x16xf32>,
        %get3A_772 = vector.shape_cast %get3A_771 : vector<1x16xf32> to vector<16xf32>
        %sub3A_773 = arith.constant 1.000000e+00 : f32
        %sub3A_774 = vector.broadcast %sub3A_773 : f32 to vector<16xf32>
        %sub3A_775 = arith.subf %sub3A_774, %get3A_772 : vector<16xf32>
        %add3A_776 = arith.addf %get3A_772, %get3A_665 : vector<16xf32>
        %add3A_777 = arith.addf %sub3A_775, %get3A_669 : vector<16xf32>
        %min3A_778 = arith.minimumf %add3A_776, %add3A_777 : vector<16xf32>
        %min3A_779 = arith.minimumf %min3A_623, %min3A_778 : vector<16xf32>
        %add3A_780 = arith.addf %get3A_772, %get3A_675 : vector<16xf32>
        %add3A_781 = arith.addf %sub3A_775, %get3A_681 : vector<16xf32>
        %max3A_782 = arith.maximumf %add3A_780, %add3A_781 : vector<16xf32>
        %max3A_783 = arith.maximumf %max3A_627, %max3A_782 : vector<16xf32>
        %add3A_784 = arith.constant 48 : i32
        %add3A_785 = arith.addi %add3A_784, %scan3A_180 : i32
        %get3A_786 = arith.index_cast %add3A_785 : i32 to index
        %get3A_787 = arith.constant 48 : index
        %get3A_788 = tpu.vector_load %arg7[%get3A_786, %get3A_787] {strides = array<i32>} : memref<64x128xf32, #tpu.memory_space<vmem>>, vector<1x16xf32>,
        %get3A_789 = vector.shape_cast %get3A_788 : vector<1x16xf32> to vector<16xf32>
        %sub3A_790 = arith.constant 1.000000e+00 : f32
        %sub3A_791 = vector.broadcast %sub3A_790 : f32 to vector<16xf32>
        %sub3A_792 = arith.subf %sub3A_791, %get3A_789 : vector<16xf32>
        %add3A_793 = arith.addf %get3A_789, %get3A_665 : vector<16xf32>
        %add3A_794 = arith.addf %sub3A_792, %get3A_669 : vector<16xf32>
        %min3A_795 = arith.minimumf %add3A_793, %add3A_794 : vector<16xf32>
        %min3A_796 = arith.minimumf %min3A_640, %min3A_795 : vector<16xf32>
        %add3A_797 = arith.addf %get3A_789, %get3A_675 : vector<16xf32>
        %add3A_798 = arith.addf %sub3A_792, %get3A_681 : vector<16xf32>
        %max3A_799 = arith.maximumf %add3A_797, %add3A_798 : vector<16xf32>
        %max3A_800 = arith.maximumf %max3A_644, %max3A_799 : vector<16xf32>
        %add3A_801 = arith.constant 56 : i32
        %add3A_802 = arith.addi %add3A_801, %scan3A_180 : i32
        %get3A_803 = arith.index_cast %add3A_802 : i32 to index
        %get3A_804 = arith.constant 48 : index
        %get3A_805 = tpu.vector_load %arg7[%get3A_803, %get3A_804] {strides = array<i32>} : memref<64x128xf32, #tpu.memory_space<vmem>>, vector<1x16xf32>,
        %get3A_806 = vector.shape_cast %get3A_805 : vector<1x16xf32> to vector<16xf32>
        %sub3A_807 = arith.constant 1.000000e+00 : f32
        %sub3A_808 = vector.broadcast %sub3A_807 : f32 to vector<16xf32>
        %sub3A_809 = arith.subf %sub3A_808, %get3A_806 : vector<16xf32>
        %add3A_810 = arith.addf %get3A_806, %get3A_665 : vector<16xf32>
        %add3A_811 = arith.addf %sub3A_809, %get3A_669 : vector<16xf32>
        %min3A_812 = arith.minimumf %add3A_810, %add3A_811 : vector<16xf32>
        %min3A_813 = arith.minimumf %min3A_657, %min3A_812 : vector<16xf32>
        %add3A_814 = arith.addf %get3A_806, %get3A_675 : vector<16xf32>
        %add3A_815 = arith.addf %sub3A_809, %get3A_681 : vector<16xf32>
        %max3A_816 = arith.maximumf %add3A_814, %add3A_815 : vector<16xf32>
        %max3A_817 = arith.maximumf %max3A_661, %max3A_816 : vector<16xf32>
        %get3A_818 = arith.index_cast %scan3A_180 : i32 to index
        %get3A_819 = arith.constant 64 : index
        %get3A_820 = tpu.vector_load %arg8[%get3A_818, %get3A_819] {strides = array<i32>} : memref<16x128xf32, #tpu.memory_space<vmem>>, vector<1x16xf32>,
        %get3A_821 = vector.shape_cast %get3A_820 : vector<1x16xf32> to vector<16xf32>
        %get3A_822 = arith.index_cast %scan3A_180 : i32 to index
        %get3A_823 = arith.constant 64 : index
        %get3A_824 = tpu.vector_load %arg9[%get3A_822, %get3A_823] {strides = array<i32>} : memref<16x128xf32, #tpu.memory_space<vmem>>, vector<1x16xf32>,
        %get3A_825 = vector.shape_cast %get3A_824 : vector<1x16xf32> to vector<16xf32>
        %add3A_826 = arith.constant 8 : i32
        %add3A_827 = arith.addi %add3A_826, %scan3A_180 : i32
        %get3A_828 = arith.index_cast %add3A_827 : i32 to index
        %get3A_829 = arith.constant 64 : index
        %get3A_830 = tpu.vector_load %arg8[%get3A_828, %get3A_829] {strides = array<i32>} : memref<16x128xf32, #tpu.memory_space<vmem>>, vector<1x16xf32>,
        %get3A_831 = vector.shape_cast %get3A_830 : vector<1x16xf32> to vector<16xf32>
        %add3A_832 = arith.constant 8 : i32
        %add3A_833 = arith.addi %add3A_832, %scan3A_180 : i32
        %get3A_834 = arith.index_cast %add3A_833 : i32 to index
        %get3A_835 = arith.constant 64 : index
        %get3A_836 = tpu.vector_load %arg9[%get3A_834, %get3A_835] {strides = array<i32>} : memref<16x128xf32, #tpu.memory_space<vmem>>, vector<1x16xf32>,
        %get3A_837 = vector.shape_cast %get3A_836 : vector<1x16xf32> to vector<16xf32>
        %add3A_838 = arith.constant 0 : i32
        %add3A_839 = arith.addi %add3A_838, %scan3A_180 : i32
        %get3A_840 = arith.index_cast %add3A_839 : i32 to index
        %get3A_841 = arith.constant 64 : index
        %get3A_842 = tpu.vector_load %arg7[%get3A_840, %get3A_841] {strides = array<i32>} : memref<64x128xf32, #tpu.memory_space<vmem>>, vector<1x16xf32>,
        %get3A_843 = vector.shape_cast %get3A_842 : vector<1x16xf32> to vector<16xf32>
        %sub3A_844 = arith.constant 1.000000e+00 : f32
        %sub3A_845 = vector.broadcast %sub3A_844 : f32 to vector<16xf32>
        %sub3A_846 = arith.subf %sub3A_845, %get3A_843 : vector<16xf32>
        %add3A_847 = arith.addf %get3A_843, %get3A_821 : vector<16xf32>
        %add3A_848 = arith.addf %sub3A_846, %get3A_825 : vector<16xf32>
        %min3A_849 = arith.minimumf %add3A_847, %add3A_848 : vector<16xf32>
        %min3A_850 = arith.minimumf %min3A_694, %min3A_849 : vector<16xf32>
        %add3A_851 = arith.addf %get3A_843, %get3A_831 : vector<16xf32>
        %add3A_852 = arith.addf %sub3A_846, %get3A_837 : vector<16xf32>
        %max3A_853 = arith.maximumf %add3A_851, %add3A_852 : vector<16xf32>
        %max3A_854 = arith.maximumf %max3A_698, %max3A_853 : vector<16xf32>
        %add3A_855 = arith.constant 8 : i32
        %add3A_856 = arith.addi %add3A_855, %scan3A_180 : i32
        %get3A_857 = arith.index_cast %add3A_856 : i32 to index
        %get3A_858 = arith.constant 64 : index
        %get3A_859 = tpu.vector_load %arg7[%get3A_857, %get3A_858] {strides = array<i32>} : memref<64x128xf32, #tpu.memory_space<vmem>>, vector<1x16xf32>,
        %get3A_860 = vector.shape_cast %get3A_859 : vector<1x16xf32> to vector<16xf32>
        %sub3A_861 = arith.constant 1.000000e+00 : f32
        %sub3A_862 = vector.broadcast %sub3A_861 : f32 to vector<16xf32>
        %sub3A_863 = arith.subf %sub3A_862, %get3A_860 : vector<16xf32>
        %add3A_864 = arith.addf %get3A_860, %get3A_821 : vector<16xf32>
        %add3A_865 = arith.addf %sub3A_863, %get3A_825 : vector<16xf32>
        %min3A_866 = arith.minimumf %add3A_864, %add3A_865 : vector<16xf32>
        %min3A_867 = arith.minimumf %min3A_711, %min3A_866 : vector<16xf32>
        %add3A_868 = arith.addf %get3A_860, %get3A_831 : vector<16xf32>
        %add3A_869 = arith.addf %sub3A_863, %get3A_837 : vector<16xf32>
        %max3A_870 = arith.maximumf %add3A_868, %add3A_869 : vector<16xf32>
        %max3A_871 = arith.maximumf %max3A_715, %max3A_870 : vector<16xf32>
        %add3A_872 = arith.constant 16 : i32
        %add3A_873 = arith.addi %add3A_872, %scan3A_180 : i32
        %get3A_874 = arith.index_cast %add3A_873 : i32 to index
        %get3A_875 = arith.constant 64 : index
        %get3A_876 = tpu.vector_load %arg7[%get3A_874, %get3A_875] {strides = array<i32>} : memref<64x128xf32, #tpu.memory_space<vmem>>, vector<1x16xf32>,
        %get3A_877 = vector.shape_cast %get3A_876 : vector<1x16xf32> to vector<16xf32>
        %sub3A_878 = arith.constant 1.000000e+00 : f32
        %sub3A_879 = vector.broadcast %sub3A_878 : f32 to vector<16xf32>
        %sub3A_880 = arith.subf %sub3A_879, %get3A_877 : vector<16xf32>
        %add3A_881 = arith.addf %get3A_877, %get3A_821 : vector<16xf32>
        %add3A_882 = arith.addf %sub3A_880, %get3A_825 : vector<16xf32>
        %min3A_883 = arith.minimumf %add3A_881, %add3A_882 : vector<16xf32>
        %min3A_884 = arith.minimumf %min3A_728, %min3A_883 : vector<16xf32>
        %add3A_885 = arith.addf %get3A_877, %get3A_831 : vector<16xf32>
        %add3A_886 = arith.addf %sub3A_880, %get3A_837 : vector<16xf32>
        %max3A_887 = arith.maximumf %add3A_885, %add3A_886 : vector<16xf32>
        %max3A_888 = arith.maximumf %max3A_732, %max3A_887 : vector<16xf32>
        %add3A_889 = arith.constant 24 : i32
        %add3A_890 = arith.addi %add3A_889, %scan3A_180 : i32
        %get3A_891 = arith.index_cast %add3A_890 : i32 to index
        %get3A_892 = arith.constant 64 : index
        %get3A_893 = tpu.vector_load %arg7[%get3A_891, %get3A_892] {strides = array<i32>} : memref<64x128xf32, #tpu.memory_space<vmem>>, vector<1x16xf32>,
        %get3A_894 = vector.shape_cast %get3A_893 : vector<1x16xf32> to vector<16xf32>
        %sub3A_895 = arith.constant 1.000000e+00 : f32
        %sub3A_896 = vector.broadcast %sub3A_895 : f32 to vector<16xf32>
        %sub3A_897 = arith.subf %sub3A_896, %get3A_894 : vector<16xf32>
        %add3A_898 = arith.addf %get3A_894, %get3A_821 : vector<16xf32>
        %add3A_899 = arith.addf %sub3A_897, %get3A_825 : vector<16xf32>
        %min3A_900 = arith.minimumf %add3A_898, %add3A_899 : vector<16xf32>
        %min3A_901 = arith.minimumf %min3A_745, %min3A_900 : vector<16xf32>
        %add3A_902 = arith.addf %get3A_894, %get3A_831 : vector<16xf32>
        %add3A_903 = arith.addf %sub3A_897, %get3A_837 : vector<16xf32>
        %max3A_904 = arith.maximumf %add3A_902, %add3A_903 : vector<16xf32>
        %max3A_905 = arith.maximumf %max3A_749, %max3A_904 : vector<16xf32>
        %add3A_906 = arith.constant 32 : i32
        %add3A_907 = arith.addi %add3A_906, %scan3A_180 : i32
        %get3A_908 = arith.index_cast %add3A_907 : i32 to index
        %get3A_909 = arith.constant 64 : index
        %get3A_910 = tpu.vector_load %arg7[%get3A_908, %get3A_909] {strides = array<i32>} : memref<64x128xf32, #tpu.memory_space<vmem>>, vector<1x16xf32>,
        %get3A_911 = vector.shape_cast %get3A_910 : vector<1x16xf32> to vector<16xf32>
        %sub3A_912 = arith.constant 1.000000e+00 : f32
        %sub3A_913 = vector.broadcast %sub3A_912 : f32 to vector<16xf32>
        %sub3A_914 = arith.subf %sub3A_913, %get3A_911 : vector<16xf32>
        %add3A_915 = arith.addf %get3A_911, %get3A_821 : vector<16xf32>
        %add3A_916 = arith.addf %sub3A_914, %get3A_825 : vector<16xf32>
        %min3A_917 = arith.minimumf %add3A_915, %add3A_916 : vector<16xf32>
        %min3A_918 = arith.minimumf %min3A_762, %min3A_917 : vector<16xf32>
        %add3A_919 = arith.addf %get3A_911, %get3A_831 : vector<16xf32>
        %add3A_920 = arith.addf %sub3A_914, %get3A_837 : vector<16xf32>
        %max3A_921 = arith.maximumf %add3A_919, %add3A_920 : vector<16xf32>
        %max3A_922 = arith.maximumf %max3A_766, %max3A_921 : vector<16xf32>
        %add3A_923 = arith.constant 40 : i32
        %add3A_924 = arith.addi %add3A_923, %scan3A_180 : i32
        %get3A_925 = arith.index_cast %add3A_924 : i32 to index
        %get3A_926 = arith.constant 64 : index
        %get3A_927 = tpu.vector_load %arg7[%get3A_925, %get3A_926] {strides = array<i32>} : memref<64x128xf32, #tpu.memory_space<vmem>>, vector<1x16xf32>,
        %get3A_928 = vector.shape_cast %get3A_927 : vector<1x16xf32> to vector<16xf32>
        %sub3A_929 = arith.constant 1.000000e+00 : f32
        %sub3A_930 = vector.broadcast %sub3A_929 : f32 to vector<16xf32>
        %sub3A_931 = arith.subf %sub3A_930, %get3A_928 : vector<16xf32>
        %add3A_932 = arith.addf %get3A_928, %get3A_821 : vector<16xf32>
        %add3A_933 = arith.addf %sub3A_931, %get3A_825 : vector<16xf32>
        %min3A_934 = arith.minimumf %add3A_932, %add3A_933 : vector<16xf32>
        %min3A_935 = arith.minimumf %min3A_779, %min3A_934 : vector<16xf32>
        %add3A_936 = arith.addf %get3A_928, %get3A_831 : vector<16xf32>
        %add3A_937 = arith.addf %sub3A_931, %get3A_837 : vector<16xf32>
        %max3A_938 = arith.maximumf %add3A_936, %add3A_937 : vector<16xf32>
        %max3A_939 = arith.maximumf %max3A_783, %max3A_938 : vector<16xf32>
        %add3A_940 = arith.constant 48 : i32
        %add3A_941 = arith.addi %add3A_940, %scan3A_180 : i32
        %get3A_942 = arith.index_cast %add3A_941 : i32 to index
        %get3A_943 = arith.constant 64 : index
        %get3A_944 = tpu.vector_load %arg7[%get3A_942, %get3A_943] {strides = array<i32>} : memref<64x128xf32, #tpu.memory_space<vmem>>, vector<1x16xf32>,
        %get3A_945 = vector.shape_cast %get3A_944 : vector<1x16xf32> to vector<16xf32>
        %sub3A_946 = arith.constant 1.000000e+00 : f32
        %sub3A_947 = vector.broadcast %sub3A_946 : f32 to vector<16xf32>
        %sub3A_948 = arith.subf %sub3A_947, %get3A_945 : vector<16xf32>
        %add3A_949 = arith.addf %get3A_945, %get3A_821 : vector<16xf32>
        %add3A_950 = arith.addf %sub3A_948, %get3A_825 : vector<16xf32>
        %min3A_951 = arith.minimumf %add3A_949, %add3A_950 : vector<16xf32>
        %min3A_952 = arith.minimumf %min3A_796, %min3A_951 : vector<16xf32>
        %add3A_953 = arith.addf %get3A_945, %get3A_831 : vector<16xf32>
        %add3A_954 = arith.addf %sub3A_948, %get3A_837 : vector<16xf32>
        %max3A_955 = arith.maximumf %add3A_953, %add3A_954 : vector<16xf32>
        %max3A_956 = arith.maximumf %max3A_800, %max3A_955 : vector<16xf32>
        %add3A_957 = arith.constant 56 : i32
        %add3A_958 = arith.addi %add3A_957, %scan3A_180 : i32
        %get3A_959 = arith.index_cast %add3A_958 : i32 to index
        %get3A_960 = arith.constant 64 : index
        %get3A_961 = tpu.vector_load %arg7[%get3A_959, %get3A_960] {strides = array<i32>} : memref<64x128xf32, #tpu.memory_space<vmem>>, vector<1x16xf32>,
        %get3A_962 = vector.shape_cast %get3A_961 : vector<1x16xf32> to vector<16xf32>
        %sub3A_963 = arith.constant 1.000000e+00 : f32
        %sub3A_964 = vector.broadcast %sub3A_963 : f32 to vector<16xf32>
        %sub3A_965 = arith.subf %sub3A_964, %get3A_962 : vector<16xf32>
        %add3A_966 = arith.addf %get3A_962, %get3A_821 : vector<16xf32>
        %add3A_967 = arith.addf %sub3A_965, %get3A_825 : vector<16xf32>
        %min3A_968 = arith.minimumf %add3A_966, %add3A_967 : vector<16xf32>
        %min3A_969 = arith.minimumf %min3A_813, %min3A_968 : vector<16xf32>
        %add3A_970 = arith.addf %get3A_962, %get3A_831 : vector<16xf32>
        %add3A_971 = arith.addf %sub3A_965, %get3A_837 : vector<16xf32>
        %max3A_972 = arith.maximumf %add3A_970, %add3A_971 : vector<16xf32>
        %max3A_973 = arith.maximumf %max3A_817, %max3A_972 : vector<16xf32>
        %get3A_974 = arith.index_cast %scan3A_180 : i32 to index
        %get3A_975 = arith.constant 80 : index
        %get3A_976 = tpu.vector_load %arg8[%get3A_974, %get3A_975] {strides = array<i32>} : memref<16x128xf32, #tpu.memory_space<vmem>>, vector<1x16xf32>,
        %get3A_977 = vector.shape_cast %get3A_976 : vector<1x16xf32> to vector<16xf32>
        %get3A_978 = arith.index_cast %scan3A_180 : i32 to index
        %get3A_979 = arith.constant 80 : index
        %get3A_980 = tpu.vector_load %arg9[%get3A_978, %get3A_979] {strides = array<i32>} : memref<16x128xf32, #tpu.memory_space<vmem>>, vector<1x16xf32>,
        %get3A_981 = vector.shape_cast %get3A_980 : vector<1x16xf32> to vector<16xf32>
        %add3A_982 = arith.constant 8 : i32
        %add3A_983 = arith.addi %add3A_982, %scan3A_180 : i32
        %get3A_984 = arith.index_cast %add3A_983 : i32 to index
        %get3A_985 = arith.constant 80 : index
        %get3A_986 = tpu.vector_load %arg8[%get3A_984, %get3A_985] {strides = array<i32>} : memref<16x128xf32, #tpu.memory_space<vmem>>, vector<1x16xf32>,
        %get3A_987 = vector.shape_cast %get3A_986 : vector<1x16xf32> to vector<16xf32>
        %add3A_988 = arith.constant 8 : i32
        %add3A_989 = arith.addi %add3A_988, %scan3A_180 : i32
        %get3A_990 = arith.index_cast %add3A_989 : i32 to index
        %get3A_991 = arith.constant 80 : index
        %get3A_992 = tpu.vector_load %arg9[%get3A_990, %get3A_991] {strides = array<i32>} : memref<16x128xf32, #tpu.memory_space<vmem>>, vector<1x16xf32>,
        %get3A_993 = vector.shape_cast %get3A_992 : vector<1x16xf32> to vector<16xf32>
        %add3A_994 = arith.constant 0 : i32
        %add3A_995 = arith.addi %add3A_994, %scan3A_180 : i32
        %get3A_996 = arith.index_cast %add3A_995 : i32 to index
        %get3A_997 = arith.constant 80 : index
        %get3A_998 = tpu.vector_load %arg7[%get3A_996, %get3A_997] {strides = array<i32>} : memref<64x128xf32, #tpu.memory_space<vmem>>, vector<1x16xf32>,
        %get3A_999 = vector.shape_cast %get3A_998 : vector<1x16xf32> to vector<16xf32>
        %sub3A_1000 = arith.constant 1.000000e+00 : f32
        %sub3A_1001 = vector.broadcast %sub3A_1000 : f32 to vector<16xf32>
        %sub3A_1002 = arith.subf %sub3A_1001, %get3A_999 : vector<16xf32>
        %add3A_1003 = arith.addf %get3A_999, %get3A_977 : vector<16xf32>
        %add3A_1004 = arith.addf %sub3A_1002, %get3A_981 : vector<16xf32>
        %min3A_1005 = arith.minimumf %add3A_1003, %add3A_1004 : vector<16xf32>
        %min3A_1006 = arith.minimumf %min3A_850, %min3A_1005 : vector<16xf32>
        %add3A_1007 = arith.addf %get3A_999, %get3A_987 : vector<16xf32>
        %add3A_1008 = arith.addf %sub3A_1002, %get3A_993 : vector<16xf32>
        %max3A_1009 = arith.maximumf %add3A_1007, %add3A_1008 : vector<16xf32>
        %max3A_1010 = arith.maximumf %max3A_854, %max3A_1009 : vector<16xf32>
        %add3A_1011 = arith.constant 8 : i32
        %add3A_1012 = arith.addi %add3A_1011, %scan3A_180 : i32
        %get3A_1013 = arith.index_cast %add3A_1012 : i32 to index
        %get3A_1014 = arith.constant 80 : index
        %get3A_1015 = tpu.vector_load %arg7[%get3A_1013, %get3A_1014] {strides = array<i32>} : memref<64x128xf32, #tpu.memory_space<vmem>>, vector<1x16xf32>,
        %get3A_1016 = vector.shape_cast %get3A_1015 : vector<1x16xf32> to vector<16xf32>
        %sub3A_1017 = arith.constant 1.000000e+00 : f32
        %sub3A_1018 = vector.broadcast %sub3A_1017 : f32 to vector<16xf32>
        %sub3A_1019 = arith.subf %sub3A_1018, %get3A_1016 : vector<16xf32>
        %add3A_1020 = arith.addf %get3A_1016, %get3A_977 : vector<16xf32>
        %add3A_1021 = arith.addf %sub3A_1019, %get3A_981 : vector<16xf32>
        %min3A_1022 = arith.minimumf %add3A_1020, %add3A_1021 : vector<16xf32>
        %min3A_1023 = arith.minimumf %min3A_867, %min3A_1022 : vector<16xf32>
        %add3A_1024 = arith.addf %get3A_1016, %get3A_987 : vector<16xf32>
        %add3A_1025 = arith.addf %sub3A_1019, %get3A_993 : vector<16xf32>
        %max3A_1026 = arith.maximumf %add3A_1024, %add3A_1025 : vector<16xf32>
        %max3A_1027 = arith.maximumf %max3A_871, %max3A_1026 : vector<16xf32>
        %add3A_1028 = arith.constant 16 : i32
        %add3A_1029 = arith.addi %add3A_1028, %scan3A_180 : i32
        %get3A_1030 = arith.index_cast %add3A_1029 : i32 to index
        %get3A_1031 = arith.constant 80 : index
        %get3A_1032 = tpu.vector_load %arg7[%get3A_1030, %get3A_1031] {strides = array<i32>} : memref<64x128xf32, #tpu.memory_space<vmem>>, vector<1x16xf32>,
        %get3A_1033 = vector.shape_cast %get3A_1032 : vector<1x16xf32> to vector<16xf32>
        %sub3A_1034 = arith.constant 1.000000e+00 : f32
        %sub3A_1035 = vector.broadcast %sub3A_1034 : f32 to vector<16xf32>
        %sub3A_1036 = arith.subf %sub3A_1035, %get3A_1033 : vector<16xf32>
        %add3A_1037 = arith.addf %get3A_1033, %get3A_977 : vector<16xf32>
        %add3A_1038 = arith.addf %sub3A_1036, %get3A_981 : vector<16xf32>
        %min3A_1039 = arith.minimumf %add3A_1037, %add3A_1038 : vector<16xf32>
        %min3A_1040 = arith.minimumf %min3A_884, %min3A_1039 : vector<16xf32>
        %add3A_1041 = arith.addf %get3A_1033, %get3A_987 : vector<16xf32>
        %add3A_1042 = arith.addf %sub3A_1036, %get3A_993 : vector<16xf32>
        %max3A_1043 = arith.maximumf %add3A_1041, %add3A_1042 : vector<16xf32>
        %max3A_1044 = arith.maximumf %max3A_888, %max3A_1043 : vector<16xf32>
        %add3A_1045 = arith.constant 24 : i32
        %add3A_1046 = arith.addi %add3A_1045, %scan3A_180 : i32
        %get3A_1047 = arith.index_cast %add3A_1046 : i32 to index
        %get3A_1048 = arith.constant 80 : index
        %get3A_1049 = tpu.vector_load %arg7[%get3A_1047, %get3A_1048] {strides = array<i32>} : memref<64x128xf32, #tpu.memory_space<vmem>>, vector<1x16xf32>,
        %get3A_1050 = vector.shape_cast %get3A_1049 : vector<1x16xf32> to vector<16xf32>
        %sub3A_1051 = arith.constant 1.000000e+00 : f32
        %sub3A_1052 = vector.broadcast %sub3A_1051 : f32 to vector<16xf32>
        %sub3A_1053 = arith.subf %sub3A_1052, %get3A_1050 : vector<16xf32>
        %add3A_1054 = arith.addf %get3A_1050, %get3A_977 : vector<16xf32>
        %add3A_1055 = arith.addf %sub3A_1053, %get3A_981 : vector<16xf32>
        %min3A_1056 = arith.minimumf %add3A_1054, %add3A_1055 : vector<16xf32>
        %min3A_1057 = arith.minimumf %min3A_901, %min3A_1056 : vector<16xf32>
        %add3A_1058 = arith.addf %get3A_1050, %get3A_987 : vector<16xf32>
        %add3A_1059 = arith.addf %sub3A_1053, %get3A_993 : vector<16xf32>
        %max3A_1060 = arith.maximumf %add3A_1058, %add3A_1059 : vector<16xf32>
        %max3A_1061 = arith.maximumf %max3A_905, %max3A_1060 : vector<16xf32>
        %add3A_1062 = arith.constant 32 : i32
        %add3A_1063 = arith.addi %add3A_1062, %scan3A_180 : i32
        %get3A_1064 = arith.index_cast %add3A_1063 : i32 to index
        %get3A_1065 = arith.constant 80 : index
        %get3A_1066 = tpu.vector_load %arg7[%get3A_1064, %get3A_1065] {strides = array<i32>} : memref<64x128xf32, #tpu.memory_space<vmem>>, vector<1x16xf32>,
        %get3A_1067 = vector.shape_cast %get3A_1066 : vector<1x16xf32> to vector<16xf32>
        %sub3A_1068 = arith.constant 1.000000e+00 : f32
        %sub3A_1069 = vector.broadcast %sub3A_1068 : f32 to vector<16xf32>
        %sub3A_1070 = arith.subf %sub3A_1069, %get3A_1067 : vector<16xf32>
        %add3A_1071 = arith.addf %get3A_1067, %get3A_977 : vector<16xf32>
        %add3A_1072 = arith.addf %sub3A_1070, %get3A_981 : vector<16xf32>
        %min3A_1073 = arith.minimumf %add3A_1071, %add3A_1072 : vector<16xf32>
        %min3A_1074 = arith.minimumf %min3A_918, %min3A_1073 : vector<16xf32>
        %add3A_1075 = arith.addf %get3A_1067, %get3A_987 : vector<16xf32>
        %add3A_1076 = arith.addf %sub3A_1070, %get3A_993 : vector<16xf32>
        %max3A_1077 = arith.maximumf %add3A_1075, %add3A_1076 : vector<16xf32>
        %max3A_1078 = arith.maximumf %max3A_922, %max3A_1077 : vector<16xf32>
        %add3A_1079 = arith.constant 40 : i32
        %add3A_1080 = arith.addi %add3A_1079, %scan3A_180 : i32
        %get3A_1081 = arith.index_cast %add3A_1080 : i32 to index
        %get3A_1082 = arith.constant 80 : index
        %get3A_1083 = tpu.vector_load %arg7[%get3A_1081, %get3A_1082] {strides = array<i32>} : memref<64x128xf32, #tpu.memory_space<vmem>>, vector<1x16xf32>,
        %get3A_1084 = vector.shape_cast %get3A_1083 : vector<1x16xf32> to vector<16xf32>
        %sub3A_1085 = arith.constant 1.000000e+00 : f32
        %sub3A_1086 = vector.broadcast %sub3A_1085 : f32 to vector<16xf32>
        %sub3A_1087 = arith.subf %sub3A_1086, %get3A_1084 : vector<16xf32>
        %add3A_1088 = arith.addf %get3A_1084, %get3A_977 : vector<16xf32>
        %add3A_1089 = arith.addf %sub3A_1087, %get3A_981 : vector<16xf32>
        %min3A_1090 = arith.minimumf %add3A_1088, %add3A_1089 : vector<16xf32>
        %min3A_1091 = arith.minimumf %min3A_935, %min3A_1090 : vector<16xf32>
        %add3A_1092 = arith.addf %get3A_1084, %get3A_987 : vector<16xf32>
        %add3A_1093 = arith.addf %sub3A_1087, %get3A_993 : vector<16xf32>
        %max3A_1094 = arith.maximumf %add3A_1092, %add3A_1093 : vector<16xf32>
        %max3A_1095 = arith.maximumf %max3A_939, %max3A_1094 : vector<16xf32>
        %add3A_1096 = arith.constant 48 : i32
        %add3A_1097 = arith.addi %add3A_1096, %scan3A_180 : i32
        %get3A_1098 = arith.index_cast %add3A_1097 : i32 to index
        %get3A_1099 = arith.constant 80 : index
        %get3A_1100 = tpu.vector_load %arg7[%get3A_1098, %get3A_1099] {strides = array<i32>} : memref<64x128xf32, #tpu.memory_space<vmem>>, vector<1x16xf32>,
        %get3A_1101 = vector.shape_cast %get3A_1100 : vector<1x16xf32> to vector<16xf32>
        %sub3A_1102 = arith.constant 1.000000e+00 : f32
        %sub3A_1103 = vector.broadcast %sub3A_1102 : f32 to vector<16xf32>
        %sub3A_1104 = arith.subf %sub3A_1103, %get3A_1101 : vector<16xf32>
        %add3A_1105 = arith.addf %get3A_1101, %get3A_977 : vector<16xf32>
        %add3A_1106 = arith.addf %sub3A_1104, %get3A_981 : vector<16xf32>
        %min3A_1107 = arith.minimumf %add3A_1105, %add3A_1106 : vector<16xf32>
        %min3A_1108 = arith.minimumf %min3A_952, %min3A_1107 : vector<16xf32>
        %add3A_1109 = arith.addf %get3A_1101, %get3A_987 : vector<16xf32>
        %add3A_1110 = arith.addf %sub3A_1104, %get3A_993 : vector<16xf32>
        %max3A_1111 = arith.maximumf %add3A_1109, %add3A_1110 : vector<16xf32>
        %max3A_1112 = arith.maximumf %max3A_956, %max3A_1111 : vector<16xf32>
        %add3A_1113 = arith.constant 56 : i32
        %add3A_1114 = arith.addi %add3A_1113, %scan3A_180 : i32
        %get3A_1115 = arith.index_cast %add3A_1114 : i32 to index
        %get3A_1116 = arith.constant 80 : index
        %get3A_1117 = tpu.vector_load %arg7[%get3A_1115, %get3A_1116] {strides = array<i32>} : memref<64x128xf32, #tpu.memory_space<vmem>>, vector<1x16xf32>,
        %get3A_1118 = vector.shape_cast %get3A_1117 : vector<1x16xf32> to vector<16xf32>
        %sub3A_1119 = arith.constant 1.000000e+00 : f32
        %sub3A_1120 = vector.broadcast %sub3A_1119 : f32 to vector<16xf32>
        %sub3A_1121 = arith.subf %sub3A_1120, %get3A_1118 : vector<16xf32>
        %add3A_1122 = arith.addf %get3A_1118, %get3A_977 : vector<16xf32>
        %add3A_1123 = arith.addf %sub3A_1121, %get3A_981 : vector<16xf32>
        %min3A_1124 = arith.minimumf %add3A_1122, %add3A_1123 : vector<16xf32>
        %min3A_1125 = arith.minimumf %min3A_969, %min3A_1124 : vector<16xf32>
        %add3A_1126 = arith.addf %get3A_1118, %get3A_987 : vector<16xf32>
        %add3A_1127 = arith.addf %sub3A_1121, %get3A_993 : vector<16xf32>
        %max3A_1128 = arith.maximumf %add3A_1126, %add3A_1127 : vector<16xf32>
        %max3A_1129 = arith.maximumf %max3A_973, %max3A_1128 : vector<16xf32>
        %get3A_1130 = arith.index_cast %scan3A_180 : i32 to index
        %get3A_1131 = arith.constant 96 : index
        %get3A_1132 = tpu.vector_load %arg8[%get3A_1130, %get3A_1131] {strides = array<i32>} : memref<16x128xf32, #tpu.memory_space<vmem>>, vector<1x16xf32>,
        %get3A_1133 = vector.shape_cast %get3A_1132 : vector<1x16xf32> to vector<16xf32>
        %get3A_1134 = arith.index_cast %scan3A_180 : i32 to index
        %get3A_1135 = arith.constant 96 : index
        %get3A_1136 = tpu.vector_load %arg9[%get3A_1134, %get3A_1135] {strides = array<i32>} : memref<16x128xf32, #tpu.memory_space<vmem>>, vector<1x16xf32>,
        %get3A_1137 = vector.shape_cast %get3A_1136 : vector<1x16xf32> to vector<16xf32>
        %add3A_1138 = arith.constant 8 : i32
        %add3A_1139 = arith.addi %add3A_1138, %scan3A_180 : i32
        %get3A_1140 = arith.index_cast %add3A_1139 : i32 to index
        %get3A_1141 = arith.constant 96 : index
        %get3A_1142 = tpu.vector_load %arg8[%get3A_1140, %get3A_1141] {strides = array<i32>} : memref<16x128xf32, #tpu.memory_space<vmem>>, vector<1x16xf32>,
        %get3A_1143 = vector.shape_cast %get3A_1142 : vector<1x16xf32> to vector<16xf32>
        %add3A_1144 = arith.constant 8 : i32
        %add3A_1145 = arith.addi %add3A_1144, %scan3A_180 : i32
        %get3A_1146 = arith.index_cast %add3A_1145 : i32 to index
        %get3A_1147 = arith.constant 96 : index
        %get3A_1148 = tpu.vector_load %arg9[%get3A_1146, %get3A_1147] {strides = array<i32>} : memref<16x128xf32, #tpu.memory_space<vmem>>, vector<1x16xf32>,
        %get3A_1149 = vector.shape_cast %get3A_1148 : vector<1x16xf32> to vector<16xf32>
        %add3A_1150 = arith.constant 0 : i32
        %add3A_1151 = arith.addi %add3A_1150, %scan3A_180 : i32
        %get3A_1152 = arith.index_cast %add3A_1151 : i32 to index
        %get3A_1153 = arith.constant 96 : index
        %get3A_1154 = tpu.vector_load %arg7[%get3A_1152, %get3A_1153] {strides = array<i32>} : memref<64x128xf32, #tpu.memory_space<vmem>>, vector<1x16xf32>,
        %get3A_1155 = vector.shape_cast %get3A_1154 : vector<1x16xf32> to vector<16xf32>
        %sub3A_1156 = arith.constant 1.000000e+00 : f32
        %sub3A_1157 = vector.broadcast %sub3A_1156 : f32 to vector<16xf32>
        %sub3A_1158 = arith.subf %sub3A_1157, %get3A_1155 : vector<16xf32>
        %add3A_1159 = arith.addf %get3A_1155, %get3A_1133 : vector<16xf32>
        %add3A_1160 = arith.addf %sub3A_1158, %get3A_1137 : vector<16xf32>
        %min3A_1161 = arith.minimumf %add3A_1159, %add3A_1160 : vector<16xf32>
        %min3A_1162 = arith.minimumf %min3A_1006, %min3A_1161 : vector<16xf32>
        %add3A_1163 = arith.addf %get3A_1155, %get3A_1143 : vector<16xf32>
        %add3A_1164 = arith.addf %sub3A_1158, %get3A_1149 : vector<16xf32>
        %max3A_1165 = arith.maximumf %add3A_1163, %add3A_1164 : vector<16xf32>
        %max3A_1166 = arith.maximumf %max3A_1010, %max3A_1165 : vector<16xf32>
        %add3A_1167 = arith.constant 8 : i32
        %add3A_1168 = arith.addi %add3A_1167, %scan3A_180 : i32
        %get3A_1169 = arith.index_cast %add3A_1168 : i32 to index
        %get3A_1170 = arith.constant 96 : index
        %get3A_1171 = tpu.vector_load %arg7[%get3A_1169, %get3A_1170] {strides = array<i32>} : memref<64x128xf32, #tpu.memory_space<vmem>>, vector<1x16xf32>,
        %get3A_1172 = vector.shape_cast %get3A_1171 : vector<1x16xf32> to vector<16xf32>
        %sub3A_1173 = arith.constant 1.000000e+00 : f32
        %sub3A_1174 = vector.broadcast %sub3A_1173 : f32 to vector<16xf32>
        %sub3A_1175 = arith.subf %sub3A_1174, %get3A_1172 : vector<16xf32>
        %add3A_1176 = arith.addf %get3A_1172, %get3A_1133 : vector<16xf32>
        %add3A_1177 = arith.addf %sub3A_1175, %get3A_1137 : vector<16xf32>
        %min3A_1178 = arith.minimumf %add3A_1176, %add3A_1177 : vector<16xf32>
        %min3A_1179 = arith.minimumf %min3A_1023, %min3A_1178 : vector<16xf32>
        %add3A_1180 = arith.addf %get3A_1172, %get3A_1143 : vector<16xf32>
        %add3A_1181 = arith.addf %sub3A_1175, %get3A_1149 : vector<16xf32>
        %max3A_1182 = arith.maximumf %add3A_1180, %add3A_1181 : vector<16xf32>
        %max3A_1183 = arith.maximumf %max3A_1027, %max3A_1182 : vector<16xf32>
        %add3A_1184 = arith.constant 16 : i32
        %add3A_1185 = arith.addi %add3A_1184, %scan3A_180 : i32
        %get3A_1186 = arith.index_cast %add3A_1185 : i32 to index
        %get3A_1187 = arith.constant 96 : index
        %get3A_1188 = tpu.vector_load %arg7[%get3A_1186, %get3A_1187] {strides = array<i32>} : memref<64x128xf32, #tpu.memory_space<vmem>>, vector<1x16xf32>,
        %get3A_1189 = vector.shape_cast %get3A_1188 : vector<1x16xf32> to vector<16xf32>
        %sub3A_1190 = arith.constant 1.000000e+00 : f32
        %sub3A_1191 = vector.broadcast %sub3A_1190 : f32 to vector<16xf32>
        %sub3A_1192 = arith.subf %sub3A_1191, %get3A_1189 : vector<16xf32>
        %add3A_1193 = arith.addf %get3A_1189, %get3A_1133 : vector<16xf32>
        %add3A_1194 = arith.addf %sub3A_1192, %get3A_1137 : vector<16xf32>
        %min3A_1195 = arith.minimumf %add3A_1193, %add3A_1194 : vector<16xf32>
        %min3A_1196 = arith.minimumf %min3A_1040, %min3A_1195 : vector<16xf32>
        %add3A_1197 = arith.addf %get3A_1189, %get3A_1143 : vector<16xf32>
        %add3A_1198 = arith.addf %sub3A_1192, %get3A_1149 : vector<16xf32>
        %max3A_1199 = arith.maximumf %add3A_1197, %add3A_1198 : vector<16xf32>
        %max3A_1200 = arith.maximumf %max3A_1044, %max3A_1199 : vector<16xf32>
        %add3A_1201 = arith.constant 24 : i32
        %add3A_1202 = arith.addi %add3A_1201, %scan3A_180 : i32
        %get3A_1203 = arith.index_cast %add3A_1202 : i32 to index
        %get3A_1204 = arith.constant 96 : index
        %get3A_1205 = tpu.vector_load %arg7[%get3A_1203, %get3A_1204] {strides = array<i32>} : memref<64x128xf32, #tpu.memory_space<vmem>>, vector<1x16xf32>,
        %get3A_1206 = vector.shape_cast %get3A_1205 : vector<1x16xf32> to vector<16xf32>
        %sub3A_1207 = arith.constant 1.000000e+00 : f32
        %sub3A_1208 = vector.broadcast %sub3A_1207 : f32 to vector<16xf32>
        %sub3A_1209 = arith.subf %sub3A_1208, %get3A_1206 : vector<16xf32>
        %add3A_1210 = arith.addf %get3A_1206, %get3A_1133 : vector<16xf32>
        %add3A_1211 = arith.addf %sub3A_1209, %get3A_1137 : vector<16xf32>
        %min3A_1212 = arith.minimumf %add3A_1210, %add3A_1211 : vector<16xf32>
        %min3A_1213 = arith.minimumf %min3A_1057, %min3A_1212 : vector<16xf32>
        %add3A_1214 = arith.addf %get3A_1206, %get3A_1143 : vector<16xf32>
        %add3A_1215 = arith.addf %sub3A_1209, %get3A_1149 : vector<16xf32>
        %max3A_1216 = arith.maximumf %add3A_1214, %add3A_1215 : vector<16xf32>
        %max3A_1217 = arith.maximumf %max3A_1061, %max3A_1216 : vector<16xf32>
        %add3A_1218 = arith.constant 32 : i32
        %add3A_1219 = arith.addi %add3A_1218, %scan3A_180 : i32
        %get3A_1220 = arith.index_cast %add3A_1219 : i32 to index
        %get3A_1221 = arith.constant 96 : index
        %get3A_1222 = tpu.vector_load %arg7[%get3A_1220, %get3A_1221] {strides = array<i32>} : memref<64x128xf32, #tpu.memory_space<vmem>>, vector<1x16xf32>,
        %get3A_1223 = vector.shape_cast %get3A_1222 : vector<1x16xf32> to vector<16xf32>
        %sub3A_1224 = arith.constant 1.000000e+00 : f32
        %sub3A_1225 = vector.broadcast %sub3A_1224 : f32 to vector<16xf32>
        %sub3A_1226 = arith.subf %sub3A_1225, %get3A_1223 : vector<16xf32>
        %add3A_1227 = arith.addf %get3A_1223, %get3A_1133 : vector<16xf32>
        %add3A_1228 = arith.addf %sub3A_1226, %get3A_1137 : vector<16xf32>
        %min3A_1229 = arith.minimumf %add3A_1227, %add3A_1228 : vector<16xf32>
        %min3A_1230 = arith.minimumf %min3A_1074, %min3A_1229 : vector<16xf32>
        %add3A_1231 = arith.addf %get3A_1223, %get3A_1143 : vector<16xf32>
        %add3A_1232 = arith.addf %sub3A_1226, %get3A_1149 : vector<16xf32>
        %max3A_1233 = arith.maximumf %add3A_1231, %add3A_1232 : vector<16xf32>
        %max3A_1234 = arith.maximumf %max3A_1078, %max3A_1233 : vector<16xf32>
        %add3A_1235 = arith.constant 40 : i32
        %add3A_1236 = arith.addi %add3A_1235, %scan3A_180 : i32
        %get3A_1237 = arith.index_cast %add3A_1236 : i32 to index
        %get3A_1238 = arith.constant 96 : index
        %get3A_1239 = tpu.vector_load %arg7[%get3A_1237, %get3A_1238] {strides = array<i32>} : memref<64x128xf32, #tpu.memory_space<vmem>>, vector<1x16xf32>,
        %get3A_1240 = vector.shape_cast %get3A_1239 : vector<1x16xf32> to vector<16xf32>
        %sub3A_1241 = arith.constant 1.000000e+00 : f32
        %sub3A_1242 = vector.broadcast %sub3A_1241 : f32 to vector<16xf32>
        %sub3A_1243 = arith.subf %sub3A_1242, %get3A_1240 : vector<16xf32>
        %add3A_1244 = arith.addf %get3A_1240, %get3A_1133 : vector<16xf32>
        %add3A_1245 = arith.addf %sub3A_1243, %get3A_1137 : vector<16xf32>
        %min3A_1246 = arith.minimumf %add3A_1244, %add3A_1245 : vector<16xf32>
        %min3A_1247 = arith.minimumf %min3A_1091, %min3A_1246 : vector<16xf32>
        %add3A_1248 = arith.addf %get3A_1240, %get3A_1143 : vector<16xf32>
        %add3A_1249 = arith.addf %sub3A_1243, %get3A_1149 : vector<16xf32>
        %max3A_1250 = arith.maximumf %add3A_1248, %add3A_1249 : vector<16xf32>
        %max3A_1251 = arith.maximumf %max3A_1095, %max3A_1250 : vector<16xf32>
        %add3A_1252 = arith.constant 48 : i32
        %add3A_1253 = arith.addi %add3A_1252, %scan3A_180 : i32
        %get3A_1254 = arith.index_cast %add3A_1253 : i32 to index
        %get3A_1255 = arith.constant 96 : index
        %get3A_1256 = tpu.vector_load %arg7[%get3A_1254, %get3A_1255] {strides = array<i32>} : memref<64x128xf32, #tpu.memory_space<vmem>>, vector<1x16xf32>,
        %get3A_1257 = vector.shape_cast %get3A_1256 : vector<1x16xf32> to vector<16xf32>
        %sub3A_1258 = arith.constant 1.000000e+00 : f32
        %sub3A_1259 = vector.broadcast %sub3A_1258 : f32 to vector<16xf32>
        %sub3A_1260 = arith.subf %sub3A_1259, %get3A_1257 : vector<16xf32>
        %add3A_1261 = arith.addf %get3A_1257, %get3A_1133 : vector<16xf32>
        %add3A_1262 = arith.addf %sub3A_1260, %get3A_1137 : vector<16xf32>
        %min3A_1263 = arith.minimumf %add3A_1261, %add3A_1262 : vector<16xf32>
        %min3A_1264 = arith.minimumf %min3A_1108, %min3A_1263 : vector<16xf32>
        %add3A_1265 = arith.addf %get3A_1257, %get3A_1143 : vector<16xf32>
        %add3A_1266 = arith.addf %sub3A_1260, %get3A_1149 : vector<16xf32>
        %max3A_1267 = arith.maximumf %add3A_1265, %add3A_1266 : vector<16xf32>
        %max3A_1268 = arith.maximumf %max3A_1112, %max3A_1267 : vector<16xf32>
        %add3A_1269 = arith.constant 56 : i32
        %add3A_1270 = arith.addi %add3A_1269, %scan3A_180 : i32
        %get3A_1271 = arith.index_cast %add3A_1270 : i32 to index
        %get3A_1272 = arith.constant 96 : index
        %get3A_1273 = tpu.vector_load %arg7[%get3A_1271, %get3A_1272] {strides = array<i32>} : memref<64x128xf32, #tpu.memory_space<vmem>>, vector<1x16xf32>,
        %get3A_1274 = vector.shape_cast %get3A_1273 : vector<1x16xf32> to vector<16xf32>
        %sub3A_1275 = arith.constant 1.000000e+00 : f32
        %sub3A_1276 = vector.broadcast %sub3A_1275 : f32 to vector<16xf32>
        %sub3A_1277 = arith.subf %sub3A_1276, %get3A_1274 : vector<16xf32>
        %add3A_1278 = arith.addf %get3A_1274, %get3A_1133 : vector<16xf32>
        %add3A_1279 = arith.addf %sub3A_1277, %get3A_1137 : vector<16xf32>
        %min3A_1280 = arith.minimumf %add3A_1278, %add3A_1279 : vector<16xf32>
        %min3A_1281 = arith.minimumf %min3A_1125, %min3A_1280 : vector<16xf32>
        %add3A_1282 = arith.addf %get3A_1274, %get3A_1143 : vector<16xf32>
        %add3A_1283 = arith.addf %sub3A_1277, %get3A_1149 : vector<16xf32>
        %max3A_1284 = arith.maximumf %add3A_1282, %add3A_1283 : vector<16xf32>
        %max3A_1285 = arith.maximumf %max3A_1129, %max3A_1284 : vector<16xf32>
        %get3A_1286 = arith.index_cast %scan3A_180 : i32 to index
        %get3A_1287 = arith.constant 112 : index
        %get3A_1288 = tpu.vector_load %arg8[%get3A_1286, %get3A_1287] {strides = array<i32>} : memref<16x128xf32, #tpu.memory_space<vmem>>, vector<1x16xf32>,
        %get3A_1289 = vector.shape_cast %get3A_1288 : vector<1x16xf32> to vector<16xf32>
        %get3A_1290 = arith.index_cast %scan3A_180 : i32 to index
        %get3A_1291 = arith.constant 112 : index
        %get3A_1292 = tpu.vector_load %arg9[%get3A_1290, %get3A_1291] {strides = array<i32>} : memref<16x128xf32, #tpu.memory_space<vmem>>, vector<1x16xf32>,
        %get3A_1293 = vector.shape_cast %get3A_1292 : vector<1x16xf32> to vector<16xf32>
        %add3A_1294 = arith.constant 8 : i32
        %add3A_1295 = arith.addi %add3A_1294, %scan3A_180 : i32
        %get3A_1296 = arith.index_cast %add3A_1295 : i32 to index
        %get3A_1297 = arith.constant 112 : index
        %get3A_1298 = tpu.vector_load %arg8[%get3A_1296, %get3A_1297] {strides = array<i32>} : memref<16x128xf32, #tpu.memory_space<vmem>>, vector<1x16xf32>,
        %get3A_1299 = vector.shape_cast %get3A_1298 : vector<1x16xf32> to vector<16xf32>
        %add3A_1300 = arith.constant 8 : i32
        %add3A_1301 = arith.addi %add3A_1300, %scan3A_180 : i32
        %get3A_1302 = arith.index_cast %add3A_1301 : i32 to index
        %get3A_1303 = arith.constant 112 : index
        %get3A_1304 = tpu.vector_load %arg9[%get3A_1302, %get3A_1303] {strides = array<i32>} : memref<16x128xf32, #tpu.memory_space<vmem>>, vector<1x16xf32>,
        %get3A_1305 = vector.shape_cast %get3A_1304 : vector<1x16xf32> to vector<16xf32>
        %add3A_1306 = arith.constant 0 : i32
        %add3A_1307 = arith.addi %add3A_1306, %scan3A_180 : i32
        %get3A_1308 = arith.index_cast %add3A_1307 : i32 to index
        %get3A_1309 = arith.constant 112 : index
        %get3A_1310 = tpu.vector_load %arg7[%get3A_1308, %get3A_1309] {strides = array<i32>} : memref<64x128xf32, #tpu.memory_space<vmem>>, vector<1x16xf32>,
        %get3A_1311 = vector.shape_cast %get3A_1310 : vector<1x16xf32> to vector<16xf32>
        %sub3A_1312 = arith.constant 1.000000e+00 : f32
        %sub3A_1313 = vector.broadcast %sub3A_1312 : f32 to vector<16xf32>
        %sub3A_1314 = arith.subf %sub3A_1313, %get3A_1311 : vector<16xf32>
        %add3A_1315 = arith.addf %get3A_1311, %get3A_1289 : vector<16xf32>
        %add3A_1316 = arith.addf %sub3A_1314, %get3A_1293 : vector<16xf32>
        %min3A_1317 = arith.minimumf %add3A_1315, %add3A_1316 : vector<16xf32>
        %min3A_1318 = arith.minimumf %min3A_1162, %min3A_1317 : vector<16xf32>
        %add3A_1319 = arith.addf %get3A_1311, %get3A_1299 : vector<16xf32>
        %add3A_1320 = arith.addf %sub3A_1314, %get3A_1305 : vector<16xf32>
        %max3A_1321 = arith.maximumf %add3A_1319, %add3A_1320 : vector<16xf32>
        %max3A_1322 = arith.maximumf %max3A_1166, %max3A_1321 : vector<16xf32>
        %add3A_1323 = arith.constant 8 : i32
        %add3A_1324 = arith.addi %add3A_1323, %scan3A_180 : i32
        %get3A_1325 = arith.index_cast %add3A_1324 : i32 to index
        %get3A_1326 = arith.constant 112 : index
        %get3A_1327 = tpu.vector_load %arg7[%get3A_1325, %get3A_1326] {strides = array<i32>} : memref<64x128xf32, #tpu.memory_space<vmem>>, vector<1x16xf32>,
        %get3A_1328 = vector.shape_cast %get3A_1327 : vector<1x16xf32> to vector<16xf32>
        %sub3A_1329 = arith.constant 1.000000e+00 : f32
        %sub3A_1330 = vector.broadcast %sub3A_1329 : f32 to vector<16xf32>
        %sub3A_1331 = arith.subf %sub3A_1330, %get3A_1328 : vector<16xf32>
        %add3A_1332 = arith.addf %get3A_1328, %get3A_1289 : vector<16xf32>
        %add3A_1333 = arith.addf %sub3A_1331, %get3A_1293 : vector<16xf32>
        %min3A_1334 = arith.minimumf %add3A_1332, %add3A_1333 : vector<16xf32>
        %min3A_1335 = arith.minimumf %min3A_1179, %min3A_1334 : vector<16xf32>
        %add3A_1336 = arith.addf %get3A_1328, %get3A_1299 : vector<16xf32>
        %add3A_1337 = arith.addf %sub3A_1331, %get3A_1305 : vector<16xf32>
        %max3A_1338 = arith.maximumf %add3A_1336, %add3A_1337 : vector<16xf32>
        %max3A_1339 = arith.maximumf %max3A_1183, %max3A_1338 : vector<16xf32>
        %add3A_1340 = arith.constant 16 : i32
        %add3A_1341 = arith.addi %add3A_1340, %scan3A_180 : i32
        %get3A_1342 = arith.index_cast %add3A_1341 : i32 to index
        %get3A_1343 = arith.constant 112 : index
        %get3A_1344 = tpu.vector_load %arg7[%get3A_1342, %get3A_1343] {strides = array<i32>} : memref<64x128xf32, #tpu.memory_space<vmem>>, vector<1x16xf32>,
        %get3A_1345 = vector.shape_cast %get3A_1344 : vector<1x16xf32> to vector<16xf32>
        %sub3A_1346 = arith.constant 1.000000e+00 : f32
        %sub3A_1347 = vector.broadcast %sub3A_1346 : f32 to vector<16xf32>
        %sub3A_1348 = arith.subf %sub3A_1347, %get3A_1345 : vector<16xf32>
        %add3A_1349 = arith.addf %get3A_1345, %get3A_1289 : vector<16xf32>
        %add3A_1350 = arith.addf %sub3A_1348, %get3A_1293 : vector<16xf32>
        %min3A_1351 = arith.minimumf %add3A_1349, %add3A_1350 : vector<16xf32>
        %min3A_1352 = arith.minimumf %min3A_1196, %min3A_1351 : vector<16xf32>
        %add3A_1353 = arith.addf %get3A_1345, %get3A_1299 : vector<16xf32>
        %add3A_1354 = arith.addf %sub3A_1348, %get3A_1305 : vector<16xf32>
        %max3A_1355 = arith.maximumf %add3A_1353, %add3A_1354 : vector<16xf32>
        %max3A_1356 = arith.maximumf %max3A_1200, %max3A_1355 : vector<16xf32>
        %add3A_1357 = arith.constant 24 : i32
        %add3A_1358 = arith.addi %add3A_1357, %scan3A_180 : i32
        %get3A_1359 = arith.index_cast %add3A_1358 : i32 to index
        %get3A_1360 = arith.constant 112 : index
        %get3A_1361 = tpu.vector_load %arg7[%get3A_1359, %get3A_1360] {strides = array<i32>} : memref<64x128xf32, #tpu.memory_space<vmem>>, vector<1x16xf32>,
        %get3A_1362 = vector.shape_cast %get3A_1361 : vector<1x16xf32> to vector<16xf32>
        %sub3A_1363 = arith.constant 1.000000e+00 : f32
        %sub3A_1364 = vector.broadcast %sub3A_1363 : f32 to vector<16xf32>
        %sub3A_1365 = arith.subf %sub3A_1364, %get3A_1362 : vector<16xf32>
        %add3A_1366 = arith.addf %get3A_1362, %get3A_1289 : vector<16xf32>
        %add3A_1367 = arith.addf %sub3A_1365, %get3A_1293 : vector<16xf32>
        %min3A_1368 = arith.minimumf %add3A_1366, %add3A_1367 : vector<16xf32>
        %min3A_1369 = arith.minimumf %min3A_1213, %min3A_1368 : vector<16xf32>
        %add3A_1370 = arith.addf %get3A_1362, %get3A_1299 : vector<16xf32>
        %add3A_1371 = arith.addf %sub3A_1365, %get3A_1305 : vector<16xf32>
        %max3A_1372 = arith.maximumf %add3A_1370, %add3A_1371 : vector<16xf32>
        %max3A_1373 = arith.maximumf %max3A_1217, %max3A_1372 : vector<16xf32>
        %add3A_1374 = arith.constant 32 : i32
        %add3A_1375 = arith.addi %add3A_1374, %scan3A_180 : i32
        %get3A_1376 = arith.index_cast %add3A_1375 : i32 to index
        %get3A_1377 = arith.constant 112 : index
        %get3A_1378 = tpu.vector_load %arg7[%get3A_1376, %get3A_1377] {strides = array<i32>} : memref<64x128xf32, #tpu.memory_space<vmem>>, vector<1x16xf32>,
        %get3A_1379 = vector.shape_cast %get3A_1378 : vector<1x16xf32> to vector<16xf32>
        %sub3A_1380 = arith.constant 1.000000e+00 : f32
        %sub3A_1381 = vector.broadcast %sub3A_1380 : f32 to vector<16xf32>
        %sub3A_1382 = arith.subf %sub3A_1381, %get3A_1379 : vector<16xf32>
        %add3A_1383 = arith.addf %get3A_1379, %get3A_1289 : vector<16xf32>
        %add3A_1384 = arith.addf %sub3A_1382, %get3A_1293 : vector<16xf32>
        %min3A_1385 = arith.minimumf %add3A_1383, %add3A_1384 : vector<16xf32>
        %min3A_1386 = arith.minimumf %min3A_1230, %min3A_1385 : vector<16xf32>
        %add3A_1387 = arith.addf %get3A_1379, %get3A_1299 : vector<16xf32>
        %add3A_1388 = arith.addf %sub3A_1382, %get3A_1305 : vector<16xf32>
        %max3A_1389 = arith.maximumf %add3A_1387, %add3A_1388 : vector<16xf32>
        %max3A_1390 = arith.maximumf %max3A_1234, %max3A_1389 : vector<16xf32>
        %add3A_1391 = arith.constant 40 : i32
        %add3A_1392 = arith.addi %add3A_1391, %scan3A_180 : i32
        %get3A_1393 = arith.index_cast %add3A_1392 : i32 to index
        %get3A_1394 = arith.constant 112 : index
        %get3A_1395 = tpu.vector_load %arg7[%get3A_1393, %get3A_1394] {strides = array<i32>} : memref<64x128xf32, #tpu.memory_space<vmem>>, vector<1x16xf32>,
        %get3A_1396 = vector.shape_cast %get3A_1395 : vector<1x16xf32> to vector<16xf32>
        %sub3A_1397 = arith.constant 1.000000e+00 : f32
        %sub3A_1398 = vector.broadcast %sub3A_1397 : f32 to vector<16xf32>
        %sub3A_1399 = arith.subf %sub3A_1398, %get3A_1396 : vector<16xf32>
        %add3A_1400 = arith.addf %get3A_1396, %get3A_1289 : vector<16xf32>
        %add3A_1401 = arith.addf %sub3A_1399, %get3A_1293 : vector<16xf32>
        %min3A_1402 = arith.minimumf %add3A_1400, %add3A_1401 : vector<16xf32>
        %min3A_1403 = arith.minimumf %min3A_1247, %min3A_1402 : vector<16xf32>
        %add3A_1404 = arith.addf %get3A_1396, %get3A_1299 : vector<16xf32>
        %add3A_1405 = arith.addf %sub3A_1399, %get3A_1305 : vector<16xf32>
        %max3A_1406 = arith.maximumf %add3A_1404, %add3A_1405 : vector<16xf32>
        %max3A_1407 = arith.maximumf %max3A_1251, %max3A_1406 : vector<16xf32>
        %add3A_1408 = arith.constant 48 : i32
        %add3A_1409 = arith.addi %add3A_1408, %scan3A_180 : i32
        %get3A_1410 = arith.index_cast %add3A_1409 : i32 to index
        %get3A_1411 = arith.constant 112 : index
        %get3A_1412 = tpu.vector_load %arg7[%get3A_1410, %get3A_1411] {strides = array<i32>} : memref<64x128xf32, #tpu.memory_space<vmem>>, vector<1x16xf32>,
        %get3A_1413 = vector.shape_cast %get3A_1412 : vector<1x16xf32> to vector<16xf32>
        %sub3A_1414 = arith.constant 1.000000e+00 : f32
        %sub3A_1415 = vector.broadcast %sub3A_1414 : f32 to vector<16xf32>
        %sub3A_1416 = arith.subf %sub3A_1415, %get3A_1413 : vector<16xf32>
        %add3A_1417 = arith.addf %get3A_1413, %get3A_1289 : vector<16xf32>
        %add3A_1418 = arith.addf %sub3A_1416, %get3A_1293 : vector<16xf32>
        %min3A_1419 = arith.minimumf %add3A_1417, %add3A_1418 : vector<16xf32>
        %min3A_1420 = arith.minimumf %min3A_1264, %min3A_1419 : vector<16xf32>
        %add3A_1421 = arith.addf %get3A_1413, %get3A_1299 : vector<16xf32>
        %add3A_1422 = arith.addf %sub3A_1416, %get3A_1305 : vector<16xf32>
        %max3A_1423 = arith.maximumf %add3A_1421, %add3A_1422 : vector<16xf32>
        %max3A_1424 = arith.maximumf %max3A_1268, %max3A_1423 : vector<16xf32>
        %add3A_1425 = arith.constant 56 : i32
        %add3A_1426 = arith.addi %add3A_1425, %scan3A_180 : i32
        %get3A_1427 = arith.index_cast %add3A_1426 : i32 to index
        %get3A_1428 = arith.constant 112 : index
        %get3A_1429 = tpu.vector_load %arg7[%get3A_1427, %get3A_1428] {strides = array<i32>} : memref<64x128xf32, #tpu.memory_space<vmem>>, vector<1x16xf32>,
        %get3A_1430 = vector.shape_cast %get3A_1429 : vector<1x16xf32> to vector<16xf32>
        %sub3A_1431 = arith.constant 1.000000e+00 : f32
        %sub3A_1432 = vector.broadcast %sub3A_1431 : f32 to vector<16xf32>
        %sub3A_1433 = arith.subf %sub3A_1432, %get3A_1430 : vector<16xf32>
        %add3A_1434 = arith.addf %get3A_1430, %get3A_1289 : vector<16xf32>
        %add3A_1435 = arith.addf %sub3A_1433, %get3A_1293 : vector<16xf32>
        %min3A_1436 = arith.minimumf %add3A_1434, %add3A_1435 : vector<16xf32>
        %min3A_1437 = arith.minimumf %min3A_1281, %min3A_1436 : vector<16xf32>
        %add3A_1438 = arith.addf %get3A_1430, %get3A_1299 : vector<16xf32>
        %add3A_1439 = arith.addf %sub3A_1433, %get3A_1305 : vector<16xf32>
        %max3A_1440 = arith.maximumf %add3A_1438, %add3A_1439 : vector<16xf32>
        %max3A_1441 = arith.maximumf %max3A_1285, %max3A_1440 : vector<16xf32>
        scf.yield %min3A_1318, %min3A_1335, %min3A_1352, %min3A_1369, %min3A_1386, %min3A_1403, %min3A_1420, %min3A_1437, %max3A_1322, %max3A_1339, %max3A_1356, %max3A_1373, %max3A_1390, %max3A_1407, %max3A_1424, %max3A_1441 : vector<16xf32>, vector<16xf32>, vector<16xf32>, vector<16xf32>, vector<16xf32>, vector<16xf32>, vector<16xf32>, vector<16xf32>, vector<16xf32>, vector<16xf32>, vector<16xf32>, vector<16xf32>, vector<16xf32>, vector<16xf32>, vector<16xf32>, vector<16xf32>
      }
      %scan3A_35 = arith.constant 8 : i32
      %mul3A_36 = arith.constant 8 : i32
      %mul3A_37 = arith.muli %scan3A_24, %mul3A_36 : i32
      %add3A_38 = arith.constant 0 : i32
      %add3A_39 = arith.addi %mul3A_37, %add3A_38 : i32
      %swap3A = arith.index_cast %add3A_39 : i32 to index
      %swap3A_40 = arith.constant 0 : index
      %swap3A_41 = tpu.vector_load %arg11[%swap3A, %swap3A_40] {strides = array<i32>} : memref<128x32xf32, #tpu.memory_space<vmem>>, vector<1x16xf32>,
      %swap3A_42 = vector.shape_cast %swap3A_41 : vector<1x16xf32> to vector<16xf32>
      %swap3A_43 = vector.shape_cast %scan3A_34#0 : vector<16xf32> to vector<1x16xf32>
      tpu.vector_store %arg11[%swap3A, %swap3A_40], %swap3A_43 {strides = array<i32>} : memref<128x32xf32, #tpu.memory_space<vmem>>, vector<1x16xf32>,
      %mul3A_44 = arith.constant 8 : i32
      %mul3A_45 = arith.muli %scan3A_24, %mul3A_44 : i32
      %add3A_46 = arith.constant 0 : i32
      %add3A_47 = arith.addi %mul3A_45, %add3A_46 : i32
      %swap3A_48 = arith.index_cast %add3A_47 : i32 to index
      %swap3A_49 = arith.constant 16 : index
      %swap3A_50 = tpu.vector_load %arg11[%swap3A_48, %swap3A_49] {strides = array<i32>} : memref<128x32xf32, #tpu.memory_space<vmem>>, vector<1x16xf32>,
      %swap3A_51 = vector.shape_cast %swap3A_50 : vector<1x16xf32> to vector<16xf32>
      %swap3A_52 = vector.shape_cast %scan3A_34#8 : vector<16xf32> to vector<1x16xf32>
      tpu.vector_store %arg11[%swap3A_48, %swap3A_49], %swap3A_52 {strides = array<i32>} : memref<128x32xf32, #tpu.memory_space<vmem>>, vector<1x16xf32>,
      %mul3A_53 = arith.constant 8 : i32
      %mul3A_54 = arith.muli %scan3A_24, %mul3A_53 : i32
      %add3A_55 = arith.constant 1 : i32
      %add3A_56 = arith.addi %mul3A_54, %add3A_55 : i32
      %swap3A_57 = arith.index_cast %add3A_56 : i32 to index
      %swap3A_58 = arith.constant 0 : index
      %swap3A_59 = tpu.vector_load %arg11[%swap3A_57, %swap3A_58] {strides = array<i32>} : memref<128x32xf32, #tpu.memory_space<vmem>>, vector<1x16xf32>,
      %swap3A_60 = vector.shape_cast %swap3A_59 : vector<1x16xf32> to vector<16xf32>
      %swap3A_61 = vector.shape_cast %scan3A_34#1 : vector<16xf32> to vector<1x16xf32>
      tpu.vector_store %arg11[%swap3A_57, %swap3A_58], %swap3A_61 {strides = array<i32>} : memref<128x32xf32, #tpu.memory_space<vmem>>, vector<1x16xf32>,
      %mul3A_62 = arith.constant 8 : i32
      %mul3A_63 = arith.muli %scan3A_24, %mul3A_62 : i32
      %add3A_64 = arith.constant 1 : i32
      %add3A_65 = arith.addi %mul3A_63, %add3A_64 : i32
      %swap3A_66 = arith.index_cast %add3A_65 : i32 to index
      %swap3A_67 = arith.constant 16 : index
      %swap3A_68 = tpu.vector_load %arg11[%swap3A_66, %swap3A_67] {strides = array<i32>} : memref<128x32xf32, #tpu.memory_space<vmem>>, vector<1x16xf32>,
      %swap3A_69 = vector.shape_cast %swap3A_68 : vector<1x16xf32> to vector<16xf32>
      %swap3A_70 = vector.shape_cast %scan3A_34#9 : vector<16xf32> to vector<1x16xf32>
      tpu.vector_store %arg11[%swap3A_66, %swap3A_67], %swap3A_70 {strides = array<i32>} : memref<128x32xf32, #tpu.memory_space<vmem>>, vector<1x16xf32>,
      %mul3A_71 = arith.constant 8 : i32
      %mul3A_72 = arith.muli %scan3A_24, %mul3A_71 : i32
      %add3A_73 = arith.constant 2 : i32
      %add3A_74 = arith.addi %mul3A_72, %add3A_73 : i32
      %swap3A_75 = arith.index_cast %add3A_74 : i32 to index
      %swap3A_76 = arith.constant 0 : index
      %swap3A_77 = tpu.vector_load %arg11[%swap3A_75, %swap3A_76] {strides = array<i32>} : memref<128x32xf32, #tpu.memory_space<vmem>>, vector<1x16xf32>,
      %swap3A_78 = vector.shape_cast %swap3A_77 : vector<1x16xf32> to vector<16xf32>
      %swap3A_79 = vector.shape_cast %scan3A_34#2 : vector<16xf32> to vector<1x16xf32>
      tpu.vector_store %arg11[%swap3A_75, %swap3A_76], %swap3A_79 {strides = array<i32>} : memref<128x32xf32, #tpu.memory_space<vmem>>, vector<1x16xf32>,
      %mul3A_80 = arith.constant 8 : i32
      %mul3A_81 = arith.muli %scan3A_24, %mul3A_80 : i32
      %add3A_82 = arith.constant 2 : i32
      %add3A_83 = arith.addi %mul3A_81, %add3A_82 : i32
      %swap3A_84 = arith.index_cast %add3A_83 : i32 to index
      %swap3A_85 = arith.constant 16 : index
      %swap3A_86 = tpu.vector_load %arg11[%swap3A_84, %swap3A_85] {strides = array<i32>} : memref<128x32xf32, #tpu.memory_space<vmem>>, vector<1x16xf32>,
      %swap3A_87 = vector.shape_cast %swap3A_86 : vector<1x16xf32> to vector<16xf32>
      %swap3A_88 = vector.shape_cast %scan3A_34#10 : vector<16xf32> to vector<1x16xf32>
      tpu.vector_store %arg11[%swap3A_84, %swap3A_85], %swap3A_88 {strides = array<i32>} : memref<128x32xf32, #tpu.memory_space<vmem>>, vector<1x16xf32>,
      %mul3A_89 = arith.constant 8 : i32
      %mul3A_90 = arith.muli %scan3A_24, %mul3A_89 : i32
      %add3A_91 = arith.constant 3 : i32
      %add3A_92 = arith.addi %mul3A_90, %add3A_91 : i32
      %swap3A_93 = arith.index_cast %add3A_92 : i32 to index
      %swap3A_94 = arith.constant 0 : index
      %swap3A_95 = tpu.vector_load %arg11[%swap3A_93, %swap3A_94] {strides = array<i32>} : memref<128x32xf32, #tpu.memory_space<vmem>>, vector<1x16xf32>,
      %swap3A_96 = vector.shape_cast %swap3A_95 : vector<1x16xf32> to vector<16xf32>
      %swap3A_97 = vector.shape_cast %scan3A_34#3 : vector<16xf32> to vector<1x16xf32>
      tpu.vector_store %arg11[%swap3A_93, %swap3A_94], %swap3A_97 {strides = array<i32>} : memref<128x32xf32, #tpu.memory_space<vmem>>, vector<1x16xf32>,
      %mul3A_98 = arith.constant 8 : i32
      %mul3A_99 = arith.muli %scan3A_24, %mul3A_98 : i32
      %add3A_100 = arith.constant 3 : i32
      %add3A_101 = arith.addi %mul3A_99, %add3A_100 : i32
      %swap3A_102 = arith.index_cast %add3A_101 : i32 to index
      %swap3A_103 = arith.constant 16 : index
      %swap3A_104 = tpu.vector_load %arg11[%swap3A_102, %swap3A_103] {strides = array<i32>} : memref<128x32xf32, #tpu.memory_space<vmem>>, vector<1x16xf32>,
      %swap3A_105 = vector.shape_cast %swap3A_104 : vector<1x16xf32> to vector<16xf32>
      %swap3A_106 = vector.shape_cast %scan3A_34#11 : vector<16xf32> to vector<1x16xf32>
      tpu.vector_store %arg11[%swap3A_102, %swap3A_103], %swap3A_106 {strides = array<i32>} : memref<128x32xf32, #tpu.memory_space<vmem>>, vector<1x16xf32>,
      %mul3A_107 = arith.constant 8 : i32
      %mul3A_108 = arith.muli %scan3A_24, %mul3A_107 : i32
      %add3A_109 = arith.constant 4 : i32
      %add3A_110 = arith.addi %mul3A_108, %add3A_109 : i32
      %swap3A_111 = arith.index_cast %add3A_110 : i32 to index
      %swap3A_112 = arith.constant 0 : index
      %swap3A_113 = tpu.vector_load %arg11[%swap3A_111, %swap3A_112] {strides = array<i32>} : memref<128x32xf32, #tpu.memory_space<vmem>>, vector<1x16xf32>,
      %swap3A_114 = vector.shape_cast %swap3A_113 : vector<1x16xf32> to vector<16xf32>
      %swap3A_115 = vector.shape_cast %scan3A_34#4 : vector<16xf32> to vector<1x16xf32>
      tpu.vector_store %arg11[%swap3A_111, %swap3A_112], %swap3A_115 {strides = array<i32>} : memref<128x32xf32, #tpu.memory_space<vmem>>, vector<1x16xf32>,
      %mul3A_116 = arith.constant 8 : i32
      %mul3A_117 = arith.muli %scan3A_24, %mul3A_116 : i32
      %add3A_118 = arith.constant 4 : i32
      %add3A_119 = arith.addi %mul3A_117, %add3A_118 : i32
      %swap3A_120 = arith.index_cast %add3A_119 : i32 to index
      %swap3A_121 = arith.constant 16 : index
      %swap3A_122 = tpu.vector_load %arg11[%swap3A_120, %swap3A_121] {strides = array<i32>} : memref<128x32xf32, #tpu.memory_space<vmem>>, vector<1x16xf32>,
      %swap3A_123 = vector.shape_cast %swap3A_122 : vector<1x16xf32> to vector<16xf32>
      %swap3A_124 = vector.shape_cast %scan3A_34#12 : vector<16xf32> to vector<1x16xf32>
      tpu.vector_store %arg11[%swap3A_120, %swap3A_121], %swap3A_124 {strides = array<i32>} : memref<128x32xf32, #tpu.memory_space<vmem>>, vector<1x16xf32>,
      %mul3A_125 = arith.constant 8 : i32
      %mul3A_126 = arith.muli %scan3A_24, %mul3A_125 : i32
      %add3A_127 = arith.constant 5 : i32
      %add3A_128 = arith.addi %mul3A_126, %add3A_127 : i32
      %swap3A_129 = arith.index_cast %add3A_128 : i32 to index
      %swap3A_130 = arith.constant 0 : index
      %swap3A_131 = tpu.vector_load %arg11[%swap3A_129, %swap3A_130] {strides = array<i32>} : memref<128x32xf32, #tpu.memory_space<vmem>>, vector<1x16xf32>,
      %swap3A_132 = vector.shape_cast %swap3A_131 : vector<1x16xf32> to vector<16xf32>
      %swap3A_133 = vector.shape_cast %scan3A_34#5 : vector<16xf32> to vector<1x16xf32>
      tpu.vector_store %arg11[%swap3A_129, %swap3A_130], %swap3A_133 {strides = array<i32>} : memref<128x32xf32, #tpu.memory_space<vmem>>, vector<1x16xf32>,
      %mul3A_134 = arith.constant 8 : i32
      %mul3A_135 = arith.muli %scan3A_24, %mul3A_134 : i32
      %add3A_136 = arith.constant 5 : i32
      %add3A_137 = arith.addi %mul3A_135, %add3A_136 : i32
      %swap3A_138 = arith.index_cast %add3A_137 : i32 to index
      %swap3A_139 = arith.constant 16 : index
      %swap3A_140 = tpu.vector_load %arg11[%swap3A_138, %swap3A_139] {strides = array<i32>} : memref<128x32xf32, #tpu.memory_space<vmem>>, vector<1x16xf32>,
      %swap3A_141 = vector.shape_cast %swap3A_140 : vector<1x16xf32> to vector<16xf32>
      %swap3A_142 = vector.shape_cast %scan3A_34#13 : vector<16xf32> to vector<1x16xf32>
      tpu.vector_store %arg11[%swap3A_138, %swap3A_139], %swap3A_142 {strides = array<i32>} : memref<128x32xf32, #tpu.memory_space<vmem>>, vector<1x16xf32>,
      %mul3A_143 = arith.constant 8 : i32
      %mul3A_144 = arith.muli %scan3A_24, %mul3A_143 : i32
      %add3A_145 = arith.constant 6 : i32
      %add3A_146 = arith.addi %mul3A_144, %add3A_145 : i32
      %swap3A_147 = arith.index_cast %add3A_146 : i32 to index
      %swap3A_148 = arith.constant 0 : index
      %swap3A_149 = tpu.vector_load %arg11[%swap3A_147, %swap3A_148] {strides = array<i32>} : memref<128x32xf32, #tpu.memory_space<vmem>>, vector<1x16xf32>,
      %swap3A_150 = vector.shape_cast %swap3A_149 : vector<1x16xf32> to vector<16xf32>
      %swap3A_151 = vector.shape_cast %scan3A_34#6 : vector<16xf32> to vector<1x16xf32>
      tpu.vector_store %arg11[%swap3A_147, %swap3A_148], %swap3A_151 {strides = array<i32>} : memref<128x32xf32, #tpu.memory_space<vmem>>, vector<1x16xf32>,
      %mul3A_152 = arith.constant 8 : i32
      %mul3A_153 = arith.muli %scan3A_24, %mul3A_152 : i32
      %add3A_154 = arith.constant 6 : i32
      %add3A_155 = arith.addi %mul3A_153, %add3A_154 : i32
      %swap3A_156 = arith.index_cast %add3A_155 : i32 to index
      %swap3A_157 = arith.constant 16 : index
      %swap3A_158 = tpu.vector_load %arg11[%swap3A_156, %swap3A_157] {strides = array<i32>} : memref<128x32xf32, #tpu.memory_space<vmem>>, vector<1x16xf32>,
      %swap3A_159 = vector.shape_cast %swap3A_158 : vector<1x16xf32> to vector<16xf32>
      %swap3A_160 = vector.shape_cast %scan3A_34#14 : vector<16xf32> to vector<1x16xf32>
      tpu.vector_store %arg11[%swap3A_156, %swap3A_157], %swap3A_160 {strides = array<i32>} : memref<128x32xf32, #tpu.memory_space<vmem>>, vector<1x16xf32>,
      %mul3A_161 = arith.constant 8 : i32
      %mul3A_162 = arith.muli %scan3A_24, %mul3A_161 : i32
      %add3A_163 = arith.constant 7 : i32
      %add3A_164 = arith.addi %mul3A_162, %add3A_163 : i32
      %swap3A_165 = arith.index_cast %add3A_164 : i32 to index
      %swap3A_166 = arith.constant 0 : index
      %swap3A_167 = tpu.vector_load %arg11[%swap3A_165, %swap3A_166] {strides = array<i32>} : memref<128x32xf32, #tpu.memory_space<vmem>>, vector<1x16xf32>,
      %swap3A_168 = vector.shape_cast %swap3A_167 : vector<1x16xf32> to vector<16xf32>
      %swap3A_169 = vector.shape_cast %scan3A_34#7 : vector<16xf32> to vector<1x16xf32>
      tpu.vector_store %arg11[%swap3A_165, %swap3A_166], %swap3A_169 {strides = array<i32>} : memref<128x32xf32, #tpu.memory_space<vmem>>, vector<1x16xf32>,
      %mul3A_170 = arith.constant 8 : i32
      %mul3A_171 = arith.muli %scan3A_24, %mul3A_170 : i32
      %add3A_172 = arith.constant 7 : i32
      %add3A_173 = arith.addi %mul3A_171, %add3A_172 : i32
      %swap3A_174 = arith.index_cast %add3A_173 : i32 to index
      %swap3A_175 = arith.constant 16 : index
      %swap3A_176 = tpu.vector_load %arg11[%swap3A_174, %swap3A_175] {strides = array<i32>} : memref<128x32xf32, #tpu.memory_space<vmem>>, vector<1x16xf32>,
      %swap3A_177 = vector.shape_cast %swap3A_176 : vector<1x16xf32> to vector<16xf32>
      %swap3A_178 = vector.shape_cast %scan3A_34#15 : vector<16xf32> to vector<1x16xf32>
      tpu.vector_store %arg11[%swap3A_174, %swap3A_175], %swap3A_178 {strides = array<i32>} : memref<128x32xf32, #tpu.memory_space<vmem>>, vector<1x16xf32>,
      %scan3A_179 = arith.constant 0 : i32
      scf.yield %scan3A_179 : i32
    }
    %scan3A_21 = arith.constant 16 : i32
    %mul3A_22 = arith.constant 128 : i32
    %mul3A_23 = arith.muli %add3A, %mul3A_22 : i32
    "tpu.region"() ({
      %run_scoped3A = tpu.sem_alloc : memref<!tpu.dma_semaphore, #tpu.memory_space<semaphore_mem>>
      %dma_start3A = arith.constant 0 : i32
      %dma_start3A_24 = tpu.memref_slice %arg6[%mul3A_23, %dma_start3A] : memref<4096x32xf32, #tpu.memory_space<hbm>> -> memref<128x32xf32, #tpu.memory_space<hbm>>
      %dma_start3A_25 = arith.constant 0 : i32
      %dma_start3A_26 = tpu.memref_slice %arg6[%mul3A_23, %dma_start3A_25] : memref<4096x32xf32, #tpu.memory_space<hbm>> -> memref<128x32xf32, #tpu.memory_space<hbm>>
      tpu.enqueue_dma source(%arg11 : memref<128x32xf32, #tpu.memory_space<vmem>>) target(%dma_start3A_26 : memref<128x32xf32, #tpu.memory_space<hbm>>) target_semaphore(%run_scoped3A : memref<!tpu.dma_semaphore, #tpu.memory_space<semaphore_mem>>)
      %dma_wait3A = arith.constant 0 : i32
      %dma_wait3A_27 = tpu.memref_slice %arg6[%mul3A_23, %dma_wait3A] : memref<4096x32xf32, #tpu.memory_space<hbm>> -> memref<128x32xf32, #tpu.memory_space<hbm>>
      %dma_wait3A_28 = arith.constant 0 : i32
      %dma_wait3A_29 = tpu.memref_slice %arg6[%mul3A_23, %dma_wait3A_28] : memref<4096x32xf32, #tpu.memory_space<hbm>> -> memref<128x32xf32, #tpu.memory_space<hbm>>
      tpu.wait_dma2 semaphore(%run_scoped3A : memref<!tpu.dma_semaphore, #tpu.memory_space<semaphore_mem>>) src(%arg11 : memref<128x32xf32, #tpu.memory_space<vmem>>) dst(%dma_wait3A_29 : memref<128x32xf32, #tpu.memory_space<hbm>>)
      tpu.yield
    }) : () -> ()
    return
  }
}

module attributes {stable_mosaic.version = 14 : i64} {
  func.func @_routing_body(%arg0: memref<3x64x1024xf32, #tpu.memory_space<vmem>>, %arg1: memref<3x64x1024xf32, #tpu.memory_space<vmem>>, %arg2: memref<64x1024xbf16, #tpu.memory_space<vmem>>, %arg3: memref<64x1024xbf16, #tpu.memory_space<vmem>>, %arg4: memref<64x1024xf32, #tpu.memory_space<vmem>>, %arg5: memref<64x1024xf32, #tpu.memory_space<vmem>>, %arg6: memref<1x64xf32, #tpu.memory_space<vmem>>, %arg7: memref<64x32xf32, #tpu.memory_space<vmem>>) attributes {dimension_semantics = [], scalar_prefetch = 0 : i64, scratch_operands = 0 : i64, tpu.core_type = #tpu.core_type<tc>} {
    %get3A = arith.constant 0 : index
    %get3A_0 = arith.constant 0 : index
    %get3A_1 = arith.constant 0 : index
    %get3A_2 = vector.load %arg0[%get3A, %get3A_0, %get3A_1] : memref<3x64x1024xf32, #tpu.memory_space<vmem>>, vector<1x64x1024xf32>
    %get3A_3 = vector.shape_cast %get3A_2 : vector<1x64x1024xf32> to vector<64x1024xf32>
    %get3A_4 = arith.constant 0 : index
    %get3A_5 = arith.constant 0 : index
    %get3A_6 = arith.constant 0 : index
    %get3A_7 = vector.load %arg1[%get3A_4, %get3A_5, %get3A_6] : memref<3x64x1024xf32, #tpu.memory_space<vmem>>, vector<1x64x1024xf32>
    %get3A_8 = vector.shape_cast %get3A_7 : vector<1x64x1024xf32> to vector<64x1024xf32>
    %add3A = arith.addf %get3A_3, %get3A_8 : vector<64x1024xf32>
    %get3A_9 = arith.constant 1 : index
    %get3A_10 = arith.constant 0 : index
    %get3A_11 = arith.constant 0 : index
    %get3A_12 = vector.load %arg0[%get3A_9, %get3A_10, %get3A_11] : memref<3x64x1024xf32, #tpu.memory_space<vmem>>, vector<1x64x1024xf32>
    %get3A_13 = vector.shape_cast %get3A_12 : vector<1x64x1024xf32> to vector<64x1024xf32>
    %get3A_14 = arith.constant 1 : index
    %get3A_15 = arith.constant 0 : index
    %get3A_16 = arith.constant 0 : index
    %get3A_17 = vector.load %arg1[%get3A_14, %get3A_15, %get3A_16] : memref<3x64x1024xf32, #tpu.memory_space<vmem>>, vector<1x64x1024xf32>
    %get3A_18 = vector.shape_cast %get3A_17 : vector<1x64x1024xf32> to vector<64x1024xf32>
    %add3A_19 = arith.addf %get3A_13, %get3A_18 : vector<64x1024xf32>
    %get3A_20 = arith.constant 2 : index
    %get3A_21 = arith.constant 0 : index
    %get3A_22 = arith.constant 0 : index
    %get3A_23 = vector.load %arg0[%get3A_20, %get3A_21, %get3A_22] : memref<3x64x1024xf32, #tpu.memory_space<vmem>>, vector<1x64x1024xf32>
    %get3A_24 = vector.shape_cast %get3A_23 : vector<1x64x1024xf32> to vector<64x1024xf32>
    %get3A_25 = arith.constant 2 : index
    %get3A_26 = arith.constant 0 : index
    %get3A_27 = arith.constant 0 : index
    %get3A_28 = vector.load %arg1[%get3A_25, %get3A_26, %get3A_27] : memref<3x64x1024xf32, #tpu.memory_space<vmem>>, vector<1x64x1024xf32>
    %get3A_29 = vector.shape_cast %get3A_28 : vector<1x64x1024xf32> to vector<64x1024xf32>
    %add3A_30 = arith.addf %get3A_24, %get3A_29 : vector<64x1024xf32>
    %ge3A = arith.cmpf oge, %add3A, %add3A_19 : vector<64x1024xf32>
    %ge3A_31 = arith.cmpf oge, %add3A, %add3A_30 : vector<64x1024xf32>
    %and3A = arith.andi %ge3A, %ge3A_31 : vector<64x1024xi1>
    %not3A = arith.constant dense<true> : vector<64x1024xi1>
    %not3A_32 = arith.xori %and3A, %not3A : vector<64x1024xi1>
    %ge3A_33 = arith.cmpf oge, %add3A_19, %add3A_30 : vector<64x1024xf32>
    %and3A_34 = arith.andi %not3A_32, %ge3A_33 : vector<64x1024xi1>
    %iota3A = tpu.iota {dimensions = array<i32: 0>} : vector<64x1024xi32>
    %jit3A = arith.constant 2 : i32
    %eq3A = arith.constant 0 : i32
    %eq3A_35 = arith.cmpi eq, %jit3A, %eq3A : i32
    %jit3A_36 = arith.constant 1 : i32
    %select_n3A = arith.select %eq3A_35, %jit3A_36, %jit3A : i32
    %rem3A = vector.broadcast %select_n3A : i32 to vector<64x1024xi32>
    %rem3A_37 = arith.remsi %iota3A, %rem3A : vector<64x1024xi32>
    %ne3A = arith.constant 0 : i32
    %ne3A_38 = vector.broadcast %ne3A : i32 to vector<64x1024xi32>
    %ne3A_39 = arith.cmpi ne, %rem3A_37, %ne3A_38 : vector<64x1024xi32>
    %lt3A = arith.constant 0 : i32
    %lt3A_40 = vector.broadcast %lt3A : i32 to vector<64x1024xi32>
    %lt3A_41 = arith.cmpi slt, %rem3A_37, %lt3A_40 : vector<64x1024xi32>
    %lt3A_42 = arith.constant 0 : i32
    %lt3A_43 = arith.cmpi slt, %select_n3A, %lt3A_42 : i32
    %ne3A_44 = vector.broadcast %lt3A_43 : i1 to vector<64x1024xi1>
    %ne3A_45 = vector.broadcast %ne3A_44 : vector<64x1024xi1> to vector<64x1024xi1>
    %ne3A_46 = arith.xori %lt3A_41, %ne3A_45 : vector<64x1024xi1>
    %and3A_47 = arith.andi %ne3A_46, %ne3A_39 : vector<64x1024xi1>
    %add3A_48 = vector.broadcast %select_n3A : i32 to vector<64x1024xi32>
    %add3A_49 = arith.addi %rem3A_37, %add3A_48 : vector<64x1024xi32>
    %select_n3A_50 = arith.select %and3A_47, %add3A_49, %rem3A_37 : vector<64x1024xi1>, vector<64x1024xi32>
    %eq3A_51 = arith.constant 0 : i32
    %eq3A_52 = vector.broadcast %eq3A_51 : i32 to vector<64x1024xi32>
    %eq3A_53 = arith.cmpi eq, %select_n3A_50, %eq3A_52 : vector<64x1024xi32>
    %jit3A_54 = arith.constant 0.000000e+00 : f32
    %jit3A_55 = arith.constant 8.000000e+00 : f32
    %broadcast_in_dim3A = vector.broadcast %jit3A_54 : f32 to vector<64x1024xf32>
    %broadcast_in_dim3A_56 = vector.broadcast %jit3A_55 : f32 to vector<64x1024xf32>
    %select_n3A_57 = arith.select %and3A, %broadcast_in_dim3A, %broadcast_in_dim3A_56 : vector<64x1024xi1>, vector<64x1024xf32>
    %convert_element_type3A = arith.truncf %select_n3A_57 : vector<64x1024xf32> to vector<64x1024xbf16>
    %swap3A = arith.constant 0 : index
    %swap3A_58 = arith.constant 0 : index
    %swap3A_59 = vector.load %arg2[%swap3A, %swap3A_58] : memref<64x1024xbf16, #tpu.memory_space<vmem>>, vector<64x1024xbf16>
    tpu.vector_store %arg2[%swap3A, %swap3A_58], %convert_element_type3A {strides = array<i32>} : memref<64x1024xbf16, #tpu.memory_space<vmem>>, vector<64x1024xbf16>,
    %jit3A_60 = arith.constant 0.000000e+00 : f32
    %jit3A_61 = arith.constant 8.000000e+00 : f32
    %broadcast_in_dim3A_62 = vector.broadcast %jit3A_60 : f32 to vector<64x1024xf32>
    %broadcast_in_dim3A_63 = vector.broadcast %jit3A_61 : f32 to vector<64x1024xf32>
    %select_n3A_64 = arith.select %and3A_34, %broadcast_in_dim3A_62, %broadcast_in_dim3A_63 : vector<64x1024xi1>, vector<64x1024xf32>
    %convert_element_type3A_65 = arith.truncf %select_n3A_64 : vector<64x1024xf32> to vector<64x1024xbf16>
    %swap3A_66 = arith.constant 0 : index
    %swap3A_67 = arith.constant 0 : index
    %swap3A_68 = vector.load %arg3[%swap3A_66, %swap3A_67] : memref<64x1024xbf16, #tpu.memory_space<vmem>>, vector<64x1024xbf16>
    tpu.vector_store %arg3[%swap3A_66, %swap3A_67], %convert_element_type3A_65 {strides = array<i32>} : memref<64x1024xbf16, #tpu.memory_space<vmem>>, vector<64x1024xbf16>,
    %jit3A_69 = arith.constant 8.000000e+00 : f32
    %jit3A_70 = arith.constant -8.000000e+00 : f32
    %broadcast_in_dim3A_71 = vector.broadcast %jit3A_69 : f32 to vector<64x1024xf32>
    %broadcast_in_dim3A_72 = vector.broadcast %jit3A_70 : f32 to vector<64x1024xf32>
    %select_n3A_73 = arith.select %eq3A_53, %broadcast_in_dim3A_71, %broadcast_in_dim3A_72 : vector<64x1024xi1>, vector<64x1024xf32>
    %jit3A_74 = arith.constant 0.000000e+00 : f32
    %broadcast_in_dim3A_75 = vector.broadcast %jit3A_74 : f32 to vector<64x1024xf32>
    %select_n3A_76 = arith.select %and3A, %broadcast_in_dim3A_75, %select_n3A_73 : vector<64x1024xi1>, vector<64x1024xf32>
    %swap3A_77 = arith.constant 0 : index
    %swap3A_78 = arith.constant 0 : index
    %swap3A_79 = vector.load %arg4[%swap3A_77, %swap3A_78] : memref<64x1024xf32, #tpu.memory_space<vmem>>, vector<64x1024xf32>
    tpu.vector_store %arg4[%swap3A_77, %swap3A_78], %select_n3A_76 {strides = array<i32>} : memref<64x1024xf32, #tpu.memory_space<vmem>>, vector<64x1024xf32>,
    %jit3A_80 = arith.constant 0.000000e+00 : f32
    %broadcast_in_dim3A_81 = vector.broadcast %jit3A_80 : f32 to vector<64x1024xf32>
    %select_n3A_82 = arith.select %and3A_34, %broadcast_in_dim3A_81, %select_n3A_73 : vector<64x1024xi1>, vector<64x1024xf32>
    %swap3A_83 = arith.constant 0 : index
    %swap3A_84 = arith.constant 0 : index
    %swap3A_85 = vector.load %arg5[%swap3A_83, %swap3A_84] : memref<64x1024xf32, #tpu.memory_space<vmem>>, vector<64x1024xf32>
    tpu.vector_store %arg5[%swap3A_83, %swap3A_84], %select_n3A_82 {strides = array<i32>} : memref<64x1024xf32, #tpu.memory_space<vmem>>, vector<64x1024xf32>,
    %or3A = arith.ori %and3A, %and3A_34 : vector<64x1024xi1>
    %reduce_or3A = arith.constant 1.000000e+00 : f32
    %reduce_or3A_86 = arith.constant 0.000000e+00 : f32
    %reduce_or3A_87 = vector.broadcast %reduce_or3A : f32 to vector<64x1024xf32>
    %reduce_or3A_88 = vector.broadcast %reduce_or3A_86 : f32 to vector<64x1024xf32>
    %reduce_or3A_89 = arith.select %or3A, %reduce_or3A_87, %reduce_or3A_88 : vector<64x1024xi1>, vector<64x1024xf32>
    %reduce_or3A_90 = arith.constant dense<0xFF800000> : vector<64xf32>
    %reduce_or3A_91 = vector.multi_reduction <maximumf>, %reduce_or3A_89, %reduce_or3A_90 [1] : vector<64x1024xf32> to vector<64xf32>
    %reduce_or3A_92 = arith.constant 0.000000e+00 : f32
    %reduce_or3A_93 = vector.broadcast %reduce_or3A_92 : f32 to vector<64xf32>
    %reduce_or3A_94 = arith.cmpf ogt, %reduce_or3A_91, %reduce_or3A_93 : vector<64xf32>
    %iota3A_95 = tpu.iota {dimensions = array<i32: 0>} : vector<64x1xi32>
    %squeeze3A = vector.shape_cast %iota3A_95 : vector<64x1xi32> to vector<64xi32>
    %jit3A_96 = arith.constant 2 : i32
    %eq3A_97 = arith.constant 0 : i32
    %eq3A_98 = arith.cmpi eq, %jit3A_96, %eq3A_97 : i32
    %jit3A_99 = arith.constant 1 : i32
    %select_n3A_100 = arith.select %eq3A_98, %jit3A_99, %jit3A_96 : i32
    %rem3A_101 = vector.broadcast %select_n3A_100 : i32 to vector<64xi32>
    %rem3A_102 = arith.remsi %squeeze3A, %rem3A_101 : vector<64xi32>
    %ne3A_103 = arith.constant 0 : i32
    %ne3A_104 = vector.broadcast %ne3A_103 : i32 to vector<64xi32>
    %ne3A_105 = arith.cmpi ne, %rem3A_102, %ne3A_104 : vector<64xi32>
    %lt3A_106 = arith.constant 0 : i32
    %lt3A_107 = vector.broadcast %lt3A_106 : i32 to vector<64xi32>
    %lt3A_108 = arith.cmpi slt, %rem3A_102, %lt3A_107 : vector<64xi32>
    %lt3A_109 = arith.constant 0 : i32
    %lt3A_110 = arith.cmpi slt, %select_n3A_100, %lt3A_109 : i32
    %ne3A_111 = vector.broadcast %lt3A_110 : i1 to vector<64xi1>
    %ne3A_112 = vector.broadcast %ne3A_111 : vector<64xi1> to vector<64xi1>
    %ne3A_113 = arith.xori %lt3A_108, %ne3A_112 : vector<64xi1>
    %and3A_114 = arith.andi %ne3A_113, %ne3A_105 : vector<64xi1>
    %add3A_115 = vector.broadcast %select_n3A_100 : i32 to vector<64xi32>
    %add3A_116 = arith.addi %rem3A_102, %add3A_115 : vector<64xi32>
    %select_n3A_117 = arith.select %and3A_114, %add3A_116, %rem3A_102 : vector<64xi1>, vector<64xi32>
    %eq3A_118 = arith.constant 0 : i32
    %eq3A_119 = vector.broadcast %eq3A_118 : i32 to vector<64xi32>
    %eq3A_120 = arith.cmpi eq, %select_n3A_117, %eq3A_119 : vector<64xi32>
    %jit3A_121 = arith.constant 2.000000e+00 : f32
    %jit3A_122 = arith.constant 1.000000e+00 : f32
    %broadcast_in_dim3A_123 = vector.broadcast %jit3A_121 : f32 to vector<64xf32>
    %broadcast_in_dim3A_124 = vector.broadcast %jit3A_122 : f32 to vector<64xf32>
    %select_n3A_125 = arith.select %eq3A_120, %broadcast_in_dim3A_123, %broadcast_in_dim3A_124 : vector<64xi1>, vector<64xf32>
    %jit3A_126 = arith.constant 8.000000e+00 : f32
    %broadcast_in_dim3A_127 = vector.broadcast %jit3A_126 : f32 to vector<64xf32>
    %select_n3A_128 = arith.select %reduce_or3A_94, %broadcast_in_dim3A_127, %select_n3A_125 : vector<64xi1>, vector<64xf32>
    %broadcast_in_dim3A_129 = vector.shape_cast %select_n3A_128 : vector<64xf32> to vector<1x64xf32>
    %swap3A_130 = arith.constant 0 : index
    %swap3A_131 = arith.constant 0 : index
    %swap3A_132 = vector.load %arg6[%swap3A_130, %swap3A_131] : memref<1x64xf32, #tpu.memory_space<vmem>>, vector<1x64xf32>
    tpu.vector_store %arg6[%swap3A_130, %swap3A_131], %broadcast_in_dim3A_129 {strides = array<i32>} : memref<1x64xf32, #tpu.memory_space<vmem>>, vector<1x64xf32>,
    %jit3A_133 = arith.constant 8.000000e+00 : f32
    %jit3A_134 = arith.constant 2.000000e+00 : f32
    %broadcast_in_dim3A_135 = vector.broadcast %jit3A_133 : f32 to vector<64xf32>
    %broadcast_in_dim3A_136 = vector.broadcast %jit3A_134 : f32 to vector<64xf32>
    %select_n3A_137 = arith.select %reduce_or3A_94, %broadcast_in_dim3A_135, %broadcast_in_dim3A_136 : vector<64xi1>, vector<64xf32>
    %jit3A_138 = arith.constant -8.000000e+00 : f32
    %jit3A_139 = arith.constant -1.000000e+00 : f32
    %broadcast_in_dim3A_140 = vector.broadcast %jit3A_138 : f32 to vector<64xf32>
    %broadcast_in_dim3A_141 = vector.broadcast %jit3A_139 : f32 to vector<64xf32>
    %select_n3A_142 = arith.select %reduce_or3A_94, %broadcast_in_dim3A_140, %broadcast_in_dim3A_141 : vector<64xi1>, vector<64xf32>
    %select_n3A_143 = arith.select %eq3A_120, %select_n3A_137, %select_n3A_142 : vector<64xi1>, vector<64xf32>
    %broadcast_in_dim3A_144 = vector.shape_cast %select_n3A_143 : vector<64xf32> to vector<64x1xf32>
    %broadcast_in_dim3A_145 = vector.shape_cast %broadcast_in_dim3A_144 : vector<64x1xf32> to vector<64x1xf32>
    %broadcast_in_dim3A_146 = vector.broadcast %broadcast_in_dim3A_145 : vector<64x1xf32> to vector<64x32xf32>
    %swap3A_147 = arith.constant 0 : index
    %swap3A_148 = arith.constant 0 : index
    %swap3A_149 = vector.load %arg7[%swap3A_147, %swap3A_148] : memref<64x32xf32, #tpu.memory_space<vmem>>, vector<64x32xf32>
    tpu.vector_store %arg7[%swap3A_147, %swap3A_148], %broadcast_in_dim3A_146 {strides = array<i32>} : memref<64x32xf32, #tpu.memory_space<vmem>>, vector<64x32xf32>,
    return
  }
}

module attributes {stable_mosaic.version = 14 : i64} {
  func.func @_tc_body(%arg0: i32, %arg1: memref<64x1024xbf16, #tpu.memory_space<vmem>>, %arg2: memref<64x1024xbf16, #tpu.memory_space<vmem>>, %arg3: memref<1x64xf32, #tpu.memory_space<vmem>>, %arg4: memref<512x1024xf32, #tpu.memory_space<vmem>>, %arg5: memref<512x64xf32, #tpu.memory_space<vmem>>) attributes {dimension_semantics = [#tpu.dimension_semantics<arbitrary>], iteration_bounds = array<i64: 7>, scalar_prefetch = 0 : i64, scratch_operands = 0 : i64, tpu.core_type = #tpu.core_type<tc>, window_params = [{pipeline_mode = #tpu.pipeline_mode<synchronous>, transform_indices = @transform_0, window_bounds = array<i64: 64, 1024>}, {pipeline_mode = #tpu.pipeline_mode<synchronous>, transform_indices = @transform_1, window_bounds = array<i64: 64, 1024>}, {pipeline_mode = #tpu.pipeline_mode<synchronous>, transform_indices = @transform_2, window_bounds = array<i64: 1, 64>}, {transform_indices = @transform_3, window_bounds = array<i64: 512, 1024>}, {transform_indices = @transform_4, window_bounds = array<i64: 512, 64>}]} {
    %get3A = arith.constant 0 : index
    %get3A_0 = arith.constant 0 : index
    %get3A_1 = vector.load %arg4[%get3A, %get3A_0] : memref<512x1024xf32, #tpu.memory_space<vmem>>, vector<512x1024xf32>
    %convert_element_type3A = arith.truncf %get3A_1 : vector<512x1024xf32> to vector<512x1024xbf16>
    %sub3A = arith.constant 1.000000e+00 : f32
    %sub3A_2 = vector.broadcast %sub3A : f32 to vector<512x1024xf32>
    %sub3A_3 = arith.subf %sub3A_2, %get3A_1 : vector<512x1024xf32>
    %convert_element_type3A_4 = arith.truncf %sub3A_3 : vector<512x1024xf32> to vector<512x1024xbf16>
    %neg3A = arith.constant 0.000000e+00 : bf16
    %neg3A_5 = vector.broadcast %neg3A : bf16 to vector<512x1024xbf16>
    %neg3A_6 = arith.subf %neg3A_5, %convert_element_type3A : vector<512x1024xbf16>
    %neg3A_7 = arith.constant 0.000000e+00 : bf16
    %neg3A_8 = vector.broadcast %neg3A_7 : bf16 to vector<512x1024xbf16>
    %neg3A_9 = arith.subf %neg3A_8, %convert_element_type3A_4 : vector<512x1024xbf16>
    %get3A_10 = arith.constant 0 : index
    %get3A_11 = arith.constant 0 : index
    %get3A_12 = vector.load %arg1[%get3A_10, %get3A_11] : memref<64x1024xbf16, #tpu.memory_space<vmem>>, vector<1x1024xbf16>
    %get3A_13 = vector.shape_cast %get3A_12 : vector<1x1024xbf16> to vector<1024xbf16>
    %broadcast_in_dim3A = vector.shape_cast %get3A_13 : vector<1024xbf16> to vector<1x1024xbf16>
    %add3A = vector.broadcast %broadcast_in_dim3A : vector<1x1024xbf16> to vector<512x1024xbf16>
    %add3A_14 = arith.addf %convert_element_type3A, %add3A : vector<512x1024xbf16>
    %get3A_15 = arith.constant 0 : index
    %get3A_16 = arith.constant 0 : index
    %get3A_17 = vector.load %arg2[%get3A_15, %get3A_16] : memref<64x1024xbf16, #tpu.memory_space<vmem>>, vector<1x1024xbf16>
    %get3A_18 = vector.shape_cast %get3A_17 : vector<1x1024xbf16> to vector<1024xbf16>
    %broadcast_in_dim3A_19 = vector.shape_cast %get3A_18 : vector<1024xbf16> to vector<1x1024xbf16>
    %add3A_20 = vector.broadcast %broadcast_in_dim3A_19 : vector<1x1024xbf16> to vector<512x1024xbf16>
    %add3A_21 = arith.addf %convert_element_type3A_4, %add3A_20 : vector<512x1024xbf16>
    %min3A = arith.minimumf %add3A_14, %add3A_21 : vector<512x1024xbf16>
    %reduce_min3A = arith.constant dense<0x7F80> : vector<512xbf16>
    %reduce_min3A_22 = vector.multi_reduction <minimumf>, %min3A, %reduce_min3A [1] : vector<512x1024xbf16> to vector<512xbf16>
    %get3A_23 = arith.constant 1 : index
    %get3A_24 = arith.constant 0 : index
    %get3A_25 = vector.load %arg1[%get3A_23, %get3A_24] : memref<64x1024xbf16, #tpu.memory_space<vmem>>, vector<1x1024xbf16>
    %get3A_26 = vector.shape_cast %get3A_25 : vector<1x1024xbf16> to vector<1024xbf16>
    %broadcast_in_dim3A_27 = vector.shape_cast %get3A_26 : vector<1024xbf16> to vector<1x1024xbf16>
    %add3A_28 = vector.broadcast %broadcast_in_dim3A_27 : vector<1x1024xbf16> to vector<512x1024xbf16>
    %add3A_29 = arith.addf %neg3A_6, %add3A_28 : vector<512x1024xbf16>
    %get3A_30 = arith.constant 1 : index
    %get3A_31 = arith.constant 0 : index
    %get3A_32 = vector.load %arg2[%get3A_30, %get3A_31] : memref<64x1024xbf16, #tpu.memory_space<vmem>>, vector<1x1024xbf16>
    %get3A_33 = vector.shape_cast %get3A_32 : vector<1x1024xbf16> to vector<1024xbf16>
    %broadcast_in_dim3A_34 = vector.shape_cast %get3A_33 : vector<1024xbf16> to vector<1x1024xbf16>
    %add3A_35 = vector.broadcast %broadcast_in_dim3A_34 : vector<1x1024xbf16> to vector<512x1024xbf16>
    %add3A_36 = arith.addf %neg3A_9, %add3A_35 : vector<512x1024xbf16>
    %min3A_37 = arith.minimumf %add3A_29, %add3A_36 : vector<512x1024xbf16>
    %reduce_min3A_38 = arith.constant dense<0x7F80> : vector<512xbf16>
    %reduce_min3A_39 = vector.multi_reduction <minimumf>, %min3A_37, %reduce_min3A_38 [1] : vector<512x1024xbf16> to vector<512xbf16>
    %get3A_40 = arith.constant 2 : index
    %get3A_41 = arith.constant 0 : index
    %get3A_42 = vector.load %arg1[%get3A_40, %get3A_41] : memref<64x1024xbf16, #tpu.memory_space<vmem>>, vector<1x1024xbf16>
    %get3A_43 = vector.shape_cast %get3A_42 : vector<1x1024xbf16> to vector<1024xbf16>
    %broadcast_in_dim3A_44 = vector.shape_cast %get3A_43 : vector<1024xbf16> to vector<1x1024xbf16>
    %add3A_45 = vector.broadcast %broadcast_in_dim3A_44 : vector<1x1024xbf16> to vector<512x1024xbf16>
    %add3A_46 = arith.addf %convert_element_type3A, %add3A_45 : vector<512x1024xbf16>
    %get3A_47 = arith.constant 2 : index
    %get3A_48 = arith.constant 0 : index
    %get3A_49 = vector.load %arg2[%get3A_47, %get3A_48] : memref<64x1024xbf16, #tpu.memory_space<vmem>>, vector<1x1024xbf16>
    %get3A_50 = vector.shape_cast %get3A_49 : vector<1x1024xbf16> to vector<1024xbf16>
    %broadcast_in_dim3A_51 = vector.shape_cast %get3A_50 : vector<1024xbf16> to vector<1x1024xbf16>
    %add3A_52 = vector.broadcast %broadcast_in_dim3A_51 : vector<1x1024xbf16> to vector<512x1024xbf16>
    %add3A_53 = arith.addf %convert_element_type3A_4, %add3A_52 : vector<512x1024xbf16>
    %min3A_54 = arith.minimumf %add3A_46, %add3A_53 : vector<512x1024xbf16>
    %reduce_min3A_55 = arith.constant dense<0x7F80> : vector<512xbf16>
    %reduce_min3A_56 = vector.multi_reduction <minimumf>, %min3A_54, %reduce_min3A_55 [1] : vector<512x1024xbf16> to vector<512xbf16>
    %get3A_57 = arith.constant 3 : index
    %get3A_58 = arith.constant 0 : index
    %get3A_59 = vector.load %arg1[%get3A_57, %get3A_58] : memref<64x1024xbf16, #tpu.memory_space<vmem>>, vector<1x1024xbf16>
    %get3A_60 = vector.shape_cast %get3A_59 : vector<1x1024xbf16> to vector<1024xbf16>
    %broadcast_in_dim3A_61 = vector.shape_cast %get3A_60 : vector<1024xbf16> to vector<1x1024xbf16>
    %add3A_62 = vector.broadcast %broadcast_in_dim3A_61 : vector<1x1024xbf16> to vector<512x1024xbf16>
    %add3A_63 = arith.addf %neg3A_6, %add3A_62 : vector<512x1024xbf16>
    %get3A_64 = arith.constant 3 : index
    %get3A_65 = arith.constant 0 : index
    %get3A_66 = vector.load %arg2[%get3A_64, %get3A_65] : memref<64x1024xbf16, #tpu.memory_space<vmem>>, vector<1x1024xbf16>
    %get3A_67 = vector.shape_cast %get3A_66 : vector<1x1024xbf16> to vector<1024xbf16>
    %broadcast_in_dim3A_68 = vector.shape_cast %get3A_67 : vector<1024xbf16> to vector<1x1024xbf16>
    %add3A_69 = vector.broadcast %broadcast_in_dim3A_68 : vector<1x1024xbf16> to vector<512x1024xbf16>
    %add3A_70 = arith.addf %neg3A_9, %add3A_69 : vector<512x1024xbf16>
    %min3A_71 = arith.minimumf %add3A_63, %add3A_70 : vector<512x1024xbf16>
    %reduce_min3A_72 = arith.constant dense<0x7F80> : vector<512xbf16>
    %reduce_min3A_73 = vector.multi_reduction <minimumf>, %min3A_71, %reduce_min3A_72 [1] : vector<512x1024xbf16> to vector<512xbf16>
    %get3A_74 = arith.constant 4 : index
    %get3A_75 = arith.constant 0 : index
    %get3A_76 = vector.load %arg1[%get3A_74, %get3A_75] : memref<64x1024xbf16, #tpu.memory_space<vmem>>, vector<1x1024xbf16>
    %get3A_77 = vector.shape_cast %get3A_76 : vector<1x1024xbf16> to vector<1024xbf16>
    %broadcast_in_dim3A_78 = vector.shape_cast %get3A_77 : vector<1024xbf16> to vector<1x1024xbf16>
    %add3A_79 = vector.broadcast %broadcast_in_dim3A_78 : vector<1x1024xbf16> to vector<512x1024xbf16>
    %add3A_80 = arith.addf %convert_element_type3A, %add3A_79 : vector<512x1024xbf16>
    %get3A_81 = arith.constant 4 : index
    %get3A_82 = arith.constant 0 : index
    %get3A_83 = vector.load %arg2[%get3A_81, %get3A_82] : memref<64x1024xbf16, #tpu.memory_space<vmem>>, vector<1x1024xbf16>
    %get3A_84 = vector.shape_cast %get3A_83 : vector<1x1024xbf16> to vector<1024xbf16>
    %broadcast_in_dim3A_85 = vector.shape_cast %get3A_84 : vector<1024xbf16> to vector<1x1024xbf16>
    %add3A_86 = vector.broadcast %broadcast_in_dim3A_85 : vector<1x1024xbf16> to vector<512x1024xbf16>
    %add3A_87 = arith.addf %convert_element_type3A_4, %add3A_86 : vector<512x1024xbf16>
    %min3A_88 = arith.minimumf %add3A_80, %add3A_87 : vector<512x1024xbf16>
    %reduce_min3A_89 = arith.constant dense<0x7F80> : vector<512xbf16>
    %reduce_min3A_90 = vector.multi_reduction <minimumf>, %min3A_88, %reduce_min3A_89 [1] : vector<512x1024xbf16> to vector<512xbf16>
    %get3A_91 = arith.constant 5 : index
    %get3A_92 = arith.constant 0 : index
    %get3A_93 = vector.load %arg1[%get3A_91, %get3A_92] : memref<64x1024xbf16, #tpu.memory_space<vmem>>, vector<1x1024xbf16>
    %get3A_94 = vector.shape_cast %get3A_93 : vector<1x1024xbf16> to vector<1024xbf16>
    %broadcast_in_dim3A_95 = vector.shape_cast %get3A_94 : vector<1024xbf16> to vector<1x1024xbf16>
    %add3A_96 = vector.broadcast %broadcast_in_dim3A_95 : vector<1x1024xbf16> to vector<512x1024xbf16>
    %add3A_97 = arith.addf %neg3A_6, %add3A_96 : vector<512x1024xbf16>
    %get3A_98 = arith.constant 5 : index
    %get3A_99 = arith.constant 0 : index
    %get3A_100 = vector.load %arg2[%get3A_98, %get3A_99] : memref<64x1024xbf16, #tpu.memory_space<vmem>>, vector<1x1024xbf16>
    %get3A_101 = vector.shape_cast %get3A_100 : vector<1x1024xbf16> to vector<1024xbf16>
    %broadcast_in_dim3A_102 = vector.shape_cast %get3A_101 : vector<1024xbf16> to vector<1x1024xbf16>
    %add3A_103 = vector.broadcast %broadcast_in_dim3A_102 : vector<1x1024xbf16> to vector<512x1024xbf16>
    %add3A_104 = arith.addf %neg3A_9, %add3A_103 : vector<512x1024xbf16>
    %min3A_105 = arith.minimumf %add3A_97, %add3A_104 : vector<512x1024xbf16>
    %reduce_min3A_106 = arith.constant dense<0x7F80> : vector<512xbf16>
    %reduce_min3A_107 = vector.multi_reduction <minimumf>, %min3A_105, %reduce_min3A_106 [1] : vector<512x1024xbf16> to vector<512xbf16>
    %get3A_108 = arith.constant 6 : index
    %get3A_109 = arith.constant 0 : index
    %get3A_110 = vector.load %arg1[%get3A_108, %get3A_109] : memref<64x1024xbf16, #tpu.memory_space<vmem>>, vector<1x1024xbf16>
    %get3A_111 = vector.shape_cast %get3A_110 : vector<1x1024xbf16> to vector<1024xbf16>
    %broadcast_in_dim3A_112 = vector.shape_cast %get3A_111 : vector<1024xbf16> to vector<1x1024xbf16>
    %add3A_113 = vector.broadcast %broadcast_in_dim3A_112 : vector<1x1024xbf16> to vector<512x1024xbf16>
    %add3A_114 = arith.addf %convert_element_type3A, %add3A_113 : vector<512x1024xbf16>
    %get3A_115 = arith.constant 6 : index
    %get3A_116 = arith.constant 0 : index
    %get3A_117 = vector.load %arg2[%get3A_115, %get3A_116] : memref<64x1024xbf16, #tpu.memory_space<vmem>>, vector<1x1024xbf16>
    %get3A_118 = vector.shape_cast %get3A_117 : vector<1x1024xbf16> to vector<1024xbf16>
    %broadcast_in_dim3A_119 = vector.shape_cast %get3A_118 : vector<1024xbf16> to vector<1x1024xbf16>
    %add3A_120 = vector.broadcast %broadcast_in_dim3A_119 : vector<1x1024xbf16> to vector<512x1024xbf16>
    %add3A_121 = arith.addf %convert_element_type3A_4, %add3A_120 : vector<512x1024xbf16>
    %min3A_122 = arith.minimumf %add3A_114, %add3A_121 : vector<512x1024xbf16>
    %reduce_min3A_123 = arith.constant dense<0x7F80> : vector<512xbf16>
    %reduce_min3A_124 = vector.multi_reduction <minimumf>, %min3A_122, %reduce_min3A_123 [1] : vector<512x1024xbf16> to vector<512xbf16>
    %get3A_125 = arith.constant 7 : index
    %get3A_126 = arith.constant 0 : index
    %get3A_127 = vector.load %arg1[%get3A_125, %get3A_126] : memref<64x1024xbf16, #tpu.memory_space<vmem>>, vector<1x1024xbf16>
    %get3A_128 = vector.shape_cast %get3A_127 : vector<1x1024xbf16> to vector<1024xbf16>
    %broadcast_in_dim3A_129 = vector.shape_cast %get3A_128 : vector<1024xbf16> to vector<1x1024xbf16>
    %add3A_130 = vector.broadcast %broadcast_in_dim3A_129 : vector<1x1024xbf16> to vector<512x1024xbf16>
    %add3A_131 = arith.addf %neg3A_6, %add3A_130 : vector<512x1024xbf16>
    %get3A_132 = arith.constant 7 : index
    %get3A_133 = arith.constant 0 : index
    %get3A_134 = vector.load %arg2[%get3A_132, %get3A_133] : memref<64x1024xbf16, #tpu.memory_space<vmem>>, vector<1x1024xbf16>
    %get3A_135 = vector.shape_cast %get3A_134 : vector<1x1024xbf16> to vector<1024xbf16>
    %broadcast_in_dim3A_136 = vector.shape_cast %get3A_135 : vector<1024xbf16> to vector<1x1024xbf16>
    %add3A_137 = vector.broadcast %broadcast_in_dim3A_136 : vector<1x1024xbf16> to vector<512x1024xbf16>
    %add3A_138 = arith.addf %neg3A_9, %add3A_137 : vector<512x1024xbf16>
    %min3A_139 = arith.minimumf %add3A_131, %add3A_138 : vector<512x1024xbf16>
    %reduce_min3A_140 = arith.constant dense<0x7F80> : vector<512xbf16>
    %reduce_min3A_141 = vector.multi_reduction <minimumf>, %min3A_139, %reduce_min3A_140 [1] : vector<512x1024xbf16> to vector<512xbf16>
    %get3A_142 = arith.constant 8 : index
    %get3A_143 = arith.constant 0 : index
    %get3A_144 = vector.load %arg1[%get3A_142, %get3A_143] : memref<64x1024xbf16, #tpu.memory_space<vmem>>, vector<1x1024xbf16>
    %get3A_145 = vector.shape_cast %get3A_144 : vector<1x1024xbf16> to vector<1024xbf16>
    %broadcast_in_dim3A_146 = vector.shape_cast %get3A_145 : vector<1024xbf16> to vector<1x1024xbf16>
    %add3A_147 = vector.broadcast %broadcast_in_dim3A_146 : vector<1x1024xbf16> to vector<512x1024xbf16>
    %add3A_148 = arith.addf %convert_element_type3A, %add3A_147 : vector<512x1024xbf16>
    %get3A_149 = arith.constant 8 : index
    %get3A_150 = arith.constant 0 : index
    %get3A_151 = vector.load %arg2[%get3A_149, %get3A_150] : memref<64x1024xbf16, #tpu.memory_space<vmem>>, vector<1x1024xbf16>
    %get3A_152 = vector.shape_cast %get3A_151 : vector<1x1024xbf16> to vector<1024xbf16>
    %broadcast_in_dim3A_153 = vector.shape_cast %get3A_152 : vector<1024xbf16> to vector<1x1024xbf16>
    %add3A_154 = vector.broadcast %broadcast_in_dim3A_153 : vector<1x1024xbf16> to vector<512x1024xbf16>
    %add3A_155 = arith.addf %convert_element_type3A_4, %add3A_154 : vector<512x1024xbf16>
    %min3A_156 = arith.minimumf %add3A_148, %add3A_155 : vector<512x1024xbf16>
    %reduce_min3A_157 = arith.constant dense<0x7F80> : vector<512xbf16>
    %reduce_min3A_158 = vector.multi_reduction <minimumf>, %min3A_156, %reduce_min3A_157 [1] : vector<512x1024xbf16> to vector<512xbf16>
    %get3A_159 = arith.constant 9 : index
    %get3A_160 = arith.constant 0 : index
    %get3A_161 = vector.load %arg1[%get3A_159, %get3A_160] : memref<64x1024xbf16, #tpu.memory_space<vmem>>, vector<1x1024xbf16>
    %get3A_162 = vector.shape_cast %get3A_161 : vector<1x1024xbf16> to vector<1024xbf16>
    %broadcast_in_dim3A_163 = vector.shape_cast %get3A_162 : vector<1024xbf16> to vector<1x1024xbf16>
    %add3A_164 = vector.broadcast %broadcast_in_dim3A_163 : vector<1x1024xbf16> to vector<512x1024xbf16>
    %add3A_165 = arith.addf %neg3A_6, %add3A_164 : vector<512x1024xbf16>
    %get3A_166 = arith.constant 9 : index
    %get3A_167 = arith.constant 0 : index
    %get3A_168 = vector.load %arg2[%get3A_166, %get3A_167] : memref<64x1024xbf16, #tpu.memory_space<vmem>>, vector<1x1024xbf16>
    %get3A_169 = vector.shape_cast %get3A_168 : vector<1x1024xbf16> to vector<1024xbf16>
    %broadcast_in_dim3A_170 = vector.shape_cast %get3A_169 : vector<1024xbf16> to vector<1x1024xbf16>
    %add3A_171 = vector.broadcast %broadcast_in_dim3A_170 : vector<1x1024xbf16> to vector<512x1024xbf16>
    %add3A_172 = arith.addf %neg3A_9, %add3A_171 : vector<512x1024xbf16>
    %min3A_173 = arith.minimumf %add3A_165, %add3A_172 : vector<512x1024xbf16>
    %reduce_min3A_174 = arith.constant dense<0x7F80> : vector<512xbf16>
    %reduce_min3A_175 = vector.multi_reduction <minimumf>, %min3A_173, %reduce_min3A_174 [1] : vector<512x1024xbf16> to vector<512xbf16>
    %get3A_176 = arith.constant 10 : index
    %get3A_177 = arith.constant 0 : index
    %get3A_178 = vector.load %arg1[%get3A_176, %get3A_177] : memref<64x1024xbf16, #tpu.memory_space<vmem>>, vector<1x1024xbf16>
    %get3A_179 = vector.shape_cast %get3A_178 : vector<1x1024xbf16> to vector<1024xbf16>
    %broadcast_in_dim3A_180 = vector.shape_cast %get3A_179 : vector<1024xbf16> to vector<1x1024xbf16>
    %add3A_181 = vector.broadcast %broadcast_in_dim3A_180 : vector<1x1024xbf16> to vector<512x1024xbf16>
    %add3A_182 = arith.addf %convert_element_type3A, %add3A_181 : vector<512x1024xbf16>
    %get3A_183 = arith.constant 10 : index
    %get3A_184 = arith.constant 0 : index
    %get3A_185 = vector.load %arg2[%get3A_183, %get3A_184] : memref<64x1024xbf16, #tpu.memory_space<vmem>>, vector<1x1024xbf16>
    %get3A_186 = vector.shape_cast %get3A_185 : vector<1x1024xbf16> to vector<1024xbf16>
    %broadcast_in_dim3A_187 = vector.shape_cast %get3A_186 : vector<1024xbf16> to vector<1x1024xbf16>
    %add3A_188 = vector.broadcast %broadcast_in_dim3A_187 : vector<1x1024xbf16> to vector<512x1024xbf16>
    %add3A_189 = arith.addf %convert_element_type3A_4, %add3A_188 : vector<512x1024xbf16>
    %min3A_190 = arith.minimumf %add3A_182, %add3A_189 : vector<512x1024xbf16>
    %reduce_min3A_191 = arith.constant dense<0x7F80> : vector<512xbf16>
    %reduce_min3A_192 = vector.multi_reduction <minimumf>, %min3A_190, %reduce_min3A_191 [1] : vector<512x1024xbf16> to vector<512xbf16>
    %get3A_193 = arith.constant 11 : index
    %get3A_194 = arith.constant 0 : index
    %get3A_195 = vector.load %arg1[%get3A_193, %get3A_194] : memref<64x1024xbf16, #tpu.memory_space<vmem>>, vector<1x1024xbf16>
    %get3A_196 = vector.shape_cast %get3A_195 : vector<1x1024xbf16> to vector<1024xbf16>
    %broadcast_in_dim3A_197 = vector.shape_cast %get3A_196 : vector<1024xbf16> to vector<1x1024xbf16>
    %add3A_198 = vector.broadcast %broadcast_in_dim3A_197 : vector<1x1024xbf16> to vector<512x1024xbf16>
    %add3A_199 = arith.addf %neg3A_6, %add3A_198 : vector<512x1024xbf16>
    %get3A_200 = arith.constant 11 : index
    %get3A_201 = arith.constant 0 : index
    %get3A_202 = vector.load %arg2[%get3A_200, %get3A_201] : memref<64x1024xbf16, #tpu.memory_space<vmem>>, vector<1x1024xbf16>
    %get3A_203 = vector.shape_cast %get3A_202 : vector<1x1024xbf16> to vector<1024xbf16>
    %broadcast_in_dim3A_204 = vector.shape_cast %get3A_203 : vector<1024xbf16> to vector<1x1024xbf16>
    %add3A_205 = vector.broadcast %broadcast_in_dim3A_204 : vector<1x1024xbf16> to vector<512x1024xbf16>
    %add3A_206 = arith.addf %neg3A_9, %add3A_205 : vector<512x1024xbf16>
    %min3A_207 = arith.minimumf %add3A_199, %add3A_206 : vector<512x1024xbf16>
    %reduce_min3A_208 = arith.constant dense<0x7F80> : vector<512xbf16>
    %reduce_min3A_209 = vector.multi_reduction <minimumf>, %min3A_207, %reduce_min3A_208 [1] : vector<512x1024xbf16> to vector<512xbf16>
    %get3A_210 = arith.constant 12 : index
    %get3A_211 = arith.constant 0 : index
    %get3A_212 = vector.load %arg1[%get3A_210, %get3A_211] : memref<64x1024xbf16, #tpu.memory_space<vmem>>, vector<1x1024xbf16>
    %get3A_213 = vector.shape_cast %get3A_212 : vector<1x1024xbf16> to vector<1024xbf16>
    %broadcast_in_dim3A_214 = vector.shape_cast %get3A_213 : vector<1024xbf16> to vector<1x1024xbf16>
    %add3A_215 = vector.broadcast %broadcast_in_dim3A_214 : vector<1x1024xbf16> to vector<512x1024xbf16>
    %add3A_216 = arith.addf %convert_element_type3A, %add3A_215 : vector<512x1024xbf16>
    %get3A_217 = arith.constant 12 : index
    %get3A_218 = arith.constant 0 : index
    %get3A_219 = vector.load %arg2[%get3A_217, %get3A_218] : memref<64x1024xbf16, #tpu.memory_space<vmem>>, vector<1x1024xbf16>
    %get3A_220 = vector.shape_cast %get3A_219 : vector<1x1024xbf16> to vector<1024xbf16>
    %broadcast_in_dim3A_221 = vector.shape_cast %get3A_220 : vector<1024xbf16> to vector<1x1024xbf16>
    %add3A_222 = vector.broadcast %broadcast_in_dim3A_221 : vector<1x1024xbf16> to vector<512x1024xbf16>
    %add3A_223 = arith.addf %convert_element_type3A_4, %add3A_222 : vector<512x1024xbf16>
    %min3A_224 = arith.minimumf %add3A_216, %add3A_223 : vector<512x1024xbf16>
    %reduce_min3A_225 = arith.constant dense<0x7F80> : vector<512xbf16>
    %reduce_min3A_226 = vector.multi_reduction <minimumf>, %min3A_224, %reduce_min3A_225 [1] : vector<512x1024xbf16> to vector<512xbf16>
    %get3A_227 = arith.constant 13 : index
    %get3A_228 = arith.constant 0 : index
    %get3A_229 = vector.load %arg1[%get3A_227, %get3A_228] : memref<64x1024xbf16, #tpu.memory_space<vmem>>, vector<1x1024xbf16>
    %get3A_230 = vector.shape_cast %get3A_229 : vector<1x1024xbf16> to vector<1024xbf16>
    %broadcast_in_dim3A_231 = vector.shape_cast %get3A_230 : vector<1024xbf16> to vector<1x1024xbf16>
    %add3A_232 = vector.broadcast %broadcast_in_dim3A_231 : vector<1x1024xbf16> to vector<512x1024xbf16>
    %add3A_233 = arith.addf %neg3A_6, %add3A_232 : vector<512x1024xbf16>
    %get3A_234 = arith.constant 13 : index
    %get3A_235 = arith.constant 0 : index
    %get3A_236 = vector.load %arg2[%get3A_234, %get3A_235] : memref<64x1024xbf16, #tpu.memory_space<vmem>>, vector<1x1024xbf16>
    %get3A_237 = vector.shape_cast %get3A_236 : vector<1x1024xbf16> to vector<1024xbf16>
    %broadcast_in_dim3A_238 = vector.shape_cast %get3A_237 : vector<1024xbf16> to vector<1x1024xbf16>
    %add3A_239 = vector.broadcast %broadcast_in_dim3A_238 : vector<1x1024xbf16> to vector<512x1024xbf16>
    %add3A_240 = arith.addf %neg3A_9, %add3A_239 : vector<512x1024xbf16>
    %min3A_241 = arith.minimumf %add3A_233, %add3A_240 : vector<512x1024xbf16>
    %reduce_min3A_242 = arith.constant dense<0x7F80> : vector<512xbf16>
    %reduce_min3A_243 = vector.multi_reduction <minimumf>, %min3A_241, %reduce_min3A_242 [1] : vector<512x1024xbf16> to vector<512xbf16>
    %get3A_244 = arith.constant 14 : index
    %get3A_245 = arith.constant 0 : index
    %get3A_246 = vector.load %arg1[%get3A_244, %get3A_245] : memref<64x1024xbf16, #tpu.memory_space<vmem>>, vector<1x1024xbf16>
    %get3A_247 = vector.shape_cast %get3A_246 : vector<1x1024xbf16> to vector<1024xbf16>
    %broadcast_in_dim3A_248 = vector.shape_cast %get3A_247 : vector<1024xbf16> to vector<1x1024xbf16>
    %add3A_249 = vector.broadcast %broadcast_in_dim3A_248 : vector<1x1024xbf16> to vector<512x1024xbf16>
    %add3A_250 = arith.addf %convert_element_type3A, %add3A_249 : vector<512x1024xbf16>
    %get3A_251 = arith.constant 14 : index
    %get3A_252 = arith.constant 0 : index
    %get3A_253 = vector.load %arg2[%get3A_251, %get3A_252] : memref<64x1024xbf16, #tpu.memory_space<vmem>>, vector<1x1024xbf16>
    %get3A_254 = vector.shape_cast %get3A_253 : vector<1x1024xbf16> to vector<1024xbf16>
    %broadcast_in_dim3A_255 = vector.shape_cast %get3A_254 : vector<1024xbf16> to vector<1x1024xbf16>
    %add3A_256 = vector.broadcast %broadcast_in_dim3A_255 : vector<1x1024xbf16> to vector<512x1024xbf16>
    %add3A_257 = arith.addf %convert_element_type3A_4, %add3A_256 : vector<512x1024xbf16>
    %min3A_258 = arith.minimumf %add3A_250, %add3A_257 : vector<512x1024xbf16>
    %reduce_min3A_259 = arith.constant dense<0x7F80> : vector<512xbf16>
    %reduce_min3A_260 = vector.multi_reduction <minimumf>, %min3A_258, %reduce_min3A_259 [1] : vector<512x1024xbf16> to vector<512xbf16>
    %get3A_261 = arith.constant 15 : index
    %get3A_262 = arith.constant 0 : index
    %get3A_263 = vector.load %arg1[%get3A_261, %get3A_262] : memref<64x1024xbf16, #tpu.memory_space<vmem>>, vector<1x1024xbf16>
    %get3A_264 = vector.shape_cast %get3A_263 : vector<1x1024xbf16> to vector<1024xbf16>
    %broadcast_in_dim3A_265 = vector.shape_cast %get3A_264 : vector<1024xbf16> to vector<1x1024xbf16>
    %add3A_266 = vector.broadcast %broadcast_in_dim3A_265 : vector<1x1024xbf16> to vector<512x1024xbf16>
    %add3A_267 = arith.addf %neg3A_6, %add3A_266 : vector<512x1024xbf16>
    %get3A_268 = arith.constant 15 : index
    %get3A_269 = arith.constant 0 : index
    %get3A_270 = vector.load %arg2[%get3A_268, %get3A_269] : memref<64x1024xbf16, #tpu.memory_space<vmem>>, vector<1x1024xbf16>
    %get3A_271 = vector.shape_cast %get3A_270 : vector<1x1024xbf16> to vector<1024xbf16>
    %broadcast_in_dim3A_272 = vector.shape_cast %get3A_271 : vector<1024xbf16> to vector<1x1024xbf16>
    %add3A_273 = vector.broadcast %broadcast_in_dim3A_272 : vector<1x1024xbf16> to vector<512x1024xbf16>
    %add3A_274 = arith.addf %neg3A_9, %add3A_273 : vector<512x1024xbf16>
    %min3A_275 = arith.minimumf %add3A_267, %add3A_274 : vector<512x1024xbf16>
    %reduce_min3A_276 = arith.constant dense<0x7F80> : vector<512xbf16>
    %reduce_min3A_277 = vector.multi_reduction <minimumf>, %min3A_275, %reduce_min3A_276 [1] : vector<512x1024xbf16> to vector<512xbf16>
    %get3A_278 = arith.constant 16 : index
    %get3A_279 = arith.constant 0 : index
    %get3A_280 = vector.load %arg1[%get3A_278, %get3A_279] : memref<64x1024xbf16, #tpu.memory_space<vmem>>, vector<1x1024xbf16>
    %get3A_281 = vector.shape_cast %get3A_280 : vector<1x1024xbf16> to vector<1024xbf16>
    %broadcast_in_dim3A_282 = vector.shape_cast %get3A_281 : vector<1024xbf16> to vector<1x1024xbf16>
    %add3A_283 = vector.broadcast %broadcast_in_dim3A_282 : vector<1x1024xbf16> to vector<512x1024xbf16>
    %add3A_284 = arith.addf %convert_element_type3A, %add3A_283 : vector<512x1024xbf16>
    %get3A_285 = arith.constant 16 : index
    %get3A_286 = arith.constant 0 : index
    %get3A_287 = vector.load %arg2[%get3A_285, %get3A_286] : memref<64x1024xbf16, #tpu.memory_space<vmem>>, vector<1x1024xbf16>
    %get3A_288 = vector.shape_cast %get3A_287 : vector<1x1024xbf16> to vector<1024xbf16>
    %broadcast_in_dim3A_289 = vector.shape_cast %get3A_288 : vector<1024xbf16> to vector<1x1024xbf16>
    %add3A_290 = vector.broadcast %broadcast_in_dim3A_289 : vector<1x1024xbf16> to vector<512x1024xbf16>
    %add3A_291 = arith.addf %convert_element_type3A_4, %add3A_290 : vector<512x1024xbf16>
    %min3A_292 = arith.minimumf %add3A_284, %add3A_291 : vector<512x1024xbf16>
    %reduce_min3A_293 = arith.constant dense<0x7F80> : vector<512xbf16>
    %reduce_min3A_294 = vector.multi_reduction <minimumf>, %min3A_292, %reduce_min3A_293 [1] : vector<512x1024xbf16> to vector<512xbf16>
    %get3A_295 = arith.constant 17 : index
    %get3A_296 = arith.constant 0 : index
    %get3A_297 = vector.load %arg1[%get3A_295, %get3A_296] : memref<64x1024xbf16, #tpu.memory_space<vmem>>, vector<1x1024xbf16>
    %get3A_298 = vector.shape_cast %get3A_297 : vector<1x1024xbf16> to vector<1024xbf16>
    %broadcast_in_dim3A_299 = vector.shape_cast %get3A_298 : vector<1024xbf16> to vector<1x1024xbf16>
    %add3A_300 = vector.broadcast %broadcast_in_dim3A_299 : vector<1x1024xbf16> to vector<512x1024xbf16>
    %add3A_301 = arith.addf %neg3A_6, %add3A_300 : vector<512x1024xbf16>
    %get3A_302 = arith.constant 17 : index
    %get3A_303 = arith.constant 0 : index
    %get3A_304 = vector.load %arg2[%get3A_302, %get3A_303] : memref<64x1024xbf16, #tpu.memory_space<vmem>>, vector<1x1024xbf16>
    %get3A_305 = vector.shape_cast %get3A_304 : vector<1x1024xbf16> to vector<1024xbf16>
    %broadcast_in_dim3A_306 = vector.shape_cast %get3A_305 : vector<1024xbf16> to vector<1x1024xbf16>
    %add3A_307 = vector.broadcast %broadcast_in_dim3A_306 : vector<1x1024xbf16> to vector<512x1024xbf16>
    %add3A_308 = arith.addf %neg3A_9, %add3A_307 : vector<512x1024xbf16>
    %min3A_309 = arith.minimumf %add3A_301, %add3A_308 : vector<512x1024xbf16>
    %reduce_min3A_310 = arith.constant dense<0x7F80> : vector<512xbf16>
    %reduce_min3A_311 = vector.multi_reduction <minimumf>, %min3A_309, %reduce_min3A_310 [1] : vector<512x1024xbf16> to vector<512xbf16>
    %get3A_312 = arith.constant 18 : index
    %get3A_313 = arith.constant 0 : index
    %get3A_314 = vector.load %arg1[%get3A_312, %get3A_313] : memref<64x1024xbf16, #tpu.memory_space<vmem>>, vector<1x1024xbf16>
    %get3A_315 = vector.shape_cast %get3A_314 : vector<1x1024xbf16> to vector<1024xbf16>
    %broadcast_in_dim3A_316 = vector.shape_cast %get3A_315 : vector<1024xbf16> to vector<1x1024xbf16>
    %add3A_317 = vector.broadcast %broadcast_in_dim3A_316 : vector<1x1024xbf16> to vector<512x1024xbf16>
    %add3A_318 = arith.addf %convert_element_type3A, %add3A_317 : vector<512x1024xbf16>
    %get3A_319 = arith.constant 18 : index
    %get3A_320 = arith.constant 0 : index
    %get3A_321 = vector.load %arg2[%get3A_319, %get3A_320] : memref<64x1024xbf16, #tpu.memory_space<vmem>>, vector<1x1024xbf16>
    %get3A_322 = vector.shape_cast %get3A_321 : vector<1x1024xbf16> to vector<1024xbf16>
    %broadcast_in_dim3A_323 = vector.shape_cast %get3A_322 : vector<1024xbf16> to vector<1x1024xbf16>
    %add3A_324 = vector.broadcast %broadcast_in_dim3A_323 : vector<1x1024xbf16> to vector<512x1024xbf16>
    %add3A_325 = arith.addf %convert_element_type3A_4, %add3A_324 : vector<512x1024xbf16>
    %min3A_326 = arith.minimumf %add3A_318, %add3A_325 : vector<512x1024xbf16>
    %reduce_min3A_327 = arith.constant dense<0x7F80> : vector<512xbf16>
    %reduce_min3A_328 = vector.multi_reduction <minimumf>, %min3A_326, %reduce_min3A_327 [1] : vector<512x1024xbf16> to vector<512xbf16>
    %get3A_329 = arith.constant 19 : index
    %get3A_330 = arith.constant 0 : index
    %get3A_331 = vector.load %arg1[%get3A_329, %get3A_330] : memref<64x1024xbf16, #tpu.memory_space<vmem>>, vector<1x1024xbf16>
    %get3A_332 = vector.shape_cast %get3A_331 : vector<1x1024xbf16> to vector<1024xbf16>
    %broadcast_in_dim3A_333 = vector.shape_cast %get3A_332 : vector<1024xbf16> to vector<1x1024xbf16>
    %add3A_334 = vector.broadcast %broadcast_in_dim3A_333 : vector<1x1024xbf16> to vector<512x1024xbf16>
    %add3A_335 = arith.addf %neg3A_6, %add3A_334 : vector<512x1024xbf16>
    %get3A_336 = arith.constant 19 : index
    %get3A_337 = arith.constant 0 : index
    %get3A_338 = vector.load %arg2[%get3A_336, %get3A_337] : memref<64x1024xbf16, #tpu.memory_space<vmem>>, vector<1x1024xbf16>
    %get3A_339 = vector.shape_cast %get3A_338 : vector<1x1024xbf16> to vector<1024xbf16>
    %broadcast_in_dim3A_340 = vector.shape_cast %get3A_339 : vector<1024xbf16> to vector<1x1024xbf16>
    %add3A_341 = vector.broadcast %broadcast_in_dim3A_340 : vector<1x1024xbf16> to vector<512x1024xbf16>
    %add3A_342 = arith.addf %neg3A_9, %add3A_341 : vector<512x1024xbf16>
    %min3A_343 = arith.minimumf %add3A_335, %add3A_342 : vector<512x1024xbf16>
    %reduce_min3A_344 = arith.constant dense<0x7F80> : vector<512xbf16>
    %reduce_min3A_345 = vector.multi_reduction <minimumf>, %min3A_343, %reduce_min3A_344 [1] : vector<512x1024xbf16> to vector<512xbf16>
    %get3A_346 = arith.constant 20 : index
    %get3A_347 = arith.constant 0 : index
    %get3A_348 = vector.load %arg1[%get3A_346, %get3A_347] : memref<64x1024xbf16, #tpu.memory_space<vmem>>, vector<1x1024xbf16>
    %get3A_349 = vector.shape_cast %get3A_348 : vector<1x1024xbf16> to vector<1024xbf16>
    %broadcast_in_dim3A_350 = vector.shape_cast %get3A_349 : vector<1024xbf16> to vector<1x1024xbf16>
    %add3A_351 = vector.broadcast %broadcast_in_dim3A_350 : vector<1x1024xbf16> to vector<512x1024xbf16>
    %add3A_352 = arith.addf %convert_element_type3A, %add3A_351 : vector<512x1024xbf16>
    %get3A_353 = arith.constant 20 : index
    %get3A_354 = arith.constant 0 : index
    %get3A_355 = vector.load %arg2[%get3A_353, %get3A_354] : memref<64x1024xbf16, #tpu.memory_space<vmem>>, vector<1x1024xbf16>
    %get3A_356 = vector.shape_cast %get3A_355 : vector<1x1024xbf16> to vector<1024xbf16>
    %broadcast_in_dim3A_357 = vector.shape_cast %get3A_356 : vector<1024xbf16> to vector<1x1024xbf16>
    %add3A_358 = vector.broadcast %broadcast_in_dim3A_357 : vector<1x1024xbf16> to vector<512x1024xbf16>
    %add3A_359 = arith.addf %convert_element_type3A_4, %add3A_358 : vector<512x1024xbf16>
    %min3A_360 = arith.minimumf %add3A_352, %add3A_359 : vector<512x1024xbf16>
    %reduce_min3A_361 = arith.constant dense<0x7F80> : vector<512xbf16>
    %reduce_min3A_362 = vector.multi_reduction <minimumf>, %min3A_360, %reduce_min3A_361 [1] : vector<512x1024xbf16> to vector<512xbf16>
    %get3A_363 = arith.constant 21 : index
    %get3A_364 = arith.constant 0 : index
    %get3A_365 = vector.load %arg1[%get3A_363, %get3A_364] : memref<64x1024xbf16, #tpu.memory_space<vmem>>, vector<1x1024xbf16>
    %get3A_366 = vector.shape_cast %get3A_365 : vector<1x1024xbf16> to vector<1024xbf16>
    %broadcast_in_dim3A_367 = vector.shape_cast %get3A_366 : vector<1024xbf16> to vector<1x1024xbf16>
    %add3A_368 = vector.broadcast %broadcast_in_dim3A_367 : vector<1x1024xbf16> to vector<512x1024xbf16>
    %add3A_369 = arith.addf %neg3A_6, %add3A_368 : vector<512x1024xbf16>
    %get3A_370 = arith.constant 21 : index
    %get3A_371 = arith.constant 0 : index
    %get3A_372 = vector.load %arg2[%get3A_370, %get3A_371] : memref<64x1024xbf16, #tpu.memory_space<vmem>>, vector<1x1024xbf16>
    %get3A_373 = vector.shape_cast %get3A_372 : vector<1x1024xbf16> to vector<1024xbf16>
    %broadcast_in_dim3A_374 = vector.shape_cast %get3A_373 : vector<1024xbf16> to vector<1x1024xbf16>
    %add3A_375 = vector.broadcast %broadcast_in_dim3A_374 : vector<1x1024xbf16> to vector<512x1024xbf16>
    %add3A_376 = arith.addf %neg3A_9, %add3A_375 : vector<512x1024xbf16>
    %min3A_377 = arith.minimumf %add3A_369, %add3A_376 : vector<512x1024xbf16>
    %reduce_min3A_378 = arith.constant dense<0x7F80> : vector<512xbf16>
    %reduce_min3A_379 = vector.multi_reduction <minimumf>, %min3A_377, %reduce_min3A_378 [1] : vector<512x1024xbf16> to vector<512xbf16>
    %get3A_380 = arith.constant 22 : index
    %get3A_381 = arith.constant 0 : index
    %get3A_382 = vector.load %arg1[%get3A_380, %get3A_381] : memref<64x1024xbf16, #tpu.memory_space<vmem>>, vector<1x1024xbf16>
    %get3A_383 = vector.shape_cast %get3A_382 : vector<1x1024xbf16> to vector<1024xbf16>
    %broadcast_in_dim3A_384 = vector.shape_cast %get3A_383 : vector<1024xbf16> to vector<1x1024xbf16>
    %add3A_385 = vector.broadcast %broadcast_in_dim3A_384 : vector<1x1024xbf16> to vector<512x1024xbf16>
    %add3A_386 = arith.addf %convert_element_type3A, %add3A_385 : vector<512x1024xbf16>
    %get3A_387 = arith.constant 22 : index
    %get3A_388 = arith.constant 0 : index
    %get3A_389 = vector.load %arg2[%get3A_387, %get3A_388] : memref<64x1024xbf16, #tpu.memory_space<vmem>>, vector<1x1024xbf16>
    %get3A_390 = vector.shape_cast %get3A_389 : vector<1x1024xbf16> to vector<1024xbf16>
    %broadcast_in_dim3A_391 = vector.shape_cast %get3A_390 : vector<1024xbf16> to vector<1x1024xbf16>
    %add3A_392 = vector.broadcast %broadcast_in_dim3A_391 : vector<1x1024xbf16> to vector<512x1024xbf16>
    %add3A_393 = arith.addf %convert_element_type3A_4, %add3A_392 : vector<512x1024xbf16>
    %min3A_394 = arith.minimumf %add3A_386, %add3A_393 : vector<512x1024xbf16>
    %reduce_min3A_395 = arith.constant dense<0x7F80> : vector<512xbf16>
    %reduce_min3A_396 = vector.multi_reduction <minimumf>, %min3A_394, %reduce_min3A_395 [1] : vector<512x1024xbf16> to vector<512xbf16>
    %get3A_397 = arith.constant 23 : index
    %get3A_398 = arith.constant 0 : index
    %get3A_399 = vector.load %arg1[%get3A_397, %get3A_398] : memref<64x1024xbf16, #tpu.memory_space<vmem>>, vector<1x1024xbf16>
    %get3A_400 = vector.shape_cast %get3A_399 : vector<1x1024xbf16> to vector<1024xbf16>
    %broadcast_in_dim3A_401 = vector.shape_cast %get3A_400 : vector<1024xbf16> to vector<1x1024xbf16>
    %add3A_402 = vector.broadcast %broadcast_in_dim3A_401 : vector<1x1024xbf16> to vector<512x1024xbf16>
    %add3A_403 = arith.addf %neg3A_6, %add3A_402 : vector<512x1024xbf16>
    %get3A_404 = arith.constant 23 : index
    %get3A_405 = arith.constant 0 : index
    %get3A_406 = vector.load %arg2[%get3A_404, %get3A_405] : memref<64x1024xbf16, #tpu.memory_space<vmem>>, vector<1x1024xbf16>
    %get3A_407 = vector.shape_cast %get3A_406 : vector<1x1024xbf16> to vector<1024xbf16>
    %broadcast_in_dim3A_408 = vector.shape_cast %get3A_407 : vector<1024xbf16> to vector<1x1024xbf16>
    %add3A_409 = vector.broadcast %broadcast_in_dim3A_408 : vector<1x1024xbf16> to vector<512x1024xbf16>
    %add3A_410 = arith.addf %neg3A_9, %add3A_409 : vector<512x1024xbf16>
    %min3A_411 = arith.minimumf %add3A_403, %add3A_410 : vector<512x1024xbf16>
    %reduce_min3A_412 = arith.constant dense<0x7F80> : vector<512xbf16>
    %reduce_min3A_413 = vector.multi_reduction <minimumf>, %min3A_411, %reduce_min3A_412 [1] : vector<512x1024xbf16> to vector<512xbf16>
    %get3A_414 = arith.constant 24 : index
    %get3A_415 = arith.constant 0 : index
    %get3A_416 = vector.load %arg1[%get3A_414, %get3A_415] : memref<64x1024xbf16, #tpu.memory_space<vmem>>, vector<1x1024xbf16>
    %get3A_417 = vector.shape_cast %get3A_416 : vector<1x1024xbf16> to vector<1024xbf16>
    %broadcast_in_dim3A_418 = vector.shape_cast %get3A_417 : vector<1024xbf16> to vector<1x1024xbf16>
    %add3A_419 = vector.broadcast %broadcast_in_dim3A_418 : vector<1x1024xbf16> to vector<512x1024xbf16>
    %add3A_420 = arith.addf %convert_element_type3A, %add3A_419 : vector<512x1024xbf16>
    %get3A_421 = arith.constant 24 : index
    %get3A_422 = arith.constant 0 : index
    %get3A_423 = vector.load %arg2[%get3A_421, %get3A_422] : memref<64x1024xbf16, #tpu.memory_space<vmem>>, vector<1x1024xbf16>
    %get3A_424 = vector.shape_cast %get3A_423 : vector<1x1024xbf16> to vector<1024xbf16>
    %broadcast_in_dim3A_425 = vector.shape_cast %get3A_424 : vector<1024xbf16> to vector<1x1024xbf16>
    %add3A_426 = vector.broadcast %broadcast_in_dim3A_425 : vector<1x1024xbf16> to vector<512x1024xbf16>
    %add3A_427 = arith.addf %convert_element_type3A_4, %add3A_426 : vector<512x1024xbf16>
    %min3A_428 = arith.minimumf %add3A_420, %add3A_427 : vector<512x1024xbf16>
    %reduce_min3A_429 = arith.constant dense<0x7F80> : vector<512xbf16>
    %reduce_min3A_430 = vector.multi_reduction <minimumf>, %min3A_428, %reduce_min3A_429 [1] : vector<512x1024xbf16> to vector<512xbf16>
    %get3A_431 = arith.constant 25 : index
    %get3A_432 = arith.constant 0 : index
    %get3A_433 = vector.load %arg1[%get3A_431, %get3A_432] : memref<64x1024xbf16, #tpu.memory_space<vmem>>, vector<1x1024xbf16>
    %get3A_434 = vector.shape_cast %get3A_433 : vector<1x1024xbf16> to vector<1024xbf16>
    %broadcast_in_dim3A_435 = vector.shape_cast %get3A_434 : vector<1024xbf16> to vector<1x1024xbf16>
    %add3A_436 = vector.broadcast %broadcast_in_dim3A_435 : vector<1x1024xbf16> to vector<512x1024xbf16>
    %add3A_437 = arith.addf %neg3A_6, %add3A_436 : vector<512x1024xbf16>
    %get3A_438 = arith.constant 25 : index
    %get3A_439 = arith.constant 0 : index
    %get3A_440 = vector.load %arg2[%get3A_438, %get3A_439] : memref<64x1024xbf16, #tpu.memory_space<vmem>>, vector<1x1024xbf16>
    %get3A_441 = vector.shape_cast %get3A_440 : vector<1x1024xbf16> to vector<1024xbf16>
    %broadcast_in_dim3A_442 = vector.shape_cast %get3A_441 : vector<1024xbf16> to vector<1x1024xbf16>
    %add3A_443 = vector.broadcast %broadcast_in_dim3A_442 : vector<1x1024xbf16> to vector<512x1024xbf16>
    %add3A_444 = arith.addf %neg3A_9, %add3A_443 : vector<512x1024xbf16>
    %min3A_445 = arith.minimumf %add3A_437, %add3A_444 : vector<512x1024xbf16>
    %reduce_min3A_446 = arith.constant dense<0x7F80> : vector<512xbf16>
    %reduce_min3A_447 = vector.multi_reduction <minimumf>, %min3A_445, %reduce_min3A_446 [1] : vector<512x1024xbf16> to vector<512xbf16>
    %get3A_448 = arith.constant 26 : index
    %get3A_449 = arith.constant 0 : index
    %get3A_450 = vector.load %arg1[%get3A_448, %get3A_449] : memref<64x1024xbf16, #tpu.memory_space<vmem>>, vector<1x1024xbf16>
    %get3A_451 = vector.shape_cast %get3A_450 : vector<1x1024xbf16> to vector<1024xbf16>
    %broadcast_in_dim3A_452 = vector.shape_cast %get3A_451 : vector<1024xbf16> to vector<1x1024xbf16>
    %add3A_453 = vector.broadcast %broadcast_in_dim3A_452 : vector<1x1024xbf16> to vector<512x1024xbf16>
    %add3A_454 = arith.addf %convert_element_type3A, %add3A_453 : vector<512x1024xbf16>
    %get3A_455 = arith.constant 26 : index
    %get3A_456 = arith.constant 0 : index
    %get3A_457 = vector.load %arg2[%get3A_455, %get3A_456] : memref<64x1024xbf16, #tpu.memory_space<vmem>>, vector<1x1024xbf16>
    %get3A_458 = vector.shape_cast %get3A_457 : vector<1x1024xbf16> to vector<1024xbf16>
    %broadcast_in_dim3A_459 = vector.shape_cast %get3A_458 : vector<1024xbf16> to vector<1x1024xbf16>
    %add3A_460 = vector.broadcast %broadcast_in_dim3A_459 : vector<1x1024xbf16> to vector<512x1024xbf16>
    %add3A_461 = arith.addf %convert_element_type3A_4, %add3A_460 : vector<512x1024xbf16>
    %min3A_462 = arith.minimumf %add3A_454, %add3A_461 : vector<512x1024xbf16>
    %reduce_min3A_463 = arith.constant dense<0x7F80> : vector<512xbf16>
    %reduce_min3A_464 = vector.multi_reduction <minimumf>, %min3A_462, %reduce_min3A_463 [1] : vector<512x1024xbf16> to vector<512xbf16>
    %get3A_465 = arith.constant 27 : index
    %get3A_466 = arith.constant 0 : index
    %get3A_467 = vector.load %arg1[%get3A_465, %get3A_466] : memref<64x1024xbf16, #tpu.memory_space<vmem>>, vector<1x1024xbf16>
    %get3A_468 = vector.shape_cast %get3A_467 : vector<1x1024xbf16> to vector<1024xbf16>
    %broadcast_in_dim3A_469 = vector.shape_cast %get3A_468 : vector<1024xbf16> to vector<1x1024xbf16>
    %add3A_470 = vector.broadcast %broadcast_in_dim3A_469 : vector<1x1024xbf16> to vector<512x1024xbf16>
    %add3A_471 = arith.addf %neg3A_6, %add3A_470 : vector<512x1024xbf16>
    %get3A_472 = arith.constant 27 : index
    %get3A_473 = arith.constant 0 : index
    %get3A_474 = vector.load %arg2[%get3A_472, %get3A_473] : memref<64x1024xbf16, #tpu.memory_space<vmem>>, vector<1x1024xbf16>
    %get3A_475 = vector.shape_cast %get3A_474 : vector<1x1024xbf16> to vector<1024xbf16>
    %broadcast_in_dim3A_476 = vector.shape_cast %get3A_475 : vector<1024xbf16> to vector<1x1024xbf16>
    %add3A_477 = vector.broadcast %broadcast_in_dim3A_476 : vector<1x1024xbf16> to vector<512x1024xbf16>
    %add3A_478 = arith.addf %neg3A_9, %add3A_477 : vector<512x1024xbf16>
    %min3A_479 = arith.minimumf %add3A_471, %add3A_478 : vector<512x1024xbf16>
    %reduce_min3A_480 = arith.constant dense<0x7F80> : vector<512xbf16>
    %reduce_min3A_481 = vector.multi_reduction <minimumf>, %min3A_479, %reduce_min3A_480 [1] : vector<512x1024xbf16> to vector<512xbf16>
    %get3A_482 = arith.constant 28 : index
    %get3A_483 = arith.constant 0 : index
    %get3A_484 = vector.load %arg1[%get3A_482, %get3A_483] : memref<64x1024xbf16, #tpu.memory_space<vmem>>, vector<1x1024xbf16>
    %get3A_485 = vector.shape_cast %get3A_484 : vector<1x1024xbf16> to vector<1024xbf16>
    %broadcast_in_dim3A_486 = vector.shape_cast %get3A_485 : vector<1024xbf16> to vector<1x1024xbf16>
    %add3A_487 = vector.broadcast %broadcast_in_dim3A_486 : vector<1x1024xbf16> to vector<512x1024xbf16>
    %add3A_488 = arith.addf %convert_element_type3A, %add3A_487 : vector<512x1024xbf16>
    %get3A_489 = arith.constant 28 : index
    %get3A_490 = arith.constant 0 : index
    %get3A_491 = vector.load %arg2[%get3A_489, %get3A_490] : memref<64x1024xbf16, #tpu.memory_space<vmem>>, vector<1x1024xbf16>
    %get3A_492 = vector.shape_cast %get3A_491 : vector<1x1024xbf16> to vector<1024xbf16>
    %broadcast_in_dim3A_493 = vector.shape_cast %get3A_492 : vector<1024xbf16> to vector<1x1024xbf16>
    %add3A_494 = vector.broadcast %broadcast_in_dim3A_493 : vector<1x1024xbf16> to vector<512x1024xbf16>
    %add3A_495 = arith.addf %convert_element_type3A_4, %add3A_494 : vector<512x1024xbf16>
    %min3A_496 = arith.minimumf %add3A_488, %add3A_495 : vector<512x1024xbf16>
    %reduce_min3A_497 = arith.constant dense<0x7F80> : vector<512xbf16>
    %reduce_min3A_498 = vector.multi_reduction <minimumf>, %min3A_496, %reduce_min3A_497 [1] : vector<512x1024xbf16> to vector<512xbf16>
    %get3A_499 = arith.constant 29 : index
    %get3A_500 = arith.constant 0 : index
    %get3A_501 = vector.load %arg1[%get3A_499, %get3A_500] : memref<64x1024xbf16, #tpu.memory_space<vmem>>, vector<1x1024xbf16>
    %get3A_502 = vector.shape_cast %get3A_501 : vector<1x1024xbf16> to vector<1024xbf16>
    %broadcast_in_dim3A_503 = vector.shape_cast %get3A_502 : vector<1024xbf16> to vector<1x1024xbf16>
    %add3A_504 = vector.broadcast %broadcast_in_dim3A_503 : vector<1x1024xbf16> to vector<512x1024xbf16>
    %add3A_505 = arith.addf %neg3A_6, %add3A_504 : vector<512x1024xbf16>
    %get3A_506 = arith.constant 29 : index
    %get3A_507 = arith.constant 0 : index
    %get3A_508 = vector.load %arg2[%get3A_506, %get3A_507] : memref<64x1024xbf16, #tpu.memory_space<vmem>>, vector<1x1024xbf16>
    %get3A_509 = vector.shape_cast %get3A_508 : vector<1x1024xbf16> to vector<1024xbf16>
    %broadcast_in_dim3A_510 = vector.shape_cast %get3A_509 : vector<1024xbf16> to vector<1x1024xbf16>
    %add3A_511 = vector.broadcast %broadcast_in_dim3A_510 : vector<1x1024xbf16> to vector<512x1024xbf16>
    %add3A_512 = arith.addf %neg3A_9, %add3A_511 : vector<512x1024xbf16>
    %min3A_513 = arith.minimumf %add3A_505, %add3A_512 : vector<512x1024xbf16>
    %reduce_min3A_514 = arith.constant dense<0x7F80> : vector<512xbf16>
    %reduce_min3A_515 = vector.multi_reduction <minimumf>, %min3A_513, %reduce_min3A_514 [1] : vector<512x1024xbf16> to vector<512xbf16>
    %get3A_516 = arith.constant 30 : index
    %get3A_517 = arith.constant 0 : index
    %get3A_518 = vector.load %arg1[%get3A_516, %get3A_517] : memref<64x1024xbf16, #tpu.memory_space<vmem>>, vector<1x1024xbf16>
    %get3A_519 = vector.shape_cast %get3A_518 : vector<1x1024xbf16> to vector<1024xbf16>
    %broadcast_in_dim3A_520 = vector.shape_cast %get3A_519 : vector<1024xbf16> to vector<1x1024xbf16>
    %add3A_521 = vector.broadcast %broadcast_in_dim3A_520 : vector<1x1024xbf16> to vector<512x1024xbf16>
    %add3A_522 = arith.addf %convert_element_type3A, %add3A_521 : vector<512x1024xbf16>
    %get3A_523 = arith.constant 30 : index
    %get3A_524 = arith.constant 0 : index
    %get3A_525 = vector.load %arg2[%get3A_523, %get3A_524] : memref<64x1024xbf16, #tpu.memory_space<vmem>>, vector<1x1024xbf16>
    %get3A_526 = vector.shape_cast %get3A_525 : vector<1x1024xbf16> to vector<1024xbf16>
    %broadcast_in_dim3A_527 = vector.shape_cast %get3A_526 : vector<1024xbf16> to vector<1x1024xbf16>
    %add3A_528 = vector.broadcast %broadcast_in_dim3A_527 : vector<1x1024xbf16> to vector<512x1024xbf16>
    %add3A_529 = arith.addf %convert_element_type3A_4, %add3A_528 : vector<512x1024xbf16>
    %min3A_530 = arith.minimumf %add3A_522, %add3A_529 : vector<512x1024xbf16>
    %reduce_min3A_531 = arith.constant dense<0x7F80> : vector<512xbf16>
    %reduce_min3A_532 = vector.multi_reduction <minimumf>, %min3A_530, %reduce_min3A_531 [1] : vector<512x1024xbf16> to vector<512xbf16>
    %get3A_533 = arith.constant 31 : index
    %get3A_534 = arith.constant 0 : index
    %get3A_535 = vector.load %arg1[%get3A_533, %get3A_534] : memref<64x1024xbf16, #tpu.memory_space<vmem>>, vector<1x1024xbf16>
    %get3A_536 = vector.shape_cast %get3A_535 : vector<1x1024xbf16> to vector<1024xbf16>
    %broadcast_in_dim3A_537 = vector.shape_cast %get3A_536 : vector<1024xbf16> to vector<1x1024xbf16>
    %add3A_538 = vector.broadcast %broadcast_in_dim3A_537 : vector<1x1024xbf16> to vector<512x1024xbf16>
    %add3A_539 = arith.addf %neg3A_6, %add3A_538 : vector<512x1024xbf16>
    %get3A_540 = arith.constant 31 : index
    %get3A_541 = arith.constant 0 : index
    %get3A_542 = vector.load %arg2[%get3A_540, %get3A_541] : memref<64x1024xbf16, #tpu.memory_space<vmem>>, vector<1x1024xbf16>
    %get3A_543 = vector.shape_cast %get3A_542 : vector<1x1024xbf16> to vector<1024xbf16>
    %broadcast_in_dim3A_544 = vector.shape_cast %get3A_543 : vector<1024xbf16> to vector<1x1024xbf16>
    %add3A_545 = vector.broadcast %broadcast_in_dim3A_544 : vector<1x1024xbf16> to vector<512x1024xbf16>
    %add3A_546 = arith.addf %neg3A_9, %add3A_545 : vector<512x1024xbf16>
    %min3A_547 = arith.minimumf %add3A_539, %add3A_546 : vector<512x1024xbf16>
    %reduce_min3A_548 = arith.constant dense<0x7F80> : vector<512xbf16>
    %reduce_min3A_549 = vector.multi_reduction <minimumf>, %min3A_547, %reduce_min3A_548 [1] : vector<512x1024xbf16> to vector<512xbf16>
    %get3A_550 = arith.constant 32 : index
    %get3A_551 = arith.constant 0 : index
    %get3A_552 = vector.load %arg1[%get3A_550, %get3A_551] : memref<64x1024xbf16, #tpu.memory_space<vmem>>, vector<1x1024xbf16>
    %get3A_553 = vector.shape_cast %get3A_552 : vector<1x1024xbf16> to vector<1024xbf16>
    %broadcast_in_dim3A_554 = vector.shape_cast %get3A_553 : vector<1024xbf16> to vector<1x1024xbf16>
    %add3A_555 = vector.broadcast %broadcast_in_dim3A_554 : vector<1x1024xbf16> to vector<512x1024xbf16>
    %add3A_556 = arith.addf %convert_element_type3A, %add3A_555 : vector<512x1024xbf16>
    %get3A_557 = arith.constant 32 : index
    %get3A_558 = arith.constant 0 : index
    %get3A_559 = vector.load %arg2[%get3A_557, %get3A_558] : memref<64x1024xbf16, #tpu.memory_space<vmem>>, vector<1x1024xbf16>
    %get3A_560 = vector.shape_cast %get3A_559 : vector<1x1024xbf16> to vector<1024xbf16>
    %broadcast_in_dim3A_561 = vector.shape_cast %get3A_560 : vector<1024xbf16> to vector<1x1024xbf16>
    %add3A_562 = vector.broadcast %broadcast_in_dim3A_561 : vector<1x1024xbf16> to vector<512x1024xbf16>
    %add3A_563 = arith.addf %convert_element_type3A_4, %add3A_562 : vector<512x1024xbf16>
    %min3A_564 = arith.minimumf %add3A_556, %add3A_563 : vector<512x1024xbf16>
    %reduce_min3A_565 = arith.constant dense<0x7F80> : vector<512xbf16>
    %reduce_min3A_566 = vector.multi_reduction <minimumf>, %min3A_564, %reduce_min3A_565 [1] : vector<512x1024xbf16> to vector<512xbf16>
    %get3A_567 = arith.constant 33 : index
    %get3A_568 = arith.constant 0 : index
    %get3A_569 = vector.load %arg1[%get3A_567, %get3A_568] : memref<64x1024xbf16, #tpu.memory_space<vmem>>, vector<1x1024xbf16>
    %get3A_570 = vector.shape_cast %get3A_569 : vector<1x1024xbf16> to vector<1024xbf16>
    %broadcast_in_dim3A_571 = vector.shape_cast %get3A_570 : vector<1024xbf16> to vector<1x1024xbf16>
    %add3A_572 = vector.broadcast %broadcast_in_dim3A_571 : vector<1x1024xbf16> to vector<512x1024xbf16>
    %add3A_573 = arith.addf %neg3A_6, %add3A_572 : vector<512x1024xbf16>
    %get3A_574 = arith.constant 33 : index
    %get3A_575 = arith.constant 0 : index
    %get3A_576 = vector.load %arg2[%get3A_574, %get3A_575] : memref<64x1024xbf16, #tpu.memory_space<vmem>>, vector<1x1024xbf16>
    %get3A_577 = vector.shape_cast %get3A_576 : vector<1x1024xbf16> to vector<1024xbf16>
    %broadcast_in_dim3A_578 = vector.shape_cast %get3A_577 : vector<1024xbf16> to vector<1x1024xbf16>
    %add3A_579 = vector.broadcast %broadcast_in_dim3A_578 : vector<1x1024xbf16> to vector<512x1024xbf16>
    %add3A_580 = arith.addf %neg3A_9, %add3A_579 : vector<512x1024xbf16>
    %min3A_581 = arith.minimumf %add3A_573, %add3A_580 : vector<512x1024xbf16>
    %reduce_min3A_582 = arith.constant dense<0x7F80> : vector<512xbf16>
    %reduce_min3A_583 = vector.multi_reduction <minimumf>, %min3A_581, %reduce_min3A_582 [1] : vector<512x1024xbf16> to vector<512xbf16>
    %get3A_584 = arith.constant 34 : index
    %get3A_585 = arith.constant 0 : index
    %get3A_586 = vector.load %arg1[%get3A_584, %get3A_585] : memref<64x1024xbf16, #tpu.memory_space<vmem>>, vector<1x1024xbf16>
    %get3A_587 = vector.shape_cast %get3A_586 : vector<1x1024xbf16> to vector<1024xbf16>
    %broadcast_in_dim3A_588 = vector.shape_cast %get3A_587 : vector<1024xbf16> to vector<1x1024xbf16>
    %add3A_589 = vector.broadcast %broadcast_in_dim3A_588 : vector<1x1024xbf16> to vector<512x1024xbf16>
    %add3A_590 = arith.addf %convert_element_type3A, %add3A_589 : vector<512x1024xbf16>
    %get3A_591 = arith.constant 34 : index
    %get3A_592 = arith.constant 0 : index
    %get3A_593 = vector.load %arg2[%get3A_591, %get3A_592] : memref<64x1024xbf16, #tpu.memory_space<vmem>>, vector<1x1024xbf16>
    %get3A_594 = vector.shape_cast %get3A_593 : vector<1x1024xbf16> to vector<1024xbf16>
    %broadcast_in_dim3A_595 = vector.shape_cast %get3A_594 : vector<1024xbf16> to vector<1x1024xbf16>
    %add3A_596 = vector.broadcast %broadcast_in_dim3A_595 : vector<1x1024xbf16> to vector<512x1024xbf16>
    %add3A_597 = arith.addf %convert_element_type3A_4, %add3A_596 : vector<512x1024xbf16>
    %min3A_598 = arith.minimumf %add3A_590, %add3A_597 : vector<512x1024xbf16>
    %reduce_min3A_599 = arith.constant dense<0x7F80> : vector<512xbf16>
    %reduce_min3A_600 = vector.multi_reduction <minimumf>, %min3A_598, %reduce_min3A_599 [1] : vector<512x1024xbf16> to vector<512xbf16>
    %get3A_601 = arith.constant 35 : index
    %get3A_602 = arith.constant 0 : index
    %get3A_603 = vector.load %arg1[%get3A_601, %get3A_602] : memref<64x1024xbf16, #tpu.memory_space<vmem>>, vector<1x1024xbf16>
    %get3A_604 = vector.shape_cast %get3A_603 : vector<1x1024xbf16> to vector<1024xbf16>
    %broadcast_in_dim3A_605 = vector.shape_cast %get3A_604 : vector<1024xbf16> to vector<1x1024xbf16>
    %add3A_606 = vector.broadcast %broadcast_in_dim3A_605 : vector<1x1024xbf16> to vector<512x1024xbf16>
    %add3A_607 = arith.addf %neg3A_6, %add3A_606 : vector<512x1024xbf16>
    %get3A_608 = arith.constant 35 : index
    %get3A_609 = arith.constant 0 : index
    %get3A_610 = vector.load %arg2[%get3A_608, %get3A_609] : memref<64x1024xbf16, #tpu.memory_space<vmem>>, vector<1x1024xbf16>
    %get3A_611 = vector.shape_cast %get3A_610 : vector<1x1024xbf16> to vector<1024xbf16>
    %broadcast_in_dim3A_612 = vector.shape_cast %get3A_611 : vector<1024xbf16> to vector<1x1024xbf16>
    %add3A_613 = vector.broadcast %broadcast_in_dim3A_612 : vector<1x1024xbf16> to vector<512x1024xbf16>
    %add3A_614 = arith.addf %neg3A_9, %add3A_613 : vector<512x1024xbf16>
    %min3A_615 = arith.minimumf %add3A_607, %add3A_614 : vector<512x1024xbf16>
    %reduce_min3A_616 = arith.constant dense<0x7F80> : vector<512xbf16>
    %reduce_min3A_617 = vector.multi_reduction <minimumf>, %min3A_615, %reduce_min3A_616 [1] : vector<512x1024xbf16> to vector<512xbf16>
    %get3A_618 = arith.constant 36 : index
    %get3A_619 = arith.constant 0 : index
    %get3A_620 = vector.load %arg1[%get3A_618, %get3A_619] : memref<64x1024xbf16, #tpu.memory_space<vmem>>, vector<1x1024xbf16>
    %get3A_621 = vector.shape_cast %get3A_620 : vector<1x1024xbf16> to vector<1024xbf16>
    %broadcast_in_dim3A_622 = vector.shape_cast %get3A_621 : vector<1024xbf16> to vector<1x1024xbf16>
    %add3A_623 = vector.broadcast %broadcast_in_dim3A_622 : vector<1x1024xbf16> to vector<512x1024xbf16>
    %add3A_624 = arith.addf %convert_element_type3A, %add3A_623 : vector<512x1024xbf16>
    %get3A_625 = arith.constant 36 : index
    %get3A_626 = arith.constant 0 : index
    %get3A_627 = vector.load %arg2[%get3A_625, %get3A_626] : memref<64x1024xbf16, #tpu.memory_space<vmem>>, vector<1x1024xbf16>
    %get3A_628 = vector.shape_cast %get3A_627 : vector<1x1024xbf16> to vector<1024xbf16>
    %broadcast_in_dim3A_629 = vector.shape_cast %get3A_628 : vector<1024xbf16> to vector<1x1024xbf16>
    %add3A_630 = vector.broadcast %broadcast_in_dim3A_629 : vector<1x1024xbf16> to vector<512x1024xbf16>
    %add3A_631 = arith.addf %convert_element_type3A_4, %add3A_630 : vector<512x1024xbf16>
    %min3A_632 = arith.minimumf %add3A_624, %add3A_631 : vector<512x1024xbf16>
    %reduce_min3A_633 = arith.constant dense<0x7F80> : vector<512xbf16>
    %reduce_min3A_634 = vector.multi_reduction <minimumf>, %min3A_632, %reduce_min3A_633 [1] : vector<512x1024xbf16> to vector<512xbf16>
    %get3A_635 = arith.constant 37 : index
    %get3A_636 = arith.constant 0 : index
    %get3A_637 = vector.load %arg1[%get3A_635, %get3A_636] : memref<64x1024xbf16, #tpu.memory_space<vmem>>, vector<1x1024xbf16>
    %get3A_638 = vector.shape_cast %get3A_637 : vector<1x1024xbf16> to vector<1024xbf16>
    %broadcast_in_dim3A_639 = vector.shape_cast %get3A_638 : vector<1024xbf16> to vector<1x1024xbf16>
    %add3A_640 = vector.broadcast %broadcast_in_dim3A_639 : vector<1x1024xbf16> to vector<512x1024xbf16>
    %add3A_641 = arith.addf %neg3A_6, %add3A_640 : vector<512x1024xbf16>
    %get3A_642 = arith.constant 37 : index
    %get3A_643 = arith.constant 0 : index
    %get3A_644 = vector.load %arg2[%get3A_642, %get3A_643] : memref<64x1024xbf16, #tpu.memory_space<vmem>>, vector<1x1024xbf16>
    %get3A_645 = vector.shape_cast %get3A_644 : vector<1x1024xbf16> to vector<1024xbf16>
    %broadcast_in_dim3A_646 = vector.shape_cast %get3A_645 : vector<1024xbf16> to vector<1x1024xbf16>
    %add3A_647 = vector.broadcast %broadcast_in_dim3A_646 : vector<1x1024xbf16> to vector<512x1024xbf16>
    %add3A_648 = arith.addf %neg3A_9, %add3A_647 : vector<512x1024xbf16>
    %min3A_649 = arith.minimumf %add3A_641, %add3A_648 : vector<512x1024xbf16>
    %reduce_min3A_650 = arith.constant dense<0x7F80> : vector<512xbf16>
    %reduce_min3A_651 = vector.multi_reduction <minimumf>, %min3A_649, %reduce_min3A_650 [1] : vector<512x1024xbf16> to vector<512xbf16>
    %get3A_652 = arith.constant 38 : index
    %get3A_653 = arith.constant 0 : index
    %get3A_654 = vector.load %arg1[%get3A_652, %get3A_653] : memref<64x1024xbf16, #tpu.memory_space<vmem>>, vector<1x1024xbf16>
    %get3A_655 = vector.shape_cast %get3A_654 : vector<1x1024xbf16> to vector<1024xbf16>
    %broadcast_in_dim3A_656 = vector.shape_cast %get3A_655 : vector<1024xbf16> to vector<1x1024xbf16>
    %add3A_657 = vector.broadcast %broadcast_in_dim3A_656 : vector<1x1024xbf16> to vector<512x1024xbf16>
    %add3A_658 = arith.addf %convert_element_type3A, %add3A_657 : vector<512x1024xbf16>
    %get3A_659 = arith.constant 38 : index
    %get3A_660 = arith.constant 0 : index
    %get3A_661 = vector.load %arg2[%get3A_659, %get3A_660] : memref<64x1024xbf16, #tpu.memory_space<vmem>>, vector<1x1024xbf16>
    %get3A_662 = vector.shape_cast %get3A_661 : vector<1x1024xbf16> to vector<1024xbf16>
    %broadcast_in_dim3A_663 = vector.shape_cast %get3A_662 : vector<1024xbf16> to vector<1x1024xbf16>
    %add3A_664 = vector.broadcast %broadcast_in_dim3A_663 : vector<1x1024xbf16> to vector<512x1024xbf16>
    %add3A_665 = arith.addf %convert_element_type3A_4, %add3A_664 : vector<512x1024xbf16>
    %min3A_666 = arith.minimumf %add3A_658, %add3A_665 : vector<512x1024xbf16>
    %reduce_min3A_667 = arith.constant dense<0x7F80> : vector<512xbf16>
    %reduce_min3A_668 = vector.multi_reduction <minimumf>, %min3A_666, %reduce_min3A_667 [1] : vector<512x1024xbf16> to vector<512xbf16>
    %get3A_669 = arith.constant 39 : index
    %get3A_670 = arith.constant 0 : index
    %get3A_671 = vector.load %arg1[%get3A_669, %get3A_670] : memref<64x1024xbf16, #tpu.memory_space<vmem>>, vector<1x1024xbf16>
    %get3A_672 = vector.shape_cast %get3A_671 : vector<1x1024xbf16> to vector<1024xbf16>
    %broadcast_in_dim3A_673 = vector.shape_cast %get3A_672 : vector<1024xbf16> to vector<1x1024xbf16>
    %add3A_674 = vector.broadcast %broadcast_in_dim3A_673 : vector<1x1024xbf16> to vector<512x1024xbf16>
    %add3A_675 = arith.addf %neg3A_6, %add3A_674 : vector<512x1024xbf16>
    %get3A_676 = arith.constant 39 : index
    %get3A_677 = arith.constant 0 : index
    %get3A_678 = vector.load %arg2[%get3A_676, %get3A_677] : memref<64x1024xbf16, #tpu.memory_space<vmem>>, vector<1x1024xbf16>
    %get3A_679 = vector.shape_cast %get3A_678 : vector<1x1024xbf16> to vector<1024xbf16>
    %broadcast_in_dim3A_680 = vector.shape_cast %get3A_679 : vector<1024xbf16> to vector<1x1024xbf16>
    %add3A_681 = vector.broadcast %broadcast_in_dim3A_680 : vector<1x1024xbf16> to vector<512x1024xbf16>
    %add3A_682 = arith.addf %neg3A_9, %add3A_681 : vector<512x1024xbf16>
    %min3A_683 = arith.minimumf %add3A_675, %add3A_682 : vector<512x1024xbf16>
    %reduce_min3A_684 = arith.constant dense<0x7F80> : vector<512xbf16>
    %reduce_min3A_685 = vector.multi_reduction <minimumf>, %min3A_683, %reduce_min3A_684 [1] : vector<512x1024xbf16> to vector<512xbf16>
    %get3A_686 = arith.constant 40 : index
    %get3A_687 = arith.constant 0 : index
    %get3A_688 = vector.load %arg1[%get3A_686, %get3A_687] : memref<64x1024xbf16, #tpu.memory_space<vmem>>, vector<1x1024xbf16>
    %get3A_689 = vector.shape_cast %get3A_688 : vector<1x1024xbf16> to vector<1024xbf16>
    %broadcast_in_dim3A_690 = vector.shape_cast %get3A_689 : vector<1024xbf16> to vector<1x1024xbf16>
    %add3A_691 = vector.broadcast %broadcast_in_dim3A_690 : vector<1x1024xbf16> to vector<512x1024xbf16>
    %add3A_692 = arith.addf %convert_element_type3A, %add3A_691 : vector<512x1024xbf16>
    %get3A_693 = arith.constant 40 : index
    %get3A_694 = arith.constant 0 : index
    %get3A_695 = vector.load %arg2[%get3A_693, %get3A_694] : memref<64x1024xbf16, #tpu.memory_space<vmem>>, vector<1x1024xbf16>
    %get3A_696 = vector.shape_cast %get3A_695 : vector<1x1024xbf16> to vector<1024xbf16>
    %broadcast_in_dim3A_697 = vector.shape_cast %get3A_696 : vector<1024xbf16> to vector<1x1024xbf16>
    %add3A_698 = vector.broadcast %broadcast_in_dim3A_697 : vector<1x1024xbf16> to vector<512x1024xbf16>
    %add3A_699 = arith.addf %convert_element_type3A_4, %add3A_698 : vector<512x1024xbf16>
    %min3A_700 = arith.minimumf %add3A_692, %add3A_699 : vector<512x1024xbf16>
    %reduce_min3A_701 = arith.constant dense<0x7F80> : vector<512xbf16>
    %reduce_min3A_702 = vector.multi_reduction <minimumf>, %min3A_700, %reduce_min3A_701 [1] : vector<512x1024xbf16> to vector<512xbf16>
    %get3A_703 = arith.constant 41 : index
    %get3A_704 = arith.constant 0 : index
    %get3A_705 = vector.load %arg1[%get3A_703, %get3A_704] : memref<64x1024xbf16, #tpu.memory_space<vmem>>, vector<1x1024xbf16>
    %get3A_706 = vector.shape_cast %get3A_705 : vector<1x1024xbf16> to vector<1024xbf16>
    %broadcast_in_dim3A_707 = vector.shape_cast %get3A_706 : vector<1024xbf16> to vector<1x1024xbf16>
    %add3A_708 = vector.broadcast %broadcast_in_dim3A_707 : vector<1x1024xbf16> to vector<512x1024xbf16>
    %add3A_709 = arith.addf %neg3A_6, %add3A_708 : vector<512x1024xbf16>
    %get3A_710 = arith.constant 41 : index
    %get3A_711 = arith.constant 0 : index
    %get3A_712 = vector.load %arg2[%get3A_710, %get3A_711] : memref<64x1024xbf16, #tpu.memory_space<vmem>>, vector<1x1024xbf16>
    %get3A_713 = vector.shape_cast %get3A_712 : vector<1x1024xbf16> to vector<1024xbf16>
    %broadcast_in_dim3A_714 = vector.shape_cast %get3A_713 : vector<1024xbf16> to vector<1x1024xbf16>
    %add3A_715 = vector.broadcast %broadcast_in_dim3A_714 : vector<1x1024xbf16> to vector<512x1024xbf16>
    %add3A_716 = arith.addf %neg3A_9, %add3A_715 : vector<512x1024xbf16>
    %min3A_717 = arith.minimumf %add3A_709, %add3A_716 : vector<512x1024xbf16>
    %reduce_min3A_718 = arith.constant dense<0x7F80> : vector<512xbf16>
    %reduce_min3A_719 = vector.multi_reduction <minimumf>, %min3A_717, %reduce_min3A_718 [1] : vector<512x1024xbf16> to vector<512xbf16>
    %get3A_720 = arith.constant 42 : index
    %get3A_721 = arith.constant 0 : index
    %get3A_722 = vector.load %arg1[%get3A_720, %get3A_721] : memref<64x1024xbf16, #tpu.memory_space<vmem>>, vector<1x1024xbf16>
    %get3A_723 = vector.shape_cast %get3A_722 : vector<1x1024xbf16> to vector<1024xbf16>
    %broadcast_in_dim3A_724 = vector.shape_cast %get3A_723 : vector<1024xbf16> to vector<1x1024xbf16>
    %add3A_725 = vector.broadcast %broadcast_in_dim3A_724 : vector<1x1024xbf16> to vector<512x1024xbf16>
    %add3A_726 = arith.addf %convert_element_type3A, %add3A_725 : vector<512x1024xbf16>
    %get3A_727 = arith.constant 42 : index
    %get3A_728 = arith.constant 0 : index
    %get3A_729 = vector.load %arg2[%get3A_727, %get3A_728] : memref<64x1024xbf16, #tpu.memory_space<vmem>>, vector<1x1024xbf16>
    %get3A_730 = vector.shape_cast %get3A_729 : vector<1x1024xbf16> to vector<1024xbf16>
    %broadcast_in_dim3A_731 = vector.shape_cast %get3A_730 : vector<1024xbf16> to vector<1x1024xbf16>
    %add3A_732 = vector.broadcast %broadcast_in_dim3A_731 : vector<1x1024xbf16> to vector<512x1024xbf16>
    %add3A_733 = arith.addf %convert_element_type3A_4, %add3A_732 : vector<512x1024xbf16>
    %min3A_734 = arith.minimumf %add3A_726, %add3A_733 : vector<512x1024xbf16>
    %reduce_min3A_735 = arith.constant dense<0x7F80> : vector<512xbf16>
    %reduce_min3A_736 = vector.multi_reduction <minimumf>, %min3A_734, %reduce_min3A_735 [1] : vector<512x1024xbf16> to vector<512xbf16>
    %get3A_737 = arith.constant 43 : index
    %get3A_738 = arith.constant 0 : index
    %get3A_739 = vector.load %arg1[%get3A_737, %get3A_738] : memref<64x1024xbf16, #tpu.memory_space<vmem>>, vector<1x1024xbf16>
    %get3A_740 = vector.shape_cast %get3A_739 : vector<1x1024xbf16> to vector<1024xbf16>
    %broadcast_in_dim3A_741 = vector.shape_cast %get3A_740 : vector<1024xbf16> to vector<1x1024xbf16>
    %add3A_742 = vector.broadcast %broadcast_in_dim3A_741 : vector<1x1024xbf16> to vector<512x1024xbf16>
    %add3A_743 = arith.addf %neg3A_6, %add3A_742 : vector<512x1024xbf16>
    %get3A_744 = arith.constant 43 : index
    %get3A_745 = arith.constant 0 : index
    %get3A_746 = vector.load %arg2[%get3A_744, %get3A_745] : memref<64x1024xbf16, #tpu.memory_space<vmem>>, vector<1x1024xbf16>
    %get3A_747 = vector.shape_cast %get3A_746 : vector<1x1024xbf16> to vector<1024xbf16>
    %broadcast_in_dim3A_748 = vector.shape_cast %get3A_747 : vector<1024xbf16> to vector<1x1024xbf16>
    %add3A_749 = vector.broadcast %broadcast_in_dim3A_748 : vector<1x1024xbf16> to vector<512x1024xbf16>
    %add3A_750 = arith.addf %neg3A_9, %add3A_749 : vector<512x1024xbf16>
    %min3A_751 = arith.minimumf %add3A_743, %add3A_750 : vector<512x1024xbf16>
    %reduce_min3A_752 = arith.constant dense<0x7F80> : vector<512xbf16>
    %reduce_min3A_753 = vector.multi_reduction <minimumf>, %min3A_751, %reduce_min3A_752 [1] : vector<512x1024xbf16> to vector<512xbf16>
    %get3A_754 = arith.constant 44 : index
    %get3A_755 = arith.constant 0 : index
    %get3A_756 = vector.load %arg1[%get3A_754, %get3A_755] : memref<64x1024xbf16, #tpu.memory_space<vmem>>, vector<1x1024xbf16>
    %get3A_757 = vector.shape_cast %get3A_756 : vector<1x1024xbf16> to vector<1024xbf16>
    %broadcast_in_dim3A_758 = vector.shape_cast %get3A_757 : vector<1024xbf16> to vector<1x1024xbf16>
    %add3A_759 = vector.broadcast %broadcast_in_dim3A_758 : vector<1x1024xbf16> to vector<512x1024xbf16>
    %add3A_760 = arith.addf %convert_element_type3A, %add3A_759 : vector<512x1024xbf16>
    %get3A_761 = arith.constant 44 : index
    %get3A_762 = arith.constant 0 : index
    %get3A_763 = vector.load %arg2[%get3A_761, %get3A_762] : memref<64x1024xbf16, #tpu.memory_space<vmem>>, vector<1x1024xbf16>
    %get3A_764 = vector.shape_cast %get3A_763 : vector<1x1024xbf16> to vector<1024xbf16>
    %broadcast_in_dim3A_765 = vector.shape_cast %get3A_764 : vector<1024xbf16> to vector<1x1024xbf16>
    %add3A_766 = vector.broadcast %broadcast_in_dim3A_765 : vector<1x1024xbf16> to vector<512x1024xbf16>
    %add3A_767 = arith.addf %convert_element_type3A_4, %add3A_766 : vector<512x1024xbf16>
    %min3A_768 = arith.minimumf %add3A_760, %add3A_767 : vector<512x1024xbf16>
    %reduce_min3A_769 = arith.constant dense<0x7F80> : vector<512xbf16>
    %reduce_min3A_770 = vector.multi_reduction <minimumf>, %min3A_768, %reduce_min3A_769 [1] : vector<512x1024xbf16> to vector<512xbf16>
    %get3A_771 = arith.constant 45 : index
    %get3A_772 = arith.constant 0 : index
    %get3A_773 = vector.load %arg1[%get3A_771, %get3A_772] : memref<64x1024xbf16, #tpu.memory_space<vmem>>, vector<1x1024xbf16>
    %get3A_774 = vector.shape_cast %get3A_773 : vector<1x1024xbf16> to vector<1024xbf16>
    %broadcast_in_dim3A_775 = vector.shape_cast %get3A_774 : vector<1024xbf16> to vector<1x1024xbf16>
    %add3A_776 = vector.broadcast %broadcast_in_dim3A_775 : vector<1x1024xbf16> to vector<512x1024xbf16>
    %add3A_777 = arith.addf %neg3A_6, %add3A_776 : vector<512x1024xbf16>
    %get3A_778 = arith.constant 45 : index
    %get3A_779 = arith.constant 0 : index
    %get3A_780 = vector.load %arg2[%get3A_778, %get3A_779] : memref<64x1024xbf16, #tpu.memory_space<vmem>>, vector<1x1024xbf16>
    %get3A_781 = vector.shape_cast %get3A_780 : vector<1x1024xbf16> to vector<1024xbf16>
    %broadcast_in_dim3A_782 = vector.shape_cast %get3A_781 : vector<1024xbf16> to vector<1x1024xbf16>
    %add3A_783 = vector.broadcast %broadcast_in_dim3A_782 : vector<1x1024xbf16> to vector<512x1024xbf16>
    %add3A_784 = arith.addf %neg3A_9, %add3A_783 : vector<512x1024xbf16>
    %min3A_785 = arith.minimumf %add3A_777, %add3A_784 : vector<512x1024xbf16>
    %reduce_min3A_786 = arith.constant dense<0x7F80> : vector<512xbf16>
    %reduce_min3A_787 = vector.multi_reduction <minimumf>, %min3A_785, %reduce_min3A_786 [1] : vector<512x1024xbf16> to vector<512xbf16>
    %get3A_788 = arith.constant 46 : index
    %get3A_789 = arith.constant 0 : index
    %get3A_790 = vector.load %arg1[%get3A_788, %get3A_789] : memref<64x1024xbf16, #tpu.memory_space<vmem>>, vector<1x1024xbf16>
    %get3A_791 = vector.shape_cast %get3A_790 : vector<1x1024xbf16> to vector<1024xbf16>
    %broadcast_in_dim3A_792 = vector.shape_cast %get3A_791 : vector<1024xbf16> to vector<1x1024xbf16>
    %add3A_793 = vector.broadcast %broadcast_in_dim3A_792 : vector<1x1024xbf16> to vector<512x1024xbf16>
    %add3A_794 = arith.addf %convert_element_type3A, %add3A_793 : vector<512x1024xbf16>
    %get3A_795 = arith.constant 46 : index
    %get3A_796 = arith.constant 0 : index
    %get3A_797 = vector.load %arg2[%get3A_795, %get3A_796] : memref<64x1024xbf16, #tpu.memory_space<vmem>>, vector<1x1024xbf16>
    %get3A_798 = vector.shape_cast %get3A_797 : vector<1x1024xbf16> to vector<1024xbf16>
    %broadcast_in_dim3A_799 = vector.shape_cast %get3A_798 : vector<1024xbf16> to vector<1x1024xbf16>
    %add3A_800 = vector.broadcast %broadcast_in_dim3A_799 : vector<1x1024xbf16> to vector<512x1024xbf16>
    %add3A_801 = arith.addf %convert_element_type3A_4, %add3A_800 : vector<512x1024xbf16>
    %min3A_802 = arith.minimumf %add3A_794, %add3A_801 : vector<512x1024xbf16>
    %reduce_min3A_803 = arith.constant dense<0x7F80> : vector<512xbf16>
    %reduce_min3A_804 = vector.multi_reduction <minimumf>, %min3A_802, %reduce_min3A_803 [1] : vector<512x1024xbf16> to vector<512xbf16>
    %get3A_805 = arith.constant 47 : index
    %get3A_806 = arith.constant 0 : index
    %get3A_807 = vector.load %arg1[%get3A_805, %get3A_806] : memref<64x1024xbf16, #tpu.memory_space<vmem>>, vector<1x1024xbf16>
    %get3A_808 = vector.shape_cast %get3A_807 : vector<1x1024xbf16> to vector<1024xbf16>
    %broadcast_in_dim3A_809 = vector.shape_cast %get3A_808 : vector<1024xbf16> to vector<1x1024xbf16>
    %add3A_810 = vector.broadcast %broadcast_in_dim3A_809 : vector<1x1024xbf16> to vector<512x1024xbf16>
    %add3A_811 = arith.addf %neg3A_6, %add3A_810 : vector<512x1024xbf16>
    %get3A_812 = arith.constant 47 : index
    %get3A_813 = arith.constant 0 : index
    %get3A_814 = vector.load %arg2[%get3A_812, %get3A_813] : memref<64x1024xbf16, #tpu.memory_space<vmem>>, vector<1x1024xbf16>
    %get3A_815 = vector.shape_cast %get3A_814 : vector<1x1024xbf16> to vector<1024xbf16>
    %broadcast_in_dim3A_816 = vector.shape_cast %get3A_815 : vector<1024xbf16> to vector<1x1024xbf16>
    %add3A_817 = vector.broadcast %broadcast_in_dim3A_816 : vector<1x1024xbf16> to vector<512x1024xbf16>
    %add3A_818 = arith.addf %neg3A_9, %add3A_817 : vector<512x1024xbf16>
    %min3A_819 = arith.minimumf %add3A_811, %add3A_818 : vector<512x1024xbf16>
    %reduce_min3A_820 = arith.constant dense<0x7F80> : vector<512xbf16>
    %reduce_min3A_821 = vector.multi_reduction <minimumf>, %min3A_819, %reduce_min3A_820 [1] : vector<512x1024xbf16> to vector<512xbf16>
    %get3A_822 = arith.constant 48 : index
    %get3A_823 = arith.constant 0 : index
    %get3A_824 = vector.load %arg1[%get3A_822, %get3A_823] : memref<64x1024xbf16, #tpu.memory_space<vmem>>, vector<1x1024xbf16>
    %get3A_825 = vector.shape_cast %get3A_824 : vector<1x1024xbf16> to vector<1024xbf16>
    %broadcast_in_dim3A_826 = vector.shape_cast %get3A_825 : vector<1024xbf16> to vector<1x1024xbf16>
    %add3A_827 = vector.broadcast %broadcast_in_dim3A_826 : vector<1x1024xbf16> to vector<512x1024xbf16>
    %add3A_828 = arith.addf %convert_element_type3A, %add3A_827 : vector<512x1024xbf16>
    %get3A_829 = arith.constant 48 : index
    %get3A_830 = arith.constant 0 : index
    %get3A_831 = vector.load %arg2[%get3A_829, %get3A_830] : memref<64x1024xbf16, #tpu.memory_space<vmem>>, vector<1x1024xbf16>
    %get3A_832 = vector.shape_cast %get3A_831 : vector<1x1024xbf16> to vector<1024xbf16>
    %broadcast_in_dim3A_833 = vector.shape_cast %get3A_832 : vector<1024xbf16> to vector<1x1024xbf16>
    %add3A_834 = vector.broadcast %broadcast_in_dim3A_833 : vector<1x1024xbf16> to vector<512x1024xbf16>
    %add3A_835 = arith.addf %convert_element_type3A_4, %add3A_834 : vector<512x1024xbf16>
    %min3A_836 = arith.minimumf %add3A_828, %add3A_835 : vector<512x1024xbf16>
    %reduce_min3A_837 = arith.constant dense<0x7F80> : vector<512xbf16>
    %reduce_min3A_838 = vector.multi_reduction <minimumf>, %min3A_836, %reduce_min3A_837 [1] : vector<512x1024xbf16> to vector<512xbf16>
    %get3A_839 = arith.constant 49 : index
    %get3A_840 = arith.constant 0 : index
    %get3A_841 = vector.load %arg1[%get3A_839, %get3A_840] : memref<64x1024xbf16, #tpu.memory_space<vmem>>, vector<1x1024xbf16>
    %get3A_842 = vector.shape_cast %get3A_841 : vector<1x1024xbf16> to vector<1024xbf16>
    %broadcast_in_dim3A_843 = vector.shape_cast %get3A_842 : vector<1024xbf16> to vector<1x1024xbf16>
    %add3A_844 = vector.broadcast %broadcast_in_dim3A_843 : vector<1x1024xbf16> to vector<512x1024xbf16>
    %add3A_845 = arith.addf %neg3A_6, %add3A_844 : vector<512x1024xbf16>
    %get3A_846 = arith.constant 49 : index
    %get3A_847 = arith.constant 0 : index
    %get3A_848 = vector.load %arg2[%get3A_846, %get3A_847] : memref<64x1024xbf16, #tpu.memory_space<vmem>>, vector<1x1024xbf16>
    %get3A_849 = vector.shape_cast %get3A_848 : vector<1x1024xbf16> to vector<1024xbf16>
    %broadcast_in_dim3A_850 = vector.shape_cast %get3A_849 : vector<1024xbf16> to vector<1x1024xbf16>
    %add3A_851 = vector.broadcast %broadcast_in_dim3A_850 : vector<1x1024xbf16> to vector<512x1024xbf16>
    %add3A_852 = arith.addf %neg3A_9, %add3A_851 : vector<512x1024xbf16>
    %min3A_853 = arith.minimumf %add3A_845, %add3A_852 : vector<512x1024xbf16>
    %reduce_min3A_854 = arith.constant dense<0x7F80> : vector<512xbf16>
    %reduce_min3A_855 = vector.multi_reduction <minimumf>, %min3A_853, %reduce_min3A_854 [1] : vector<512x1024xbf16> to vector<512xbf16>
    %get3A_856 = arith.constant 50 : index
    %get3A_857 = arith.constant 0 : index
    %get3A_858 = vector.load %arg1[%get3A_856, %get3A_857] : memref<64x1024xbf16, #tpu.memory_space<vmem>>, vector<1x1024xbf16>
    %get3A_859 = vector.shape_cast %get3A_858 : vector<1x1024xbf16> to vector<1024xbf16>
    %broadcast_in_dim3A_860 = vector.shape_cast %get3A_859 : vector<1024xbf16> to vector<1x1024xbf16>
    %add3A_861 = vector.broadcast %broadcast_in_dim3A_860 : vector<1x1024xbf16> to vector<512x1024xbf16>
    %add3A_862 = arith.addf %convert_element_type3A, %add3A_861 : vector<512x1024xbf16>
    %get3A_863 = arith.constant 50 : index
    %get3A_864 = arith.constant 0 : index
    %get3A_865 = vector.load %arg2[%get3A_863, %get3A_864] : memref<64x1024xbf16, #tpu.memory_space<vmem>>, vector<1x1024xbf16>
    %get3A_866 = vector.shape_cast %get3A_865 : vector<1x1024xbf16> to vector<1024xbf16>
    %broadcast_in_dim3A_867 = vector.shape_cast %get3A_866 : vector<1024xbf16> to vector<1x1024xbf16>
    %add3A_868 = vector.broadcast %broadcast_in_dim3A_867 : vector<1x1024xbf16> to vector<512x1024xbf16>
    %add3A_869 = arith.addf %convert_element_type3A_4, %add3A_868 : vector<512x1024xbf16>
    %min3A_870 = arith.minimumf %add3A_862, %add3A_869 : vector<512x1024xbf16>
    %reduce_min3A_871 = arith.constant dense<0x7F80> : vector<512xbf16>
    %reduce_min3A_872 = vector.multi_reduction <minimumf>, %min3A_870, %reduce_min3A_871 [1] : vector<512x1024xbf16> to vector<512xbf16>
    %get3A_873 = arith.constant 51 : index
    %get3A_874 = arith.constant 0 : index
    %get3A_875 = vector.load %arg1[%get3A_873, %get3A_874] : memref<64x1024xbf16, #tpu.memory_space<vmem>>, vector<1x1024xbf16>
    %get3A_876 = vector.shape_cast %get3A_875 : vector<1x1024xbf16> to vector<1024xbf16>
    %broadcast_in_dim3A_877 = vector.shape_cast %get3A_876 : vector<1024xbf16> to vector<1x1024xbf16>
    %add3A_878 = vector.broadcast %broadcast_in_dim3A_877 : vector<1x1024xbf16> to vector<512x1024xbf16>
    %add3A_879 = arith.addf %neg3A_6, %add3A_878 : vector<512x1024xbf16>
    %get3A_880 = arith.constant 51 : index
    %get3A_881 = arith.constant 0 : index
    %get3A_882 = vector.load %arg2[%get3A_880, %get3A_881] : memref<64x1024xbf16, #tpu.memory_space<vmem>>, vector<1x1024xbf16>
    %get3A_883 = vector.shape_cast %get3A_882 : vector<1x1024xbf16> to vector<1024xbf16>
    %broadcast_in_dim3A_884 = vector.shape_cast %get3A_883 : vector<1024xbf16> to vector<1x1024xbf16>
    %add3A_885 = vector.broadcast %broadcast_in_dim3A_884 : vector<1x1024xbf16> to vector<512x1024xbf16>
    %add3A_886 = arith.addf %neg3A_9, %add3A_885 : vector<512x1024xbf16>
    %min3A_887 = arith.minimumf %add3A_879, %add3A_886 : vector<512x1024xbf16>
    %reduce_min3A_888 = arith.constant dense<0x7F80> : vector<512xbf16>
    %reduce_min3A_889 = vector.multi_reduction <minimumf>, %min3A_887, %reduce_min3A_888 [1] : vector<512x1024xbf16> to vector<512xbf16>
    %get3A_890 = arith.constant 52 : index
    %get3A_891 = arith.constant 0 : index
    %get3A_892 = vector.load %arg1[%get3A_890, %get3A_891] : memref<64x1024xbf16, #tpu.memory_space<vmem>>, vector<1x1024xbf16>
    %get3A_893 = vector.shape_cast %get3A_892 : vector<1x1024xbf16> to vector<1024xbf16>
    %broadcast_in_dim3A_894 = vector.shape_cast %get3A_893 : vector<1024xbf16> to vector<1x1024xbf16>
    %add3A_895 = vector.broadcast %broadcast_in_dim3A_894 : vector<1x1024xbf16> to vector<512x1024xbf16>
    %add3A_896 = arith.addf %convert_element_type3A, %add3A_895 : vector<512x1024xbf16>
    %get3A_897 = arith.constant 52 : index
    %get3A_898 = arith.constant 0 : index
    %get3A_899 = vector.load %arg2[%get3A_897, %get3A_898] : memref<64x1024xbf16, #tpu.memory_space<vmem>>, vector<1x1024xbf16>
    %get3A_900 = vector.shape_cast %get3A_899 : vector<1x1024xbf16> to vector<1024xbf16>
    %broadcast_in_dim3A_901 = vector.shape_cast %get3A_900 : vector<1024xbf16> to vector<1x1024xbf16>
    %add3A_902 = vector.broadcast %broadcast_in_dim3A_901 : vector<1x1024xbf16> to vector<512x1024xbf16>
    %add3A_903 = arith.addf %convert_element_type3A_4, %add3A_902 : vector<512x1024xbf16>
    %min3A_904 = arith.minimumf %add3A_896, %add3A_903 : vector<512x1024xbf16>
    %reduce_min3A_905 = arith.constant dense<0x7F80> : vector<512xbf16>
    %reduce_min3A_906 = vector.multi_reduction <minimumf>, %min3A_904, %reduce_min3A_905 [1] : vector<512x1024xbf16> to vector<512xbf16>
    %get3A_907 = arith.constant 53 : index
    %get3A_908 = arith.constant 0 : index
    %get3A_909 = vector.load %arg1[%get3A_907, %get3A_908] : memref<64x1024xbf16, #tpu.memory_space<vmem>>, vector<1x1024xbf16>
    %get3A_910 = vector.shape_cast %get3A_909 : vector<1x1024xbf16> to vector<1024xbf16>
    %broadcast_in_dim3A_911 = vector.shape_cast %get3A_910 : vector<1024xbf16> to vector<1x1024xbf16>
    %add3A_912 = vector.broadcast %broadcast_in_dim3A_911 : vector<1x1024xbf16> to vector<512x1024xbf16>
    %add3A_913 = arith.addf %neg3A_6, %add3A_912 : vector<512x1024xbf16>
    %get3A_914 = arith.constant 53 : index
    %get3A_915 = arith.constant 0 : index
    %get3A_916 = vector.load %arg2[%get3A_914, %get3A_915] : memref<64x1024xbf16, #tpu.memory_space<vmem>>, vector<1x1024xbf16>
    %get3A_917 = vector.shape_cast %get3A_916 : vector<1x1024xbf16> to vector<1024xbf16>
    %broadcast_in_dim3A_918 = vector.shape_cast %get3A_917 : vector<1024xbf16> to vector<1x1024xbf16>
    %add3A_919 = vector.broadcast %broadcast_in_dim3A_918 : vector<1x1024xbf16> to vector<512x1024xbf16>
    %add3A_920 = arith.addf %neg3A_9, %add3A_919 : vector<512x1024xbf16>
    %min3A_921 = arith.minimumf %add3A_913, %add3A_920 : vector<512x1024xbf16>
    %reduce_min3A_922 = arith.constant dense<0x7F80> : vector<512xbf16>
    %reduce_min3A_923 = vector.multi_reduction <minimumf>, %min3A_921, %reduce_min3A_922 [1] : vector<512x1024xbf16> to vector<512xbf16>
    %get3A_924 = arith.constant 54 : index
    %get3A_925 = arith.constant 0 : index
    %get3A_926 = vector.load %arg1[%get3A_924, %get3A_925] : memref<64x1024xbf16, #tpu.memory_space<vmem>>, vector<1x1024xbf16>
    %get3A_927 = vector.shape_cast %get3A_926 : vector<1x1024xbf16> to vector<1024xbf16>
    %broadcast_in_dim3A_928 = vector.shape_cast %get3A_927 : vector<1024xbf16> to vector<1x1024xbf16>
    %add3A_929 = vector.broadcast %broadcast_in_dim3A_928 : vector<1x1024xbf16> to vector<512x1024xbf16>
    %add3A_930 = arith.addf %convert_element_type3A, %add3A_929 : vector<512x1024xbf16>
    %get3A_931 = arith.constant 54 : index
    %get3A_932 = arith.constant 0 : index
    %get3A_933 = vector.load %arg2[%get3A_931, %get3A_932] : memref<64x1024xbf16, #tpu.memory_space<vmem>>, vector<1x1024xbf16>
    %get3A_934 = vector.shape_cast %get3A_933 : vector<1x1024xbf16> to vector<1024xbf16>
    %broadcast_in_dim3A_935 = vector.shape_cast %get3A_934 : vector<1024xbf16> to vector<1x1024xbf16>
    %add3A_936 = vector.broadcast %broadcast_in_dim3A_935 : vector<1x1024xbf16> to vector<512x1024xbf16>
    %add3A_937 = arith.addf %convert_element_type3A_4, %add3A_936 : vector<512x1024xbf16>
    %min3A_938 = arith.minimumf %add3A_930, %add3A_937 : vector<512x1024xbf16>
    %reduce_min3A_939 = arith.constant dense<0x7F80> : vector<512xbf16>
    %reduce_min3A_940 = vector.multi_reduction <minimumf>, %min3A_938, %reduce_min3A_939 [1] : vector<512x1024xbf16> to vector<512xbf16>
    %get3A_941 = arith.constant 55 : index
    %get3A_942 = arith.constant 0 : index
    %get3A_943 = vector.load %arg1[%get3A_941, %get3A_942] : memref<64x1024xbf16, #tpu.memory_space<vmem>>, vector<1x1024xbf16>
    %get3A_944 = vector.shape_cast %get3A_943 : vector<1x1024xbf16> to vector<1024xbf16>
    %broadcast_in_dim3A_945 = vector.shape_cast %get3A_944 : vector<1024xbf16> to vector<1x1024xbf16>
    %add3A_946 = vector.broadcast %broadcast_in_dim3A_945 : vector<1x1024xbf16> to vector<512x1024xbf16>
    %add3A_947 = arith.addf %neg3A_6, %add3A_946 : vector<512x1024xbf16>
    %get3A_948 = arith.constant 55 : index
    %get3A_949 = arith.constant 0 : index
    %get3A_950 = vector.load %arg2[%get3A_948, %get3A_949] : memref<64x1024xbf16, #tpu.memory_space<vmem>>, vector<1x1024xbf16>
    %get3A_951 = vector.shape_cast %get3A_950 : vector<1x1024xbf16> to vector<1024xbf16>
    %broadcast_in_dim3A_952 = vector.shape_cast %get3A_951 : vector<1024xbf16> to vector<1x1024xbf16>
    %add3A_953 = vector.broadcast %broadcast_in_dim3A_952 : vector<1x1024xbf16> to vector<512x1024xbf16>
    %add3A_954 = arith.addf %neg3A_9, %add3A_953 : vector<512x1024xbf16>
    %min3A_955 = arith.minimumf %add3A_947, %add3A_954 : vector<512x1024xbf16>
    %reduce_min3A_956 = arith.constant dense<0x7F80> : vector<512xbf16>
    %reduce_min3A_957 = vector.multi_reduction <minimumf>, %min3A_955, %reduce_min3A_956 [1] : vector<512x1024xbf16> to vector<512xbf16>
    %get3A_958 = arith.constant 56 : index
    %get3A_959 = arith.constant 0 : index
    %get3A_960 = vector.load %arg1[%get3A_958, %get3A_959] : memref<64x1024xbf16, #tpu.memory_space<vmem>>, vector<1x1024xbf16>
    %get3A_961 = vector.shape_cast %get3A_960 : vector<1x1024xbf16> to vector<1024xbf16>
    %broadcast_in_dim3A_962 = vector.shape_cast %get3A_961 : vector<1024xbf16> to vector<1x1024xbf16>
    %add3A_963 = vector.broadcast %broadcast_in_dim3A_962 : vector<1x1024xbf16> to vector<512x1024xbf16>
    %add3A_964 = arith.addf %convert_element_type3A, %add3A_963 : vector<512x1024xbf16>
    %get3A_965 = arith.constant 56 : index
    %get3A_966 = arith.constant 0 : index
    %get3A_967 = vector.load %arg2[%get3A_965, %get3A_966] : memref<64x1024xbf16, #tpu.memory_space<vmem>>, vector<1x1024xbf16>
    %get3A_968 = vector.shape_cast %get3A_967 : vector<1x1024xbf16> to vector<1024xbf16>
    %broadcast_in_dim3A_969 = vector.shape_cast %get3A_968 : vector<1024xbf16> to vector<1x1024xbf16>
    %add3A_970 = vector.broadcast %broadcast_in_dim3A_969 : vector<1x1024xbf16> to vector<512x1024xbf16>
    %add3A_971 = arith.addf %convert_element_type3A_4, %add3A_970 : vector<512x1024xbf16>
    %min3A_972 = arith.minimumf %add3A_964, %add3A_971 : vector<512x1024xbf16>
    %reduce_min3A_973 = arith.constant dense<0x7F80> : vector<512xbf16>
    %reduce_min3A_974 = vector.multi_reduction <minimumf>, %min3A_972, %reduce_min3A_973 [1] : vector<512x1024xbf16> to vector<512xbf16>
    %get3A_975 = arith.constant 57 : index
    %get3A_976 = arith.constant 0 : index
    %get3A_977 = vector.load %arg1[%get3A_975, %get3A_976] : memref<64x1024xbf16, #tpu.memory_space<vmem>>, vector<1x1024xbf16>
    %get3A_978 = vector.shape_cast %get3A_977 : vector<1x1024xbf16> to vector<1024xbf16>
    %broadcast_in_dim3A_979 = vector.shape_cast %get3A_978 : vector<1024xbf16> to vector<1x1024xbf16>
    %add3A_980 = vector.broadcast %broadcast_in_dim3A_979 : vector<1x1024xbf16> to vector<512x1024xbf16>
    %add3A_981 = arith.addf %neg3A_6, %add3A_980 : vector<512x1024xbf16>
    %get3A_982 = arith.constant 57 : index
    %get3A_983 = arith.constant 0 : index
    %get3A_984 = vector.load %arg2[%get3A_982, %get3A_983] : memref<64x1024xbf16, #tpu.memory_space<vmem>>, vector<1x1024xbf16>
    %get3A_985 = vector.shape_cast %get3A_984 : vector<1x1024xbf16> to vector<1024xbf16>
    %broadcast_in_dim3A_986 = vector.shape_cast %get3A_985 : vector<1024xbf16> to vector<1x1024xbf16>
    %add3A_987 = vector.broadcast %broadcast_in_dim3A_986 : vector<1x1024xbf16> to vector<512x1024xbf16>
    %add3A_988 = arith.addf %neg3A_9, %add3A_987 : vector<512x1024xbf16>
    %min3A_989 = arith.minimumf %add3A_981, %add3A_988 : vector<512x1024xbf16>
    %reduce_min3A_990 = arith.constant dense<0x7F80> : vector<512xbf16>
    %reduce_min3A_991 = vector.multi_reduction <minimumf>, %min3A_989, %reduce_min3A_990 [1] : vector<512x1024xbf16> to vector<512xbf16>
    %get3A_992 = arith.constant 58 : index
    %get3A_993 = arith.constant 0 : index
    %get3A_994 = vector.load %arg1[%get3A_992, %get3A_993] : memref<64x1024xbf16, #tpu.memory_space<vmem>>, vector<1x1024xbf16>
    %get3A_995 = vector.shape_cast %get3A_994 : vector<1x1024xbf16> to vector<1024xbf16>
    %broadcast_in_dim3A_996 = vector.shape_cast %get3A_995 : vector<1024xbf16> to vector<1x1024xbf16>
    %add3A_997 = vector.broadcast %broadcast_in_dim3A_996 : vector<1x1024xbf16> to vector<512x1024xbf16>
    %add3A_998 = arith.addf %convert_element_type3A, %add3A_997 : vector<512x1024xbf16>
    %get3A_999 = arith.constant 58 : index
    %get3A_1000 = arith.constant 0 : index
    %get3A_1001 = vector.load %arg2[%get3A_999, %get3A_1000] : memref<64x1024xbf16, #tpu.memory_space<vmem>>, vector<1x1024xbf16>
    %get3A_1002 = vector.shape_cast %get3A_1001 : vector<1x1024xbf16> to vector<1024xbf16>
    %broadcast_in_dim3A_1003 = vector.shape_cast %get3A_1002 : vector<1024xbf16> to vector<1x1024xbf16>
    %add3A_1004 = vector.broadcast %broadcast_in_dim3A_1003 : vector<1x1024xbf16> to vector<512x1024xbf16>
    %add3A_1005 = arith.addf %convert_element_type3A_4, %add3A_1004 : vector<512x1024xbf16>
    %min3A_1006 = arith.minimumf %add3A_998, %add3A_1005 : vector<512x1024xbf16>
    %reduce_min3A_1007 = arith.constant dense<0x7F80> : vector<512xbf16>
    %reduce_min3A_1008 = vector.multi_reduction <minimumf>, %min3A_1006, %reduce_min3A_1007 [1] : vector<512x1024xbf16> to vector<512xbf16>
    %get3A_1009 = arith.constant 59 : index
    %get3A_1010 = arith.constant 0 : index
    %get3A_1011 = vector.load %arg1[%get3A_1009, %get3A_1010] : memref<64x1024xbf16, #tpu.memory_space<vmem>>, vector<1x1024xbf16>
    %get3A_1012 = vector.shape_cast %get3A_1011 : vector<1x1024xbf16> to vector<1024xbf16>
    %broadcast_in_dim3A_1013 = vector.shape_cast %get3A_1012 : vector<1024xbf16> to vector<1x1024xbf16>
    %add3A_1014 = vector.broadcast %broadcast_in_dim3A_1013 : vector<1x1024xbf16> to vector<512x1024xbf16>
    %add3A_1015 = arith.addf %neg3A_6, %add3A_1014 : vector<512x1024xbf16>
    %get3A_1016 = arith.constant 59 : index
    %get3A_1017 = arith.constant 0 : index
    %get3A_1018 = vector.load %arg2[%get3A_1016, %get3A_1017] : memref<64x1024xbf16, #tpu.memory_space<vmem>>, vector<1x1024xbf16>
    %get3A_1019 = vector.shape_cast %get3A_1018 : vector<1x1024xbf16> to vector<1024xbf16>
    %broadcast_in_dim3A_1020 = vector.shape_cast %get3A_1019 : vector<1024xbf16> to vector<1x1024xbf16>
    %add3A_1021 = vector.broadcast %broadcast_in_dim3A_1020 : vector<1x1024xbf16> to vector<512x1024xbf16>
    %add3A_1022 = arith.addf %neg3A_9, %add3A_1021 : vector<512x1024xbf16>
    %min3A_1023 = arith.minimumf %add3A_1015, %add3A_1022 : vector<512x1024xbf16>
    %reduce_min3A_1024 = arith.constant dense<0x7F80> : vector<512xbf16>
    %reduce_min3A_1025 = vector.multi_reduction <minimumf>, %min3A_1023, %reduce_min3A_1024 [1] : vector<512x1024xbf16> to vector<512xbf16>
    %get3A_1026 = arith.constant 60 : index
    %get3A_1027 = arith.constant 0 : index
    %get3A_1028 = vector.load %arg1[%get3A_1026, %get3A_1027] : memref<64x1024xbf16, #tpu.memory_space<vmem>>, vector<1x1024xbf16>
    %get3A_1029 = vector.shape_cast %get3A_1028 : vector<1x1024xbf16> to vector<1024xbf16>
    %broadcast_in_dim3A_1030 = vector.shape_cast %get3A_1029 : vector<1024xbf16> to vector<1x1024xbf16>
    %add3A_1031 = vector.broadcast %broadcast_in_dim3A_1030 : vector<1x1024xbf16> to vector<512x1024xbf16>
    %add3A_1032 = arith.addf %convert_element_type3A, %add3A_1031 : vector<512x1024xbf16>
    %get3A_1033 = arith.constant 60 : index
    %get3A_1034 = arith.constant 0 : index
    %get3A_1035 = vector.load %arg2[%get3A_1033, %get3A_1034] : memref<64x1024xbf16, #tpu.memory_space<vmem>>, vector<1x1024xbf16>
    %get3A_1036 = vector.shape_cast %get3A_1035 : vector<1x1024xbf16> to vector<1024xbf16>
    %broadcast_in_dim3A_1037 = vector.shape_cast %get3A_1036 : vector<1024xbf16> to vector<1x1024xbf16>
    %add3A_1038 = vector.broadcast %broadcast_in_dim3A_1037 : vector<1x1024xbf16> to vector<512x1024xbf16>
    %add3A_1039 = arith.addf %convert_element_type3A_4, %add3A_1038 : vector<512x1024xbf16>
    %min3A_1040 = arith.minimumf %add3A_1032, %add3A_1039 : vector<512x1024xbf16>
    %reduce_min3A_1041 = arith.constant dense<0x7F80> : vector<512xbf16>
    %reduce_min3A_1042 = vector.multi_reduction <minimumf>, %min3A_1040, %reduce_min3A_1041 [1] : vector<512x1024xbf16> to vector<512xbf16>
    %get3A_1043 = arith.constant 61 : index
    %get3A_1044 = arith.constant 0 : index
    %get3A_1045 = vector.load %arg1[%get3A_1043, %get3A_1044] : memref<64x1024xbf16, #tpu.memory_space<vmem>>, vector<1x1024xbf16>
    %get3A_1046 = vector.shape_cast %get3A_1045 : vector<1x1024xbf16> to vector<1024xbf16>
    %broadcast_in_dim3A_1047 = vector.shape_cast %get3A_1046 : vector<1024xbf16> to vector<1x1024xbf16>
    %add3A_1048 = vector.broadcast %broadcast_in_dim3A_1047 : vector<1x1024xbf16> to vector<512x1024xbf16>
    %add3A_1049 = arith.addf %neg3A_6, %add3A_1048 : vector<512x1024xbf16>
    %get3A_1050 = arith.constant 61 : index
    %get3A_1051 = arith.constant 0 : index
    %get3A_1052 = vector.load %arg2[%get3A_1050, %get3A_1051] : memref<64x1024xbf16, #tpu.memory_space<vmem>>, vector<1x1024xbf16>
    %get3A_1053 = vector.shape_cast %get3A_1052 : vector<1x1024xbf16> to vector<1024xbf16>
    %broadcast_in_dim3A_1054 = vector.shape_cast %get3A_1053 : vector<1024xbf16> to vector<1x1024xbf16>
    %add3A_1055 = vector.broadcast %broadcast_in_dim3A_1054 : vector<1x1024xbf16> to vector<512x1024xbf16>
    %add3A_1056 = arith.addf %neg3A_9, %add3A_1055 : vector<512x1024xbf16>
    %min3A_1057 = arith.minimumf %add3A_1049, %add3A_1056 : vector<512x1024xbf16>
    %reduce_min3A_1058 = arith.constant dense<0x7F80> : vector<512xbf16>
    %reduce_min3A_1059 = vector.multi_reduction <minimumf>, %min3A_1057, %reduce_min3A_1058 [1] : vector<512x1024xbf16> to vector<512xbf16>
    %get3A_1060 = arith.constant 62 : index
    %get3A_1061 = arith.constant 0 : index
    %get3A_1062 = vector.load %arg1[%get3A_1060, %get3A_1061] : memref<64x1024xbf16, #tpu.memory_space<vmem>>, vector<1x1024xbf16>
    %get3A_1063 = vector.shape_cast %get3A_1062 : vector<1x1024xbf16> to vector<1024xbf16>
    %broadcast_in_dim3A_1064 = vector.shape_cast %get3A_1063 : vector<1024xbf16> to vector<1x1024xbf16>
    %add3A_1065 = vector.broadcast %broadcast_in_dim3A_1064 : vector<1x1024xbf16> to vector<512x1024xbf16>
    %add3A_1066 = arith.addf %convert_element_type3A, %add3A_1065 : vector<512x1024xbf16>
    %get3A_1067 = arith.constant 62 : index
    %get3A_1068 = arith.constant 0 : index
    %get3A_1069 = vector.load %arg2[%get3A_1067, %get3A_1068] : memref<64x1024xbf16, #tpu.memory_space<vmem>>, vector<1x1024xbf16>
    %get3A_1070 = vector.shape_cast %get3A_1069 : vector<1x1024xbf16> to vector<1024xbf16>
    %broadcast_in_dim3A_1071 = vector.shape_cast %get3A_1070 : vector<1024xbf16> to vector<1x1024xbf16>
    %add3A_1072 = vector.broadcast %broadcast_in_dim3A_1071 : vector<1x1024xbf16> to vector<512x1024xbf16>
    %add3A_1073 = arith.addf %convert_element_type3A_4, %add3A_1072 : vector<512x1024xbf16>
    %min3A_1074 = arith.minimumf %add3A_1066, %add3A_1073 : vector<512x1024xbf16>
    %reduce_min3A_1075 = arith.constant dense<0x7F80> : vector<512xbf16>
    %reduce_min3A_1076 = vector.multi_reduction <minimumf>, %min3A_1074, %reduce_min3A_1075 [1] : vector<512x1024xbf16> to vector<512xbf16>
    %get3A_1077 = arith.constant 63 : index
    %get3A_1078 = arith.constant 0 : index
    %get3A_1079 = vector.load %arg1[%get3A_1077, %get3A_1078] : memref<64x1024xbf16, #tpu.memory_space<vmem>>, vector<1x1024xbf16>
    %get3A_1080 = vector.shape_cast %get3A_1079 : vector<1x1024xbf16> to vector<1024xbf16>
    %broadcast_in_dim3A_1081 = vector.shape_cast %get3A_1080 : vector<1024xbf16> to vector<1x1024xbf16>
    %add3A_1082 = vector.broadcast %broadcast_in_dim3A_1081 : vector<1x1024xbf16> to vector<512x1024xbf16>
    %add3A_1083 = arith.addf %neg3A_6, %add3A_1082 : vector<512x1024xbf16>
    %get3A_1084 = arith.constant 63 : index
    %get3A_1085 = arith.constant 0 : index
    %get3A_1086 = vector.load %arg2[%get3A_1084, %get3A_1085] : memref<64x1024xbf16, #tpu.memory_space<vmem>>, vector<1x1024xbf16>
    %get3A_1087 = vector.shape_cast %get3A_1086 : vector<1x1024xbf16> to vector<1024xbf16>
    %broadcast_in_dim3A_1088 = vector.shape_cast %get3A_1087 : vector<1024xbf16> to vector<1x1024xbf16>
    %add3A_1089 = vector.broadcast %broadcast_in_dim3A_1088 : vector<1x1024xbf16> to vector<512x1024xbf16>
    %add3A_1090 = arith.addf %neg3A_9, %add3A_1089 : vector<512x1024xbf16>
    %min3A_1091 = arith.minimumf %add3A_1083, %add3A_1090 : vector<512x1024xbf16>
    %reduce_min3A_1092 = arith.constant dense<0x7F80> : vector<512xbf16>
    %reduce_min3A_1093 = vector.multi_reduction <minimumf>, %min3A_1091, %reduce_min3A_1092 [1] : vector<512x1024xbf16> to vector<512xbf16>
    %stack3A = vector.shape_cast %reduce_min3A_22 : vector<512xbf16> to vector<512x1xbf16>
    %stack3A_1094 = vector.shape_cast %reduce_min3A_39 : vector<512xbf16> to vector<512x1xbf16>
    %stack3A_1095 = vector.shape_cast %reduce_min3A_56 : vector<512xbf16> to vector<512x1xbf16>
    %stack3A_1096 = vector.shape_cast %reduce_min3A_73 : vector<512xbf16> to vector<512x1xbf16>
    %stack3A_1097 = vector.shape_cast %reduce_min3A_90 : vector<512xbf16> to vector<512x1xbf16>
    %stack3A_1098 = vector.shape_cast %reduce_min3A_107 : vector<512xbf16> to vector<512x1xbf16>
    %stack3A_1099 = vector.shape_cast %reduce_min3A_124 : vector<512xbf16> to vector<512x1xbf16>
    %stack3A_1100 = vector.shape_cast %reduce_min3A_141 : vector<512xbf16> to vector<512x1xbf16>
    %stack3A_1101 = vector.shape_cast %reduce_min3A_158 : vector<512xbf16> to vector<512x1xbf16>
    %stack3A_1102 = vector.shape_cast %reduce_min3A_175 : vector<512xbf16> to vector<512x1xbf16>
    %stack3A_1103 = vector.shape_cast %reduce_min3A_192 : vector<512xbf16> to vector<512x1xbf16>
    %stack3A_1104 = vector.shape_cast %reduce_min3A_209 : vector<512xbf16> to vector<512x1xbf16>
    %stack3A_1105 = vector.shape_cast %reduce_min3A_226 : vector<512xbf16> to vector<512x1xbf16>
    %stack3A_1106 = vector.shape_cast %reduce_min3A_243 : vector<512xbf16> to vector<512x1xbf16>
    %stack3A_1107 = vector.shape_cast %reduce_min3A_260 : vector<512xbf16> to vector<512x1xbf16>
    %stack3A_1108 = vector.shape_cast %reduce_min3A_277 : vector<512xbf16> to vector<512x1xbf16>
    %stack3A_1109 = vector.shape_cast %reduce_min3A_294 : vector<512xbf16> to vector<512x1xbf16>
    %stack3A_1110 = vector.shape_cast %reduce_min3A_311 : vector<512xbf16> to vector<512x1xbf16>
    %stack3A_1111 = vector.shape_cast %reduce_min3A_328 : vector<512xbf16> to vector<512x1xbf16>
    %stack3A_1112 = vector.shape_cast %reduce_min3A_345 : vector<512xbf16> to vector<512x1xbf16>
    %stack3A_1113 = vector.shape_cast %reduce_min3A_362 : vector<512xbf16> to vector<512x1xbf16>
    %stack3A_1114 = vector.shape_cast %reduce_min3A_379 : vector<512xbf16> to vector<512x1xbf16>
    %stack3A_1115 = vector.shape_cast %reduce_min3A_396 : vector<512xbf16> to vector<512x1xbf16>
    %stack3A_1116 = vector.shape_cast %reduce_min3A_413 : vector<512xbf16> to vector<512x1xbf16>
    %stack3A_1117 = vector.shape_cast %reduce_min3A_430 : vector<512xbf16> to vector<512x1xbf16>
    %stack3A_1118 = vector.shape_cast %reduce_min3A_447 : vector<512xbf16> to vector<512x1xbf16>
    %stack3A_1119 = vector.shape_cast %reduce_min3A_464 : vector<512xbf16> to vector<512x1xbf16>
    %stack3A_1120 = vector.shape_cast %reduce_min3A_481 : vector<512xbf16> to vector<512x1xbf16>
    %stack3A_1121 = vector.shape_cast %reduce_min3A_498 : vector<512xbf16> to vector<512x1xbf16>
    %stack3A_1122 = vector.shape_cast %reduce_min3A_515 : vector<512xbf16> to vector<512x1xbf16>
    %stack3A_1123 = vector.shape_cast %reduce_min3A_532 : vector<512xbf16> to vector<512x1xbf16>
    %stack3A_1124 = vector.shape_cast %reduce_min3A_549 : vector<512xbf16> to vector<512x1xbf16>
    %stack3A_1125 = vector.shape_cast %reduce_min3A_566 : vector<512xbf16> to vector<512x1xbf16>
    %stack3A_1126 = vector.shape_cast %reduce_min3A_583 : vector<512xbf16> to vector<512x1xbf16>
    %stack3A_1127 = vector.shape_cast %reduce_min3A_600 : vector<512xbf16> to vector<512x1xbf16>
    %stack3A_1128 = vector.shape_cast %reduce_min3A_617 : vector<512xbf16> to vector<512x1xbf16>
    %stack3A_1129 = vector.shape_cast %reduce_min3A_634 : vector<512xbf16> to vector<512x1xbf16>
    %stack3A_1130 = vector.shape_cast %reduce_min3A_651 : vector<512xbf16> to vector<512x1xbf16>
    %stack3A_1131 = vector.shape_cast %reduce_min3A_668 : vector<512xbf16> to vector<512x1xbf16>
    %stack3A_1132 = vector.shape_cast %reduce_min3A_685 : vector<512xbf16> to vector<512x1xbf16>
    %stack3A_1133 = vector.shape_cast %reduce_min3A_702 : vector<512xbf16> to vector<512x1xbf16>
    %stack3A_1134 = vector.shape_cast %reduce_min3A_719 : vector<512xbf16> to vector<512x1xbf16>
    %stack3A_1135 = vector.shape_cast %reduce_min3A_736 : vector<512xbf16> to vector<512x1xbf16>
    %stack3A_1136 = vector.shape_cast %reduce_min3A_753 : vector<512xbf16> to vector<512x1xbf16>
    %stack3A_1137 = vector.shape_cast %reduce_min3A_770 : vector<512xbf16> to vector<512x1xbf16>
    %stack3A_1138 = vector.shape_cast %reduce_min3A_787 : vector<512xbf16> to vector<512x1xbf16>
    %stack3A_1139 = vector.shape_cast %reduce_min3A_804 : vector<512xbf16> to vector<512x1xbf16>
    %stack3A_1140 = vector.shape_cast %reduce_min3A_821 : vector<512xbf16> to vector<512x1xbf16>
    %stack3A_1141 = vector.shape_cast %reduce_min3A_838 : vector<512xbf16> to vector<512x1xbf16>
    %stack3A_1142 = vector.shape_cast %reduce_min3A_855 : vector<512xbf16> to vector<512x1xbf16>
    %stack3A_1143 = vector.shape_cast %reduce_min3A_872 : vector<512xbf16> to vector<512x1xbf16>
    %stack3A_1144 = vector.shape_cast %reduce_min3A_889 : vector<512xbf16> to vector<512x1xbf16>
    %stack3A_1145 = vector.shape_cast %reduce_min3A_906 : vector<512xbf16> to vector<512x1xbf16>
    %stack3A_1146 = vector.shape_cast %reduce_min3A_923 : vector<512xbf16> to vector<512x1xbf16>
    %stack3A_1147 = vector.shape_cast %reduce_min3A_940 : vector<512xbf16> to vector<512x1xbf16>
    %stack3A_1148 = vector.shape_cast %reduce_min3A_957 : vector<512xbf16> to vector<512x1xbf16>
    %stack3A_1149 = vector.shape_cast %reduce_min3A_974 : vector<512xbf16> to vector<512x1xbf16>
    %stack3A_1150 = vector.shape_cast %reduce_min3A_991 : vector<512xbf16> to vector<512x1xbf16>
    %stack3A_1151 = vector.shape_cast %reduce_min3A_1008 : vector<512xbf16> to vector<512x1xbf16>
    %stack3A_1152 = vector.shape_cast %reduce_min3A_1025 : vector<512xbf16> to vector<512x1xbf16>
    %stack3A_1153 = vector.shape_cast %reduce_min3A_1042 : vector<512xbf16> to vector<512x1xbf16>
    %stack3A_1154 = vector.shape_cast %reduce_min3A_1059 : vector<512xbf16> to vector<512x1xbf16>
    %stack3A_1155 = vector.shape_cast %reduce_min3A_1076 : vector<512xbf16> to vector<512x1xbf16>
    %stack3A_1156 = vector.shape_cast %reduce_min3A_1093 : vector<512xbf16> to vector<512x1xbf16>
    %stack3A_1157 = tpu.concatenate %stack3A, %stack3A_1094, %stack3A_1095, %stack3A_1096, %stack3A_1097, %stack3A_1098, %stack3A_1099, %stack3A_1100, %stack3A_1101, %stack3A_1102, %stack3A_1103, %stack3A_1104, %stack3A_1105, %stack3A_1106, %stack3A_1107, %stack3A_1108, %stack3A_1109, %stack3A_1110, %stack3A_1111, %stack3A_1112, %stack3A_1113, %stack3A_1114, %stack3A_1115, %stack3A_1116, %stack3A_1117, %stack3A_1118, %stack3A_1119, %stack3A_1120, %stack3A_1121, %stack3A_1122, %stack3A_1123, %stack3A_1124, %stack3A_1125, %stack3A_1126, %stack3A_1127, %stack3A_1128, %stack3A_1129, %stack3A_1130, %stack3A_1131, %stack3A_1132, %stack3A_1133, %stack3A_1134, %stack3A_1135, %stack3A_1136, %stack3A_1137, %stack3A_1138, %stack3A_1139, %stack3A_1140, %stack3A_1141, %stack3A_1142, %stack3A_1143, %stack3A_1144, %stack3A_1145, %stack3A_1146, %stack3A_1147, %stack3A_1148, %stack3A_1149, %stack3A_1150, %stack3A_1151, %stack3A_1152, %stack3A_1153, %stack3A_1154, %stack3A_1155, %stack3A_1156 in 1 : vector<512x1xbf16>, vector<512x1xbf16>, vector<512x1xbf16>, vector<512x1xbf16>, vector<512x1xbf16>, vector<512x1xbf16>, vector<512x1xbf16>, vector<512x1xbf16>, vector<512x1xbf16>, vector<512x1xbf16>, vector<512x1xbf16>, vector<512x1xbf16>, vector<512x1xbf16>, vector<512x1xbf16>, vector<512x1xbf16>, vector<512x1xbf16>, vector<512x1xbf16>, vector<512x1xbf16>, vector<512x1xbf16>, vector<512x1xbf16>, vector<512x1xbf16>, vector<512x1xbf16>, vector<512x1xbf16>, vector<512x1xbf16>, vector<512x1xbf16>, vector<512x1xbf16>, vector<512x1xbf16>, vector<512x1xbf16>, vector<512x1xbf16>, vector<512x1xbf16>, vector<512x1xbf16>, vector<512x1xbf16>, vector<512x1xbf16>, vector<512x1xbf16>, vector<512x1xbf16>, vector<512x1xbf16>, vector<512x1xbf16>, vector<512x1xbf16>, vector<512x1xbf16>, vector<512x1xbf16>, vector<512x1xbf16>, vector<512x1xbf16>, vector<512x1xbf16>, vector<512x1xbf16>, vector<512x1xbf16>, vector<512x1xbf16>, vector<512x1xbf16>, vector<512x1xbf16>, vector<512x1xbf16>, vector<512x1xbf16>, vector<512x1xbf16>, vector<512x1xbf16>, vector<512x1xbf16>, vector<512x1xbf16>, vector<512x1xbf16>, vector<512x1xbf16>, vector<512x1xbf16>, vector<512x1xbf16>, vector<512x1xbf16>, vector<512x1xbf16>, vector<512x1xbf16>, vector<512x1xbf16>, vector<512x1xbf16>, vector<512x1xbf16> -> vector<512x64xbf16>
    %convert_element_type3A_1158 = arith.extf %stack3A_1157 : vector<512x64xbf16> to vector<512x64xf32>
    %get3A_1159 = arith.constant 0 : index
    %get3A_1160 = arith.constant 0 : index
    %get3A_1161 = vector.load %arg3[%get3A_1159, %get3A_1160] : memref<1x64xf32, #tpu.memory_space<vmem>>, vector<1x64xf32>
    %min3A_1162 = vector.broadcast %get3A_1161 : vector<1x64xf32> to vector<512x64xf32>
    %min3A_1163 = arith.minimumf %convert_element_type3A_1158, %min3A_1162 : vector<512x64xf32>
    %iota3A = tpu.iota {dimensions = array<i32: 1>} : vector<512x64xi32>
    %jit3A = arith.constant 2 : i32
    %eq3A = arith.constant 0 : i32
    %eq3A_1164 = arith.cmpi eq, %jit3A, %eq3A : i32
    %jit3A_1165 = arith.constant 1 : i32
    %select_n3A = arith.select %eq3A_1164, %jit3A_1165, %jit3A : i32
    %rem3A = vector.broadcast %select_n3A : i32 to vector<512x64xi32>
    %rem3A_1166 = arith.remsi %iota3A, %rem3A : vector<512x64xi32>
    %ne3A = arith.constant 0 : i32
    %ne3A_1167 = vector.broadcast %ne3A : i32 to vector<512x64xi32>
    %ne3A_1168 = arith.cmpi ne, %rem3A_1166, %ne3A_1167 : vector<512x64xi32>
    %lt3A = arith.constant 0 : i32
    %lt3A_1169 = vector.broadcast %lt3A : i32 to vector<512x64xi32>
    %lt3A_1170 = arith.cmpi slt, %rem3A_1166, %lt3A_1169 : vector<512x64xi32>
    %lt3A_1171 = arith.constant 0 : i32
    %lt3A_1172 = arith.cmpi slt, %select_n3A, %lt3A_1171 : i32
    %ne3A_1173 = vector.broadcast %lt3A_1172 : i1 to vector<512x64xi1>
    %ne3A_1174 = vector.broadcast %ne3A_1173 : vector<512x64xi1> to vector<512x64xi1>
    %ne3A_1175 = arith.xori %lt3A_1170, %ne3A_1174 : vector<512x64xi1>
    %and3A = arith.andi %ne3A_1175, %ne3A_1168 : vector<512x64xi1>
    %add3A_1176 = vector.broadcast %select_n3A : i32 to vector<512x64xi32>
    %add3A_1177 = arith.addi %rem3A_1166, %add3A_1176 : vector<512x64xi32>
    %select_n3A_1178 = arith.select %and3A, %add3A_1177, %rem3A_1166 : vector<512x64xi1>, vector<512x64xi32>
    %eq3A_1179 = arith.constant 0 : i32
    %eq3A_1180 = vector.broadcast %eq3A_1179 : i32 to vector<512x64xi32>
    %eq3A_1181 = arith.cmpi eq, %select_n3A_1178, %eq3A_1180 : vector<512x64xi32>
    %jit3A_1182 = arith.constant 1.000000e+00 : f32
    %jit3A_1183 = arith.constant -1.000000e+00 : f32
    %broadcast_in_dim3A_1184 = vector.broadcast %jit3A_1182 : f32 to vector<512x64xf32>
    %broadcast_in_dim3A_1185 = vector.broadcast %jit3A_1183 : f32 to vector<512x64xf32>
    %select_n3A_1186 = arith.select %eq3A_1181, %broadcast_in_dim3A_1184, %broadcast_in_dim3A_1185 : vector<512x64xi1>, vector<512x64xf32>
    %mul3A = arith.mulf %min3A_1163, %select_n3A_1186 : vector<512x64xf32>
    %swap3A = arith.constant 0 : index
    %swap3A_1187 = arith.constant 0 : index
    %swap3A_1188 = vector.load %arg5[%swap3A, %swap3A_1187] : memref<512x64xf32, #tpu.memory_space<vmem>>, vector<512x64xf32>
    tpu.vector_store %arg5[%swap3A, %swap3A_1187], %mul3A {strides = array<i32>} : memref<512x64xf32, #tpu.memory_space<vmem>>, vector<512x64xf32>,
    return
  }
  func.func @transform_0(%arg0: i32) -> (i32, i32) {
    %c0_i32 = arith.constant 0 : i32
    %c0_i32_0 = arith.constant 0 : i32
    %c0_i32_1 = arith.constant 0 : i32
    return %c0_i32, %c0_i32_0 : i32, i32
  }
  func.func @transform_1(%arg0: i32) -> (i32, i32) {
    %c0_i32 = arith.constant 0 : i32
    %c0_i32_0 = arith.constant 0 : i32
    %c0_i32_1 = arith.constant 0 : i32
    return %c0_i32, %c0_i32_0 : i32, i32
  }
  func.func @transform_2(%arg0: i32) -> (i32, i32) {
    %c0_i32 = arith.constant 0 : i32
    %c0_i32_0 = arith.constant 0 : i32
    %c0_i32_1 = arith.constant 0 : i32
    return %c0_i32, %c0_i32_0 : i32, i32
  }
  func.func @transform_3(%arg0: i32) -> (i32, i32) {
    %c0_i32 = arith.constant 0 : i32
    %c0_i32_0 = arith.constant 0 : i32
    return %arg0, %c0_i32 : i32, i32
  }
  func.func @transform_4(%arg0: i32) -> (i32, i32) {
    %c0_i32 = arith.constant 0 : i32
    %c0_i32_0 = arith.constant 0 : i32
    return %arg0, %c0_i32 : i32, i32
  }
}

module attributes {stable_mosaic.version = 14 : i64} {
  func.func @_fin_body(%arg0: memref<4096x32xf32, #tpu.memory_space<vmem>>, %arg1: memref<4096x2xf32, #tpu.memory_space<vmem>>) attributes {dimension_semantics = [], scalar_prefetch = 0 : i64, scratch_operands = 0 : i64, tpu.core_type = #tpu.core_type<tc>} {
    %get3A = arith.constant 0 : index
    %get3A_0 = arith.constant 0 : index
    %get3A_1 = vector.load %arg0[%get3A, %get3A_0] : memref<4096x32xf32, #tpu.memory_space<vmem>>, vector<4096x32xf32>
    %slice3A = vector.extract_strided_slice %get3A_1 {offsets = [0, 0], sizes = [4096, 16], strides = [1, 1]} : vector<4096x32xf32> to vector<4096x16xf32>
    %reduce_min3A = arith.constant dense<0x7F800000> : vector<4096xf32>
    %reduce_min3A_2 = vector.multi_reduction <minimumf>, %slice3A, %reduce_min3A [1] : vector<4096x16xf32> to vector<4096xf32>
    %broadcast_in_dim3A = vector.shape_cast %reduce_min3A_2 : vector<4096xf32> to vector<4096x1xf32>
    %swap3A = arith.constant 0 : index
    %swap3A_3 = arith.constant 0 : index
    %swap3A_4 = vector.load %arg1[%swap3A, %swap3A_3] : memref<4096x2xf32, #tpu.memory_space<vmem>>, vector<4096x1xf32>
    tpu.vector_store %arg1[%swap3A, %swap3A_3], %broadcast_in_dim3A {strides = array<i32>} : memref<4096x2xf32, #tpu.memory_space<vmem>>, vector<4096x1xf32>,
    %slice3A_5 = vector.extract_strided_slice %get3A_1 {offsets = [0, 16], sizes = [4096, 16], strides = [1, 1]} : vector<4096x32xf32> to vector<4096x16xf32>
    %reduce_max3A = arith.constant dense<0xFF800000> : vector<4096xf32>
    %reduce_max3A_6 = vector.multi_reduction <maximumf>, %slice3A_5, %reduce_max3A [1] : vector<4096x16xf32> to vector<4096xf32>
    %broadcast_in_dim3A_7 = vector.shape_cast %reduce_max3A_6 : vector<4096xf32> to vector<4096x1xf32>
    %swap3A_8 = arith.constant 0 : index
    %swap3A_9 = arith.constant 1 : index
    %swap3A_10 = vector.load %arg1[%swap3A_8, %swap3A_9] : memref<4096x2xf32, #tpu.memory_space<vmem>>, vector<4096x1xf32>
    tpu.vector_store %arg1[%swap3A_8, %swap3A_9], %broadcast_in_dim3A_7 {strides = array<i32>} : memref<4096x2xf32, #tpu.memory_space<vmem>>, vector<4096x1xf32>,
    return
  }
}

</mosaic_0001>

<sc_bundles>
// kernel: kernel.6.cloned.1.call-start
scs
__scs_entry_jumppad:
0x0: {  	(pc) =	sbr.rel $0x88, $3  }
0x1: {  	(tag) =	ssettag $0x0;
	lr =	simm.s32 $0x1  }
0x2: {  	[smem:$0x3F9F] =	sst lr;
	_ =	strace $0xD0000000  }
0x3: {  	_ = 	snop  }
0x4: {  	_ = 	snop  }
0x5: {  	_ = 	snop  }
0x6: {  	_ = 	snop  }
0x7: {  	_ = 	snop  }
__scs_overlays_trampoline_lowered:
0x8: {  	[smem:$0x3FAE] =	sst s0  }
0x9: {  	[smem:$0x3FAF] =	sst s1  }
0xa: {  	[smem:$0x3FB0] =	sst s2  }
0xb: {  	[smem:$0x3FB1] =	sst s3  }
0xc: {  	[smem:$0x3FB2] =	sst s4  }
0xd: {  	[smem:$0x3FB3] =	sst s5  }
0xe: {  	[smem:$0x3FB4] =	sst s6  }
0xf: {  	[smem:$0x3FB5] =	sst s7  }
0x10: {  	[smem:$0x3FB6] =	sst s8  }
0x11: {  	[smem:$0x3FB7] =	sst s9;
	s0 =	simm.s32 @!p0 $0x0  }
0x12: {  	s1 =	sld [smem:$0x3F9D];
	s0 =	simm.s32 @p0 $0x1  }
0x13: {  	[smem:$0x3FB8] =	sst s0;
	s0 =	simm.s32 @!p1 $0x0  }
0x14: {  	s2 =	sld [smem:$0x3F9C];
	s0 =	simm.s32 @p1 $0x1  }
0x15: {  	[smem:$0x3FB9] =	sst s0;
	s0 =	simm.s32 @!p2 $0x0  }
0x16: {  	s3 =	sld [smem:$0x3FDB];
	s0 =	simm.s32 @p2 $0x1  }
0x17: {  	s4 =	simm.s32 $0x1BF5;
	[smem:$0x3FBB] =	sst s0  }
0x18: {  	s0 =	sld [smem:$0x3F9E];
	_ =	swait.ge [sflag:s4], $0x0  }
0x19: {  	s7 =	sld [smem:$0x3F9F]  }
0x1a: {  	s8 =	sadd.s32 $0xFFFFE003, lr  }
0x1b: {  	s9 =	sadd.s32 $0xFFFFFEF7, lr;
	s5 =	simm.s32 $0xFFFFFFFF;
	p2 =	slt.u32 s8, $0xFFFFF086  }
0x1c: {  	p1 =	slt.u32 s9, $0xF7A;
	s5 =	simm.s32 @!p2 $0x0  }
0x1d: {  	s5 =	simm.s32 @p1 $0x1;
	p0 =	seq.s32 s7, s2  }
0x1e: {  	s7 =	smul.u32 @!p0 $0xF7A, s2;
	p2 =	seq.s32 @!p0 s5, $0x0  }
0x1f: {  	s9 =	smul.u32 $0xF7A, s1;
	s8 =	simm.s32 @!p0 $0x1BF5;
	p2 =	por !p2, p0  }
0x20: {  	[sflag:s8] =	ssyncset.s32 @!p0 $0xFFFFF086;
	s6 =	sadd.s32 @!p0 s3, s7;
	s7 =	simm.s32 @!p0 $0x108  }
0x21: {  	s3 =	sadd.s32 s3, s9;
	s6 =	sadd.s32 @!p0 $0x88, s6;
	s7 =	simm.s32 @p2 $0x1082  }
0x22: {  	[simem:s7], [sflag:s8] =	dma.local @!p0 [hbm:s6], $0xF7A  }
0x23: {  	s9 =	sor.u32 $0xD0000000, s2;
	s6 =	simm.s32 $0x108;
	_ =	swait.ge @!p0 [sflag:s8], $0x0  }
0x24: {  	s3 =	sadd.s32 $0x88, s3;
	s6 =	simm.s32 @!p1 $0x1082;
	[sflag:s4] =	ssyncset.s32 $0xFFFFF086  }
0x25: {  	[simem:s6], [sflag:s4] =	dma.local [hbm:s3], $0xF7A  }
0x26: {  	[smem:$0x3F9F] =	sst s1;
	(tag) =	ssettag s2;
	_ =	strace s9  }
0x27: {  	s1 =	sld [smem:$0x3FAF]  }
0x28: {  	s2 =	sld [smem:$0x3FB0]  }
0x29: {  	s4 =	sld [smem:$0x3FB2]  }
0x2a: {  	p0 =	seq.s32 s5, $0x0;
	s5 =	sld [smem:$0x3FB3]  }
0x2b: {  	s6 =	sld [smem:$0x3FB4]  }
0x2c: {  	s7 =	sld [smem:$0x3FB5]  }
0x2d: {  	s3 =	simm.s32 $0x108;
	s8 =	sld [smem:$0x3FB6]  }
0x2e: {  	s3 =	simm.s32 @!p0 $0x1082;
	s9 =	sld [smem:$0x3FB7]  }
0x2f: {  	lr =	sadd.s32 s0, s3;
	s0 =	sld [smem:$0x3FAE]  }
0x30: {  	s3 =	sld [smem:$0x3FB1]  }
0x31: {  	[smem:$0x3FBA] =	sst s10  }
0x32: {  	s10 =	sld [smem:$0x3FB8];
	_ =	sdelay $0x3  }
0x33: {  	p0 =	seq.s32 s10, $0x1;
	s10 =	sld [smem:$0x3FBA];
	_ =	sdelay $0x3  }
0x34: {  	[smem:$0x3FBA] =	sst s10  }
0x35: {  	s10 =	sld [smem:$0x3FB9];
	_ =	sdelay $0x3  }
0x36: {  	p1 =	seq.s32 s10, $0x1;
	s10 =	sld [smem:$0x3FBA];
	_ =	sdelay $0x3  }
0x37: {  	[smem:$0x3FBA] =	sst s10  }
0x38: {  	s10 =	sld [smem:$0x3FBB]  }
0x39: {  	_ = 	snop;
	(pc) =	sbr.ind lr, $3  }
0x3a: {  	_ = 	snop  }
0x3b: {  	_ = 	snop  }
0x3c: {  	p2 =	seq.s32 s10, $0x1;
	s10 =	sld [smem:$0x3FBA]  }
0x3d: {  	_ =	shalt  }
0x3e: {  	_ =	shalt  }
0x3f: {  	_ =	shalt  }
0x40: {  	_ =	shalt  }
0x41: {  	_ =	shalt  }
0x42: {  	_ =	shalt  }
0x43: {  	_ =	shalt  }
0x44: {  	_ =	shalt  }
0x45: {  	_ =	shalt  }
0x46: {  	_ =	shalt  }
0x47: {  	_ =	shalt  }
0x48: {  	_ =	shalt  }
0x49: {  	_ =	shalt  }
0x4a: {  	_ =	shalt  }
0x4b: {  	_ =	shalt  }
0x4c: {  	_ =	shalt  }
0x4d: {  	_ =	shalt  }
0x4e: {  	_ =	shalt  }
0x4f: {  	_ =	shalt  }
0x50: {  	_ =	shalt  }
0x51: {  	_ =	shalt  }
0x52: {  	_ =	shalt  }
0x53: {  	_ =	shalt  }
0x54: {  	_ =	shalt  }
0x55: {  	_ =	shalt  }
0x56: {  	_ =	shalt  }
0x57: {  	_ =	shalt  }
0x58: {  	_ =	shalt  }
0x59: {  	_ =	shalt  }
0x5a: {  	_ =	shalt  }
0x5b: {  	_ =	shalt  }
0x5c: {  	_ =	shalt  }
0x5d: {  	_ =	shalt  }
0x5e: {  	_ =	shalt  }
0x5f: {  	_ =	shalt  }
0x60: {  	_ =	shalt  }
0x61: {  	_ =	shalt  }
0x62: {  	_ =	shalt  }
0x63: {  	_ =	shalt  }
0x64: {  	_ =	shalt  }
0x65: {  	_ =	shalt  }
0x66: {  	_ =	shalt  }
0x67: {  	_ =	shalt  }
0x68: {  	_ =	shalt  }
0x69: {  	_ =	shalt  }
0x6a: {  	_ =	shalt  }
0x6b: {  	_ =	shalt  }
0x6c: {  	_ =	shalt  }
0x6d: {  	_ =	shalt  }
0x6e: {  	_ =	shalt  }
0x6f: {  	_ =	shalt  }
0x70: {  	_ =	shalt  }
0x71: {  	_ =	shalt  }
0x72: {  	_ =	shalt  }
0x73: {  	_ =	shalt  }
0x74: {  	_ =	shalt  }
0x75: {  	_ =	shalt  }
0x76: {  	_ =	shalt  }
0x77: {  	_ =	shalt  }
0x78: {  	_ =	shalt  }
0x79: {  	_ =	shalt  }
0x7a: {  	_ =	shalt  }
0x7b: {  	_ =	shalt  }
0x7c: {  	_ =	shalt  }
0x7d: {  	_ =	shalt  }
0x7e: {  	_ =	shalt  }
0x7f: {  	_ =	shalt  }
0x80: {  	_ =	shalt  }
0x81: {  	_ =	shalt  }
0x82: {  	_ =	shalt  }
0x83: {  	_ =	shalt  }
0x84: {  	_ =	shalt  }
0x85: {  	_ =	shalt  }
0x86: {  	_ =	shalt  }
0x87: {  	_ =	shalt  }
.Lfunc_end0:
.L_simem_size_0:
called_computation_lowered:
.L_overlay_start_0:
0x88: {  	s2 =	sld [smem:$0x3FD9]  }
0x89: {  	s3 =	sld [smem:$0x3FFE];
	_ =	sdelay $0x1  }
0x8a: {  	s1 =	srdreg.scid  }
0x8b: {  	s0 =	sand.u32 $0x1, s1  }
0x8c: {  	s17 =	sshll.u32 s0, $0xA;
	s2 =	sadd.s32 s3, s2  }
0x8d: {  	s2 =	sadd.s32 s2, s17  }
0x8e: {  	[smem:$0x3FC6] =	sst s2  }
0x8f: {  	_ = 	snop  }
0x90: {  	s2 =	sld [smem:$0x3FD0];
	(tm) =	ssettm $0x1  }
0x91: {  	s18 =	sld [smem:$0x3FFB];
	_ =	sdelay $0x3  }
0x92: {  	_ =	strace s18  }
0x93: {  	s3 =	sld [smem:$0x3FFC];
	_ =	sdelay $0x3  }
0x94: {  	_ =	strace s3  }
0x95: {  	s3 =	sld [smem:$0x3FFD];
	_ =	sdelay $0x3  }
0x96: {  	_ =	strace s3  }
0x97: {  	_ =	strace $0x8FFFFFFF  }
0x98: {  	s19 =	sld [smem:$0x3FDB];
	_ =	sdelay $0x1  }
0x99: {  	s4 =	simm.s32 $_scs_section_size  }
0x9a: {  	s5 =	simm.s32 $_size__tile_overlayer_lowered;
	s6 =	simm.s32 $_tile_overlayer_lowered  }
0x9b: {  	s22 =	simm.s32 $0x1BFF;
	s21 =	sshll.u32 s6, $0x1;
	s3 =	sadd.s32 s4, s19  }
0x9c: {  	s7 =	simm.s32 $0x0;
	s20 =	sshll.u32 s5, $0x1;
	s5 =	sadd.s32 s21, s3  }
0x9d: {  	[timem:s7], [sflag:s22] =	dma.local [hbm:s5], s20  }
0x9e: {  	_ =	swait.ge [sflag:s22], s20  }
0x9f: {  	s4 =	ssub.s32 $0x0, s20;
	[sflag:s22] =	ssyncset.done $0x0  }
0xa0: {  	[sflag:s22] =	ssyncadd.s32 s4;
	_ =	sdelay $0x1  }
0xa1: {  	s23 =	simm.s32 $0x1B8B  }
0xa2: {  	_ =	swait.ge [sflag:s23], $0x1  }
0xa3: {  	[sflag:s23] =	ssyncset.done $0x0  }
0xa4: {  	s25 =	simm.s32 $0x1B8E;
	s24 =	sld [smem:$0x3FFE];
	[sflag:s23] =	ssyncadd.s32 $0xFFFFFFFF  }
0xa5: {  	s26 =	simm.s32 $execute0_lowered;
	[smem:$0x3FD2] =	sst s25  }
0xa6: {  	s5 =	sshll.u32 s26, $0x1;
	_ =	strace $0x80000046;
	[dreg:$0x1] =	wrdreg $0xFFFFFFFF  }
0xa7: {  	s28 =	simm.s32 $_size_execute0_lowered;
	s3 =	sadd.s32 s3, s5;
	[dreg:$0x0] =	wrdreg $0x0  }
0xa8: {  	s5 =	sshll.u32 s28, $0x1;
	[dreg:$0x2] =	wrdreg s3  }
0xa9: {  	[dreg:$0x3] =	wrdreg s5  }
0xaa: {  	[dreg:$0x4] =	wrdreg $0xC0  }
0xab: {  	_ =	task [dreg:s7], $0x5FFFF  }
0xac: {  	[dreg:$0x1] =	wrdreg $0xFFFFFFFF  }
0xad: {  	[dreg:$0x0] =	wrdreg $0x60  }
0xae: {  	[dreg:$0x2] =	wrdreg s2  }
0xaf: {  	[dreg:$0x3] =	wrdreg s24  }
0xb0: {  	[dreg:$0x4] =	wrdreg $0x9  }
0xb1: {  	_ =	task.clear_ibuf [dreg:s7], $0x5FFFF;
	_ =	strace $0x90000046  }
0xb2: {  	s29 =	simm.s32 $0x9;
	_ =	strace $0x80000048  }
0xb3: {  	_ =	swait.ge [sflag:s29], $0x1  }
0xb4: {  	[sflag:s29] =	ssyncadd.s32 $0xFFFFFFFF  }
0xb5: {  	_ =	strace $0x90000048  }
0xb6: {  	_ =	sfence  }
0xb7: {  	s30 =	sld [smem:$0x0];
	_ =	sdelay $0x2  }
0xb8: {  	s31 =	sshll.u32 s1, $0xD;
	s1 =	sshrl.u32 s1, $0x2  }
0xb9: {  	s3 =	sand.u32 $0x4000, s31;
	s1 =	sadd.s32 s1, s30  }
0xba: {  	s0 =	sor.u32 s3, s0;
	s1 =	sshll.u32 s1, $0x11  }
0xbb: {  	s0 =	sor.u32 s1, s0  }
0xbc: {  	s0 =	sadd.s32 $0x8F2B, s0  }
0xbd: {  	[sflag:s0] =	ssyncadd.remote.s32 $0x1  }
0xbe: {  	_ =	sfence.sel $0xFFFF  }
0xbf: {  	[dreg:$0x0] =	wrdreg $0xFFFFFFFF;
	(pc) =	sbr.abs _section_cstart, $3  }
0xc0: {  	[dreg:$0x1] =	wrdreg $0xFFFFFFFF  }
0xc1: {  	_ =	task.clear_ibuf [dreg:s7], $0x2FFFF;
	_ =	strace $0x9FFFFFFF  }
0xc2: {  	(tm) =	ssettm $0x7FFFFFFF  }
0xc3: {  	_ =	shalt  }
tec
execute0_lowered:
.L_overlay_start_1:
0x0: {  	(tag) =	ssettag $0x1  }
0x1: {  	s0 =	srdreg.scid;
	s2 =	rddreg [dreg:$0x0]  }
0x2: {  	s5 =	rddreg [dreg:$0x1];
	s1 =	stileid.u32;
	s11 =	simm.s32 $0x2800  }
0x3: {  	s12 =	simm.s32 $0x3000;
	s13 =	simm.s32 $0x3100;
	s14 =	simm.s32 $0x0  }
0x4: {  	s4 =	sand.u32 $0x1, s0;
	s0 =	rddreg [dreg:$0x2];
	s8 =	sshll.u32 s1, $0x8  }
0x5: {  	s3 =	sshll.u32 s4, $0x4;
	s8 =	sand.u32 $0x300, s8;
	s4 =	ssub.s32 $0x2, s4  }
0x6: {  	s6 =	sor.u32 s1, s3;
	s3 =	simm.s32 $0x0;
	s31 =	sshrl.u32 s4, $0x1  }
0x7: {  	s7 =	sshll.u32 s6, $0x8;
	[smem:$0x7FF] =	sst s3;
	s6 =	sshll.u32 s6, $0xB  }
0x8: {  	s10 =	ssub.s32 s4, s31;
	s9 =	sand.u32 $0x1C00, s7;
	_ =	strace $0x80000047  }
0x9: {  	s7 =	sadd.s32 s7, s5;
	s30 =	sadd.s32 s6, s5;
	s8 =	sor.u32 s8, s9  }
0xa: {  	s4 =	sadd.s32 $0x1400, s7;
	s9 =	simm.s32 $0x2000;
	s8 =	sshrl.u32 s8, $0x3  }
0xb: {  	s8 =	sadd.s32 s8, s5;
	s5 =	sadd.s32 $0x3400, s7;
	s7 =	sadd.s32 $0x5400, s30  }
0xc: {  	s6 =	sadd.s32 $0x1000, s8;
	s8 =	smax.u32 s10, $0x1;
	s10 =	simm.s32 $0x1  }
.LBB2_1:
0xd: {  	[tilespmem:s9], [sflag:$0x1] =	stream.linear.gather [hbm4b:s4+s3], $0x800, $0x38;
	[tilespmem:$0x7100] =	vst v63  }
0xe: {  	_ =	swait.ge [sflag:s10], $0x800  }
0xf: {  	[sflag:s10] =	ssyncset.done $0x0  }
0x10: {  	[sflag:s10] =	ssyncadd.s32 $0xFFFFF800  }
0x11: {  	[tilespmem:s11], [sflag:$0x1] =	stream.linear.gather [hbm4b:s5+s3], $0x800, $0x38;
	[tilespmem:$0x7100] =	vst v63  }
0x12: {  	_ =	swait.ge [sflag:s10], $0x800  }
0x13: {  	[sflag:s10] =	ssyncset.done $0x0  }
0x14: {  	[sflag:s10] =	ssyncadd.s32 $0xFFFFF800  }
0x15: {  	[tilespmem:s12], [sflag:$0x1] =	stream.linear.gather [hbm4b:s6+s3], $0x100, $0x38;
	[tilespmem:$0x7100] =	vst v63  }
0x16: {  	_ =	swait.ge [sflag:s10], $0x100  }
0x17: {  	[sflag:s10] =	ssyncset.done $0x0  }
0x18: {  	[sflag:s10] =	ssyncadd.s32 $0xFFFFFF00  }
0x19: {  	v0 =	vld [tilespmem:$0x3000]  }
0x1a: {  	v63 =	vld [tilespmem:$0x3080];
	_ =	sdelay $0x3  }
0x1b: {  	[tilespmem:$0x1FFE0] =	vst v0  }
0x1c: {  	s15 =	simm.s32 $0x0;
	[tilespmem:$0x1FFF0] =	vst v63  }
.LBB2_2:
0x1d: {  	s16 =	sshll.u32 s15, $0xA  }
0x1e: {  	s17 =	sadd.s32 s2, s16  }
0x1f: {  	[tilespmem:s3], [sflag:$0x1] =	stream.linear.gather [hbm4b:s17+s3], $0x2000, $0x38;
	[tilespmem:$0x7100] =	vst v63  }
0x20: {  	_ =	swait.ge [sflag:s10], $0x2000  }
0x21: {  	[sflag:s10] =	ssyncset.done $0x0  }
0x22: {  	s31 =	simm.s32 $0xFFFFFC00;
	[sflag:s10] =	ssyncadd.s32 $0xFFFFE000  }
0x23: {  	v0 =	vld [tilespmem:s31+$0x2470]  }
0x24: {  	v1 =	vld [tilespmem:s31+$0x2870]  }
0x25: {  	v2 =	vld [tilespmem:s31+$0x2460]  }
0x26: {  	v3 =	vld [tilespmem:s31+$0x2860]  }
0x27: {  	v4 =	vld [tilespmem:s31+$0x470]  }
0x28: {  	v5 =	vld [tilespmem:s31+$0x870]  }
0x29: {  	v6 =	vld [tilespmem:s31+$0xC70]  }
0x2a: {  	v7 =	vld [tilespmem:s31+$0x1070]  }
0x2b: {  	v8 =	vld [tilespmem:s31+$0x1470]  }
0x2c: {  	v9 =	vld [tilespmem:s31+$0x1870]  }
0x2d: {  	v10 =	vld [tilespmem:s31+$0x1C70];
	v19 =	vadd.f32 v4, v0;
	v25 =	vadd.f32 v4, v1  }
0x2e: {  	v11 =	vld [tilespmem:s31+$0x2070];
	v26 =	vadd.f32 v5, v0;
	v27 =	vadd.f32 v5, v1  }
0x2f: {  	v12 =	vld [tilespmem:s31+$0x460];
	v29 =	vadd.f32 v6, v0;
	v30 =	vadd.f32 v6, v1  }
0x30: {  	v13 =	vld [tilespmem:s31+$0x860];
	v31 =	vadd.f32 v7, v0;
	v34 =	vadd.f32 v7, v1  }
0x31: {  	v14 =	vld [tilespmem:s31+$0xC60];
	v35 =	vadd.f32 v8, v0;
	v37 =	vadd.f32 v8, v1  }
0x32: {  	v15 =	vld [tilespmem:s31+$0x1060];
	v38 =	vadd.f32 v9, v0;
	v39 =	vadd.f32 v9, v1  }
0x33: {  	v16 =	vld [tilespmem:s31+$0x1460];
	v40 =	vadd.f32 v10, v0;
	v41 =	vadd.f32 v10, v1  }
0x34: {  	v17 =	vld [tilespmem:s31+$0x2060];
	v42 =	vadd.f32 v11, v0;
	v44 =	vadd.f32 v11, v1  }
0x35: {  	v45 =	vadd.f32 v12, v2;
	v46 =	vadd.f32 v12, v3;
	v0 =	vld [tilespmem:s31+$0x1860]  }
0x36: {  	v47 =	vadd.f32 v13, v2;
	v48 =	vadd.f32 v13, v3;
	v1 =	vld [tilespmem:s31+$0x1C60]  }
0x37: {  	v51 =	vadd.f32 v14, v2;
	v52 =	vadd.f32 v14, v3  }
0x38: {  	v55 =	vadd.f32 v15, v2;
	v56 =	vadd.f32 v15, v3  }
0x39: {  	v57 =	vadd.f32 v16, v2;
	v58 =	vadd.f32 v16, v3  }
0x3a: {  	v50 =	vadd.f32 v17, v3;
	v60 =	vadd.f32 v0, v2  }
0x3b: {  	v61 =	vadd.f32 v0, v3;
	v62 =	vadd.f32 v1, v2  }
0x3c: {  	v63 =	vadd.f32 v1, v3;
	v2 =	vadd.f32 v17, v2  }
0x3d: {  	v3 =	vsub.f32 $1.000000000e+00, v5;
	v5 =	vsub.f32 $1.000000000e+00, v7  }
0x3e: {  	v7 =	vsub.f32 $1.000000000e+00, v9;
	v9 =	vsub.f32 $1.000000000e+00, v10  }
0x3f: {  	v10 =	vsub.f32 $1.000000000e+00, v11;
	v11 =	vld [tilespmem:s31+$0x3070];
	[tilespmem:$0x1F1F0] =	vst v2;
	v2 =	vsub.f32 $1.000000000e+00, v4  }
0x40: {  	v4 =	vsub.f32 $1.000000000e+00, v6;
	v6 =	vsub.f32 $1.000000000e+00, v8;
	v8 =	vld [tilespmem:s31+$0x2C70];
	_ =	sdelay $0x4  }
0x41: {  	v53 =	vadd.f32 v2, v8;
	v2 =	vadd.f32 v2, v11;
	_ =	sdelay $0x1  }
0x42: {  	[tilespmem:$0x1EF30] =	vst v2;
	v2 =	vadd.f32 v3, v8;
	_ =	sdelay $0x1  }
0x43: {  	[tilespmem:$0x1EF40] =	vst v2;
	v2 =	vadd.f32 v3, v11;
	v3 =	vadd.f32 v4, v8;
	_ =	sdelay $0x1  }
0x44: {  	[tilespmem:$0x1EF60] =	vst v3;
	v3 =	vadd.f32 v4, v11;
	v4 =	vadd.f32 v5, v8  }
0x45: {  	[tilespmem:$0x1EF50] =	vst v2;
	v2 =	vld [tilespmem:s31+$0x2C60]  }
0x46: {  	[tilespmem:$0x1EF80] =	vst v4;
	v4 =	vadd.f32 v5, v11  }
0x47: {  	[tilespmem:$0x1EF70] =	vst v3;
	v5 =	vadd.f32 v9, v8  }
0x48: {  	v15 =	vsub.f32 $1.000000000e+00, v15;
	[tilespmem:$0x1EF90] =	vst v4;
	v4 =	vadd.f32 v6, v8  }
0x49: {  	[tilespmem:$0x1F030] =	vst v5;
	v5 =	vadd.f32 v9, v11  }
0x4a: {  	v9 =	vadd.f32 v15, v2;
	[tilespmem:$0x1EFB0] =	vst v4  }
0x4b: {  	v4 =	vadd.f32 v6, v11;
	[tilespmem:$0x1F050] =	vst v5  }
0x4c: {  	v6 =	vadd.f32 v10, v8;
	[tilespmem:$0x1F100] =	vst v9  }
0x4d: {  	v13 =	vsub.f32 $1.000000000e+00, v13;
	[tilespmem:$0x1EFD0] =	vst v4;
	v4 =	vadd.f32 v7, v8  }
0x4e: {  	v16 =	vsub.f32 $1.000000000e+00, v16;
	v3 =	vld [tilespmem:s31+$0x3060];
	[tilespmem:$0x1F070] =	vst v6;
	v6 =	vadd.f32 v10, v11  }
0x4f: {  	v12 =	vsub.f32 $1.000000000e+00, v12;
	v8 =	vadd.f32 v13, v2;
	[tilespmem:$0x1EFF0] =	vst v4  }
0x50: {  	v14 =	vsub.f32 $1.000000000e+00, v14;
	v10 =	vadd.f32 v16, v2;
	[tilespmem:$0x1F090] =	vst v6  }
0x51: {  	v0 =	vsub.f32 $1.000000000e+00, v0;
	v4 =	vadd.f32 v7, v11;
	[tilespmem:$0x1F0C0] =	vst v8  }
0x52: {  	v1 =	vsub.f32 $1.000000000e+00, v1;
	v7 =	vadd.f32 v12, v2;
	[tilespmem:$0x1F130] =	vst v10  }
0x53: {  	v17 =	vsub.f32 $1.000000000e+00, v17;
	v5 =	vld [tilespmem:s31+$0x450];
	v8 =	vadd.f32 v13, v3;
	[tilespmem:$0x1F010] =	vst v4  }
0x54: {  	v9 =	vadd.f32 v15, v3;
	v11 =	vadd.f32 v0, v2;
	v4 =	vld [tilespmem:s31+$0x2450];
	[tilespmem:$0x1F0A0] =	vst v7  }
0x55: {  	v10 =	vadd.f32 v16, v3;
	v7 =	vadd.f32 v12, v3;
	[tilespmem:$0x1F0D0] =	vst v8  }
0x56: {  	v6 =	vld [tilespmem:s31+$0x850];
	v0 =	vadd.f32 v0, v3;
	v8 =	vadd.f32 v14, v2;
	[tilespmem:$0x1F170] =	vst v11  }
0x57: {  	v11 =	vadd.f32 v1, v2;
	v2 =	vadd.f32 v17, v2;
	[tilespmem:$0x1F0B0] =	vst v7  }
0x58: {  	v1 =	vadd.f32 v1, v3;
	v7 =	vld [tilespmem:s31+$0xC50];
	[tilespmem:$0x1F0E0] =	vst v8;
	v8 =	vadd.f32 v14, v3  }
0x59: {  	[tilespmem:$0x1F200] =	vst v2;
	v2 =	vadd.f32 v17, v3;
	v3 =	vadd.f32 v5, v4  }
0x5a: {  	[tilespmem:$0x1F0F0] =	vst v8;
	v8 =	vld [tilespmem:s31+$0x1050]  }
0x5b: {  	[tilespmem:$0x1F220] =	vst v3;
	v3 =	vadd.f32 v6, v4  }
0x5c: {  	[tilespmem:$0x1F110] =	vst v9;
	v9 =	vld [tilespmem:s31+$0x1450]  }
0x5d: {  	[tilespmem:$0x1F280] =	vst v3;
	v3 =	vadd.f32 v7, v4  }
0x5e: {  	[tilespmem:$0x1F150] =	vst v10;
	v10 =	vld [tilespmem:s31+$0x1850]  }
0x5f: {  	[tilespmem:$0x1F2C0] =	vst v3;
	v3 =	vadd.f32 v8, v4  }
0x60: {  	[tilespmem:$0x1F190] =	vst v0;
	v0 =	vld [tilespmem:s31+$0x1C50]  }
0x61: {  	[tilespmem:$0x1F300] =	vst v3;
	v3 =	vadd.f32 v9, v4  }
0x62: {  	[tilespmem:$0x1F1D0] =	vst v1;
	v1 =	vld [tilespmem:s31+$0x2050]  }
0x63: {  	[tilespmem:$0x1F340] =	vst v3;
	v3 =	vadd.f32 v10, v4  }
0x64: {  	[tilespmem:$0x1F260] =	vst v2;
	v2 =	vld [tilespmem:s31+$0x2850]  }
0x65: {  	[tilespmem:$0x1F380] =	vst v3;
	v3 =	vadd.f32 v0, v4;
	_ =	sdelay $0x1  }
0x66: {  	[tilespmem:$0x1F3E0] =	vst v3;
	v3 =	vadd.f32 v1, v4;
	_ =	sdelay $0x1  }
0x67: {  	[tilespmem:$0x1F460] =	vst v3;
	v3 =	vadd.f32 v5, v2;
	_ =	sdelay $0x1  }
0x68: {  	[tilespmem:$0x1F240] =	vst v3;
	v3 =	vadd.f32 v6, v2;
	_ =	sdelay $0x1  }
0x69: {  	[tilespmem:$0x1F2A0] =	vst v3;
	v3 =	vadd.f32 v7, v2;
	_ =	sdelay $0x1  }
0x6a: {  	[tilespmem:$0x1F2E0] =	vst v3;
	v3 =	vadd.f32 v8, v2;
	_ =	sdelay $0x1  }
0x6b: {  	[tilespmem:$0x1F320] =	vst v3;
	v3 =	vadd.f32 v9, v2;
	_ =	sdelay $0x1  }
0x6c: {  	[tilespmem:$0x1F360] =	vst v3;
	v3 =	vadd.f32 v10, v2  }
0x6d: {  	v4 =	vadd.f32 v0, v2;
	v2 =	vadd.f32 v1, v2  }
0x6e: {  	[tilespmem:$0x1F3B0] =	vst v3;
	v3 =	vld [tilespmem:s31+$0x2C50]  }
0x6f: {  	[tilespmem:$0x1F490] =	vst v2;
	v2 =	vld [tilespmem:s31+$0x3050];
	_ =	sdelay $0x1  }
0x70: {  	[tilespmem:$0x1F410] =	vst v4;
	v4 =	vsub.f32 $1.000000000e+00, v5;
	_ =	sdelay $0x1  }
0x71: {  	v5 =	vsub.f32 $1.000000000e+00, v6;
	v12 =	vadd.f32 v4, v3  }
0x72: {  	[tilespmem:$0x1F1B0] =	vst v11;
	v4 =	vadd.f32 v4, v2  }
0x73: {  	v6 =	vsub.f32 $1.000000000e+00, v7;
	[tilespmem:$0x1F230] =	vst v12;
	v12 =	vadd.f32 v5, v3  }
0x74: {  	[tilespmem:$0x1F250] =	vst v4;
	v5 =	vadd.f32 v5, v2  }
0x75: {  	v7 =	vsub.f32 $1.000000000e+00, v8;
	[tilespmem:$0x1F290] =	vst v12;
	v12 =	vadd.f32 v6, v3  }
0x76: {  	v11 =	vld [tilespmem:s31+$0x440];
	v8 =	vsub.f32 $1.000000000e+00, v9;
	[tilespmem:$0x1F2B0] =	vst v5;
	v6 =	vadd.f32 v6, v2  }
0x77: {  	v9 =	vsub.f32 $1.000000000e+00, v10;
	v10 =	vld [tilespmem:s31+$0x2440];
	[tilespmem:$0x1F2D0] =	vst v12;
	v12 =	vadd.f32 v7, v3  }
0x78: {  	v4 =	vld [tilespmem:s31+$0x840];
	[tilespmem:$0x1F2F0] =	vst v6;
	v7 =	vadd.f32 v7, v2  }
0x79: {  	v5 =	vld [tilespmem:s31+$0xC40];
	[tilespmem:$0x1F310] =	vst v12;
	v12 =	vadd.f32 v8, v3  }
0x7a: {  	v6 =	vld [tilespmem:s31+$0x1040];
	[tilespmem:$0x1F330] =	vst v7  }
0x7b: {  	v0 =	vsub.f32 $1.000000000e+00, v0;
	[tilespmem:$0x1F350] =	vst v12;
	v12 =	vadd.f32 v9, v3  }
0x7c: {  	v1 =	vsub.f32 $1.000000000e+00, v1;
	v8 =	vadd.f32 v8, v2  }
0x7d: {  	v9 =	vadd.f32 v9, v2;
	[tilespmem:$0x1F390] =	vst v12;
	v12 =	vadd.f32 v0, v3  }
0x7e: {  	v0 =	vadd.f32 v0, v2;
	v3 =	vadd.f32 v1, v3  }
0x7f: {  	v1 =	vadd.f32 v1, v2;
	v2 =	vadd.f32 v11, v10;
	_ =	sdelay $0x1  }
0x80: {  	[tilespmem:$0x1F440] =	vst v2;
	v2 =	vadd.f32 v4, v10  }
0x81: {  	v7 =	vld [tilespmem:s31+$0x1440]  }
0x82: {  	[tilespmem:$0x1F4E0] =	vst v2;
	v2 =	vadd.f32 v5, v10  }
0x83: {  	[tilespmem:$0x1F370] =	vst v8;
	v8 =	vld [tilespmem:s31+$0x1840]  }
0x84: {  	[tilespmem:$0x1F520] =	vst v2;
	v2 =	vadd.f32 v6, v10  }
0x85: {  	[tilespmem:$0x1F3C0] =	vst v9;
	v9 =	vld [tilespmem:s31+$0x1C40]  }
0x86: {  	[tilespmem:$0x1F560] =	vst v2;
	v2 =	vadd.f32 v7, v10  }
0x87: {  	[tilespmem:$0x1F420] =	vst v0;
	v0 =	vld [tilespmem:s31+$0x2040]  }
0x88: {  	[tilespmem:$0x1F5A0] =	vst v2;
	v2 =	vadd.f32 v8, v10  }
0x89: {  	[tilespmem:$0x1F4A0] =	vst v1;
	v1 =	vld [tilespmem:s31+$0x2840]  }
0x8a: {  	[tilespmem:$0x1F5E0] =	vst v2;
	v2 =	vadd.f32 v9, v10;
	_ =	sdelay $0x1  }
0x8b: {  	[tilespmem:$0x1F640] =	vst v2;
	v2 =	vadd.f32 v0, v10;
	_ =	sdelay $0x1  }
0x8c: {  	[tilespmem:$0x1F6A0] =	vst v2;
	v2 =	vadd.f32 v11, v1;
	_ =	sdelay $0x1  }
0x8d: {  	[tilespmem:$0x1F4C0] =	vst v2;
	v2 =	vadd.f32 v4, v1;
	_ =	sdelay $0x1  }
0x8e: {  	[tilespmem:$0x1F500] =	vst v2;
	v2 =	vadd.f32 v5, v1;
	_ =	sdelay $0x1  }
0x8f: {  	[tilespmem:$0x1F540] =	vst v2;
	v2 =	vadd.f32 v6, v1;
	_ =	sdelay $0x1  }
0x90: {  	[tilespmem:$0x1F580] =	vst v2;
	v2 =	vadd.f32 v7, v1;
	_ =	sdelay $0x1  }
0x91: {  	[tilespmem:$0x1F5C0] =	vst v2;
	v2 =	vadd.f32 v8, v1;
	_ =	sdelay $0x1  }
0x92: {  	[tilespmem:$0x1F610] =	vst v2;
	v2 =	vld [tilespmem:s31+$0x2C40]  }
0x93: {  	[tilespmem:$0x1F470] =	vst v3;
	v3 =	vadd.f32 v9, v1;
	_ =	sdelay $0x1  }
0x94: {  	[tilespmem:$0x1F670] =	vst v3;
	v3 =	vsub.f32 $1.000000000e+00, v11;
	_ =	sdelay $0x1  }
0x95: {  	[tilespmem:$0x1F3F0] =	vst v12;
	v4 =	vsub.f32 $1.000000000e+00, v4;
	v12 =	vadd.f32 v3, v2  }
0x96: {  	v1 =	vadd.f32 v0, v1  }
0x97: {  	v5 =	vsub.f32 $1.000000000e+00, v5;
	[tilespmem:$0x1F450] =	vst v12;
	v12 =	vadd.f32 v4, v2  }
0x98: {  	[tilespmem:$0x1F6D0] =	vst v1  }
0x99: {  	v6 =	vsub.f32 $1.000000000e+00, v6;
	v1 =	vld [tilespmem:s31+$0x3040];
	[tilespmem:$0x1F4F0] =	vst v12;
	v12 =	vadd.f32 v5, v2;
	_ =	sdelay $0x1  }
0x9a: {  	v7 =	vsub.f32 $1.000000000e+00, v7;
	[tilespmem:$0x1F530] =	vst v12;
	v12 =	vadd.f32 v6, v2  }
0x9b: {  	v9 =	vsub.f32 $1.000000000e+00, v9;
	v8 =	vsub.f32 $1.000000000e+00, v8  }
0x9c: {  	v10 =	vld [tilespmem:s31+$0x2430];
	v0 =	vsub.f32 $1.000000000e+00, v0;
	[tilespmem:$0x1F570] =	vst v12;
	v12 =	vadd.f32 v7, v2  }
0x9d: {  	v11 =	vld [tilespmem:s31+$0x430];
	v3 =	vadd.f32 v3, v1;
	v4 =	vadd.f32 v4, v1  }
0x9e: {  	v5 =	vadd.f32 v5, v1;
	[tilespmem:$0x1F5B0] =	vst v12;
	v12 =	vadd.f32 v8, v2  }
0x9f: {  	[tilespmem:$0x1F4D0] =	vst v3;
	v3 =	vld [tilespmem:s31+$0x830];
	v6 =	vadd.f32 v6, v1;
	v7 =	vadd.f32 v7, v1  }
0xa0: {  	v8 =	vadd.f32 v8, v1;
	[tilespmem:$0x1F5F0] =	vst v12;
	v12 =	vadd.f32 v9, v2  }
0xa1: {  	[tilespmem:$0x1F510] =	vst v4;
	v4 =	vld [tilespmem:s31+$0xC30];
	v9 =	vadd.f32 v9, v1;
	v2 =	vadd.f32 v0, v2  }
0xa2: {  	v0 =	vadd.f32 v0, v1;
	v1 =	vadd.f32 v11, v10  }
0xa3: {  	[tilespmem:$0x1F550] =	vst v5;
	v5 =	vld [tilespmem:s31+$0x1030]  }
0xa4: {  	[tilespmem:$0x1F700] =	vst v1;
	v1 =	vadd.f32 v3, v10  }
0xa5: {  	[tilespmem:$0x1F590] =	vst v6;
	v6 =	vld [tilespmem:s31+$0x1430]  }
0xa6: {  	[tilespmem:$0x1F740] =	vst v1;
	v1 =	vadd.f32 v4, v10  }
0xa7: {  	[tilespmem:$0x1F5D0] =	vst v7;
	v7 =	vld [tilespmem:s31+$0x1830]  }
0xa8: {  	[tilespmem:$0x1F780] =	vst v1;
	v1 =	vadd.f32 v5, v10  }
0xa9: {  	[tilespmem:$0x1F620] =	vst v8;
	v8 =	vld [tilespmem:s31+$0x1C30]  }
0xaa: {  	[tilespmem:$0x1F7C0] =	vst v1;
	v1 =	vadd.f32 v6, v10  }
0xab: {  	[tilespmem:$0x1F680] =	vst v9;
	v9 =	vld [tilespmem:s31+$0x2030]  }
0xac: {  	[tilespmem:$0x1F800] =	vst v1;
	v1 =	vadd.f32 v7, v10  }
0xad: {  	[tilespmem:$0x1F6E0] =	vst v0;
	v0 =	vld [tilespmem:s31+$0x2830]  }
0xae: {  	[tilespmem:$0x1F840] =	vst v1;
	v1 =	vadd.f32 v8, v10;
	_ =	sdelay $0x1  }
0xaf: {  	[tilespmem:$0x1F860] =	vst v1;
	v1 =	vadd.f32 v9, v10;
	_ =	sdelay $0x1  }
0xb0: {  	[tilespmem:$0x1F8A0] =	vst v1;
	v1 =	vadd.f32 v11, v0;
	_ =	sdelay $0x1  }
0xb1: {  	[tilespmem:$0x1F720] =	vst v1;
	v1 =	vadd.f32 v3, v0;
	_ =	sdelay $0x1  }
0xb2: {  	[tilespmem:$0x1F760] =	vst v1;
	v1 =	vadd.f32 v4, v0;
	_ =	sdelay $0x1  }
0xb3: {  	[tilespmem:$0x1F7A0] =	vst v1;
	v1 =	vadd.f32 v5, v0;
	_ =	sdelay $0x1  }
0xb4: {  	[tilespmem:$0x1F7E0] =	vst v1;
	v1 =	vadd.f32 v6, v0;
	_ =	sdelay $0x1  }
0xb5: {  	[tilespmem:$0x1F820] =	vst v1;
	v1 =	vadd.f32 v7, v0;
	_ =	sdelay $0x1  }
0xb6: {  	[tilespmem:$0x1F850] =	vst v1;
	v1 =	vld [tilespmem:s31+$0x2C30]  }
0xb7: {  	[tilespmem:$0x1F6B0] =	vst v2;
	v2 =	vadd.f32 v8, v0;
	_ =	sdelay $0x1  }
0xb8: {  	[tilespmem:$0x1F870] =	vst v2;
	v2 =	vsub.f32 $1.000000000e+00, v11;
	v0 =	vadd.f32 v9, v0  }
0xb9: {  	[tilespmem:$0x1F650] =	vst v12  }
0xba: {  	v3 =	vsub.f32 $1.000000000e+00, v3;
	[tilespmem:$0x1F910] =	vst v0;
	v0 =	vld [tilespmem:s31+$0x3030];
	v12 =	vadd.f32 v2, v1  }
0xbb: {  	v8 =	vsub.f32 $1.000000000e+00, v8  }
0xbc: {  	v4 =	vsub.f32 $1.000000000e+00, v4;
	[tilespmem:$0x1F710] =	vst v12;
	v12 =	vadd.f32 v3, v1  }
0xbd: {  	v5 =	vsub.f32 $1.000000000e+00, v5;
	v6 =	vsub.f32 $1.000000000e+00, v6  }
0xbe: {  	v10 =	vld [tilespmem:s31+$0x2420];
	v7 =	vsub.f32 $1.000000000e+00, v7;
	[tilespmem:$0x1F750] =	vst v12;
	v12 =	vadd.f32 v4, v1  }
0xbf: {  	v11 =	vld [tilespmem:s31+$0x420];
	v9 =	vsub.f32 $1.000000000e+00, v9;
	v2 =	vadd.f32 v2, v0  }
0xc0: {  	v49 =	vadd.f32 v7, v1;
	[tilespmem:$0x1F790] =	vst v12;
	v12 =	vadd.f32 v5, v1  }
0xc1: {  	v59 =	vadd.f32 v8, v1;
	[tilespmem:$0x1F730] =	vst v2;
	v2 =	vld [tilespmem:s31+$0x820];
	v3 =	vadd.f32 v3, v0  }
0xc2: {  	[tilespmem:$0x1F7D0] =	vst v12;
	v12 =	vadd.f32 v6, v1;
	v1 =	vadd.f32 v9, v1  }
0xc3: {  	[tilespmem:$0x1F770] =	vst v3;
	v3 =	vld [tilespmem:s31+$0xC20];
	v4 =	vadd.f32 v4, v0  }
0xc4: {  	[tilespmem:$0x1F8B0] =	vst v1;
	v1 =	vadd.f32 v11, v10  }
0xc5: {  	[tilespmem:$0x1F7B0] =	vst v4;
	v4 =	vld [tilespmem:s31+$0x1020];
	v5 =	vadd.f32 v5, v0  }
0xc6: {  	[tilespmem:$0x1F8D0] =	vst v1;
	v1 =	vadd.f32 v2, v10  }
0xc7: {  	[tilespmem:$0x1F7F0] =	vst v5;
	v5 =	vld [tilespmem:s31+$0x1420];
	v6 =	vadd.f32 v6, v0  }
0xc8: {  	[tilespmem:$0x1F940] =	vst v1;
	v1 =	vadd.f32 v3, v10  }
0xc9: {  	[tilespmem:$0x1F830] =	vst v6;
	v6 =	vld [tilespmem:s31+$0x1820]  }
0xca: {  	[tilespmem:$0x1F980] =	vst v1;
	v1 =	vadd.f32 v4, v10  }
0xcb: {  	v28 =	vadd.f32 v7, v0;
	v7 =	vld [tilespmem:s31+$0x1C20];
	v8 =	vadd.f32 v8, v0  }
0xcc: {  	[tilespmem:$0x1F9C0] =	vst v1;
	v1 =	vadd.f32 v5, v10  }
0xcd: {  	[tilespmem:$0x1F880] =	vst v8;
	v8 =	vld [tilespmem:s31+$0x2020];
	v0 =	vadd.f32 v9, v0  }
0xce: {  	[tilespmem:$0x1FA00] =	vst v1;
	v1 =	vadd.f32 v6, v10  }
0xcf: {  	[tilespmem:$0x1F920] =	vst v0;
	v0 =	vld [tilespmem:s31+$0x2820]  }
0xd0: {  	[tilespmem:$0x1FA40] =	vst v1;
	v1 =	vadd.f32 v7, v10;
	_ =	sdelay $0x1  }
0xd1: {  	[tilespmem:$0x1FA60] =	vst v1;
	v1 =	vadd.f32 v8, v10;
	_ =	sdelay $0x1  }
0xd2: {  	[tilespmem:$0x1FA90] =	vst v1;
	v1 =	vadd.f32 v11, v0;
	_ =	sdelay $0x1  }
0xd3: {  	[tilespmem:$0x1F8F0] =	vst v1;
	v1 =	vadd.f32 v2, v0;
	_ =	sdelay $0x1  }
0xd4: {  	[tilespmem:$0x1F960] =	vst v1;
	v1 =	vadd.f32 v3, v0;
	_ =	sdelay $0x1  }
0xd5: {  	[tilespmem:$0x1F9A0] =	vst v1;
	v1 =	vadd.f32 v4, v0;
	_ =	sdelay $0x1  }
0xd6: {  	[tilespmem:$0x1F9E0] =	vst v1;
	v1 =	vadd.f32 v5, v0;
	_ =	sdelay $0x1  }
0xd7: {  	[tilespmem:$0x1FA20] =	vst v1;
	v1 =	vadd.f32 v6, v0;
	_ =	sdelay $0x1  }
0xd8: {  	[tilespmem:$0x1FA50] =	vst v1;
	v1 =	vld [tilespmem:s31+$0x2C20]  }
0xd9: {  	v9 =	vadd.f32 v7, v0;
	_ =	sdelay $0x1  }
0xda: {  	[tilespmem:$0x1FA70] =	vst v9;
	v9 =	vsub.f32 $1.000000000e+00, v11;
	v0 =	vadd.f32 v8, v0  }
0xdb: {  	[tilespmem:$0x1F810] =	vst v12  }
0xdc: {  	v2 =	vsub.f32 $1.000000000e+00, v2;
	[tilespmem:$0x1FAC0] =	vst v0;
	v0 =	vld [tilespmem:s31+$0x3020];
	v12 =	vadd.f32 v9, v1;
	_ =	sdelay $0x1  }
0xdd: {  	v3 =	vsub.f32 $1.000000000e+00, v3;
	[tilespmem:$0x1F8E0] =	vst v12;
	v12 =	vadd.f32 v2, v1  }
0xde: {  	v7 =	vsub.f32 $1.000000000e+00, v7  }
0xdf: {  	v4 =	vsub.f32 $1.000000000e+00, v4;
	[tilespmem:$0x1F950] =	vst v12;
	v12 =	vadd.f32 v3, v1  }
0xe0: {  	v5 =	vsub.f32 $1.000000000e+00, v5;
	v9 =	vadd.f32 v9, v0  }
0xe1: {  	v10 =	vld [tilespmem:s31+$0x2410];
	v6 =	vsub.f32 $1.000000000e+00, v6;
	[tilespmem:$0x1F990] =	vst v12;
	v12 =	vadd.f32 v4, v1  }
0xe2: {  	v8 =	vsub.f32 $1.000000000e+00, v8;
	[tilespmem:$0x1F900] =	vst v9;
	v9 =	vld [tilespmem:s31+$0x810];
	v2 =	vadd.f32 v2, v0  }
0xe3: {  	[tilespmem:$0x1F9D0] =	vst v12;
	v12 =	vadd.f32 v5, v1;
	v5 =	vadd.f32 v5, v0  }
0xe4: {  	v33 =	vadd.f32 v6, v1;
	[tilespmem:$0x1F970] =	vst v2;
	v2 =	vld [tilespmem:s31+$0xC10];
	v3 =	vadd.f32 v3, v0  }
0xe5: {  	[tilespmem:$0x1FA30] =	vst v5;
	v5 =	vadd.f32 v7, v1;
	v1 =	vadd.f32 v8, v1  }
0xe6: {  	[tilespmem:$0x1F9B0] =	vst v3;
	v3 =	vld [tilespmem:s31+$0x1010];
	v4 =	vadd.f32 v4, v0  }
0xe7: {  	[tilespmem:$0x1FAA0] =	vst v1;
	v1 =	vadd.f32 v9, v10  }
0xe8: {  	[tilespmem:$0x1F9F0] =	vst v4;
	v4 =	vld [tilespmem:s31+$0x1410]  }
0xe9: {  	[tilespmem:$0x1FB10] =	vst v1;
	v1 =	vadd.f32 v2, v10  }
0xea: {  	[tilespmem:$0x1FA10] =	vst v12;
	v12 =	vld [tilespmem:s31+$0x1810]  }
0xeb: {  	[tilespmem:$0x1FB50] =	vst v1;
	v1 =	vadd.f32 v3, v10  }
0xec: {  	v16 =	vadd.f32 v6, v0;
	v6 =	vld [tilespmem:s31+$0x1C10]  }
0xed: {  	[tilespmem:$0x1FB90] =	vst v1;
	v1 =	vadd.f32 v4, v10  }
0xee: {  	v36 =	vadd.f32 v7, v0;
	v0 =	vadd.f32 v8, v0;
	v7 =	vld [tilespmem:s31+$0x2010]  }
0xef: {  	v11 =	vld [tilespmem:s31+$0x410];
	[tilespmem:$0x1FBD0] =	vst v1;
	v1 =	vadd.f32 v12, v10  }
0xf0: {  	[tilespmem:$0x1FAD0] =	vst v0;
	v0 =	vld [tilespmem:s31+$0x2810]  }
0xf1: {  	[tilespmem:$0x1FC10] =	vst v1;
	v1 =	vadd.f32 v6, v10;
	_ =	sdelay $0x1  }
0xf2: {  	[tilespmem:$0x1FC30] =	vst v1;
	v1 =	vadd.f32 v7, v10;
	_ =	sdelay $0x1  }
0xf3: {  	[tilespmem:$0x1FC60] =	vst v1;
	v1 =	vadd.f32 v11, v0;
	_ =	sdelay $0x1  }
0xf4: {  	[tilespmem:$0x1FAF0] =	vst v1;
	v1 =	vadd.f32 v9, v0;
	_ =	sdelay $0x1  }
0xf5: {  	[tilespmem:$0x1FB30] =	vst v1;
	v1 =	vadd.f32 v2, v0;
	_ =	sdelay $0x1  }
0xf6: {  	[tilespmem:$0x1FB70] =	vst v1;
	v1 =	vadd.f32 v3, v0;
	_ =	sdelay $0x1  }
0xf7: {  	[tilespmem:$0x1FBB0] =	vst v1;
	v1 =	vadd.f32 v4, v0;
	_ =	sdelay $0x1  }
0xf8: {  	[tilespmem:$0x1FBF0] =	vst v1;
	v1 =	vadd.f32 v12, v0  }
0xf9: {  	v8 =	vadd.f32 v6, v0;
	v0 =	vadd.f32 v7, v0  }
0xfa: {  	[tilespmem:$0x1FC20] =	vst v1;
	v1 =	vld [tilespmem:s31+$0x2C10]  }
0xfb: {  	[tilespmem:$0x1FC90] =	vst v0;
	v0 =	vld [tilespmem:s31+$0x3010]  }
0xfc: {  	v24 =	vadd.f32 v11, v10  }
0xfd: {  	[tilespmem:$0x1FC40] =	vst v8;
	v8 =	vsub.f32 $1.000000000e+00, v11;
	v9 =	vsub.f32 $1.000000000e+00, v9  }
0xfe: {  	v6 =	vsub.f32 $1.000000000e+00, v6;
	v10 =	vsub.f32 $1.000000000e+00, v12  }
0xff: {  	v2 =	vsub.f32 $1.000000000e+00, v2;
	v12 =	vadd.f32 v9, v1  }
0x100: {  	v32 =	vadd.f32 v8, v1;
	v8 =	vadd.f32 v8, v0  }
0x101: {  	v3 =	vsub.f32 $1.000000000e+00, v3;
	[tilespmem:$0x1FB20] =	vst v12;
	v12 =	vadd.f32 v2, v1  }
0x102: {  	v11 =	vld [tilespmem:s31+$0x2400];
	v4 =	vsub.f32 $1.000000000e+00, v4;
	v9 =	vadd.f32 v9, v0;
	[tilespmem:$0x1FB00] =	vst v8  }
0x103: {  	v8 =	vld [tilespmem:s31+$0x800];
	[tilespmem:$0x1FB60] =	vst v12;
	v12 =	vadd.f32 v3, v1;
	v3 =	vadd.f32 v3, v0  }
0x104: {  	v7 =	vsub.f32 $1.000000000e+00, v7;
	v14 =	vadd.f32 v6, v1;
	[tilespmem:$0x1FB40] =	vst v9  }
0x105: {  	v9 =	vld [tilespmem:s31+$0xC00];
	v2 =	vadd.f32 v2, v0;
	[tilespmem:$0x1FBC0] =	vst v3;
	v3 =	vadd.f32 v4, v1  }
0x106: {  	[tilespmem:$0x1FBA0] =	vst v12;
	v12 =	vadd.f32 v10, v1;
	v1 =	vadd.f32 v7, v1  }
0x107: {  	[tilespmem:$0x1FB80] =	vst v2;
	v2 =	vld [tilespmem:s31+$0x1000]  }
0x108: {  	[tilespmem:$0x1FC70] =	vst v1;
	v1 =	vadd.f32 v8, v11  }
0x109: {  	v17 =	vld [tilespmem:s31+$0x1400]  }
0x10a: {  	[tilespmem:$0x1FCB0] =	vst v1;
	v1 =	vadd.f32 v9, v11  }
0x10b: {  	v18 =	vld [tilespmem:s31+$0x1800]  }
0x10c: {  	[tilespmem:$0x1FCD0] =	vst v1;
	v1 =	vadd.f32 v2, v11  }
0x10d: {  	v13 =	vadd.f32 v10, v0;
	v10 =	vld [tilespmem:s31+$0x1C00];
	[tilespmem:$0x1FBE0] =	vst v3;
	v3 =	vadd.f32 v4, v0  }
0x10e: {  	[tilespmem:$0x1FCF0] =	vst v1;
	v1 =	vadd.f32 v17, v11  }
0x10f: {  	[tilespmem:$0x1FC00] =	vst v3;
	v3 =	vadd.f32 v6, v0;
	v6 =	vld [tilespmem:s31+$0x2000];
	v0 =	vadd.f32 v7, v0  }
0x110: {  	v15 =	vld [tilespmem:s31+$0x400];
	[tilespmem:$0x1FD30] =	vst v1;
	v1 =	vadd.f32 v18, v11  }
0x111: {  	[tilespmem:$0x1FCA0] =	vst v0;
	v0 =	vld [tilespmem:s31+$0x2800]  }
0x112: {  	[tilespmem:$0x1FD70] =	vst v1;
	v1 =	vadd.f32 v10, v11;
	_ =	sdelay $0x1  }
0x113: {  	[tilespmem:$0x1FDB0] =	vst v1;
	v1 =	vadd.f32 v6, v11;
	_ =	sdelay $0x1  }
0x114: {  	[tilespmem:$0x1FDF0] =	vst v1;
	v1 =	vadd.f32 v15, v0;
	_ =	sdelay $0x1  }
0x115: {  	[tilespmem:$0x1FC80] =	vst v1;
	v1 =	vadd.f32 v8, v0;
	_ =	sdelay $0x1  }
0x116: {  	[tilespmem:$0x1FCC0] =	vst v1;
	v1 =	vadd.f32 v9, v0;
	_ =	sdelay $0x1  }
0x117: {  	[tilespmem:$0x1FCE0] =	vst v1;
	v1 =	vadd.f32 v2, v0;
	_ =	sdelay $0x1  }
0x118: {  	[tilespmem:$0x1FD10] =	vst v1;
	v1 =	vadd.f32 v17, v0;
	_ =	sdelay $0x1  }
0x119: {  	[tilespmem:$0x1FD50] =	vst v1;
	v1 =	vadd.f32 v18, v0  }
0x11a: {  	v20 =	vld [tilespmem:s31+$0x2C00]  }
0x11b: {  	v21 =	vld [tilespmem:s31+$0x3000];
	[tilespmem:$0x1FD90] =	vst v1;
	v1 =	vadd.f32 v10, v0;
	v0 =	vadd.f32 v6, v0;
	_ =	sdelay $0x1  }
0x11c: {  	[tilespmem:$0x1FE10] =	vst v0;
	v0 =	vsub.f32 $1.000000000e+00, v15  }
0x11d: {  	[tilespmem:$0x1FDD0] =	vst v1;
	v1 =	vsub.f32 $1.000000000e+00, v8;
	v8 =	vsub.f32 $1.000000000e+00, v2  }
0x11e: {  	[tilespmem:$0x1FC50] =	vst v3;
	v3 =	vadd.f32 v0, v20  }
0x11f: {  	v4 =	vadd.f32 v0, v21;
	v0 =	vadd.f32 v8, v20  }
0x120: {  	v43 =	vadd.f32 v15, v11  }
0x121: {  	v11 =	vsub.f32 $1.000000000e+00, v17;
	[tilespmem:$0x1FD00] =	vst v0;
	v0 =	vadd.f32 v8, v21;
	_ =	sdelay $0x1  }
0x122: {  	[tilespmem:$0x1FD20] =	vst v0;
	v0 =	vadd.f32 v11, v20;
	_ =	sdelay $0x1  }
0x123: {  	v15 =	vsub.f32 $1.000000000e+00, v18;
	[tilespmem:$0x1FD40] =	vst v0;
	v0 =	vadd.f32 v11, v21;
	_ =	sdelay $0x1  }
0x124: {  	[tilespmem:$0x1FD60] =	vst v0;
	v0 =	vadd.f32 v15, v20;
	_ =	sdelay $0x1  }
0x125: {  	v18 =	vsub.f32 $1.000000000e+00, v10;
	[tilespmem:$0x1FD80] =	vst v0;
	v0 =	vadd.f32 v15, v21;
	_ =	sdelay $0x1  }
0x126: {  	[tilespmem:$0x1FDA0] =	vst v0;
	v0 =	vadd.f32 v18, v20;
	_ =	sdelay $0x1  }
0x127: {  	v22 =	vsub.f32 $1.000000000e+00, v6;
	[tilespmem:$0x1FDC0] =	vst v0;
	v0 =	vadd.f32 v18, v21;
	_ =	sdelay $0x1  }
0x128: {  	[tilespmem:$0x1FDE0] =	vst v0;
	v0 =	vadd.f32 v22, v20;
	_ =	sdelay $0x1  }
0x129: {  	[tilespmem:$0x1FE00] =	vst v0;
	v0 =	vadd.f32 v22, v21;
	_ =	sdelay $0x1  }
0x12a: {  	[tilespmem:$0x1FE20] =	vst v0;
	v0 =	vmin.f32 v19, v53  }
0x12b: {  	[tilespmem:$0x1FE30] =	vst v0;
	v0 =	vld [tilespmem:$0x1EF30];
	_ =	sdelay $0x4  }
0x12c: {  	v0 =	vmax.f32 v25, v0  }
0x12d: {  	[tilespmem:$0x1FE80] =	vst v0;
	v0 =	vld [tilespmem:$0x1EF40];
	_ =	sdelay $0x4  }
0x12e: {  	v0 =	vmin.f32 v26, v0  }
0x12f: {  	[tilespmem:$0x1FE90] =	vst v0;
	v0 =	vld [tilespmem:$0x1EF50];
	_ =	sdelay $0x4  }
0x130: {  	v0 =	vmax.f32 v27, v0  }
0x131: {  	[tilespmem:$0x1FEA0] =	vst v0;
	v0 =	vld [tilespmem:$0x1EF60];
	_ =	sdelay $0x4  }
0x132: {  	v0 =	vmin.f32 v29, v0  }
0x133: {  	[tilespmem:$0x1FF20] =	vst v0;
	v0 =	vld [tilespmem:$0x1EF70];
	_ =	sdelay $0x4  }
0x134: {  	v0 =	vmax.f32 v30, v0  }
0x135: {  	[tilespmem:$0x1FF30] =	vst v0;
	v0 =	vld [tilespmem:$0x1EF80];
	_ =	sdelay $0x4  }
0x136: {  	v0 =	vmin.f32 v31, v0  }
0x137: {  	[tilespmem:$0x1FF40] =	vst v0;
	v0 =	vld [tilespmem:$0x1EF90];
	_ =	sdelay $0x4  }
0x138: {  	v0 =	vmax.f32 v34, v0  }
0x139: {  	[tilespmem:$0x1EFA0] =	vst v0;
	v0 =	vld [tilespmem:$0x1EFB0];
	_ =	sdelay $0x4  }
0x13a: {  	v0 =	vmin.f32 v35, v0  }
0x13b: {  	[tilespmem:$0x1EFC0] =	vst v0;
	v0 =	vld [tilespmem:$0x1EFD0];
	_ =	sdelay $0x4  }
0x13c: {  	v0 =	vmax.f32 v37, v0  }
0x13d: {  	[tilespmem:$0x1EFE0] =	vst v0;
	v0 =	vld [tilespmem:$0x1EFF0];
	_ =	sdelay $0x4  }
0x13e: {  	v0 =	vmin.f32 v38, v0  }
0x13f: {  	[tilespmem:$0x1F000] =	vst v0;
	v0 =	vld [tilespmem:$0x1F010];
	_ =	sdelay $0x4  }
0x140: {  	v0 =	vmax.f32 v39, v0  }
0x141: {  	[tilespmem:$0x1F020] =	vst v0;
	v0 =	vld [tilespmem:$0x1F030];
	_ =	sdelay $0x4  }
0x142: {  	v0 =	vmin.f32 v40, v0  }
0x143: {  	[tilespmem:$0x1F040] =	vst v0;
	v0 =	vld [tilespmem:$0x1F050];
	_ =	sdelay $0x4  }
0x144: {  	v0 =	vmax.f32 v41, v0  }
0x145: {  	[tilespmem:$0x1F060] =	vst v0;
	v0 =	vld [tilespmem:$0x1F070];
	_ =	sdelay $0x4  }
0x146: {  	v0 =	vmin.f32 v42, v0  }
0x147: {  	[tilespmem:$0x1F080] =	vst v0;
	v0 =	vld [tilespmem:$0x1F090];
	_ =	sdelay $0x4  }
0x148: {  	v53 =	vmax.f32 v44, v0;
	v0 =	vld [tilespmem:$0x1F0A0];
	_ =	sdelay $0x4  }
0x149: {  	v38 =	vmin.f32 v45, v0;
	v0 =	vld [tilespmem:$0x1F0B0];
	_ =	sdelay $0x4  }
0x14a: {  	v0 =	vmax.f32 v46, v0  }
0x14b: {  	[tilespmem:$0x1FE50] =	vst v0;
	v0 =	vld [tilespmem:$0x1F0C0];
	_ =	sdelay $0x4  }
0x14c: {  	v0 =	vmin.f32 v47, v0  }
0x14d: {  	[tilespmem:$0x1FE60] =	vst v0;
	v0 =	vld [tilespmem:$0x1F0D0];
	_ =	sdelay $0x4  }
0x14e: {  	v0 =	vmax.f32 v48, v0  }
0x14f: {  	[tilespmem:$0x1FE70] =	vst v0;
	v0 =	vld [tilespmem:$0x1F0E0];
	_ =	sdelay $0x4  }
0x150: {  	v0 =	vmin.f32 v51, v0  }
0x151: {  	[tilespmem:$0x1FEF0] =	vst v0;
	v0 =	vld [tilespmem:$0x1F0F0];
	_ =	sdelay $0x4  }
0x152: {  	v0 =	vmax.f32 v52, v0  }
0x153: {  	[tilespmem:$0x1FF00] =	vst v0;
	v0 =	vld [tilespmem:$0x1F100];
	_ =	sdelay $0x4  }
0x154: {  	v0 =	vmin.f32 v55, v0  }
0x155: {  	[tilespmem:$0x1FF10] =	vst v0;
	v0 =	vld [tilespmem:$0x1F110];
	_ =	sdelay $0x4  }
0x156: {  	v0 =	vmax.f32 v56, v0  }
0x157: {  	[tilespmem:$0x1F120] =	vst v0;
	v0 =	vld [tilespmem:$0x1F130];
	_ =	sdelay $0x4  }
0x158: {  	v0 =	vmin.f32 v57, v0  }
0x159: {  	[tilespmem:$0x1F140] =	vst v0;
	v0 =	vld [tilespmem:$0x1F150];
	_ =	sdelay $0x4  }
0x15a: {  	v0 =	vmax.f32 v58, v0  }
0x15b: {  	[tilespmem:$0x1F160] =	vst v0;
	v0 =	vld [tilespmem:$0x1F170];
	_ =	sdelay $0x4  }
0x15c: {  	v0 =	vmin.f32 v60, v0  }
0x15d: {  	[tilespmem:$0x1F180] =	vst v0;
	v0 =	vld [tilespmem:$0x1F190];
	_ =	sdelay $0x4  }
0x15e: {  	v0 =	vmax.f32 v61, v0  }
0x15f: {  	[tilespmem:$0x1F1A0] =	vst v0;
	v0 =	vld [tilespmem:$0x1F1B0];
	_ =	sdelay $0x4  }
0x160: {  	v0 =	vmin.f32 v62, v0  }
0x161: {  	[tilespmem:$0x1F1C0] =	vst v0;
	v0 =	vld [tilespmem:$0x1F1D0];
	_ =	sdelay $0x4  }
0x162: {  	v54 =	vadd.f32 v1, v20;
	v2 =	vadd.f32 v1, v21;
	v1 =	vld [tilespmem:$0x1F200];
	v0 =	vmax.f32 v63, v0  }
0x163: {  	[tilespmem:$0x1F1E0] =	vst v0;
	v0 =	vld [tilespmem:$0x1F1F0];
	_ =	sdelay $0x4  }
0x164: {  	v0 =	vmin.f32 v0, v1;
	v1 =	vld [tilespmem:$0x1F230]  }
0x165: {  	[tilespmem:$0x1F210] =	vst v0;
	v0 =	vld [tilespmem:$0x1F220];
	_ =	sdelay $0x4  }
0x166: {  	v19 =	vmin.f32 v0, v1;
	v0 =	vld [tilespmem:$0x1F240]  }
0x167: {  	v1 =	vld [tilespmem:$0x1F250];
	_ =	sdelay $0x4  }
0x168: {  	v58 =	vmax.f32 v0, v1;
	v0 =	vld [tilespmem:$0x1F260];
	_ =	sdelay $0x4  }
0x169: {  	v1 =	vld [tilespmem:$0x1F290];
	v0 =	vmax.f32 v50, v0  }
0x16a: {  	[tilespmem:$0x1F270] =	vst v0;
	v0 =	vld [tilespmem:$0x1F280];
	_ =	sdelay $0x4  }
0x16b: {  	v52 =	vmin.f32 v0, v1;
	v0 =	vld [tilespmem:$0x1F2A0]  }
0x16c: {  	v1 =	vld [tilespmem:$0x1F2B0];
	_ =	sdelay $0x4  }
0x16d: {  	v56 =	vmax.f32 v0, v1;
	v0 =	vld [tilespmem:$0x1F2C0]  }
0x16e: {  	v1 =	vld [tilespmem:$0x1F2D0];
	_ =	sdelay $0x4  }
0x16f: {  	v0 =	vmin.f32 v0, v1;
	v1 =	vld [tilespmem:$0x1F2F0]  }
0x170: {  	[tilespmem:$0x1FEC0] =	vst v0;
	v0 =	vld [tilespmem:$0x1F2E0];
	_ =	sdelay $0x4  }
0x171: {  	v0 =	vmax.f32 v0, v1;
	v1 =	vld [tilespmem:$0x1F310]  }
0x172: {  	[tilespmem:$0x1FED0] =	vst v0;
	v0 =	vld [tilespmem:$0x1F300];
	_ =	sdelay $0x4  }
0x173: {  	v0 =	vmin.f32 v0, v1;
	v1 =	vld [tilespmem:$0x1F330]  }
0x174: {  	[tilespmem:$0x1FEE0] =	vst v0;
	v0 =	vld [tilespmem:$0x1F320];
	_ =	sdelay $0x4  }
0x175: {  	v0 =	vmax.f32 v0, v1;
	v1 =	vld [tilespmem:$0x1F350]  }
0x176: {  	[tilespmem:$0x1FFB0] =	vst v0;
	v0 =	vld [tilespmem:$0x1F340];
	_ =	sdelay $0x4  }
0x177: {  	v0 =	vmin.f32 v0, v1;
	v1 =	vld [tilespmem:$0x1F370]  }
0x178: {  	[tilespmem:$0x1FFC0] =	vst v0;
	v0 =	vld [tilespmem:$0x1F360];
	_ =	sdelay $0x4  }
0x179: {  	v0 =	vmax.f32 v0, v1;
	v1 =	vld [tilespmem:$0x1F390]  }
0x17a: {  	[tilespmem:$0x1FFD0] =	vst v0;
	v0 =	vld [tilespmem:$0x1F380];
	_ =	sdelay $0x4  }
0x17b: {  	v0 =	vmin.f32 v0, v1;
	v1 =	vld [tilespmem:$0x1F3C0]  }
0x17c: {  	[tilespmem:$0x1F3A0] =	vst v0;
	v0 =	vld [tilespmem:$0x1F3B0];
	_ =	sdelay $0x4  }
0x17d: {  	v0 =	vmax.f32 v0, v1;
	v1 =	vld [tilespmem:$0x1F3F0]  }
0x17e: {  	[tilespmem:$0x1F3D0] =	vst v0;
	v0 =	vld [tilespmem:$0x1F3E0];
	_ =	sdelay $0x4  }
0x17f: {  	v0 =	vmin.f32 v0, v1;
	v1 =	vld [tilespmem:$0x1F420]  }
0x180: {  	[tilespmem:$0x1F400] =	vst v0;
	v0 =	vld [tilespmem:$0x1F410];
	_ =	sdelay $0x4  }
0x181: {  	v0 =	vmax.f32 v0, v1;
	v1 =	vld [tilespmem:$0x1F450]  }
0x182: {  	[tilespmem:$0x1F430] =	vst v0;
	v0 =	vld [tilespmem:$0x1F440];
	_ =	sdelay $0x4  }
0x183: {  	v7 =	vsub.f32 $1.000000000e+00, v9;
	v9 =	vmin.f32 v0, v1;
	v0 =	vld [tilespmem:$0x1F460]  }
0x184: {  	v1 =	vld [tilespmem:$0x1F470];
	_ =	sdelay $0x4  }
0x185: {  	v0 =	vmin.f32 v0, v1;
	v1 =	vld [tilespmem:$0x1F4A0]  }
0x186: {  	[tilespmem:$0x1F480] =	vst v0;
	v0 =	vld [tilespmem:$0x1F490];
	_ =	sdelay $0x4  }
0x187: {  	v0 =	vmax.f32 v0, v1;
	v1 =	vld [tilespmem:$0x1F4D0]  }
0x188: {  	[tilespmem:$0x1F4B0] =	vst v0;
	v0 =	vld [tilespmem:$0x1F4C0];
	_ =	sdelay $0x4  }
0x189: {  	v41 =	vmax.f32 v0, v1;
	v0 =	vld [tilespmem:$0x1F4E0]  }
0x18a: {  	v1 =	vld [tilespmem:$0x1F4F0];
	_ =	sdelay $0x4  }
0x18b: {  	v42 =	vmin.f32 v0, v1;
	v0 =	vld [tilespmem:$0x1F500]  }
0x18c: {  	v1 =	vld [tilespmem:$0x1F510];
	_ =	sdelay $0x4  }
0x18d: {  	v57 =	vmax.f32 v0, v1;
	v0 =	vld [tilespmem:$0x1F520]  }
0x18e: {  	v1 =	vld [tilespmem:$0x1F530];
	_ =	sdelay $0x4  }
0x18f: {  	v0 =	vmin.f32 v0, v1;
	v1 =	vld [tilespmem:$0x1F550]  }
0x190: {  	[tilespmem:$0x1FEB0] =	vst v0;
	v0 =	vld [tilespmem:$0x1F540];
	_ =	sdelay $0x4  }
0x191: {  	v60 =	vmax.f32 v0, v1;
	v0 =	vld [tilespmem:$0x1F560]  }
0x192: {  	v1 =	vld [tilespmem:$0x1F570];
	_ =	sdelay $0x4  }
0x193: {  	v61 =	vmin.f32 v0, v1;
	v0 =	vld [tilespmem:$0x1F580]  }
0x194: {  	v1 =	vld [tilespmem:$0x1F590];
	_ =	sdelay $0x4  }
0x195: {  	v0 =	vmax.f32 v0, v1;
	v1 =	vld [tilespmem:$0x1F5B0]  }
0x196: {  	[tilespmem:$0x1FF80] =	vst v0;
	v0 =	vld [tilespmem:$0x1F5A0];
	_ =	sdelay $0x4  }
0x197: {  	v0 =	vmin.f32 v0, v1;
	v1 =	vld [tilespmem:$0x1F5D0]  }
0x198: {  	[tilespmem:$0x1FF90] =	vst v0;
	v0 =	vld [tilespmem:$0x1F5C0];
	_ =	sdelay $0x4  }
0x199: {  	v0 =	vmax.f32 v0, v1;
	v1 =	vld [tilespmem:$0x1F5F0]  }
0x19a: {  	[tilespmem:$0x1FFA0] =	vst v0;
	v0 =	vld [tilespmem:$0x1F5E0];
	_ =	sdelay $0x4  }
0x19b: {  	v0 =	vmin.f32 v0, v1;
	v1 =	vld [tilespmem:$0x1F620]  }
0x19c: {  	[tilespmem:$0x1F600] =	vst v0;
	v0 =	vld [tilespmem:$0x1F610];
	_ =	sdelay $0x4  }
0x19d: {  	v0 =	vmax.f32 v0, v1;
	v1 =	vld [tilespmem:$0x1F650]  }
0x19e: {  	[tilespmem:$0x1F630] =	vst v0;
	v0 =	vld [tilespmem:$0x1F640];
	_ =	sdelay $0x4  }
0x19f: {  	v0 =	vmin.f32 v0, v1;
	v1 =	vld [tilespmem:$0x1F680]  }
0x1a0: {  	[tilespmem:$0x1F660] =	vst v0;
	v0 =	vld [tilespmem:$0x1F670];
	_ =	sdelay $0x4  }
0x1a1: {  	v0 =	vmax.f32 v0, v1;
	v1 =	vld [tilespmem:$0x1F6B0]  }
0x1a2: {  	[tilespmem:$0x1F690] =	vst v0;
	v0 =	vld [tilespmem:$0x1F6A0];
	_ =	sdelay $0x4  }
0x1a3: {  	v0 =	vmin.f32 v0, v1;
	v1 =	vld [tilespmem:$0x1F6E0]  }
0x1a4: {  	[tilespmem:$0x1F6C0] =	vst v0;
	v0 =	vld [tilespmem:$0x1F6D0];
	_ =	sdelay $0x4  }
0x1a5: {  	v0 =	vmax.f32 v0, v1;
	v1 =	vld [tilespmem:$0x1F710]  }
0x1a6: {  	[tilespmem:$0x1F6F0] =	vst v0;
	v0 =	vld [tilespmem:$0x1F700];
	_ =	sdelay $0x4  }
0x1a7: {  	v8 =	vmin.f32 v0, v1;
	v0 =	vld [tilespmem:$0x1F720]  }
0x1a8: {  	v1 =	vld [tilespmem:$0x1F730];
	_ =	sdelay $0x4  }
0x1a9: {  	v29 =	vmax.f32 v0, v1;
	v0 =	vld [tilespmem:$0x1F740]  }
0x1aa: {  	v1 =	vld [tilespmem:$0x1F750];
	_ =	sdelay $0x4  }
0x1ab: {  	v26 =	vmin.f32 v0, v1;
	v0 =	vld [tilespmem:$0x1F760]  }
0x1ac: {  	v1 =	vld [tilespmem:$0x1F770];
	_ =	sdelay $0x4  }
0x1ad: {  	v30 =	vmax.f32 v0, v1;
	v0 =	vld [tilespmem:$0x1F780]  }
0x1ae: {  	v1 =	vld [tilespmem:$0x1F790];
	_ =	sdelay $0x4  }
0x1af: {  	v45 =	vmin.f32 v0, v1;
	v0 =	vld [tilespmem:$0x1F7A0]  }
0x1b0: {  	v1 =	vld [tilespmem:$0x1F7B0];
	_ =	sdelay $0x4  }
0x1b1: {  	v47 =	vmax.f32 v0, v1;
	v0 =	vld [tilespmem:$0x1F7C0]  }
0x1b2: {  	v1 =	vld [tilespmem:$0x1F7D0];
	_ =	sdelay $0x4  }
0x1b3: {  	v50 =	vmin.f32 v0, v1;
	v0 =	vld [tilespmem:$0x1F7E0]  }
0x1b4: {  	v1 =	vld [tilespmem:$0x1F7F0];
	_ =	sdelay $0x4  }
0x1b5: {  	v0 =	vmax.f32 v0, v1;
	v1 =	vld [tilespmem:$0x1F810]  }
0x1b6: {  	[tilespmem:$0x1FF50] =	vst v0;
	v0 =	vld [tilespmem:$0x1F800];
	_ =	sdelay $0x4  }
0x1b7: {  	v0 =	vmin.f32 v0, v1;
	v1 =	vld [tilespmem:$0x1F830]  }
0x1b8: {  	[tilespmem:$0x1FF60] =	vst v0;
	v0 =	vld [tilespmem:$0x1F820];
	_ =	sdelay $0x4  }
0x1b9: {  	v0 =	vmax.f32 v0, v1  }
0x1ba: {  	[tilespmem:$0x1FF70] =	vst v0;
	v0 =	vld [tilespmem:$0x1F840];
	_ =	sdelay $0x4  }
0x1bb: {  	v63 =	vmin.f32 v0, v49;
	v0 =	vld [tilespmem:$0x1F850];
	_ =	sdelay $0x4  }
0x1bc: {  	v62 =	vmax.f32 v0, v28;
	v0 =	vld [tilespmem:$0x1F860];
	_ =	sdelay $0x3  }
0x1bd: {  	v1 =	vld [tilespmem:$0x1F880]  }
0x1be: {  	v59 =	vmin.f32 v0, v59;
	v0 =	vld [tilespmem:$0x1F870];
	_ =	sdelay $0x4  }
0x1bf: {  	v0 =	vmax.f32 v0, v1;
	v1 =	vld [tilespmem:$0x1F8B0]  }
0x1c0: {  	[tilespmem:$0x1F890] =	vst v0;
	v0 =	vld [tilespmem:$0x1F8A0];
	_ =	sdelay $0x4  }
0x1c1: {  	v0 =	vmin.f32 v0, v1;
	v1 =	vld [tilespmem:$0x1F8E0]  }
0x1c2: {  	[tilespmem:$0x1F8C0] =	vst v0;
	v0 =	vld [tilespmem:$0x1F8D0];
	_ =	sdelay $0x4  }
0x1c3: {  	v6 =	vmin.f32 v0, v1;
	v0 =	vld [tilespmem:$0x1F8F0]  }
0x1c4: {  	v1 =	vld [tilespmem:$0x1F900];
	_ =	sdelay $0x4  }
0x1c5: {  	v10 =	vadd.f32 v7, v21;
	v21 =	vmax.f32 v0, v1;
	v0 =	vld [tilespmem:$0x1F910]  }
0x1c6: {  	v1 =	vld [tilespmem:$0x1F920];
	_ =	sdelay $0x4  }
0x1c7: {  	v0 =	vmax.f32 v0, v1;
	v1 =	vld [tilespmem:$0x1F950]  }
0x1c8: {  	[tilespmem:$0x1F930] =	vst v0;
	v0 =	vld [tilespmem:$0x1F940];
	_ =	sdelay $0x4  }
0x1c9: {  	v18 =	vmin.f32 v0, v1;
	v0 =	vld [tilespmem:$0x1F960]  }
0x1ca: {  	v1 =	vld [tilespmem:$0x1F970];
	_ =	sdelay $0x4  }
0x1cb: {  	v23 =	vadd.f32 v7, v20;
	v20 =	vmax.f32 v0, v1;
	v0 =	vld [tilespmem:$0x1F980]  }
0x1cc: {  	v1 =	vld [tilespmem:$0x1F990];
	_ =	sdelay $0x4  }
0x1cd: {  	v31 =	vmin.f32 v0, v1;
	v0 =	vld [tilespmem:$0x1F9A0]  }
0x1ce: {  	v1 =	vld [tilespmem:$0x1F9B0];
	_ =	sdelay $0x4  }
0x1cf: {  	v44 =	vmax.f32 v0, v1;
	v0 =	vld [tilespmem:$0x1F9C0]  }
0x1d0: {  	v1 =	vld [tilespmem:$0x1F9D0];
	_ =	sdelay $0x4  }
0x1d1: {  	v35 =	vmin.f32 v0, v1;
	v0 =	vld [tilespmem:$0x1F9E0]  }
0x1d2: {  	v1 =	vld [tilespmem:$0x1F9F0];
	_ =	sdelay $0x4  }
0x1d3: {  	v51 =	vmax.f32 v0, v1;
	v0 =	vld [tilespmem:$0x1FA00]  }
0x1d4: {  	v1 =	vld [tilespmem:$0x1FA10];
	_ =	sdelay $0x4  }
0x1d5: {  	v28 =	vmin.f32 v0, v1;
	v0 =	vld [tilespmem:$0x1FA20]  }
0x1d6: {  	v1 =	vld [tilespmem:$0x1FA30];
	_ =	sdelay $0x4  }
0x1d7: {  	v49 =	vmax.f32 v0, v1;
	v0 =	vld [tilespmem:$0x1FA40];
	_ =	sdelay $0x4  }
0x1d8: {  	v33 =	vmin.f32 v0, v33;
	v0 =	vld [tilespmem:$0x1FA50];
	_ =	sdelay $0x4  }
0x1d9: {  	v16 =	vmax.f32 v0, v16;
	v0 =	vld [tilespmem:$0x1FA60];
	_ =	sdelay $0x4  }
0x1da: {  	v5 =	vmin.f32 v0, v5;
	v0 =	vld [tilespmem:$0x1FA70];
	_ =	sdelay $0x4  }
0x1db: {  	v1 =	vld [tilespmem:$0x1FAA0];
	v0 =	vmax.f32 v0, v36  }
0x1dc: {  	[tilespmem:$0x1FA80] =	vst v0;
	v0 =	vld [tilespmem:$0x1FA90];
	_ =	sdelay $0x4  }
0x1dd: {  	v0 =	vmin.f32 v0, v1;
	v1 =	vld [tilespmem:$0x1FAD0]  }
0x1de: {  	[tilespmem:$0x1FAB0] =	vst v0;
	v0 =	vld [tilespmem:$0x1FAC0];
	_ =	sdelay $0x4  }
0x1df: {  	v0 =	vmax.f32 v0, v1;
	v1 =	vld [tilespmem:$0x1FB00]  }
0x1e0: {  	[tilespmem:$0x1FAE0] =	vst v0;
	v0 =	vld [tilespmem:$0x1FAF0];
	_ =	sdelay $0x4  }
0x1e1: {  	v11 =	vmax.f32 v0, v1;
	v0 =	vld [tilespmem:$0x1FB10]  }
0x1e2: {  	v1 =	vld [tilespmem:$0x1FB20];
	_ =	sdelay $0x4  }
0x1e3: {  	v15 =	vmin.f32 v0, v1;
	v0 =	vld [tilespmem:$0x1FB30]  }
0x1e4: {  	v1 =	vld [tilespmem:$0x1FB40];
	_ =	sdelay $0x4  }
0x1e5: {  	v17 =	vmax.f32 v0, v1;
	v0 =	vld [tilespmem:$0x1FB50]  }
0x1e6: {  	v1 =	vld [tilespmem:$0x1FB60];
	_ =	sdelay $0x4  }
0x1e7: {  	v25 =	vmin.f32 v0, v1;
	v0 =	vld [tilespmem:$0x1FB70]  }
0x1e8: {  	v1 =	vld [tilespmem:$0x1FB80];
	_ =	sdelay $0x4  }
0x1e9: {  	v55 =	vmax.f32 v0, v1;
	v0 =	vld [tilespmem:$0x1FB90]  }
0x1ea: {  	v1 =	vld [tilespmem:$0x1FBA0];
	_ =	sdelay $0x4  }
0x1eb: {  	v27 =	vmin.f32 v0, v1;
	v0 =	vld [tilespmem:$0x1FBB0]  }
0x1ec: {  	v1 =	vld [tilespmem:$0x1FBC0];
	_ =	sdelay $0x4  }
0x1ed: {  	v46 =	vmax.f32 v0, v1;
	v0 =	vld [tilespmem:$0x1FBD0]  }
0x1ee: {  	v1 =	vld [tilespmem:$0x1FBE0];
	_ =	sdelay $0x4  }
0x1ef: {  	v39 =	vmin.f32 v0, v1;
	v0 =	vld [tilespmem:$0x1FBF0]  }
0x1f0: {  	v1 =	vld [tilespmem:$0x1FC00];
	_ =	sdelay $0x4  }
0x1f1: {  	v40 =	vmax.f32 v0, v1;
	v0 =	vld [tilespmem:$0x1FC10];
	_ =	sdelay $0x1  }
0x1f2: {  	v22 =	vld [tilespmem:$0x1FCC0];
	_ =	sdelay $0x2  }
0x1f3: {  	v12 =	vmin.f32 v0, v12;
	v0 =	vld [tilespmem:$0x1FC20];
	_ =	sdelay $0x1  }
0x1f4: {  	v2 =	vmax.f32 v22, v2;
	v22 =	vld [tilespmem:$0x1FCD0];
	_ =	sdelay $0x2  }
0x1f5: {  	v13 =	vmax.f32 v0, v13;
	v0 =	vld [tilespmem:$0x1FC30]  }
0x1f6: {  	v36 =	vld [tilespmem:$0x1FFE0]  }
0x1f7: {  	v34 =	vmin.f32 v24, v32;
	v32 =	vmin.f32 v22, v23;
	v22 =	vld [tilespmem:$0x1FCE0];
	_ =	sdelay $0x2  }
0x1f8: {  	v14 =	vmin.f32 v0, v14;
	v0 =	vmin.f32 v43, v3  }
0x1f9: {  	v0 =	vmin.f32 v36, v0  }
0x1fa: {  	v23 =	vmax.f32 v22, v10;
	v10 =	vld [tilespmem:$0x1FD00];
	v0 =	vmin.f32 v0, v34  }
0x1fb: {  	v0 =	vmin.f32 v0, v6;
	v6 =	vld [tilespmem:$0x1FCF0];
	_ =	sdelay $0x1  }
0x1fc: {  	v22 =	vld [tilespmem:$0x1FD20]  }
0x1fd: {  	v1 =	vld [tilespmem:$0x1FC40]  }
0x1fe: {  	v3 =	vld [tilespmem:$0x1FC50]  }
0x1ff: {  	v10 =	vmin.f32 v6, v10;
	v6 =	vld [tilespmem:$0x1FD10];
	_ =	sdelay $0x1  }
0x200: {  	v7 =	vld [tilespmem:$0x1FC70]  }
0x201: {  	v0 =	vmin.f32 v0, v8;
	v8 =	vld [tilespmem:$0x1FD40]  }
0x202: {  	v3 =	vmax.f32 v1, v3;
	v1 =	vld [tilespmem:$0x1FC60]  }
0x203: {  	v24 =	vmax.f32 v6, v22;
	v6 =	vld [tilespmem:$0x1FD30];
	_ =	sdelay $0x3  }
0x204: {  	v43 =	vmin.f32 v1, v7;
	v1 =	vld [tilespmem:$0x1FC80]  }
0x205: {  	v34 =	vmin.f32 v6, v8;
	v6 =	vld [tilespmem:$0x1FD50]  }
0x206: {  	v8 =	vld [tilespmem:$0x1FD60];
	_ =	sdelay $0x2  }
0x207: {  	v7 =	vmax.f32 v1, v4;
	v1 =	vld [tilespmem:$0x1FC90]  }
0x208: {  	v4 =	vld [tilespmem:$0x1FCA0]  }
0x209: {  	v22 =	vmax.f32 v6, v8;
	v6 =	vld [tilespmem:$0x1FD70]  }
0x20a: {  	v8 =	vld [tilespmem:$0x1FD80];
	_ =	sdelay $0x3  }
0x20b: {  	v4 =	vmax.f32 v1, v4;
	v1 =	vld [tilespmem:$0x1FCB0]  }
0x20c: {  	v48 =	vmin.f32 v6, v8;
	v6 =	vld [tilespmem:$0x1FD90]  }
0x20d: {  	v8 =	vld [tilespmem:$0x1FDA0];
	_ =	sdelay $0x4  }
0x20e: {  	v1 =	vmin.f32 v1, v54;
	v54 =	vmax.f32 v6, v8;
	v6 =	vld [tilespmem:$0x1FDB0]  }
0x20f: {  	v8 =	vld [tilespmem:$0x1FDC0];
	_ =	sdelay $0x3  }
0x210: {  	v0 =	vmin.f32 v0, v9  }
0x211: {  	v0 =	vmin.f32 v0, v19;
	v19 =	vmin.f32 v6, v8;
	v6 =	vld [tilespmem:$0x1FDD0]  }
0x212: {  	v8 =	vld [tilespmem:$0x1FDE0];
	_ =	sdelay $0x3  }
0x213: {  	v9 =	vld [tilespmem:$0x1FE00]  }
0x214: {  	v8 =	vmax.f32 v6, v8;
	v6 =	vld [tilespmem:$0x1FDF0];
	_ =	sdelay $0x3  }
0x215: {  	v37 =	vld [tilespmem:$0x1FE20]  }
0x216: {  	v9 =	vmin.f32 v6, v9;
	v6 =	vld [tilespmem:$0x1FE10];
	_ =	sdelay $0x4  }
0x217: {  	v6 =	vmax.f32 v6, v37;
	v37 =	vld [tilespmem:$0x1FE30];
	_ =	sdelay $0x3  }
0x218: {  	v0 =	vmin.f32 v0, v38  }
0x219: {  	v0 =	vmin.f32 v0, v37;
	v37 =	vld [tilespmem:$0x1FFF0];
	_ =	sdelay $0x4  }
0x21a: {  	[tilespmem:$0x1FE40] =	vst v0;
	v0 =	vmax.f32 v37, v7  }
0x21b: {  	v7 =	vld [tilespmem:$0x1FE50];
	v0 =	vmax.f32 v0, v11  }
0x21c: {  	v0 =	vmax.f32 v0, v21  }
0x21d: {  	v0 =	vmax.f32 v0, v29  }
0x21e: {  	v0 =	vmax.f32 v0, v41  }
0x21f: {  	v1 =	vmin.f32 v36, v1;
	v0 =	vmax.f32 v0, v58  }
0x220: {  	v1 =	vmin.f32 v1, v15;
	v0 =	vmax.f32 v0, v7;
	v7 =	vld [tilespmem:$0x1FE60]  }
0x221: {  	v1 =	vmin.f32 v1, v18  }
0x222: {  	v1 =	vmin.f32 v1, v26  }
0x223: {  	v1 =	vmin.f32 v1, v42  }
0x224: {  	v1 =	vmin.f32 v1, v52;
	v2 =	vmax.f32 v37, v2  }
0x225: {  	v2 =	vmax.f32 v2, v17;
	v1 =	vmin.f32 v1, v7;
	v7 =	vld [tilespmem:$0x1FE70]  }
0x226: {  	v2 =	vmax.f32 v2, v20  }
0x227: {  	v2 =	vmax.f32 v2, v30  }
0x228: {  	v2 =	vmax.f32 v2, v57  }
0x229: {  	v2 =	vmax.f32 v2, v56  }
0x22a: {  	v2 =	vmax.f32 v2, v7;
	v7 =	vld [tilespmem:$0x1FE80];
	_ =	sdelay $0x4  }
0x22b: {  	v52 =	vmax.f32 v0, v7;
	v0 =	vld [tilespmem:$0x1FE90];
	_ =	sdelay $0x4  }
0x22c: {  	v38 =	vmin.f32 v1, v0;
	v0 =	vld [tilespmem:$0x1FEA0];
	_ =	sdelay $0x3  }
0x22d: {  	v7 =	vld [tilespmem:$0x1FEB0]  }
0x22e: {  	v26 =	vmax.f32 v2, v0;
	v0 =	vmin.f32 v36, v32  }
0x22f: {  	v0 =	vmin.f32 v0, v25  }
0x230: {  	v0 =	vmin.f32 v0, v31  }
0x231: {  	v0 =	vmin.f32 v0, v45  }
0x232: {  	v0 =	vmin.f32 v0, v7;
	v7 =	vld [tilespmem:$0x1FEC0];
	_ =	sdelay $0x4  }
0x233: {  	v1 =	vmax.f32 v37, v23;
	v0 =	vmin.f32 v0, v7;
	v7 =	vld [tilespmem:$0x1FED0]  }
0x234: {  	v1 =	vmax.f32 v1, v55  }
0x235: {  	v1 =	vmax.f32 v1, v44  }
0x236: {  	v1 =	vmax.f32 v1, v47  }
0x237: {  	v1 =	vmax.f32 v1, v60  }
0x238: {  	v2 =	vmin.f32 v36, v10;
	v1 =	vmax.f32 v1, v7;
	v7 =	vld [tilespmem:$0x1FEE0]  }
0x239: {  	v2 =	vmin.f32 v2, v27  }
0x23a: {  	v2 =	vmin.f32 v2, v35  }
0x23b: {  	v2 =	vmin.f32 v2, v50  }
0x23c: {  	v2 =	vmin.f32 v2, v61  }
0x23d: {  	v2 =	vmin.f32 v2, v7;
	v7 =	vld [tilespmem:$0x1FEF0];
	_ =	sdelay $0x4  }
0x23e: {  	v0 =	vmin.f32 v0, v7;
	v7 =	vld [tilespmem:$0x1FF00];
	_ =	sdelay $0x4  }
0x23f: {  	v1 =	vmax.f32 v1, v7;
	v7 =	vld [tilespmem:$0x1FF10];
	_ =	sdelay $0x4  }
0x240: {  	v2 =	vmin.f32 v2, v7;
	v7 =	vld [tilespmem:$0x1FF20];
	_ =	sdelay $0x4  }
0x241: {  	v18 =	vmin.f32 v0, v7;
	v0 =	vld [tilespmem:$0x1FF30];
	_ =	sdelay $0x4  }
0x242: {  	v17 =	vmax.f32 v1, v0;
	v0 =	vld [tilespmem:$0x1FF40];
	_ =	sdelay $0x2  }
0x243: {  	v7 =	vld [tilespmem:$0x1FF50];
	_ =	sdelay $0x1  }
0x244: {  	v15 =	vmin.f32 v2, v0;
	v0 =	vmax.f32 v37, v24  }
0x245: {  	v0 =	vmax.f32 v0, v46  }
0x246: {  	v0 =	vmax.f32 v0, v51  }
0x247: {  	v0 =	vmax.f32 v0, v7;
	v7 =	vld [tilespmem:$0x1FF60];
	_ =	sdelay $0x1  }
0x248: {  	v1 =	vmin.f32 v36, v34  }
0x249: {  	v1 =	vmin.f32 v1, v39  }
0x24a: {  	v1 =	vmin.f32 v1, v28  }
0x24b: {  	v1 =	vmin.f32 v1, v7;
	v7 =	vld [tilespmem:$0x1FF70];
	_ =	sdelay $0x1  }
0x24c: {  	v2 =	vmax.f32 v37, v22  }
0x24d: {  	v2 =	vmax.f32 v2, v40  }
0x24e: {  	v2 =	vmax.f32 v2, v49  }
0x24f: {  	v2 =	vmax.f32 v2, v7;
	v7 =	vld [tilespmem:$0x1FF80];
	_ =	sdelay $0x4  }
0x250: {  	v0 =	vmax.f32 v0, v7;
	v7 =	vld [tilespmem:$0x1FF90];
	_ =	sdelay $0x4  }
0x251: {  	v1 =	vmin.f32 v1, v7;
	v7 =	vld [tilespmem:$0x1FFA0];
	_ =	sdelay $0x4  }
0x252: {  	v2 =	vmax.f32 v2, v7;
	v7 =	vld [tilespmem:$0x1FFB0];
	_ =	sdelay $0x4  }
0x253: {  	v0 =	vmax.f32 v0, v7;
	v7 =	vld [tilespmem:$0x1FFC0];
	_ =	sdelay $0x4  }
0x254: {  	v1 =	vmin.f32 v1, v7;
	v7 =	vld [tilespmem:$0x1FFD0];
	_ =	sdelay $0x4  }
0x255: {  	s17 =	simm.s32 $0xFFFFF200;
	v11 =	vmovc v36;
	v20 =	vmovc v37;
	v10 =	vmov v37;
	v2 =	vmax.f32 v2, v7;
	v7 =	vmov v36  }
.LBB2_3:
0x256: {  	[tilespmem:$0x1ED80] =	vst v15;
	v15 =	vld [tilespmem:$0x1F120];
	_ =	sdelay $0x4  }
0x257: {  	v0 =	vmax.f32 v0, v15;
	v15 =	vld [tilespmem:$0x1F140];
	_ =	sdelay $0x4  }
0x258: {  	v1 =	vmin.f32 v1, v15;
	v15 =	vld [tilespmem:$0x1F160];
	_ =	sdelay $0x4  }
0x259: {  	v2 =	vmax.f32 v2, v15;
	v15 =	vld [tilespmem:$0x1EFA0];
	_ =	sdelay $0x4  }
0x25a: {  	v0 =	vmax.f32 v0, v15  }
0x25b: {  	[tilespmem:$0x1EE40] =	vst v0;
	v0 =	vld [tilespmem:$0x1EFC0];
	_ =	sdelay $0x4  }
0x25c: {  	v0 =	vmin.f32 v1, v0  }
0x25d: {  	[tilespmem:$0x1EE50] =	vst v0;
	v0 =	vld [tilespmem:$0x1EFE0];
	_ =	sdelay $0x4  }
0x25e: {  	v0 =	vmax.f32 v2, v0;
	v2 =	vmin.f32 v11, v19  }
0x25f: {  	v2 =	vmin.f32 v2, v14  }
0x260: {  	v2 =	vmin.f32 v2, v5;
	v5 =	vld [tilespmem:$0x1F600]  }
0x261: {  	[tilespmem:$0x1EE60] =	vst v0;
	v0 =	vmin.f32 v7, v48;
	v7 =	vld [tilespmem:$0x1F3A0]  }
0x262: {  	v1 =	vmax.f32 v10, v54;
	v10 =	vld [tilespmem:$0x1F180];
	v0 =	vmin.f32 v0, v12  }
0x263: {  	v11 =	vld [tilespmem:$0x1F000];
	v0 =	vmin.f32 v0, v33  }
0x264: {  	v0 =	vmin.f32 v0, v63  }
0x265: {  	v0 =	vmin.f32 v0, v5  }
0x266: {  	v5 =	vld [tilespmem:$0x1F630];
	v0 =	vmin.f32 v0, v7  }
0x267: {  	v7 =	vld [tilespmem:$0x1F3D0];
	v0 =	vmin.f32 v0, v10  }
0x268: {  	v1 =	vmax.f32 v1, v13;
	v10 =	vld [tilespmem:$0x1F1A0];
	v0 =	vmin.f32 v0, v11  }
0x269: {  	v1 =	vmax.f32 v1, v16;
	[tilespmem:$0x1ED90] =	vst v0;
	v0 =	vld [tilespmem:$0x1F020]  }
0x26a: {  	v1 =	vmax.f32 v1, v62  }
0x26b: {  	v1 =	vmax.f32 v1, v5  }
0x26c: {  	v1 =	vmax.f32 v1, v7  }
0x26d: {  	v1 =	vmax.f32 v1, v10  }
0x26e: {  	v6 =	vmax.f32 v37, v6;
	v5 =	vld [tilespmem:$0x1F660];
	v0 =	vmax.f32 v1, v0;
	v1 =	vmax.f32 v20, v8  }
0x26f: {  	v1 =	vmax.f32 v1, v3;
	v3 =	vmax.f32 v6, v4;
	v6 =	vld [tilespmem:$0x1FA80]  }
0x270: {  	v7 =	vld [tilespmem:$0x1F400]  }
0x271: {  	v10 =	vld [tilespmem:$0x1F1C0]  }
0x272: {  	[tilespmem:$0x1EDA0] =	vst v0;
	v0 =	vld [tilespmem:$0x1F040]  }
0x273: {  	v2 =	vmin.f32 v2, v59  }
0x274: {  	v2 =	vmin.f32 v2, v5;
	v1 =	vmax.f32 v1, v6;
	v6 =	vld [tilespmem:$0x1FAB0]  }
0x275: {  	v2 =	vmin.f32 v2, v7  }
0x276: {  	v2 =	vmin.f32 v2, v10  }
0x277: {  	v0 =	vmin.f32 v2, v0;
	v2 =	vmin.f32 v36, v9  }
0x278: {  	v2 =	vmin.f32 v2, v43  }
0x279: {  	v2 =	vmin.f32 v2, v6;
	v6 =	vld [tilespmem:$0x1FAE0];
	_ =	sdelay $0x4  }
0x27a: {  	v3 =	vmax.f32 v3, v6;
	v6 =	vld [tilespmem:$0x1F890];
	_ =	sdelay $0x4  }
0x27b: {  	v1 =	vmax.f32 v1, v6;
	v6 =	vld [tilespmem:$0x1F8C0];
	_ =	sdelay $0x4  }
0x27c: {  	v2 =	vmin.f32 v2, v6;
	v6 =	vld [tilespmem:$0x1F930];
	_ =	sdelay $0x4  }
0x27d: {  	v3 =	vmax.f32 v3, v6;
	v6 =	vld [tilespmem:$0x1F690];
	_ =	sdelay $0x4  }
0x27e: {  	v1 =	vmax.f32 v1, v6;
	v6 =	vld [tilespmem:$0x1F6C0];
	_ =	sdelay $0x4  }
0x27f: {  	v2 =	vmin.f32 v2, v6;
	v6 =	vld [tilespmem:$0x1F6F0];
	_ =	sdelay $0x4  }
0x280: {  	v3 =	vmax.f32 v3, v6;
	v6 =	vld [tilespmem:$0x1F430];
	_ =	sdelay $0x4  }
0x281: {  	v1 =	vmax.f32 v1, v6;
	v6 =	vld [tilespmem:$0x1F480];
	_ =	sdelay $0x4  }
0x282: {  	v2 =	vmin.f32 v2, v6;
	v6 =	vld [tilespmem:$0x1F4B0];
	_ =	sdelay $0x4  }
0x283: {  	v3 =	vmax.f32 v3, v6;
	v6 =	vld [tilespmem:$0x1F1E0];
	_ =	sdelay $0x4  }
0x284: {  	v1 =	vmax.f32 v1, v6;
	v6 =	vld [tilespmem:$0x1F210];
	_ =	sdelay $0x4  }
0x285: {  	v2 =	vmin.f32 v2, v6;
	v6 =	vld [tilespmem:$0x1F270];
	_ =	sdelay $0x4  }
0x286: {  	v3 =	vmax.f32 v3, v6;
	v6 =	vld [tilespmem:$0x1F060];
	_ =	sdelay $0x4  }
0x287: {  	v1 =	vmax.f32 v1, v6  }
0x288: {  	s18 =	sshra.s32 s17, $0x2;
	[tilespmem:$0x1EEA0] =	vst v1;
	v1 =	vld [tilespmem:$0x1F080]  }
0x289: {  	v11 =	vld [tilespmem:s18+$0x470]  }
0x28a: {  	v5 =	vld [tilespmem:s18+$0x2470];
	_ =	sdelay $0x1  }
0x28b: {  	v7 =	vld [tilespmem:s18+$0x2870]  }
0x28c: {  	v1 =	vmin.f32 v2, v1  }
0x28d: {  	v12 =	vld [tilespmem:s18+$0x870];
	[tilespmem:$0x1EEB0] =	vst v1;
	v1 =	vmax.f32 v3, v53  }
0x28e: {  	[tilespmem:$0x1EEC0] =	vst v1;
	v1 =	vadd.f32 v11, v5;
	_ =	sdelay $0x1  }
0x28f: {  	[tilespmem:$0x1DF70] =	vst v1;
	v1 =	vadd.f32 v11, v7  }
0x290: {  	v14 =	vld [tilespmem:s18+$0xC70]  }
0x291: {  	[tilespmem:$0x1DF90] =	vst v1;
	v1 =	vadd.f32 v12, v5;
	_ =	sdelay $0x1  }
0x292: {  	[tilespmem:$0x1DFB0] =	vst v1;
	v1 =	vadd.f32 v12, v7  }
0x293: {  	v15 =	vld [tilespmem:s18+$0x1070]  }
0x294: {  	[tilespmem:$0x1DFD0] =	vst v1;
	v1 =	vadd.f32 v14, v5;
	_ =	sdelay $0x1  }
0x295: {  	[tilespmem:$0x1DFF0] =	vst v1;
	v1 =	vadd.f32 v14, v7  }
0x296: {  	[tilespmem:$0x1ED70] =	vst v17;
	v17 =	vld [tilespmem:s18+$0x1470]  }
0x297: {  	[tilespmem:$0x1E010] =	vst v1;
	v1 =	vadd.f32 v15, v5;
	_ =	sdelay $0x1  }
0x298: {  	[tilespmem:$0x1E030] =	vst v1;
	v1 =	vadd.f32 v15, v7  }
0x299: {  	v3 =	vld [tilespmem:s18+$0x1870]  }
0x29a: {  	[tilespmem:$0x1E050] =	vst v1;
	v1 =	vadd.f32 v17, v5;
	_ =	sdelay $0x1  }
0x29b: {  	[tilespmem:$0x1E070] =	vst v1;
	v1 =	vadd.f32 v17, v7  }
0x29c: {  	[tilespmem:$0x1ED60] =	vst v18;
	v18 =	vld [tilespmem:s18+$0x1C70]  }
0x29d: {  	[tilespmem:$0x1E090] =	vst v1;
	v1 =	vadd.f32 v3, v5;
	_ =	sdelay $0x1  }
0x29e: {  	[tilespmem:$0x1E0B0] =	vst v1;
	v1 =	vadd.f32 v3, v7  }
0x29f: {  	v21 =	vld [tilespmem:s18+$0x2070]  }
0x2a0: {  	[tilespmem:$0x1E0D0] =	vst v1;
	v1 =	vadd.f32 v18, v5;
	_ =	sdelay $0x1  }
0x2a1: {  	v10 =	vld [tilespmem:s18+$0x2460];
	[tilespmem:$0x1E0F0] =	vst v1;
	v1 =	vadd.f32 v18, v7  }
0x2a2: {  	v6 =	vld [tilespmem:s18+$0x460]  }
0x2a3: {  	[tilespmem:$0x1E110] =	vst v1;
	v1 =	vadd.f32 v21, v5  }
0x2a4: {  	[tilespmem:$0x1ECF0] =	vst v0;
	v0 =	vld [tilespmem:s18+$0x2860]  }
0x2a5: {  	[tilespmem:$0x1E130] =	vst v1;
	v1 =	vadd.f32 v21, v7  }
0x2a6: {  	v22 =	vld [tilespmem:s18+$0x860]  }
0x2a7: {  	[tilespmem:$0x1E150] =	vst v1;
	v1 =	vadd.f32 v6, v10;
	_ =	sdelay $0x1  }
0x2a8: {  	[tilespmem:$0x1E170] =	vst v1;
	v1 =	vadd.f32 v6, v0  }
0x2a9: {  	v23 =	vld [tilespmem:s18+$0xC60]  }
0x2aa: {  	[tilespmem:$0x1E180] =	vst v1;
	v1 =	vadd.f32 v22, v10;
	_ =	sdelay $0x1  }
0x2ab: {  	[tilespmem:$0x1E190] =	vst v1;
	v1 =	vadd.f32 v22, v0  }
0x2ac: {  	v24 =	vld [tilespmem:s18+$0x1060]  }
0x2ad: {  	[tilespmem:$0x1E1B0] =	vst v1;
	v1 =	vadd.f32 v23, v10;
	_ =	sdelay $0x1  }
0x2ae: {  	[tilespmem:$0x1E1C0] =	vst v1;
	v1 =	vadd.f32 v23, v0  }
0x2af: {  	v25 =	vld [tilespmem:s18+$0x1460]  }
0x2b0: {  	[tilespmem:$0x1E1E0] =	vst v1;
	v1 =	vadd.f32 v24, v10;
	_ =	sdelay $0x1  }
0x2b1: {  	[tilespmem:$0x1E200] =	vst v1;
	v1 =	vadd.f32 v24, v0  }
0x2b2: {  	[tilespmem:$0x1ECE0] =	vst v26;
	v26 =	vld [tilespmem:s18+$0x1860]  }
0x2b3: {  	[tilespmem:$0x1E220] =	vst v1;
	v1 =	vadd.f32 v25, v10;
	_ =	sdelay $0x1  }
0x2b4: {  	[tilespmem:$0x1E240] =	vst v1;
	v1 =	vadd.f32 v25, v0  }
0x2b5: {  	v53 =	vld [tilespmem:s18+$0x1C60]  }
0x2b6: {  	[tilespmem:$0x1E260] =	vst v1;
	v1 =	vadd.f32 v26, v10  }
0x2b7: {  	v34 =	vld [tilespmem:s18+$0x2060]  }
0x2b8: {  	v8 =	vld [tilespmem:s18+$0x2450];
	[tilespmem:$0x1E280] =	vst v1;
	v1 =	vadd.f32 v26, v0  }
0x2b9: {  	v2 =	vld [tilespmem:s18+$0x450]  }
0x2ba: {  	[tilespmem:$0x1E2A0] =	vst v1;
	v1 =	vadd.f32 v53, v10  }
0x2bb: {  	v4 =	vld [tilespmem:s18+$0x2850]  }
0x2bc: {  	[tilespmem:$0x1E2C0] =	vst v1;
	v1 =	vadd.f32 v53, v0;
	v0 =	vadd.f32 v34, v0  }
0x2bd: {  	v5 =	vld [tilespmem:s18+$0x850]  }
0x2be: {  	[tilespmem:$0x1E360] =	vst v0;
	v0 =	vadd.f32 v2, v8;
	_ =	sdelay $0x1  }
0x2bf: {  	[tilespmem:$0x1E320] =	vst v0;
	v0 =	vadd.f32 v2, v4  }
0x2c0: {  	v9 =	vld [tilespmem:s18+$0xC50]  }
0x2c1: {  	[tilespmem:$0x1E340] =	vst v0;
	v0 =	vadd.f32 v5, v8;
	_ =	sdelay $0x1  }
0x2c2: {  	[tilespmem:$0x1E370] =	vst v0;
	v0 =	vadd.f32 v5, v4  }
0x2c3: {  	v13 =	vld [tilespmem:s18+$0x1050]  }
0x2c4: {  	[tilespmem:$0x1E380] =	vst v0;
	v0 =	vadd.f32 v9, v8;
	_ =	sdelay $0x1  }
0x2c5: {  	[tilespmem:$0x1E390] =	vst v0;
	v0 =	vadd.f32 v9, v4  }
0x2c6: {  	v16 =	vld [tilespmem:s18+$0x1450]  }
0x2c7: {  	[tilespmem:$0x1E3B0] =	vst v0;
	v0 =	vadd.f32 v13, v8;
	_ =	sdelay $0x1  }
0x2c8: {  	[tilespmem:$0x1E3C0] =	vst v0;
	v0 =	vadd.f32 v13, v4  }
0x2c9: {  	v19 =	vld [tilespmem:s18+$0x1850]  }
0x2ca: {  	[tilespmem:$0x1E3E0] =	vst v0;
	v0 =	vadd.f32 v16, v8;
	_ =	sdelay $0x1  }
0x2cb: {  	[tilespmem:$0x1E400] =	vst v0;
	v0 =	vadd.f32 v16, v4  }
0x2cc: {  	v20 =	vld [tilespmem:s18+$0x1C50]  }
0x2cd: {  	[tilespmem:$0x1E420] =	vst v0;
	v0 =	vadd.f32 v19, v8;
	_ =	sdelay $0x1  }
0x2ce: {  	[tilespmem:$0x1E430] =	vst v0;
	v0 =	vadd.f32 v19, v4  }
0x2cf: {  	v54 =	vld [tilespmem:s18+$0x2050]  }
0x2d0: {  	[tilespmem:$0x1E450] =	vst v0;
	v0 =	vadd.f32 v20, v8;
	_ =	sdelay $0x1  }
0x2d1: {  	[tilespmem:$0x1E460] =	vst v0;
	v0 =	vadd.f32 v20, v4;
	_ =	sdelay $0x1  }
0x2d2: {  	[tilespmem:$0x1E480] =	vst v0;
	v0 =	vadd.f32 v54, v8;
	_ =	sdelay $0x1  }
0x2d3: {  	[tilespmem:$0x1E4C0] =	vst v0;
	v0 =	vadd.f32 v54, v4;
	_ =	sdelay $0x1  }
0x2d4: {  	[tilespmem:$0x1E4E0] =	vst v0;
	v0 =	vsub.f32 $1.000000000e+00, v15;
	_ =	sdelay $0x1  }
0x2d5: {  	[tilespmem:$0x1DF20] =	vst v0;
	v0 =	vsub.f32 $1.000000000e+00, v17  }
0x2d6: {  	[tilespmem:$0x1E2E0] =	vst v1;
	v1 =	vadd.f32 v34, v10  }
0x2d7: {  	v7 =	vld [tilespmem:s18+$0x2440];
	[tilespmem:$0x1DF30] =	vst v0;
	v0 =	vsub.f32 $1.000000000e+00, v3  }
0x2d8: {  	[tilespmem:$0x1E300] =	vst v1;
	v1 =	vld [tilespmem:s18+$0x440]  }
0x2d9: {  	[tilespmem:$0x1DF40] =	vst v0;
	v0 =	vsub.f32 $1.000000000e+00, v18  }
0x2da: {  	v10 =	vld [tilespmem:s18+$0x2840]  }
0x2db: {  	[tilespmem:$0x1DF50] =	vst v0;
	v0 =	vsub.f32 $1.000000000e+00, v21  }
0x2dc: {  	v4 =	vld [tilespmem:s18+$0x840]  }
0x2dd: {  	[tilespmem:$0x1DF60] =	vst v0;
	v0 =	vadd.f32 v1, v7;
	_ =	sdelay $0x1  }
0x2de: {  	[tilespmem:$0x1E4A0] =	vst v0;
	v0 =	vadd.f32 v1, v10  }
0x2df: {  	v45 =	vld [tilespmem:s18+$0xC40]  }
0x2e0: {  	[tilespmem:$0x1E4F0] =	vst v0;
	v0 =	vadd.f32 v4, v7;
	_ =	sdelay $0x1  }
0x2e1: {  	[tilespmem:$0x1E510] =	vst v0;
	v0 =	vadd.f32 v4, v10  }
0x2e2: {  	v61 =	vsub.f32 $1.000000000e+00, v11;
	v11 =	vld [tilespmem:s18+$0x1040]  }
0x2e3: {  	[tilespmem:$0x1E530] =	vst v0;
	v0 =	vadd.f32 v45, v7;
	_ =	sdelay $0x1  }
0x2e4: {  	[tilespmem:$0x1E540] =	vst v0;
	v0 =	vadd.f32 v45, v10  }
0x2e5: {  	v15 =	vld [tilespmem:s18+$0x1440]  }
0x2e6: {  	[tilespmem:$0x1E560] =	vst v0;
	v0 =	vadd.f32 v11, v7;
	_ =	sdelay $0x1  }
0x2e7: {  	[tilespmem:$0x1E570] =	vst v0;
	v0 =	vadd.f32 v11, v10  }
0x2e8: {  	v18 =	vld [tilespmem:s18+$0x1840]  }
0x2e9: {  	[tilespmem:$0x1E590] =	vst v0;
	v0 =	vadd.f32 v15, v7;
	_ =	sdelay $0x1  }
0x2ea: {  	[tilespmem:$0x1E5A0] =	vst v0;
	v0 =	vadd.f32 v15, v10  }
0x2eb: {  	v21 =	vld [tilespmem:s18+$0x1C40]  }
0x2ec: {  	[tilespmem:$0x1E5C0] =	vst v0;
	v0 =	vadd.f32 v18, v7;
	_ =	sdelay $0x1  }
0x2ed: {  	v44 =	vld [tilespmem:s18+$0x2040];
	[tilespmem:$0x1E5E0] =	vst v0;
	v0 =	vadd.f32 v18, v10  }
0x2ee: {  	v57 =	vld [tilespmem:s18+$0x430]  }
0x2ef: {  	v62 =	vsub.f32 $1.000000000e+00, v12;
	v12 =	vld [tilespmem:s18+$0x2430];
	[tilespmem:$0x1E600] =	vst v0;
	v0 =	vadd.f32 v21, v7;
	_ =	sdelay $0x1  }
0x2f0: {  	v55 =	vld [tilespmem:s18+$0x2830];
	[tilespmem:$0x1E610] =	vst v0;
	v0 =	vadd.f32 v21, v10;
	_ =	sdelay $0x1  }
0x2f1: {  	v27 =	vld [tilespmem:s18+$0x830];
	[tilespmem:$0x1E630] =	vst v0;
	v0 =	vadd.f32 v44, v7  }
0x2f2: {  	v3 =	vadd.f32 v57, v12  }
0x2f3: {  	[tilespmem:$0x1E640] =	vst v0;
	v0 =	vadd.f32 v44, v10  }
0x2f4: {  	[tilespmem:$0x1E680] =	vst v3;
	v3 =	vadd.f32 v57, v55  }
0x2f5: {  	[tilespmem:$0x1E660] =	vst v0;
	v0 =	vld [tilespmem:s18+$0xC30]  }
0x2f6: {  	[tilespmem:$0x1E690] =	vst v3;
	v3 =	vadd.f32 v27, v12;
	_ =	sdelay $0x1  }
0x2f7: {  	[tilespmem:$0x1E6B0] =	vst v3;
	v3 =	vadd.f32 v27, v55  }
0x2f8: {  	v28 =	vld [tilespmem:s18+$0x1030]  }
0x2f9: {  	[tilespmem:$0x1E6D0] =	vst v3;
	v3 =	vadd.f32 v0, v12;
	_ =	sdelay $0x1  }
0x2fa: {  	[tilespmem:$0x1E6F0] =	vst v3;
	v3 =	vadd.f32 v0, v55  }
0x2fb: {  	v63 =	vsub.f32 $1.000000000e+00, v14;
	v14 =	vld [tilespmem:s18+$0x1430]  }
0x2fc: {  	[tilespmem:$0x1E710] =	vst v3;
	v3 =	vadd.f32 v28, v12;
	_ =	sdelay $0x1  }
0x2fd: {  	[tilespmem:$0x1E720] =	vst v3;
	v3 =	vadd.f32 v28, v55  }
0x2fe: {  	v17 =	vld [tilespmem:s18+$0x1830]  }
0x2ff: {  	[tilespmem:$0x1E730] =	vst v3;
	v3 =	vadd.f32 v14, v12;
	_ =	sdelay $0x1  }
0x300: {  	[tilespmem:$0x1E740] =	vst v3;
	v3 =	vadd.f32 v14, v55;
	_ =	sdelay $0x1  }
0x301: {  	[tilespmem:$0x1E750] =	vst v3;
	v3 =	vadd.f32 v17, v12  }
0x302: {  	[tilespmem:$0x1ECC0] =	vst v52;
	v32 =	vsub.f32 $1.000000000e+00, v23;
	v23 =	vld [tilespmem:s18+$0x1C30]  }
0x303: {  	[tilespmem:$0x1E770] =	vst v3;
	v3 =	vadd.f32 v17, v55  }
0x304: {  	[tilespmem:$0x1ECD0] =	vst v38;
	v30 =	vsub.f32 $1.000000000e+00, v22;
	v22 =	vld [tilespmem:s18+$0x2420]  }
0x305: {  	v38 =	vsub.f32 $1.000000000e+00, v24;
	v24 =	vld [tilespmem:s18+$0x2030];
	[tilespmem:$0x1E780] =	vst v3  }
0x306: {  	v60 =	vld [tilespmem:s18+$0x2820]  }
0x307: {  	v35 =	vsub.f32 $1.000000000e+00, v25;
	v3 =	vadd.f32 v23, v12;
	v25 =	vld [tilespmem:s18+$0x420];
	_ =	sdelay $0x1  }
0x308: {  	[tilespmem:$0x1E7A0] =	vst v3;
	v3 =	vadd.f32 v23, v55;
	_ =	sdelay $0x1  }
0x309: {  	[tilespmem:$0x1E7C0] =	vst v3;
	v3 =	vadd.f32 v24, v12;
	v12 =	vld [tilespmem:s18+$0x820]  }
0x30a: {  	v42 =	vsub.f32 $1.000000000e+00, v2;
	v2 =	vadd.f32 v25, v22;
	_ =	sdelay $0x1  }
0x30b: {  	[tilespmem:$0x1E800] =	vst v2;
	v2 =	vadd.f32 v25, v60  }
0x30c: {  	v10 =	vld [tilespmem:s18+$0xC20]  }
0x30d: {  	[tilespmem:$0x1E820] =	vst v2;
	v2 =	vadd.f32 v12, v22;
	_ =	sdelay $0x1  }
0x30e: {  	[tilespmem:$0x1E850] =	vst v2;
	v2 =	vadd.f32 v12, v60  }
0x30f: {  	v8 =	vld [tilespmem:s18+$0x1020]  }
0x310: {  	[tilespmem:$0x1E870] =	vst v2;
	v2 =	vadd.f32 v10, v22;
	_ =	sdelay $0x1  }
0x311: {  	[tilespmem:$0x1E890] =	vst v2;
	v2 =	vadd.f32 v10, v60  }
0x312: {  	v39 =	vsub.f32 $1.000000000e+00, v9;
	v9 =	vld [tilespmem:s18+$0x1420]  }
0x313: {  	[tilespmem:$0x1E8B0] =	vst v2;
	v2 =	vadd.f32 v8, v22;
	_ =	sdelay $0x1  }
0x314: {  	[tilespmem:$0x1E8C0] =	vst v2;
	v2 =	vadd.f32 v8, v60  }
0x315: {  	v36 =	vsub.f32 $1.000000000e+00, v13;
	v13 =	vld [tilespmem:s18+$0x1820]  }
0x316: {  	[tilespmem:$0x1E8D0] =	vst v2;
	v2 =	vadd.f32 v9, v22;
	_ =	sdelay $0x1  }
0x317: {  	[tilespmem:$0x1E8F0] =	vst v2;
	v2 =	vadd.f32 v9, v60  }
0x318: {  	v37 =	vsub.f32 $1.000000000e+00, v16;
	v16 =	vld [tilespmem:s18+$0x1C20]  }
0x319: {  	[tilespmem:$0x1E900] =	vst v2;
	v2 =	vadd.f32 v13, v22  }
0x31a: {  	v47 =	vld [tilespmem:s18+$0x2410]  }
0x31b: {  	v56 =	vld [tilespmem:s18+$0x410];
	[tilespmem:$0x1E910] =	vst v2;
	v2 =	vadd.f32 v13, v60  }
0x31c: {  	v40 =	vsub.f32 $1.000000000e+00, v19;
	v19 =	vld [tilespmem:s18+$0x2020]  }
0x31d: {  	v29 =	vsub.f32 $1.000000000e+00, v54;
	v54 =	vld [tilespmem:s18+$0x2810];
	[tilespmem:$0x1E920] =	vst v2;
	v2 =	vadd.f32 v16, v22;
	_ =	sdelay $0x1  }
0x31e: {  	v58 =	vld [tilespmem:s18+$0x810];
	[tilespmem:$0x1E940] =	vst v2;
	v2 =	vadd.f32 v16, v60  }
0x31f: {  	v50 =	vsub.f32 $1.000000000e+00, v1;
	v1 =	vadd.f32 v56, v47  }
0x320: {  	[tilespmem:$0x1E950] =	vst v2;
	v2 =	vadd.f32 v19, v22  }
0x321: {  	[tilespmem:$0x1E960] =	vst v1;
	v1 =	vadd.f32 v56, v54  }
0x322: {  	[tilespmem:$0x1E970] =	vst v2;
	v2 =	vadd.f32 v19, v60;
	v60 =	vld [tilespmem:s18+$0xC10]  }
0x323: {  	[tilespmem:$0x1E9A0] =	vst v1;
	v1 =	vadd.f32 v58, v47;
	_ =	sdelay $0x1  }
0x324: {  	[tilespmem:$0x1E9C0] =	vst v1;
	v1 =	vadd.f32 v58, v54  }
0x325: {  	v7 =	vld [tilespmem:s18+$0x1010]  }
0x326: {  	[tilespmem:$0x1E9E0] =	vst v1;
	v1 =	vadd.f32 v60, v47;
	_ =	sdelay $0x1  }
0x327: {  	[tilespmem:$0x1EA00] =	vst v1;
	v1 =	vadd.f32 v60, v54  }
0x328: {  	v51 =	vsub.f32 $1.000000000e+00, v53;
	v53 =	vsub.f32 $1.000000000e+00, v15;
	v15 =	vld [tilespmem:s18+$0x1410]  }
0x329: {  	[tilespmem:$0x1EA20] =	vst v1;
	v1 =	vadd.f32 v7, v47;
	_ =	sdelay $0x1  }
0x32a: {  	v49 =	vsub.f32 $1.000000000e+00, v18;
	v18 =	vld [tilespmem:s18+$0x1810];
	[tilespmem:$0x1EA40] =	vst v1;
	v1 =	vadd.f32 v7, v54  }
0x32b: {  	v46 =	vsub.f32 $1.000000000e+00, v4;
	v4 =	vld [tilespmem:s18+$0x2400]  }
0x32c: {  	v52 =	vsub.f32 $1.000000000e+00, v11;
	v11 =	vld [tilespmem:s18+$0x400];
	[tilespmem:$0x1EA50] =	vst v1;
	v1 =	vadd.f32 v15, v47  }
0x32d: {  	[tilespmem:$0x1E7E0] =	vst v3;
	v3 =	vadd.f32 v24, v55  }
0x32e: {  	v43 =	vsub.f32 $1.000000000e+00, v44;
	v44 =	vld [tilespmem:s18+$0x2800];
	[tilespmem:$0x1EA60] =	vst v1;
	v1 =	vadd.f32 v15, v54  }
0x32f: {  	v31 =	vsub.f32 $1.000000000e+00, v6;
	v6 =	vld [tilespmem:s18+$0x1C10];
	[tilespmem:$0x1E840] =	vst v3  }
0x330: {  	v59 =	vsub.f32 $1.000000000e+00, v34;
	v3 =	vld [tilespmem:s18+$0x800];
	[tilespmem:$0x1EA70] =	vst v1;
	v1 =	vadd.f32 v18, v47  }
0x331: {  	v34 =	vsub.f32 $1.000000000e+00, v0;
	v0 =	vadd.f32 v11, v4;
	[tilespmem:$0x1E990] =	vst v2  }
0x332: {  	v48 =	vsub.f32 $1.000000000e+00, v26;
	v2 =	vld [tilespmem:s18+$0x1000];
	[tilespmem:$0x1EA80] =	vst v1;
	v1 =	vadd.f32 v18, v54  }
0x333: {  	v41 =	vsub.f32 $1.000000000e+00, v5;
	v5 =	vld [tilespmem:s18+$0x2010];
	[tilespmem:$0x1EAB0] =	vst v0;
	v0 =	vadd.f32 v11, v44  }
0x334: {  	v33 =	vsub.f32 $1.000000000e+00, v20;
	[tilespmem:$0x1EA90] =	vst v1;
	v1 =	vadd.f32 v6, v47  }
0x335: {  	v20 =	vsub.f32 $1.000000000e+00, v28;
	[tilespmem:$0x1EAE0] =	vst v0;
	v0 =	vadd.f32 v3, v4  }
0x336: {  	v26 =	vsub.f32 $1.000000000e+00, v17;
	[tilespmem:$0x1EAA0] =	vst v1;
	v1 =	vadd.f32 v6, v54  }
0x337: {  	v28 =	vsub.f32 $1.000000000e+00, v24;
	v17 =	vld [tilespmem:s18+$0x1400];
	[tilespmem:$0x1EB10] =	vst v0;
	v24 =	vadd.f32 v2, v4  }
0x338: {  	[tilespmem:$0x1EAC0] =	vst v1;
	v1 =	vadd.f32 v5, v47;
	v47 =	vld [tilespmem:s18+$0xC00]  }
0x339: {  	[tilespmem:$0x1EB70] =	vst v24;
	v24 =	vadd.f32 v2, v44  }
0x33a: {  	[tilespmem:$0x1EAD0] =	vst v1;
	v1 =	vadd.f32 v5, v54  }
0x33b: {  	v0 =	vadd.f32 v3, v44;
	[tilespmem:$0x1EB90] =	vst v24  }
0x33c: {  	v24 =	vadd.f32 v17, v4;
	[tilespmem:$0x1EAF0] =	vst v1;
	v1 =	vld [tilespmem:s18+$0x1800]  }
0x33d: {  	[tilespmem:$0x1EB20] =	vst v0;
	v0 =	vadd.f32 v47, v4  }
0x33e: {  	[tilespmem:$0x1EBB0] =	vst v24;
	v24 =	vadd.f32 v17, v44  }
0x33f: {  	[tilespmem:$0x1EB30] =	vst v0;
	v0 =	vadd.f32 v47, v44  }
0x340: {  	v22 =	vsub.f32 $1.000000000e+00, v27;
	v27 =	vsub.f32 $1.000000000e+00, v23;
	v23 =	vld [tilespmem:s18+$0x1C00];
	[tilespmem:$0x1EBD0] =	vst v24  }
0x341: {  	[tilespmem:$0x1EB50] =	vst v0;
	v0 =	vld [tilespmem:s18+$0x2000];
	v24 =	vadd.f32 v1, v4;
	_ =	sdelay $0x1  }
0x342: {  	[tilespmem:$0x1EBF0] =	vst v24;
	v24 =	vadd.f32 v1, v44  }
0x343: {  	v55 =	vsub.f32 $1.000000000e+00, v21  }
0x344: {  	v21 =	vsub.f32 $1.000000000e+00, v57;
	[tilespmem:$0x1EC10] =	vst v24;
	v24 =	vadd.f32 v23, v4  }
0x345: {  	v57 =	vsub.f32 $1.000000000e+00, v12;
	v4 =	vadd.f32 v0, v4  }
0x346: {  	v12 =	vsub.f32 $1.000000000e+00, v18;
	[tilespmem:$0x1EC30] =	vst v24;
	v24 =	vadd.f32 v23, v44  }
0x347: {  	[tilespmem:$0x1EC70] =	vst v4;
	v4 =	vadd.f32 v0, v44;
	v44 =	vsub.f32 $1.000000000e+00, v10;
	v10 =	vld [tilespmem:s18+$0x2C70]  }
0x348: {  	v54 =	vsub.f32 $1.000000000e+00, v25;
	v25 =	vsub.f32 $1.000000000e+00, v13  }
0x349: {  	v13 =	vsub.f32 $1.000000000e+00, v6;
	v6 =	vld [tilespmem:s18+$0x3070];
	v18 =	vsub.f32 $1.000000000e+00, v47  }
0x34a: {  	v47 =	vld [tilespmem:$0x1DF20];
	[tilespmem:$0x1EC50] =	vst v24;
	v24 =	vsub.f32 $1.000000000e+00, v8;
	v8 =	vsub.f32 $1.000000000e+00, v9  }
0x34b: {  	v9 =	vsub.f32 $1.000000000e+00, v15;
	v15 =	vsub.f32 $1.000000000e+00, v11  }
0x34c: {  	v11 =	vsub.f32 $1.000000000e+00, v3;
	v3 =	vadd.f32 v61, v10;
	_ =	sdelay $0x1  }
0x34d: {  	[tilespmem:$0x1DF80] =	vst v3;
	v3 =	vadd.f32 v61, v6  }
0x34e: {  	v61 =	vadd.f32 v47, v10;
	v47 =	vadd.f32 v47, v6;
	_ =	sdelay $0x1  }
0x34f: {  	[tilespmem:$0x1E060] =	vst v47;
	v47 =	vld [tilespmem:$0x1DF30];
	_ =	sdelay $0x4  }
0x350: {  	[tilespmem:$0x1E040] =	vst v61;
	v61 =	vadd.f32 v47, v10;
	v47 =	vadd.f32 v47, v6;
	_ =	sdelay $0x1  }
0x351: {  	[tilespmem:$0x1E0A0] =	vst v47;
	v47 =	vld [tilespmem:$0x1DF40];
	_ =	sdelay $0x1  }
0x352: {  	[tilespmem:$0x1EC90] =	vst v4;
	v4 =	vsub.f32 $1.000000000e+00, v58  }
0x353: {  	v58 =	vsub.f32 $1.000000000e+00, v60;
	v60 =	vsub.f32 $1.000000000e+00, v7  }
0x354: {  	v7 =	vsub.f32 $1.000000000e+00, v5;
	v5 =	vsub.f32 $1.000000000e+00, v1  }
0x355: {  	[tilespmem:$0x1E080] =	vst v61;
	v61 =	vadd.f32 v47, v10;
	v47 =	vadd.f32 v47, v6  }
0x356: {  	v1 =	vsub.f32 $1.000000000e+00, v23;
	v23 =	vadd.f32 v63, v10  }
0x357: {  	[tilespmem:$0x1E0E0] =	vst v47;
	v47 =	vld [tilespmem:$0x1DF50]  }
0x358: {  	[tilespmem:$0x1E000] =	vst v23;
	v23 =	vadd.f32 v63, v6  }
0x359: {  	[tilespmem:$0x1DFA0] =	vst v3;
	v3 =	vadd.f32 v62, v10  }
0x35a: {  	[tilespmem:$0x1E020] =	vst v23  }
0x35b: {  	[tilespmem:$0x1DFC0] =	vst v3;
	v3 =	vadd.f32 v62, v6  }
0x35c: {  	v23 =	vld [tilespmem:s18+$0x3060];
	[tilespmem:$0x1E0C0] =	vst v61;
	v61 =	vadd.f32 v47, v10  }
0x35d: {  	[tilespmem:$0x1DFE0] =	vst v3;
	v3 =	vld [tilespmem:s18+$0x2C60]  }
0x35e: {  	[tilespmem:$0x1E100] =	vst v61;
	v61 =	vld [tilespmem:$0x1DF60];
	_ =	sdelay $0x2  }
0x35f: {  	v63 =	vadd.f32 v38, v23  }
0x360: {  	v62 =	vadd.f32 v38, v3  }
0x361: {  	[tilespmem:$0x1E230] =	vst v63;
	v47 =	vadd.f32 v47, v6;
	v6 =	vadd.f32 v61, v6  }
0x362: {  	[tilespmem:$0x1E210] =	vst v62;
	v10 =	vadd.f32 v61, v10  }
0x363: {  	[tilespmem:$0x1E160] =	vst v6;
	v6 =	vadd.f32 v30, v3  }
0x364: {  	[tilespmem:$0x1E140] =	vst v10;
	v10 =	vadd.f32 v32, v3  }
0x365: {  	v38 =	vadd.f32 v35, v3;
	[tilespmem:$0x1E1A0] =	vst v6  }
0x366: {  	v6 =	vld [tilespmem:s18+$0x2C50];
	[tilespmem:$0x1E1D0] =	vst v10;
	v10 =	vadd.f32 v32, v23  }
0x367: {  	v45 =	vsub.f32 $1.000000000e+00, v45;
	[tilespmem:$0x1E250] =	vst v38  }
0x368: {  	v62 =	vadd.f32 v48, v3;
	v38 =	vadd.f32 v51, v3;
	[tilespmem:$0x1E1F0] =	vst v10;
	v10 =	vld [tilespmem:s18+$0x3050]  }
0x369: {  	[tilespmem:$0x1E120] =	vst v47;
	v47 =	vadd.f32 v31, v3;
	v3 =	vadd.f32 v59, v3  }
0x36a: {  	v63 =	vadd.f32 v48, v23;
	v48 =	vadd.f32 v51, v23;
	[tilespmem:$0x1E2D0] =	vst v38  }
0x36b: {  	v38 =	vadd.f32 v59, v23;
	[tilespmem:$0x1E310] =	vst v3;
	v3 =	vadd.f32 v42, v6  }
0x36c: {  	[tilespmem:$0x1E290] =	vst v62;
	v31 =	vadd.f32 v31, v23;
	v61 =	vadd.f32 v35, v23  }
0x36d: {  	v30 =	vadd.f32 v30, v23;
	[tilespmem:$0x1E330] =	vst v3;
	v3 =	vadd.f32 v42, v10  }
0x36e: {  	[tilespmem:$0x1E270] =	vst v61;
	v23 =	vadd.f32 v39, v6;
	v51 =	vadd.f32 v36, v6  }
0x36f: {  	v61 =	vadd.f32 v37, v6;
	v62 =	vadd.f32 v40, v6;
	[tilespmem:$0x1E350] =	vst v3;
	v3 =	vld [tilespmem:s18+$0x2C40]  }
0x370: {  	[tilespmem:$0x1E2B0] =	vst v63;
	v63 =	vadd.f32 v33, v6;
	v42 =	vadd.f32 v41, v6  }
0x371: {  	v41 =	vadd.f32 v41, v10;
	[tilespmem:$0x1E3A0] =	vst v23;
	v39 =	vadd.f32 v39, v10;
	v23 =	vld [tilespmem:s18+$0x3040]  }
0x372: {  	[tilespmem:$0x1E2F0] =	vst v48;
	v59 =	vadd.f32 v36, v10;
	v6 =	vadd.f32 v29, v6  }
0x373: {  	[tilespmem:$0x1E3D0] =	vst v51;
	v37 =	vadd.f32 v37, v10;
	v40 =	vadd.f32 v40, v10  }
0x374: {  	v36 =	vadd.f32 v33, v10;
	[tilespmem:$0x1E4D0] =	vst v6;
	v6 =	vadd.f32 v50, v3  }
0x375: {  	v29 =	vadd.f32 v29, v10;
	[tilespmem:$0x1E3F0] =	vst v59;
	v10 =	vadd.f32 v45, v3  }
0x376: {  	v51 =	vadd.f32 v53, v23;
	[tilespmem:$0x1E4B0] =	vst v6;
	v6 =	vadd.f32 v50, v23  }
0x377: {  	v48 =	vadd.f32 v52, v3;
	v59 =	vadd.f32 v55, v3;
	[tilespmem:$0x1E550] =	vst v10  }
0x378: {  	v10 =	vld [tilespmem:s18+$0x3030];
	v50 =	vadd.f32 v53, v3;
	[tilespmem:$0x1E500] =	vst v6;
	v6 =	vadd.f32 v46, v3  }
0x379: {  	v53 =	vadd.f32 v49, v3;
	v3 =	vadd.f32 v43, v3  }
0x37a: {  	[tilespmem:$0x1E520] =	vst v6;
	v6 =	vld [tilespmem:s18+$0x2C30]  }
0x37b: {  	[tilespmem:$0x1E650] =	vst v3;
	v3 =	vadd.f32 v43, v23;
	_ =	sdelay $0x1  }
0x37c: {  	[tilespmem:$0x1E670] =	vst v3;
	v3 =	vadd.f32 v21, v10  }
0x37d: {  	v14 =	vsub.f32 $1.000000000e+00, v14;
	[tilespmem:$0x1E440] =	vst v62;
	v45 =	vadd.f32 v45, v23  }
0x37e: {  	v52 =	vadd.f32 v52, v23;
	[tilespmem:$0x1E6A0] =	vst v3;
	v3 =	vadd.f32 v22, v6  }
0x37f: {  	v55 =	vadd.f32 v55, v23;
	v49 =	vadd.f32 v49, v23;
	[tilespmem:$0x1E620] =	vst v59  }
0x380: {  	v46 =	vadd.f32 v46, v23;
	[tilespmem:$0x1E6C0] =	vst v3;
	v3 =	vadd.f32 v22, v10  }
0x381: {  	[tilespmem:$0x1E5F0] =	vst v53;
	v53 =	vadd.f32 v14, v6;
	v14 =	vadd.f32 v14, v10  }
0x382: {  	v23 =	vadd.f32 v21, v6;
	v21 =	vadd.f32 v34, v6;
	[tilespmem:$0x1E6E0] =	vst v3;
	v3 =	vld [tilespmem:s18+$0x2C20]  }
0x383: {  	[tilespmem:$0x1E760] =	vst v14;
	v14 =	vadd.f32 v26, v10  }
0x384: {  	v62 =	vadd.f32 v20, v6;
	v59 =	vadd.f32 v26, v6;
	[tilespmem:$0x1E700] =	vst v21;
	v21 =	vld [tilespmem:s18+$0x3020]  }
0x385: {  	[tilespmem:$0x1E790] =	vst v14;
	v14 =	vadd.f32 v27, v6;
	v6 =	vadd.f32 v28, v6  }
0x386: {  	[tilespmem:$0x1E410] =	vst v61  }
0x387: {  	[tilespmem:$0x1E7F0] =	vst v6;
	v6 =	vadd.f32 v54, v3  }
0x388: {  	v56 =	vsub.f32 $1.000000000e+00, v56;
	v16 =	vsub.f32 $1.000000000e+00, v16;
	[tilespmem:$0x1E470] =	vst v63  }
0x389: {  	v19 =	vsub.f32 $1.000000000e+00, v19;
	[tilespmem:$0x1E810] =	vst v6;
	v6 =	vadd.f32 v54, v21  }
0x38a: {  	[tilespmem:$0x1E5B0] =	vst v50;
	v63 =	vadd.f32 v20, v10;
	v34 =	vadd.f32 v34, v10  }
0x38b: {  	v26 =	vadd.f32 v28, v10;
	[tilespmem:$0x1E830] =	vst v6;
	v6 =	vadd.f32 v57, v3  }
0x38c: {  	v20 =	vld [tilespmem:s18+$0x3010];
	[tilespmem:$0x1E7B0] =	vst v14;
	v14 =	vadd.f32 v27, v10;
	v61 =	vadd.f32 v24, v3  }
0x38d: {  	v50 =	vadd.f32 v8, v3;
	[tilespmem:$0x1E860] =	vst v6;
	v6 =	vadd.f32 v57, v21  }
0x38e: {  	[tilespmem:$0x1E490] =	vst v36;
	v10 =	vld [tilespmem:s18+$0x2C10];
	v33 =	vadd.f32 v25, v3;
	v36 =	vadd.f32 v16, v3  }
0x38f: {  	[tilespmem:$0x1E880] =	vst v6;
	v6 =	vadd.f32 v44, v3;
	v3 =	vadd.f32 v19, v3;
	_ =	sdelay $0x1  }
0x390: {  	[tilespmem:$0x1E980] =	vst v3;
	v3 =	vadd.f32 v56, v20;
	_ =	sdelay $0x1  }
0x391: {  	[tilespmem:$0x1E9B0] =	vst v3;
	v3 =	vadd.f32 v4, v10;
	_ =	sdelay $0x1  }
0x392: {  	[tilespmem:$0x1E9D0] =	vst v3;
	v3 =	vadd.f32 v4, v20  }
0x393: {  	v35 =	vadd.f32 v16, v21;
	v16 =	vld [tilespmem:s18+$0x2C00]  }
0x394: {  	[tilespmem:$0x1E9F0] =	vst v3;
	v3 =	vadd.f32 v58, v10  }
0x395: {  	v27 =	vld [tilespmem:s18+$0x3000]  }
0x396: {  	[tilespmem:$0x1EA10] =	vst v3;
	v3 =	vadd.f32 v58, v20  }
0x397: {  	[tilespmem:$0x1E5D0] =	vst v51;
	v51 =	vadd.f32 v8, v21;
	v8 =	vadd.f32 v7, v10  }
0x398: {  	[tilespmem:$0x1EA30] =	vst v3;
	v3 =	vadd.f32 v7, v20;
	v7 =	vadd.f32 v18, v16;
	_ =	sdelay $0x1  }
0x399: {  	v2 =	vsub.f32 $1.000000000e+00, v2;
	[tilespmem:$0x1EB40] =	vst v7;
	v7 =	vadd.f32 v18, v27  }
0x39a: {  	v17 =	vsub.f32 $1.000000000e+00, v17  }
0x39b: {  	[tilespmem:$0x1EB60] =	vst v7;
	v7 =	vadd.f32 v2, v16;
	v2 =	vadd.f32 v2, v27;
	_ =	sdelay $0x1  }
0x39c: {  	[tilespmem:$0x1EBA0] =	vst v2;
	v2 =	vadd.f32 v17, v16;
	_ =	sdelay $0x1  }
0x39d: {  	[tilespmem:$0x1EBC0] =	vst v2;
	v2 =	vadd.f32 v17, v27;
	_ =	sdelay $0x1  }
0x39e: {  	[tilespmem:$0x1EBE0] =	vst v2;
	v2 =	vadd.f32 v5, v16;
	_ =	sdelay $0x1  }
0x39f: {  	[tilespmem:$0x1EC00] =	vst v2;
	v2 =	vadd.f32 v5, v27  }
0x3a0: {  	v0 =	vsub.f32 $1.000000000e+00, v0  }
0x3a1: {  	[tilespmem:$0x1EC20] =	vst v2;
	v2 =	vadd.f32 v1, v16;
	v1 =	vadd.f32 v1, v27;
	_ =	sdelay $0x1  }
0x3a2: {  	[tilespmem:$0x1EC60] =	vst v1;
	v1 =	vadd.f32 v0, v16;
	v0 =	vadd.f32 v0, v27;
	_ =	sdelay $0x1  }
0x3a3: {  	[tilespmem:$0x1ECA0] =	vst v0;
	v0 =	vld [tilespmem:$0x1DF70]  }
0x3a4: {  	[tilespmem:$0x1EC80] =	vst v1;
	v1 =	vld [tilespmem:$0x1DF80];
	_ =	sdelay $0x4  }
0x3a5: {  	v0 =	vmin.f32 v0, v1;
	v1 =	vld [tilespmem:$0x1DFA0]  }
0x3a6: {  	[tilespmem:$0x1ECB0] =	vst v0;
	v0 =	vld [tilespmem:$0x1DF90];
	_ =	sdelay $0x4  }
0x3a7: {  	v0 =	vmax.f32 v0, v1;
	v1 =	vld [tilespmem:$0x1DFC0]  }
0x3a8: {  	[tilespmem:$0x1ED30] =	vst v0;
	v0 =	vld [tilespmem:$0x1DFB0];
	_ =	sdelay $0x4  }
0x3a9: {  	v0 =	vmin.f32 v0, v1;
	v1 =	vld [tilespmem:$0x1DFE0]  }
0x3aa: {  	[tilespmem:$0x1ED40] =	vst v0;
	v0 =	vld [tilespmem:$0x1DFD0];
	_ =	sdelay $0x4  }
0x3ab: {  	v0 =	vmax.f32 v0, v1;
	v1 =	vld [tilespmem:$0x1E000]  }
0x3ac: {  	[tilespmem:$0x1ED50] =	vst v0;
	v0 =	vld [tilespmem:$0x1DFF0];
	_ =	sdelay $0x4  }
0x3ad: {  	v0 =	vmin.f32 v0, v1;
	v1 =	vld [tilespmem:$0x1E020]  }
0x3ae: {  	[tilespmem:$0x1EE10] =	vst v0;
	v0 =	vld [tilespmem:$0x1E010];
	_ =	sdelay $0x4  }
0x3af: {  	v0 =	vmax.f32 v0, v1;
	v1 =	vld [tilespmem:$0x1E040]  }
0x3b0: {  	[tilespmem:$0x1EE20] =	vst v0;
	v0 =	vld [tilespmem:$0x1E030];
	_ =	sdelay $0x4  }
0x3b1: {  	v0 =	vmin.f32 v0, v1;
	v1 =	vld [tilespmem:$0x1E060]  }
0x3b2: {  	[tilespmem:$0x1EE30] =	vst v0;
	v0 =	vld [tilespmem:$0x1E050];
	_ =	sdelay $0x4  }
0x3b3: {  	v0 =	vmax.f32 v0, v1;
	v1 =	vld [tilespmem:$0x1E080]  }
0x3b4: {  	[tilespmem:$0x1EFA0] =	vst v0;
	v0 =	vld [tilespmem:$0x1E070];
	_ =	sdelay $0x4  }
0x3b5: {  	v0 =	vmin.f32 v0, v1;
	v1 =	vld [tilespmem:$0x1E0A0]  }
0x3b6: {  	[tilespmem:$0x1EFC0] =	vst v0;
	v0 =	vld [tilespmem:$0x1E090];
	_ =	sdelay $0x4  }
0x3b7: {  	v0 =	vmax.f32 v0, v1;
	v1 =	vld [tilespmem:$0x1E0C0]  }
0x3b8: {  	[tilespmem:$0x1EFE0] =	vst v0;
	v0 =	vld [tilespmem:$0x1E0B0];
	_ =	sdelay $0x4  }
0x3b9: {  	v0 =	vmin.f32 v0, v1;
	v1 =	vld [tilespmem:$0x1E0E0]  }
0x3ba: {  	[tilespmem:$0x1F000] =	vst v0;
	v0 =	vld [tilespmem:$0x1E0D0];
	_ =	sdelay $0x4  }
0x3bb: {  	v0 =	vmax.f32 v0, v1;
	v1 =	vld [tilespmem:$0x1E100]  }
0x3bc: {  	[tilespmem:$0x1F020] =	vst v0;
	v0 =	vld [tilespmem:$0x1E0F0];
	_ =	sdelay $0x4  }
0x3bd: {  	v0 =	vmin.f32 v0, v1;
	v1 =	vld [tilespmem:$0x1E120]  }
0x3be: {  	[tilespmem:$0x1F040] =	vst v0;
	v0 =	vld [tilespmem:$0x1E110];
	_ =	sdelay $0x4  }
0x3bf: {  	v0 =	vmax.f32 v0, v1;
	v1 =	vld [tilespmem:$0x1E140]  }
0x3c0: {  	[tilespmem:$0x1F060] =	vst v0;
	v0 =	vld [tilespmem:$0x1E130];
	_ =	sdelay $0x4  }
0x3c1: {  	v0 =	vmin.f32 v0, v1;
	v1 =	vld [tilespmem:$0x1E160]  }
0x3c2: {  	[tilespmem:$0x1F080] =	vst v0;
	v0 =	vld [tilespmem:$0x1E150];
	_ =	sdelay $0x4  }
0x3c3: {  	v0 =	vmax.f32 v0, v1  }
0x3c4: {  	[tilespmem:$0x1EE70] =	vst v0;
	v0 =	vld [tilespmem:$0x1E170];
	_ =	sdelay $0x4  }
0x3c5: {  	[tilespmem:$0x1EC40] =	vst v2;
	v2 =	vmin.f32 v0, v47;
	v0 =	vld [tilespmem:$0x1E180];
	_ =	sdelay $0x4  }
0x3c6: {  	v1 =	vld [tilespmem:$0x1E1A0];
	v0 =	vmax.f32 v0, v31  }
0x3c7: {  	[tilespmem:$0x1ED00] =	vst v0;
	v0 =	vld [tilespmem:$0x1E190];
	_ =	sdelay $0x4  }
0x3c8: {  	v0 =	vmin.f32 v0, v1  }
0x3c9: {  	[tilespmem:$0x1ED10] =	vst v0;
	v0 =	vld [tilespmem:$0x1E1B0];
	_ =	sdelay $0x4  }
0x3ca: {  	v1 =	vld [tilespmem:$0x1E1D0];
	v0 =	vmax.f32 v0, v30  }
0x3cb: {  	[tilespmem:$0x1ED20] =	vst v0;
	v0 =	vld [tilespmem:$0x1E1C0];
	_ =	sdelay $0x4  }
0x3cc: {  	v0 =	vmin.f32 v0, v1;
	v1 =	vld [tilespmem:$0x1E1F0]  }
0x3cd: {  	[tilespmem:$0x1EDE0] =	vst v0;
	v0 =	vld [tilespmem:$0x1E1E0];
	_ =	sdelay $0x4  }
0x3ce: {  	v0 =	vmax.f32 v0, v1;
	v1 =	vld [tilespmem:$0x1E210]  }
0x3cf: {  	[tilespmem:$0x1EDF0] =	vst v0;
	v0 =	vld [tilespmem:$0x1E200];
	_ =	sdelay $0x4  }
0x3d0: {  	v0 =	vmin.f32 v0, v1;
	v1 =	vld [tilespmem:$0x1E230]  }
0x3d1: {  	[tilespmem:$0x1EE00] =	vst v0;
	v0 =	vld [tilespmem:$0x1E220];
	_ =	sdelay $0x4  }
0x3d2: {  	v0 =	vmax.f32 v0, v1;
	v1 =	vld [tilespmem:$0x1E250]  }
0x3d3: {  	[tilespmem:$0x1F120] =	vst v0;
	v0 =	vld [tilespmem:$0x1E240];
	_ =	sdelay $0x4  }
0x3d4: {  	v0 =	vmin.f32 v0, v1;
	v1 =	vld [tilespmem:$0x1E270]  }
0x3d5: {  	[tilespmem:$0x1F140] =	vst v0;
	v0 =	vld [tilespmem:$0x1E260];
	_ =	sdelay $0x4  }
0x3d6: {  	v0 =	vmax.f32 v0, v1;
	v1 =	vld [tilespmem:$0x1E290]  }
0x3d7: {  	[tilespmem:$0x1F160] =	vst v0;
	v0 =	vld [tilespmem:$0x1E280];
	_ =	sdelay $0x4  }
0x3d8: {  	v0 =	vmin.f32 v0, v1;
	v1 =	vld [tilespmem:$0x1E2B0]  }
0x3d9: {  	[tilespmem:$0x1F180] =	vst v0;
	v0 =	vld [tilespmem:$0x1E2A0];
	_ =	sdelay $0x4  }
0x3da: {  	v0 =	vmax.f32 v0, v1;
	v1 =	vld [tilespmem:$0x1E2D0]  }
0x3db: {  	[tilespmem:$0x1F1A0] =	vst v0;
	v0 =	vld [tilespmem:$0x1E2C0];
	_ =	sdelay $0x4  }
0x3dc: {  	v0 =	vmin.f32 v0, v1;
	v1 =	vld [tilespmem:$0x1E2F0]  }
0x3dd: {  	[tilespmem:$0x1F1C0] =	vst v0;
	v0 =	vld [tilespmem:$0x1E2E0];
	_ =	sdelay $0x4  }
0x3de: {  	v0 =	vmax.f32 v0, v1;
	v1 =	vld [tilespmem:$0x1E310]  }
0x3df: {  	[tilespmem:$0x1F1E0] =	vst v0;
	v0 =	vld [tilespmem:$0x1E300];
	_ =	sdelay $0x4  }
0x3e0: {  	v0 =	vmin.f32 v0, v1;
	v1 =	vld [tilespmem:$0x1E330]  }
0x3e1: {  	[tilespmem:$0x1F210] =	vst v0;
	v0 =	vld [tilespmem:$0x1E320];
	_ =	sdelay $0x4  }
0x3e2: {  	v22 =	vadd.f32 v60, v10;
	v54 =	vadd.f32 v60, v20;
	v60 =	vmin.f32 v0, v1;
	v0 =	vld [tilespmem:$0x1E340]  }
0x3e3: {  	v1 =	vld [tilespmem:$0x1E350]  }
0x3e4: {  	[tilespmem:$0x1E580] =	vst v48  }
0x3e5: {  	[tilespmem:$0x1E8A0] =	vst v6;
	v6 =	vadd.f32 v24, v21  }
0x3e6: {  	[tilespmem:$0x1E7D0] =	vst v14;
	v14 =	vadd.f32 v9, v20  }
0x3e7: {  	v48 =	vadd.f32 v11, v27;
	[tilespmem:$0x1E8E0] =	vst v6;
	v6 =	vadd.f32 v25, v21  }
0x3e8: {  	v25 =	vadd.f32 v9, v10;
	v9 =	vadd.f32 v11, v16;
	v11 =	vmax.f32 v0, v1;
	v0 =	vld [tilespmem:$0x1E360];
	_ =	sdelay $0x4  }
0x3e9: {  	v0 =	vmax.f32 v0, v38  }
0x3ea: {  	[tilespmem:$0x1F270] =	vst v0;
	v0 =	vld [tilespmem:$0x1E370];
	_ =	sdelay $0x4  }
0x3eb: {  	[tilespmem:$0x1EB80] =	vst v7;
	v7 =	vmin.f32 v0, v42;
	v0 =	vld [tilespmem:$0x1E380];
	_ =	sdelay $0x3  }
0x3ec: {  	v32 =	vadd.f32 v56, v10;
	v1 =	vld [tilespmem:$0x1E3A0]  }
0x3ed: {  	v24 =	vadd.f32 v12, v10;
	[tilespmem:$0x1E930] =	vst v6;
	v6 =	vadd.f32 v13, v10;
	v10 =	vmax.f32 v0, v41;
	v0 =	vld [tilespmem:$0x1E390];
	_ =	sdelay $0x4  }
0x3ee: {  	v0 =	vmin.f32 v0, v1  }
0x3ef: {  	[tilespmem:$0x1EDB0] =	vst v0;
	v0 =	vld [tilespmem:$0x1E3B0];
	_ =	sdelay $0x4  }
0x3f0: {  	v1 =	vld [tilespmem:$0x1E3D0];
	v0 =	vmax.f32 v0, v39  }
0x3f1: {  	[tilespmem:$0x1EDC0] =	vst v0;
	v0 =	vld [tilespmem:$0x1E3C0];
	_ =	sdelay $0x4  }
0x3f2: {  	v0 =	vmin.f32 v0, v1;
	v1 =	vld [tilespmem:$0x1E3F0]  }
0x3f3: {  	[tilespmem:$0x1EDD0] =	vst v0;
	v0 =	vld [tilespmem:$0x1E3E0];
	_ =	sdelay $0x4  }
0x3f4: {  	v0 =	vmax.f32 v0, v1;
	v1 =	vld [tilespmem:$0x1E410]  }
0x3f5: {  	[tilespmem:$0x1EF00] =	vst v0;
	v0 =	vld [tilespmem:$0x1E400];
	_ =	sdelay $0x4  }
0x3f6: {  	v0 =	vmin.f32 v0, v1  }
0x3f7: {  	[tilespmem:$0x1EF10] =	vst v0;
	v0 =	vld [tilespmem:$0x1E420];
	_ =	sdelay $0x4  }
0x3f8: {  	v1 =	vld [tilespmem:$0x1E440];
	v0 =	vmax.f32 v0, v37  }
0x3f9: {  	[tilespmem:$0x1EF20] =	vst v0;
	v0 =	vld [tilespmem:$0x1E430];
	_ =	sdelay $0x4  }
0x3fa: {  	v0 =	vmin.f32 v0, v1  }
0x3fb: {  	[tilespmem:$0x1F3A0] =	vst v0;
	v0 =	vld [tilespmem:$0x1E450];
	_ =	sdelay $0x4  }
0x3fc: {  	v1 =	vld [tilespmem:$0x1E470];
	v0 =	vmax.f32 v0, v40  }
0x3fd: {  	[tilespmem:$0x1F3D0] =	vst v0;
	v0 =	vld [tilespmem:$0x1E460];
	_ =	sdelay $0x4  }
0x3fe: {  	v0 =	vmin.f32 v0, v1;
	v1 =	vld [tilespmem:$0x1E490]  }
0x3ff: {  	[tilespmem:$0x1F400] =	vst v0;
	v0 =	vld [tilespmem:$0x1E480];
	_ =	sdelay $0x4  }
0x400: {  	v0 =	vmax.f32 v0, v1;
	v1 =	vld [tilespmem:$0x1E4B0]  }
0x401: {  	[tilespmem:$0x1F430] =	vst v0;
	v0 =	vld [tilespmem:$0x1E4A0];
	_ =	sdelay $0x4  }
0x402: {  	v28 =	vmin.f32 v0, v1;
	v0 =	vld [tilespmem:$0x1E4C0]  }
0x403: {  	v1 =	vld [tilespmem:$0x1E4D0];
	_ =	sdelay $0x4  }
0x404: {  	v5 =	vld [tilespmem:$0x1E720];
	v0 =	vmin.f32 v0, v1  }
0x405: {  	[tilespmem:$0x1F480] =	vst v0;
	v0 =	vld [tilespmem:$0x1E4E0];
	_ =	sdelay $0x4  }
0x406: {  	v0 =	vmax.f32 v0, v29;
	v29 =	vmin.f32 v5, v62;
	v5 =	vld [tilespmem:$0x1E730];
	_ =	sdelay $0x4  }
0x407: {  	v5 =	vmax.f32 v5, v63  }
0x408: {  	[tilespmem:$0x1EE80] =	vst v5;
	v5 =	vld [tilespmem:$0x1E740];
	_ =	sdelay $0x3  }
0x409: {  	v44 =	vadd.f32 v44, v21  }
0x40a: {  	v21 =	vadd.f32 v19, v21;
	v19 =	vadd.f32 v12, v20;
	v12 =	vld [tilespmem:$0x1E760];
	v5 =	vmin.f32 v5, v53  }
0x40b: {  	[tilespmem:$0x1EE90] =	vst v5;
	v5 =	vld [tilespmem:$0x1E750];
	_ =	sdelay $0x4  }
0x40c: {  	v43 =	vadd.f32 v13, v20;
	v20 =	vmax.f32 v5, v12;
	v5 =	vld [tilespmem:$0x1E770];
	_ =	sdelay $0x1  }
0x40d: {  	v1 =	vld [tilespmem:$0x1E500]  }
0x40e: {  	[tilespmem:$0x1F4B0] =	vst v0;
	v0 =	vld [tilespmem:$0x1E4F0]  }
0x40f: {  	v12 =	vld [tilespmem:$0x1E790]  }
0x410: {  	v63 =	vmin.f32 v5, v59;
	v5 =	vld [tilespmem:$0x1E780];
	_ =	sdelay $0x2  }
0x411: {  	v47 =	vmax.f32 v0, v1;
	v0 =	vld [tilespmem:$0x1E510]  }
0x412: {  	v1 =	vld [tilespmem:$0x1E520]  }
0x413: {  	v62 =	vmax.f32 v5, v12;
	v5 =	vld [tilespmem:$0x1E7A0]  }
0x414: {  	v12 =	vld [tilespmem:$0x1E7B0];
	_ =	sdelay $0x3  }
0x415: {  	v58 =	vmin.f32 v0, v1;
	v0 =	vld [tilespmem:$0x1E530]  }
0x416: {  	v59 =	vmin.f32 v5, v12;
	v5 =	vld [tilespmem:$0x1E7C0]  }
0x417: {  	v12 =	vld [tilespmem:$0x1E7D0];
	_ =	sdelay $0x2  }
0x418: {  	v1 =	vld [tilespmem:$0x1E550]  }
0x419: {  	v4 =	vadd.f32 v15, v27;
	v27 =	vmax.f32 v0, v46;
	v0 =	vld [tilespmem:$0x1E540]  }
0x41a: {  	v5 =	vmax.f32 v5, v12;
	v12 =	vld [tilespmem:$0x1E7F0]  }
0x41b: {  	[tilespmem:$0x1F890] =	vst v5;
	v5 =	vld [tilespmem:$0x1E7E0];
	_ =	sdelay $0x3  }
0x41c: {  	v17 =	vmin.f32 v0, v1;
	v0 =	vld [tilespmem:$0x1E560]  }
0x41d: {  	v5 =	vmin.f32 v5, v12;
	v12 =	vld [tilespmem:$0x1E810]  }
0x41e: {  	[tilespmem:$0x1F8C0] =	vst v5;
	v5 =	vld [tilespmem:$0x1E800];
	_ =	sdelay $0x4  }
0x41f: {  	v18 =	vmax.f32 v0, v45;
	v45 =	vmin.f32 v5, v12;
	v5 =	vld [tilespmem:$0x1E820]  }
0x420: {  	v12 =	vld [tilespmem:$0x1E830];
	_ =	sdelay $0x4  }
0x421: {  	v46 =	vmax.f32 v5, v12;
	v5 =	vld [tilespmem:$0x1E840];
	_ =	sdelay $0x4  }
0x422: {  	v12 =	vld [tilespmem:$0x1E860];
	v5 =	vmax.f32 v5, v26  }
0x423: {  	[tilespmem:$0x1F930] =	vst v5;
	v5 =	vld [tilespmem:$0x1E850];
	_ =	sdelay $0x4  }
0x424: {  	v39 =	vmin.f32 v5, v12;
	v5 =	vld [tilespmem:$0x1E870]  }
0x425: {  	v12 =	vld [tilespmem:$0x1E880];
	_ =	sdelay $0x4  }
0x426: {  	v40 =	vmax.f32 v5, v12;
	v5 =	vld [tilespmem:$0x1E890]  }
0x427: {  	v12 =	vld [tilespmem:$0x1E8A0];
	_ =	sdelay $0x4  }
0x428: {  	v41 =	vmin.f32 v5, v12;
	v5 =	vld [tilespmem:$0x1E8B0]  }
0x429: {  	v1 =	vld [tilespmem:$0x1E580]  }
0x42a: {  	v0 =	vld [tilespmem:$0x1E570];
	_ =	sdelay $0x2  }
0x42b: {  	v42 =	vmax.f32 v5, v44;
	v5 =	vld [tilespmem:$0x1E8C0];
	_ =	sdelay $0x1  }
0x42c: {  	[tilespmem:$0x1EB00] =	vst v3;
	v3 =	vadd.f32 v15, v16;
	v15 =	vmin.f32 v0, v1;
	v0 =	vld [tilespmem:$0x1E590];
	_ =	sdelay $0x1  }
0x42d: {  	v12 =	vld [tilespmem:$0x1E8E0]  }
0x42e: {  	v44 =	vmin.f32 v5, v61;
	v5 =	vld [tilespmem:$0x1E8D0];
	_ =	sdelay $0x1  }
0x42f: {  	v1 =	vld [tilespmem:$0x1E5B0];
	v0 =	vmax.f32 v0, v52  }
0x430: {  	[tilespmem:$0x1EED0] =	vst v0;
	v0 =	vld [tilespmem:$0x1E5A0];
	_ =	sdelay $0x1  }
0x431: {  	v61 =	vmax.f32 v5, v12;
	v5 =	vld [tilespmem:$0x1E8F0];
	_ =	sdelay $0x2  }
0x432: {  	v0 =	vmin.f32 v0, v1;
	v1 =	vld [tilespmem:$0x1E5D0]  }
0x433: {  	[tilespmem:$0x1EEE0] =	vst v0;
	v0 =	vld [tilespmem:$0x1E5C0]  }
0x434: {  	v50 =	vmin.f32 v5, v50;
	v5 =	vld [tilespmem:$0x1E900];
	_ =	sdelay $0x3  }
0x435: {  	v0 =	vmax.f32 v0, v1;
	v1 =	vld [tilespmem:$0x1E5F0]  }
0x436: {  	v51 =	vmax.f32 v5, v51;
	v5 =	vld [tilespmem:$0x1E910]  }
0x437: {  	[tilespmem:$0x1EEF0] =	vst v0;
	v0 =	vld [tilespmem:$0x1E5E0];
	_ =	sdelay $0x2  }
0x438: {  	v12 =	vld [tilespmem:$0x1E930]  }
0x439: {  	v33 =	vmin.f32 v5, v33;
	v5 =	vld [tilespmem:$0x1E920]  }
0x43a: {  	v0 =	vmin.f32 v0, v1  }
0x43b: {  	[tilespmem:$0x1F600] =	vst v0;
	v0 =	vld [tilespmem:$0x1E600];
	_ =	sdelay $0x2  }
0x43c: {  	v16 =	vmax.f32 v5, v12;
	v12 =	vld [tilespmem:$0x1E950];
	_ =	sdelay $0x1  }
0x43d: {  	v1 =	vld [tilespmem:$0x1E620];
	v0 =	vmax.f32 v0, v49  }
0x43e: {  	[tilespmem:$0x1F630] =	vst v0;
	v0 =	vld [tilespmem:$0x1E610];
	_ =	sdelay $0x1  }
0x43f: {  	v12 =	vmax.f32 v12, v35  }
0x440: {  	[tilespmem:$0x1FA80] =	vst v12;
	v12 =	vld [tilespmem:$0x1E960];
	_ =	sdelay $0x1  }
0x441: {  	v0 =	vmin.f32 v0, v1  }
0x442: {  	[tilespmem:$0x1F660] =	vst v0;
	v0 =	vld [tilespmem:$0x1E630]  }
0x443: {  	v13 =	vld [tilespmem:$0x1E980]  }
0x444: {  	v35 =	vmin.f32 v12, v32;
	v12 =	vld [tilespmem:$0x1E970];
	_ =	sdelay $0x2  }
0x445: {  	v1 =	vld [tilespmem:$0x1E650];
	v0 =	vmax.f32 v0, v55  }
0x446: {  	[tilespmem:$0x1F690] =	vst v0;
	v0 =	vld [tilespmem:$0x1E640]  }
0x447: {  	v12 =	vmin.f32 v12, v13  }
0x448: {  	[tilespmem:$0x1FAB0] =	vst v12;
	v12 =	vld [tilespmem:$0x1E990];
	_ =	sdelay $0x2  }
0x449: {  	v0 =	vmin.f32 v0, v1;
	v1 =	vld [tilespmem:$0x1E670]  }
0x44a: {  	[tilespmem:$0x1F6C0] =	vst v0;
	v0 =	vld [tilespmem:$0x1E660]  }
0x44b: {  	v13 =	vld [tilespmem:$0x1E9B0];
	v12 =	vmax.f32 v12, v21  }
0x44c: {  	[tilespmem:$0x1FAE0] =	vst v12;
	v12 =	vld [tilespmem:$0x1E9A0];
	_ =	sdelay $0x2  }
0x44d: {  	v0 =	vmax.f32 v0, v1  }
0x44e: {  	[tilespmem:$0x1F6F0] =	vst v0;
	v0 =	vld [tilespmem:$0x1E680]  }
0x44f: {  	v38 =	vmax.f32 v12, v13;
	v12 =	vld [tilespmem:$0x1E9C0]  }
0x450: {  	v13 =	vld [tilespmem:$0x1E9D0];
	_ =	sdelay $0x2  }
0x451: {  	v1 =	vld [tilespmem:$0x1E6A0]  }
0x452: {  	v49 =	vmin.f32 v0, v23;
	v0 =	vld [tilespmem:$0x1E690]  }
0x453: {  	v55 =	vmin.f32 v12, v13;
	v12 =	vld [tilespmem:$0x1E9E0]  }
0x454: {  	v13 =	vld [tilespmem:$0x1E9F0];
	_ =	sdelay $0x2  }
0x455: {  	v52 =	vmax.f32 v0, v1;
	v0 =	vld [tilespmem:$0x1E6B0]  }
0x456: {  	v1 =	vld [tilespmem:$0x1E6C0]  }
0x457: {  	v26 =	vmax.f32 v12, v13;
	v12 =	vld [tilespmem:$0x1EA00]  }
0x458: {  	v13 =	vld [tilespmem:$0x1EA10];
	_ =	sdelay $0x2  }
0x459: {  	v56 =	vmin.f32 v0, v1;
	v0 =	vld [tilespmem:$0x1E6D0]  }
0x45a: {  	v1 =	vld [tilespmem:$0x1E6E0]  }
0x45b: {  	v30 =	vmin.f32 v12, v13;
	v12 =	vld [tilespmem:$0x1EA20]  }
0x45c: {  	v13 =	vld [tilespmem:$0x1EA30];
	_ =	sdelay $0x2  }
0x45d: {  	v57 =	vmax.f32 v0, v1;
	v0 =	vld [tilespmem:$0x1E6F0]  }
0x45e: {  	v1 =	vld [tilespmem:$0x1E700]  }
0x45f: {  	v31 =	vmax.f32 v12, v13;
	v12 =	vld [tilespmem:$0x1EA40];
	_ =	sdelay $0x3  }
0x460: {  	v0 =	vmin.f32 v0, v1;
	v1 =	vld [tilespmem:$0x1E710]  }
0x461: {  	v22 =	vmin.f32 v12, v22;
	v12 =	vld [tilespmem:$0x1EA50];
	_ =	sdelay $0x4  }
0x462: {  	v1 =	vmax.f32 v1, v34;
	v34 =	vmax.f32 v12, v54;
	v12 =	vld [tilespmem:$0x1EA60];
	_ =	sdelay $0x4  }
0x463: {  	v25 =	vmin.f32 v12, v25;
	v12 =	vld [tilespmem:$0x1EA70];
	_ =	sdelay $0x4  }
0x464: {  	v21 =	vmax.f32 v12, v14;
	v14 =	vld [tilespmem:$0x1EAA0];
	_ =	sdelay $0x3  }
0x465: {  	v13 =	vld [tilespmem:$0x1EA90]  }
0x466: {  	v14 =	vmin.f32 v14, v6;
	v6 =	vld [tilespmem:$0x1EAB0];
	_ =	sdelay $0x3  }
0x467: {  	v13 =	vmax.f32 v13, v19;
	v19 =	vld [tilespmem:$0x1EAD0]  }
0x468: {  	v6 =	vmin.f32 v6, v3;
	v3 =	vld [tilespmem:$0x1EAC0];
	_ =	sdelay $0x4  }
0x469: {  	v3 =	vmax.f32 v3, v43;
	v43 =	vmin.f32 v19, v8;
	v8 =	vld [tilespmem:$0x1FE40];
	_ =	sdelay $0x3  }
0x46a: {  	v12 =	vld [tilespmem:$0x1EA80]  }
0x46b: {  	v6 =	vmin.f32 v8, v6;
	v8 =	vld [tilespmem:$0x1EAE0];
	_ =	sdelay $0x4  }
0x46c: {  	v12 =	vmin.f32 v12, v24;
	v24 =	vmax.f32 v8, v4;
	v4 =	vld [tilespmem:$0x1EAF0]  }
0x46d: {  	v8 =	vld [tilespmem:$0x1EB00];
	_ =	sdelay $0x4  }
0x46e: {  	v4 =	vmax.f32 v4, v8;
	v8 =	vld [tilespmem:$0x1EB10];
	_ =	sdelay $0x3  }
0x46f: {  	v5 =	vld [tilespmem:$0x1E940]  }
0x470: {  	v23 =	vmin.f32 v8, v9;
	v8 =	vld [tilespmem:$0x1EB20];
	_ =	sdelay $0x3  }
0x471: {  	v9 =	vld [tilespmem:$0x1EB40]  }
0x472: {  	v5 =	vmin.f32 v5, v36;
	v36 =	vmax.f32 v8, v48;
	v8 =	vld [tilespmem:$0x1EB30];
	_ =	sdelay $0x4  }
0x473: {  	v6 =	vmin.f32 v6, v35;
	v35 =	vmin.f32 v8, v9;
	v8 =	vld [tilespmem:$0x1EB50]  }
0x474: {  	v9 =	vld [tilespmem:$0x1EB60];
	_ =	sdelay $0x4  }
0x475: {  	v32 =	vmax.f32 v8, v9;
	v8 =	vld [tilespmem:$0x1EB70]  }
0x476: {  	v9 =	vld [tilespmem:$0x1EB80];
	_ =	sdelay $0x4  }
0x477: {  	v6 =	vmin.f32 v6, v45;
	v45 =	vmin.f32 v8, v9;
	v8 =	vld [tilespmem:$0x1EB90]  }
0x478: {  	v9 =	vld [tilespmem:$0x1EBA0];
	_ =	sdelay $0x4  }
0x479: {  	v37 =	vmax.f32 v8, v9;
	v8 =	vld [tilespmem:$0x1EBB0]  }
0x47a: {  	v9 =	vld [tilespmem:$0x1EBC0];
	_ =	sdelay $0x4  }
0x47b: {  	v6 =	vmin.f32 v6, v49;
	v49 =	vmin.f32 v8, v9;
	v8 =	vld [tilespmem:$0x1EBD0]  }
0x47c: {  	v9 =	vld [tilespmem:$0x1EBE0];
	_ =	sdelay $0x4  }
0x47d: {  	v53 =	vmax.f32 v8, v9;
	v8 =	vld [tilespmem:$0x1EBF0]  }
0x47e: {  	v9 =	vld [tilespmem:$0x1EC00];
	_ =	sdelay $0x4  }
0x47f: {  	v48 =	vmin.f32 v8, v9;
	v8 =	vld [tilespmem:$0x1EC10]  }
0x480: {  	v9 =	vld [tilespmem:$0x1EC20];
	_ =	sdelay $0x4  }
0x481: {  	v54 =	vmax.f32 v8, v9;
	v8 =	vld [tilespmem:$0x1EC30]  }
0x482: {  	v9 =	vld [tilespmem:$0x1EC40];
	_ =	sdelay $0x4  }
0x483: {  	v19 =	vmin.f32 v8, v9;
	v8 =	vld [tilespmem:$0x1EC50]  }
0x484: {  	v9 =	vld [tilespmem:$0x1EC60];
	_ =	sdelay $0x1  }
0x485: {  	v6 =	vmin.f32 v6, v28  }
0x486: {  	v6 =	vmin.f32 v6, v60  }
0x487: {  	v2 =	vmin.f32 v6, v2;
	v6 =	vld [tilespmem:$0x1EC70]  }
0x488: {  	v8 =	vmax.f32 v8, v9;
	v9 =	vld [tilespmem:$0x1EC80];
	_ =	sdelay $0x3  }
0x489: {  	v60 =	vld [tilespmem:$0x1ECA0]  }
0x48a: {  	v9 =	vmin.f32 v6, v9;
	v6 =	vld [tilespmem:$0x1EC90];
	_ =	sdelay $0x4  }
0x48b: {  	v6 =	vmax.f32 v6, v60;
	v60 =	vld [tilespmem:$0x1ECB0];
	_ =	sdelay $0x4  }
0x48c: {  	v2 =	vmin.f32 v2, v60  }
0x48d: {  	[tilespmem:$0x1FE40] =	vst v2;
	v2 =	vld [tilespmem:$0x1ECC0];
	_ =	sdelay $0x4  }
0x48e: {  	v2 =	vmax.f32 v2, v24;
	v24 =	vld [tilespmem:$0x1ECD0];
	_ =	sdelay $0x4  }
0x48f: {  	v23 =	vmin.f32 v24, v23  }
0x490: {  	v23 =	vmin.f32 v23, v55  }
0x491: {  	v23 =	vmin.f32 v23, v39  }
0x492: {  	v23 =	vmin.f32 v23, v56  }
0x493: {  	v23 =	vmin.f32 v23, v58  }
0x494: {  	v2 =	vmax.f32 v2, v38;
	v7 =	vmin.f32 v23, v7;
	v23 =	vld [tilespmem:$0x1ED00]  }
0x495: {  	v2 =	vmax.f32 v2, v46  }
0x496: {  	v2 =	vmax.f32 v2, v52  }
0x497: {  	v2 =	vmax.f32 v2, v47  }
0x498: {  	v24 =	vld [tilespmem:$0x1ECE0];
	v2 =	vmax.f32 v2, v11  }
0x499: {  	v2 =	vmax.f32 v2, v23;
	v23 =	vld [tilespmem:$0x1ED10];
	_ =	sdelay $0x3  }
0x49a: {  	v24 =	vmax.f32 v24, v36  }
0x49b: {  	v24 =	vmax.f32 v24, v26;
	v7 =	vmin.f32 v7, v23;
	v23 =	vld [tilespmem:$0x1ED20]  }
0x49c: {  	v24 =	vmax.f32 v24, v40  }
0x49d: {  	v24 =	vmax.f32 v24, v57  }
0x49e: {  	v24 =	vmax.f32 v24, v27  }
0x49f: {  	v10 =	vmax.f32 v24, v10  }
0x4a0: {  	v10 =	vmax.f32 v10, v23;
	v23 =	vld [tilespmem:$0x1ED30];
	_ =	sdelay $0x4  }
0x4a1: {  	v52 =	vmax.f32 v2, v23;
	v2 =	vld [tilespmem:$0x1ED40];
	_ =	sdelay $0x4  }
0x4a2: {  	v38 =	vmin.f32 v7, v2;
	v2 =	vld [tilespmem:$0x1ED50];
	_ =	sdelay $0x4  }
0x4a3: {  	v26 =	vmax.f32 v10, v2;
	v2 =	vld [tilespmem:$0x1ED60]  }
0x4a4: {  	v10 =	vld [tilespmem:$0x1ED80];
	_ =	sdelay $0x4  }
0x4a5: {  	v2 =	vmin.f32 v2, v35;
	v10 =	vmin.f32 v10, v45  }
0x4a6: {  	v2 =	vmin.f32 v2, v30;
	v10 =	vmin.f32 v10, v22  }
0x4a7: {  	v2 =	vmin.f32 v2, v41;
	v10 =	vmin.f32 v10, v44  }
0x4a8: {  	v7 =	vld [tilespmem:$0x1ED70];
	v0 =	vmin.f32 v2, v0;
	v2 =	vmin.f32 v10, v29  }
0x4a9: {  	v2 =	vmin.f32 v2, v15;
	v15 =	vld [tilespmem:$0x1EDB0];
	_ =	sdelay $0x3  }
0x4aa: {  	v0 =	vmin.f32 v0, v17  }
0x4ab: {  	v7 =	vmax.f32 v7, v32;
	v0 =	vmin.f32 v0, v15;
	v15 =	vld [tilespmem:$0x1EDC0]  }
0x4ac: {  	v7 =	vmax.f32 v7, v31  }
0x4ad: {  	v7 =	vmax.f32 v7, v42  }
0x4ae: {  	v1 =	vmax.f32 v7, v1  }
0x4af: {  	v1 =	vmax.f32 v1, v18  }
0x4b0: {  	v1 =	vmax.f32 v1, v15;
	v15 =	vld [tilespmem:$0x1EDD0];
	_ =	sdelay $0x4  }
0x4b1: {  	v2 =	vmin.f32 v2, v15;
	v15 =	vld [tilespmem:$0x1EDE0];
	_ =	sdelay $0x4  }
0x4b2: {  	v0 =	vmin.f32 v0, v15;
	v15 =	vld [tilespmem:$0x1EDF0];
	_ =	sdelay $0x4  }
0x4b3: {  	v1 =	vmax.f32 v1, v15;
	v15 =	vld [tilespmem:$0x1EE00];
	_ =	sdelay $0x4  }
0x4b4: {  	v2 =	vmin.f32 v2, v15;
	v15 =	vld [tilespmem:$0x1EE10];
	_ =	sdelay $0x4  }
0x4b5: {  	v18 =	vmin.f32 v0, v15;
	v0 =	vld [tilespmem:$0x1EE20];
	_ =	sdelay $0x4  }
0x4b6: {  	v17 =	vmax.f32 v1, v0;
	v0 =	vld [tilespmem:$0x1EE30];
	_ =	sdelay $0x4  }
0x4b7: {  	v15 =	vmin.f32 v2, v0;
	v2 =	vld [tilespmem:$0x1EE60];
	_ =	sdelay $0x2  }
0x4b8: {  	v0 =	vld [tilespmem:$0x1EE40];
	_ =	sdelay $0x1  }
0x4b9: {  	v2 =	vmax.f32 v2, v53  }
0x4ba: {  	v2 =	vmax.f32 v2, v21;
	v21 =	vld [tilespmem:$0x1EE80];
	_ =	sdelay $0x1  }
0x4bb: {  	v1 =	vld [tilespmem:$0x1EE50];
	v0 =	vmax.f32 v0, v37  }
0x4bc: {  	v0 =	vmax.f32 v0, v34  }
0x4bd: {  	v0 =	vmax.f32 v0, v61  }
0x4be: {  	v0 =	vmax.f32 v0, v21;
	v21 =	vld [tilespmem:$0x1EE90];
	_ =	sdelay $0x1  }
0x4bf: {  	v1 =	vmin.f32 v1, v49  }
0x4c0: {  	v1 =	vmin.f32 v1, v25  }
0x4c1: {  	v1 =	vmin.f32 v1, v50  }
0x4c2: {  	v1 =	vmin.f32 v1, v21;
	v21 =	vld [tilespmem:$0x1EED0];
	_ =	sdelay $0x4  }
0x4c3: {  	v0 =	vmax.f32 v0, v21;
	v21 =	vld [tilespmem:$0x1EEE0];
	_ =	sdelay $0x4  }
0x4c4: {  	v1 =	vmin.f32 v1, v21;
	v21 =	vld [tilespmem:$0x1EEF0];
	_ =	sdelay $0x2  }
0x4c5: {  	v2 =	vmax.f32 v2, v51  }
0x4c6: {  	v2 =	vmax.f32 v2, v20  }
0x4c7: {  	v2 =	vmax.f32 v2, v21;
	v21 =	vld [tilespmem:$0x1EF00];
	_ =	sdelay $0x4  }
0x4c8: {  	v0 =	vmax.f32 v0, v21;
	v21 =	vld [tilespmem:$0x1EF10];
	_ =	sdelay $0x2  }
0x4c9: {  	v11 =	vld [tilespmem:$0x1ECF0]  }
0x4ca: {  	v36 =	vld [tilespmem:$0x1EEB0]  }
0x4cb: {  	p0 =	sne.s32 s17, $0xFFFFFE00;
	v1 =	vmin.f32 v1, v21;
	v21 =	vld [tilespmem:$0x1EF20]  }
.Ltmp0:
0x4cc: {  	v7 =	vld [tilespmem:$0x1ED90];
	(pc) =	sbr.rel @p0 .LBB2_3-.Ltmp0, $4  }
0x4cd: {  	v10 =	vld [tilespmem:$0x1EDA0]  }
0x4ce: {  	v53 =	vld [tilespmem:$0x1EE70]  }
0x4cf: {  	v37 =	vld [tilespmem:$0x1EEC0]  }
0x4d0: {  	s17 =	sadd.s32 $0x200, s17;
	v20 =	vld [tilespmem:$0x1EEA0];
	v2 =	vmax.f32 v2, v21  }
0x4d1: {  	v21 =	vld [tilespmem:$0x1F120]  }
0x4d2: {  	v60 =	vld [tilespmem:$0x1F140]  }
0x4d3: {  	v61 =	vld [tilespmem:$0x1F160]  }
0x4d4: {  	v24 =	vld [tilespmem:$0x1EFA0]  }
0x4d5: {  	v25 =	vld [tilespmem:$0x1EFC0]  }
0x4d6: {  	v27 =	vld [tilespmem:$0x1EFE0]  }
0x4d7: {  	v28 =	vld [tilespmem:$0x1FE40]  }
0x4d8: {  	v29 =	vld [tilespmem:$0x1F600]  }
0x4d9: {  	v30 =	vld [tilespmem:$0x1F630]  }
0x4da: {  	v31 =	vld [tilespmem:$0x1F660]  }
0x4db: {  	v32 =	vld [tilespmem:$0x1F3A0]  }
0x4dc: {  	v34 =	vld [tilespmem:$0x1F400]  }
0x4dd: {  	v35 =	vld [tilespmem:$0x1F180]  }
0x4de: {  	[tilespmem:s16+$0x3180] =	vst v38;
	v38 =	vld [tilespmem:$0x1F1A0]  }
0x4df: {  	v39 =	vld [tilespmem:$0x1F1C0]  }
0x4e0: {  	v40 =	vld [tilespmem:$0x1F000]  }
0x4e1: {  	v41 =	vld [tilespmem:$0x1F020]  }
0x4e2: {  	v42 =	vld [tilespmem:$0x1F040]  }
0x4e3: {  	v45 =	vld [tilespmem:$0x1FA80]  }
0x4e4: {  	v47 =	vld [tilespmem:$0x1FAB0]  }
0x4e5: {  	v7 =	vmin.f32 v7, v48;
	v48 =	vld [tilespmem:$0x1F890]  }
0x4e6: {  	v49 =	vld [tilespmem:$0x1FAE0]  }
0x4e7: {  	v50 =	vld [tilespmem:$0x1F8C0]  }
0x4e8: {  	v11 =	vmin.f32 v11, v19;
	v9 =	vmin.f32 v36, v9;
	v51 =	vld [tilespmem:$0x1F690]  }
0x4e9: {  	[tilespmem:s16+$0x3110] =	vst v52;
	v52 =	vld [tilespmem:$0x1F930];
	v10 =	vmax.f32 v10, v54;
	v7 =	vmin.f32 v7, v12;
	v11 =	vmin.f32 v11, v14  }
0x4ea: {  	v55 =	vld [tilespmem:$0x1F430];
	v44 =	vmin.f32 v9, v43;
	v10 =	vmax.f32 v10, v13;
	v7 =	vmin.f32 v7, v33  }
0x4eb: {  	v56 =	vld [tilespmem:$0x1F6F0];
	v5 =	vmin.f32 v11, v5;
	v10 =	vmax.f32 v10, v16;
	v7 =	vmin.f32 v7, v63  }
0x4ec: {  	v57 =	vld [tilespmem:$0x1F480];
	v5 =	vmin.f32 v5, v59;
	v6 =	vmax.f32 v37, v6;
	v10 =	vmax.f32 v10, v62  }
0x4ed: {  	v33 =	vld [tilespmem:$0x1F3D0];
	v8 =	vmax.f32 v20, v8;
	v46 =	vmax.f32 v6, v4;
	v0 =	vmax.f32 v0, v21  }
0x4ee: {  	[tilespmem:s16+$0x3190] =	vst v26;
	v58 =	vld [tilespmem:$0x1F1E0];
	v1 =	vmin.f32 v1, v60;
	v2 =	vmax.f32 v2, v61;
	v7 =	vmin.f32 v7, v29  }
0x4ef: {  	[tilespmem:s16+$0x3200] =	vst v18;
	v54 =	vld [tilespmem:$0x1F6C0];
	v10 =	vmax.f32 v10, v30;
	v5 =	vmin.f32 v5, v31;
	v3 =	vmax.f32 v8, v3  }
0x4f0: {  	[tilespmem:s16+$0x3210] =	vst v17;
	v59 =	vld [tilespmem:$0x1F4B0];
	v4 =	vmin.f32 v44, v47;
	v0 =	vmax.f32 v0, v24;
	v1 =	vmin.f32 v1, v25  }
0x4f1: {  	[tilespmem:s16+$0x3280] =	vst v15;
	v63 =	vld [tilespmem:$0x1F080];
	v2 =	vmax.f32 v2, v27;
	v7 =	vmin.f32 v7, v32;
	v5 =	vmin.f32 v5, v34  }
0x4f2: {  	[tilespmem:s16+$0x3100] =	vst v28;
	v60 =	vld [tilespmem:$0x1F210];
	v3 =	vmax.f32 v3, v45;
	v10 =	vmax.f32 v10, v33;
	v7 =	vmin.f32 v7, v35  }
0x4f3: {  	v61 =	vld [tilespmem:$0x1F060];
	v5 =	vmin.f32 v5, v39;
	[tilespmem:s16+$0x3290] =	vst v0;
	v3 =	vmax.f32 v3, v48;
	v0 =	vmax.f32 v46, v49  }
0x4f4: {  	v62 =	vld [tilespmem:$0x1F270];
	[tilespmem:s16+$0x3300] =	vst v1;
	v1 =	vmin.f32 v4, v50;
	v10 =	vmax.f32 v10, v38;
	v7 =	vmin.f32 v7, v40  }
0x4f5: {  	s15 =	sadd.s32 $0x1, s15;
	[tilespmem:s16+$0x3310] =	vst v2;
	v5 =	vmin.f32 v5, v42;
	v3 =	vmax.f32 v3, v51;
	v0 =	vmax.f32 v0, v52  }
0x4f6: {  	p0 =	sne.s32 s15, $0x10;
	v1 =	vmin.f32 v1, v54;
	v10 =	vmax.f32 v10, v41;
	v2 =	vmax.f32 v3, v55;
	[tilespmem:s16+$0x3380] =	vst v7  }
.Ltmp1:
0x4f7: {  	v0 =	vmax.f32 v0, v56;
	v1 =	vmin.f32 v1, v57;
	[tilespmem:s16+$0x3400] =	vst v5;
	v2 =	vmax.f32 v2, v58;
	(pc) =	sbr.rel @p0 .LBB2_2-.Ltmp1, $4  }
0x4f8: {  	[tilespmem:s16+$0x3390] =	vst v10;
	v0 =	vmax.f32 v0, v59;
	v1 =	vmin.f32 v1, v60;
	v2 =	vmax.f32 v2, v61  }
0x4f9: {  	v0 =	vmax.f32 v0, v62;
	v1 =	vmin.f32 v1, v63;
	[tilespmem:s16+$0x3410] =	vst v2  }
0x4fa: {  	v0 =	vmax.f32 v0, v53;
	[tilespmem:s16+$0x3480] =	vst v1  }
0x4fb: {  	[tilespmem:s16+$0x3490] =	vst v0  }
0x4fc: {  	s14 =	sadd.s32 $0x1, s14  }
0x4fd: {  	p0 =	sne.s32 s14, s8  }
.Ltmp2:
0x4fe: {  	_ = 	snop;
	(pc) =	sbr.rel @p0 .LBB2_1-.Ltmp2, $4  }
0x4ff: {  	[hbm4b:s7+s3] =	stream.linear.scatter [tilespmem:s13], [sflag:$0x1], $0x4000, $0x38;
	[tilespmem:$0x7100] =	vst v63  }
0x500: {  	_ =	swait.ge [sflag:s10], $0x4000  }
0x501: {  	[sflag:s10] =	ssyncset.done $0x0  }
0x502: {  	[sflag:s10] =	ssyncadd.s32 $0xFFFFC000  }
0x503: {  	_ =	sfence.sel $0x180000  }
0x504: {  	[bflag:$0x0] =	sbarrier.arrive $0xFFFF  }
0x505: {  	p0 =	sne.s32 s1, $0x0;
	_ =	strace $0x90000047  }
0x506: {  	s0 =	sadd.s32 @!p0 $0x100000, s0;
	[bflag:$0x2] =	sbarrier.arrive $0xFFFF  }
0x507: {  	[sflag:s0] =	ssyncadd.tile.s32 @!p0 $0x1;
	_ =	shalt  }
.Lfunc_end2:
_tile_overlayer_lowered:
.L_overlay_start_2:
0x508: {  	(tag) =	ssettag $0x2  }
0x509: {  	s0 =	rddreg [dreg:$0x0];
	s2 =	stileid.u32  }
0x50a: {  	s1 =	rddreg [dreg:$0x1];
	p0 =	sne.s32 s2, $0x0  }
0x50b: {  	s3 =	rddreg [dreg:$0x2];
	[bflag:$0x3] =	sbarrier.arrive $0xFFFF;
	s2 =	simm.s32 @!p0 $0x1C01  }
0x50c: {  	[timem:s3], [sflag:s2] =	dma.local @!p0 [hbm:s0], s1  }
0x50d: {  	s0 =	simm.s32 @!p0 $0x1  }
0x50e: {  	_ =	swait.ge @!p0 [sflag:s0], s1  }
0x50f: {  	s1 =	ssub.s32 @!p0 $0x0, s1;
	[sflag:s0] =	ssyncset.done @!p0 $0x0  }
0x510: {  	[sflag:s0] =	ssyncadd.s32 @!p0 s1  }
0x511: {  	[bflag:$0x3] =	sbarrier.arrive $0xFFFF  }
0x512: {  	_ =	shalt  }

</sc_bundles>
